<compile_context>
chip_gen: v7x
topology: tpu7x:2x2x1
jax: 0.10.2.dev20260603
libtpu: 0.0.44.dev20260713+nightly
codegen_flags: <defaults>
</compile_context>

<pallas_src>
import functools

import jax
import jax.numpy as jnp
from jax import lax
from jax.experimental import pallas as pl
from jax.experimental.pallas import tpu as pltpu
from jax.experimental.pallas import tpu_sc as plsc

N = 10000
E = 320000
D = 128
ED = 16
FP = 881
G = 512

NC = 2
NS = 16
NW = NC * NS
EPW = E // NW
K = 125
NCHUNK = EPW // K
NPS = 640
NPS_LAST = N - (NS - 1) * NPS

_SC_MESH = plsc.VectorSubcoreMesh(core_axis_name="c", subcore_axis_name="s")


NB = 8
LAG = 4


def _seg_partials(table, src3, dst3, nchunk, k, edge_rows=None):
    gather = table is not None
    W = table.shape[-1] if gather else edge_rows.shape[-1]
    assert nchunk * k == EPW and k <= 128
    zeros_nw = jnp.zeros((N, W), jnp.float32)
    if edge_rows is None:
        edge_rows = jnp.zeros((8, 16), jnp.float32)
    if table is None:
        table = jnp.zeros((8, 16), jnp.float32)
    @functools.partial(
        pl.kernel,
        mesh=_SC_MESH,
        out_type=jax.ShapeDtypeStruct((NC, N, W), jnp.float32),
        scratch_types=[
            pltpu.VMEM((nchunk, k), jnp.int32),
            pltpu.VMEM((nchunk, k), jnp.int32),
            *[pltpu.VMEM((k, W), jnp.float32) for _ in range(NB)],
            pltpu.VMEM_SHARED((N, W), jnp.float32),
            *[pltpu.SemaphoreType.DMA for _ in range(2 * NB)],
        ],
        compiler_params=pltpu.CompilerParams(use_tc_tiling_on_sc=False),
    )
    def sc_kernel(table_hbm, src_hbm, dst_hbm, zero_hbm, ea_hbm, out_hbm,
                  sidx, didx, *rest):
        rows = rest[:NB]
        acc = rest[NB]
        gsem = rest[NB + 1:NB + 1 + NB]
        ssem = rest[NB + 1 + NB:]
        c = lax.axis_index("c")
        s = lax.axis_index("s")
        wid = s * NC + c

        def for_slices(fn):
            @pl.when(s < NS - 1)
            def _():
                fn(pl.ds(s * NPS, NPS), NPS)

            @pl.when(s == NS - 1)
            def _():
                fn(pl.ds((NS - 1) * NPS, NPS_LAST), NPS_LAST)

        for_slices(lambda sl, n: pltpu.sync_copy(zero_hbm.at[sl],
                                                 acc.at[sl]))
        if gather:
            pltpu.sync_copy(src_hbm.at[wid], sidx)
        pltpu.sync_copy(dst_hbm.at[wid], didx)
        plsc.subcore_barrier()

        def fetch_pair(i, b):
            if gather:
                return table_hbm.at[sidx.at[i]], rows[b]
            return ea_hbm.at[pl.ds(wid * EPW + i * k, k)], rows[b]

        def fetch(i, b):
            s_, d_ = fetch_pair(i, b)
            pltpu.async_copy(s_, d_, gsem[b])

        def fetch_wait(i, b):
            s_, d_ = fetch_pair(i, b)
            pltpu.make_async_copy(s_, d_, gsem[b]).wait()

        def scat(i, b):
            pltpu.async_copy(rows[b], acc.at[didx.at[i]], ssem[b], add=True)

        def scat_wait(i, b):
            pltpu.make_async_copy(rows[b], acc.at[didx.at[i]], ssem[b]).wait()

        def process(cc):
            fetch_wait(cc, cc % NB)
            scat(cc, cc % NB)
            if cc + LAG < nchunk:
                scat_wait(cc - LAG, (cc - LAG) % NB)
                fetch(cc + LAG, (cc + LAG) % NB)

        main_iters = (nchunk - 2 * LAG) // NB
        main_end = LAG + main_iters * NB

        for cc in range(NB):
            fetch(cc, cc)
        for cc in range(LAG):
            fetch_wait(cc, cc)
            scat(cc, cc)

        @pl.loop(LAG, main_end, step=NB)
        def _(i0):
            for j in range(NB):
                cc = i0 + j
                b = (LAG + j) % NB
                fetch_wait(cc, b)
                scat(cc, b)
                scat_wait(cc - LAG, j)
                fetch(cc + LAG, j)

        for cc in range(main_end, nchunk):
            process(cc)
        for cc in range(nchunk - 2 * LAG, nchunk):
            scat_wait(cc, cc % NB)

        plsc.subcore_barrier()
        for_slices(lambda sl, n: pltpu.sync_copy(acc.at[sl],
                                                 out_hbm.at[c].at[sl]))

    return sc_kernel(table, src3, dst3, zeros_nw, edge_rows)


def _mm0_body(x_ref, w_ref, o_ref):
    o_ref[...] = jnp.dot(x_ref[...], w_ref[...],
                         preferred_element_type=jnp.float32)


def _combine_body(h_ref, p_ref, ea_ref, wroot_ref, wedge_ref, b_ref,
                  wmsg_ref, h_out, hm_out):
    agg = p_ref[0] + p_ref[1]
    ea = ea_ref[0] + ea_ref[1]
    h = jnp.maximum(
        jnp.dot(h_ref[...], wroot_ref[...], preferred_element_type=jnp.float32)
        + agg
        + jnp.dot(ea, wedge_ref[...], preferred_element_type=jnp.float32)
        + b_ref[...], 0.0)
    h_out[...] = h
    hm_out[...] = jnp.dot(h, wmsg_ref[...], preferred_element_type=jnp.float32)


ROWT = 2000
NT = N // ROWT


def _pool_body(h2_ref, p2_ref, pe_ref, batch_ref, fp_ref,
               wroot_ref, wedge_ref, b2_ref,
               wl0_ref, bl0_ref, wl1_ref, bl1_ref, wo_ref, bo_ref,
               h3_ref, y_ref, embed_ref, acc_ref):
    i = pl.program_id(0)
    agg = p2_ref[0, :, 0:1] + p2_ref[1, :, 0:1]
    ea = pe_ref[0] + pe_ref[1]
    h3 = jnp.maximum(
        jnp.dot(h2_ref[...], wroot_ref[...], preferred_element_type=jnp.float32)
        + agg
        + jnp.dot(ea, wedge_ref[...], preferred_element_type=jnp.float32)
        + b2_ref[...], 0.0)
    h3_ref[...] = h3
    bt = batch_ref[...].reshape(1, ROWT)
    gid = lax.broadcasted_iota(jnp.int32, (G, ROWT), 0)
    mask = (gid == bt).astype(jnp.float32)
    hfp = h3 * fp_ref[...]
    contrib = jnp.dot(mask, hfp, preferred_element_type=jnp.float32)

    @pl.when(i == 0)
    def _():
        acc_ref[...] = contrib

    @pl.when(i > 0)
    def _():
        acc_ref[...] += contrib

    @pl.when(i == NT - 1)
    def _():
        e = acc_ref[...]
        embed_ref[...] = e
        y = jnp.maximum(
            jnp.dot(e, wl0_ref[...], preferred_element_type=jnp.float32)
            + bl0_ref[...], 0.0)
        y = jnp.maximum(
            jnp.dot(y, wl1_ref[...], preferred_element_type=jnp.float32)
            + bl1_ref[...], 0.0)
        y_ref[...] = (jnp.dot(y, wo_ref[...], preferred_element_type=jnp.float32)
                      + bo_ref[...])


def kernel(x, edge_index, edge_attr, batch, fp,
           Wroot0, Wmsg0, Wedge0, b0,
           Wroot1, Wmsg1, Wedge1, b1,
           Wroot2, Wmsg2, Wedge2, b2,
           W_lin0, b_lin0, W_lin1, b_lin1, W_out, b_out):
    src3 = edge_index[0].reshape(NW, NCHUNK, K).astype(jnp.int32)
    dst3 = edge_index[1].reshape(NW, NCHUNK, K).astype(jnp.int32)

    hm0 = pl.pallas_call(
        _mm0_body,
        grid=(NT,),
        in_specs=[pl.BlockSpec((ROWT, D), lambda i: (i, 0)),
                  pl.BlockSpec((D, 64), lambda i: (0, 0))],
        out_specs=pl.BlockSpec((ROWT, 64), lambda i: (i, 0)),
        out_shape=jax.ShapeDtypeStruct((N, 64), jnp.float32),
    )(x, Wmsg0)
    p0 = _seg_partials(hm0, src3, dst3, NCHUNK, K)
    eap = _seg_partials(None, src3, dst3, NCHUNK, K, edge_rows=edge_attr)
    h1, hm1 = pl.pallas_call(
        _combine_body,
        grid=(NT,),
        in_specs=[pl.BlockSpec((ROWT, D), lambda i: (i, 0)),
                  pl.BlockSpec((2, ROWT, 64), lambda i: (0, i, 0)),
                  pl.BlockSpec((2, ROWT, 16), lambda i: (0, i, 0)),
                  pl.BlockSpec((D, 64), lambda i: (0, 0)),
                  pl.BlockSpec((16, 64), lambda i: (0, 0)),
                  pl.BlockSpec((1, 64), lambda i: (0, 0)),
                  pl.BlockSpec((64, 32), lambda i: (0, 0))],
        out_specs=[pl.BlockSpec((ROWT, 64), lambda i: (i, 0)),
                   pl.BlockSpec((ROWT, 32), lambda i: (i, 0))],
        out_shape=(jax.ShapeDtypeStruct((N, 64), jnp.float32),
                   jax.ShapeDtypeStruct((N, 32), jnp.float32)),
    )(x, p0, eap, Wroot0, Wedge0, b0.reshape(1, 64), Wmsg1)

    p1 = _seg_partials(hm1, src3, dst3, NCHUNK, K)
    Wmsg2b = jnp.tile(Wmsg2, (1, 16))
    h2, hm2b = pl.pallas_call(
        _combine_body,
        grid=(NT,),
        in_specs=[pl.BlockSpec((ROWT, 64), lambda i: (i, 0)),
                  pl.BlockSpec((2, ROWT, 32), lambda i: (0, i, 0)),
                  pl.BlockSpec((2, ROWT, 16), lambda i: (0, i, 0)),
                  pl.BlockSpec((64, 32), lambda i: (0, 0)),
                  pl.BlockSpec((16, 32), lambda i: (0, 0)),
                  pl.BlockSpec((1, 32), lambda i: (0, 0)),
                  pl.BlockSpec((32, 16), lambda i: (0, 0))],
        out_specs=[pl.BlockSpec((ROWT, 32), lambda i: (i, 0)),
                   pl.BlockSpec((ROWT, 16), lambda i: (i, 0))],
        out_shape=(jax.ShapeDtypeStruct((N, 32), jnp.float32),
                   jax.ShapeDtypeStruct((N, 16), jnp.float32)),
    )(h1, p1, eap, Wroot1, Wedge1, b1.reshape(1, 32), Wmsg2b)

    p2 = _seg_partials(hm2b, src3, dst3, NCHUNK, K)

    batch3 = batch.reshape(NT, 1, ROWT).astype(jnp.int32)
    h3, y, embed = pl.pallas_call(
        _pool_body,
        grid=(NT,),
        in_specs=[
            pl.BlockSpec((ROWT, 32), lambda i: (i, 0)),
            pl.BlockSpec((2, ROWT, 16), lambda i: (0, i, 0)),
            pl.BlockSpec((2, ROWT, 16), lambda i: (0, i, 0)),
            pl.BlockSpec((1, 1, ROWT), lambda i: (i, 0, 0)),
            pl.BlockSpec((ROWT, FP), lambda i: (i, 0)),
            pl.BlockSpec((32, 1), lambda i: (0, 0)),
            pl.BlockSpec((16, 1), lambda i: (0, 0)),
            pl.BlockSpec((1, 1), lambda i: (0, 0)),
            pl.BlockSpec((FP, 256), lambda i: (0, 0)),
            pl.BlockSpec((1, 256), lambda i: (0, 0)),
            pl.BlockSpec((256, 64), lambda i: (0, 0)),
            pl.BlockSpec((1, 64), lambda i: (0, 0)),
            pl.BlockSpec((64, 1), lambda i: (0, 0)),
            pl.BlockSpec((1, 1), lambda i: (0, 0)),
        ],
        out_specs=[
            pl.BlockSpec((ROWT, 1), lambda i: (i, 0)),
            pl.BlockSpec((G, 1), lambda i: (0, 0)),
            pl.BlockSpec((G, FP), lambda i: (0, 0)),
        ],
        out_shape=[
            jax.ShapeDtypeStruct((N, 1), jnp.float32),
            jax.ShapeDtypeStruct((G, 1), jnp.float32),
            jax.ShapeDtypeStruct((G, FP), jnp.float32),
        ],
        scratch_shapes=[pltpu.VMEM((G, FP), jnp.float32)],
    )(h2, p2, eap, batch3, fp,
      Wroot2, Wedge2, b2.reshape(1, 1),
      W_lin0, b_lin0.reshape(1, 256), W_lin1, b_lin1.reshape(1, 64),
      W_out, b_out.reshape(1, 1))

    return (h3, y, embed)

# --- scband reference (transcript-rebuilt; emitter-appended) ---
"""Pipeline reference for scband-acanet-base-28561532518708 (READ-ONLY COPY).

The authoritative reference and input builder live on the scoring server;
editing this copy changes nothing except your own understanding.
"""

import jax, jax.numpy as jnp
import numpy as np

N = 10000
E = 320000
D = 128
ED = 16
FP = 881
G = 512
CONV_DIMS = [(128, 64), (64, 32), (32, 1)]
DENSE_DIMS = [(881, 256), (256, 64)]


def _init(key, shape):
    return jax.random.normal(key, shape, jnp.float32) / np.sqrt(shape[0])


def setup_inputs(seed: int = 0):
    key = jax.random.key(seed)
    ks = iter(jax.random.split(key, 40))
    inp = {}
    inp["x"] = jax.random.normal(next(ks), (N, D), jnp.float32)
    inp["edge_index"] = jax.random.randint(next(ks), (2, E), 0, N)
    inp["edge_attr"] = jax.random.normal(next(ks), (E, ED), jnp.float32)
    inp["batch"] = jnp.sort(jax.random.randint(next(ks), (N,), 0, G))
    inp["fp"] = jax.random.uniform(next(ks), (N, FP), jnp.float32)
    for l, (din, dout) in enumerate(CONV_DIMS):
        inp[f"Wroot{l}"] = _init(next(ks), (din, dout))
        inp[f"Wmsg{l}"] = _init(next(ks), (din, dout))
        inp[f"Wedge{l}"] = _init(next(ks), (ED, dout))
        inp[f"b{l}"] = jnp.zeros((dout,), jnp.float32)
    inp["W_lin0"] = _init(next(ks), DENSE_DIMS[0])
    inp["b_lin0"] = jnp.zeros((DENSE_DIMS[0][1],), jnp.float32)
    inp["W_lin1"] = _init(next(ks), DENSE_DIMS[1])
    inp["b_lin1"] = jnp.zeros((DENSE_DIMS[1][1],), jnp.float32)
    inp["W_out"] = _init(next(ks), (64, 1))
    inp["b_out"] = jnp.zeros((1,), jnp.float32)
    return inp


def reference(x, edge_index, edge_attr, batch, fp,
              Wroot0, Wmsg0, Wedge0, b0,
              Wroot1, Wmsg1, Wedge1, b1,
              Wroot2, Wmsg2, Wedge2, b2,
              W_lin0, b_lin0, W_lin1, b_lin1, W_out, b_out):
    src = edge_index[0]
    dst = edge_index[1]
    layers = ((Wroot0, Wmsg0, Wedge0, b0),
              (Wroot1, Wmsg1, Wedge1, b1),
              (Wroot2, Wmsg2, Wedge2, b2))
    h = x
    for (Wroot, Wmsg, Wedge, b) in layers:
        # edge-conditioned message passing: gather src features, mix with edge attrs,
        # scatter-add to dst nodes (SparseCore gather + scatter-add)
        m = h[src] @ Wmsg + edge_attr @ Wedge
        agg = jax.ops.segment_sum(m, dst, num_segments=N)
        h = jax.nn.relu(h @ Wroot + agg + b)
        # dropout_p = 0.0, batch_norms = None -> no-ops
    # SubstructurePool(reduce='sum'): per-graph sum of node scalar h[:,0:1] weighted by fp
    embed = jax.ops.segment_sum(h * fp, batch, num_segments=G)
    y = embed
    y = jax.nn.relu(y @ W_lin0 + b_lin0)
    y = jax.nn.relu(y @ W_lin1 + b_lin1)
    y = y @ W_out + b_out
    return (h, y, embed)

if __name__ == "__main__":
    import jax
    _d = setup_inputs()
    print(jax.jit(kernel)(*tuple(_d.values())))

</pallas_src>

<mosaic_0001>
#map = affine_map<(d0, d1) -> (0, 0)>
#map1 = affine_map<(d0, d1) -> (0, 0, 0)>
module attributes {stable_mosaic.version = 14 : i64} {
  func.func @sc_kernel(%arg0: i32, %arg1: i32, %arg2: memref<10000x16xf32, #tpu.memory_space<hbm>>, %arg3: memref<32x80x125xi32, #tpu.memory_space<hbm>>, %arg4: memref<32x80x125xi32, #tpu.memory_space<hbm>>, %arg5: memref<10000x16xf32, #tpu.memory_space<hbm>>, %arg6: memref<8x16xf32, #tpu.memory_space<hbm>>, %arg7: memref<2x10000x16xf32, #tpu.memory_space<hbm>>, %arg8: memref<80x125xi32, #tpu.memory_space<vmem>>, %arg9: memref<80x125xi32, #tpu.memory_space<vmem>>, %arg10: memref<125x16xf32, #tpu.memory_space<vmem>>, %arg11: memref<125x16xf32, #tpu.memory_space<vmem>>, %arg12: memref<125x16xf32, #tpu.memory_space<vmem>>, %arg13: memref<125x16xf32, #tpu.memory_space<vmem>>, %arg14: memref<125x16xf32, #tpu.memory_space<vmem>>, %arg15: memref<125x16xf32, #tpu.memory_space<vmem>>, %arg16: memref<125x16xf32, #tpu.memory_space<vmem>>, %arg17: memref<125x16xf32, #tpu.memory_space<vmem>>, %arg18: memref<10000x16xf32, #tpu.memory_space<vmem_shared>>, %arg19: memref<!tpu.dma_semaphore, #tpu.memory_space<semaphore_mem>>, %arg20: memref<!tpu.dma_semaphore, #tpu.memory_space<semaphore_mem>>, %arg21: memref<!tpu.dma_semaphore, #tpu.memory_space<semaphore_mem>>, %arg22: memref<!tpu.dma_semaphore, #tpu.memory_space<semaphore_mem>>, %arg23: memref<!tpu.dma_semaphore, #tpu.memory_space<semaphore_mem>>, %arg24: memref<!tpu.dma_semaphore, #tpu.memory_space<semaphore_mem>>, %arg25: memref<!tpu.dma_semaphore, #tpu.memory_space<semaphore_mem>>, %arg26: memref<!tpu.dma_semaphore, #tpu.memory_space<semaphore_mem>>, %arg27: memref<!tpu.dma_semaphore, #tpu.memory_space<semaphore_mem>>, %arg28: memref<!tpu.dma_semaphore, #tpu.memory_space<semaphore_mem>>, %arg29: memref<!tpu.dma_semaphore, #tpu.memory_space<semaphore_mem>>, %arg30: memref<!tpu.dma_semaphore, #tpu.memory_space<semaphore_mem>>, %arg31: memref<!tpu.dma_semaphore, #tpu.memory_space<semaphore_mem>>, %arg32: memref<!tpu.dma_semaphore, #tpu.memory_space<semaphore_mem>>, %arg33: memref<!tpu.dma_semaphore, #tpu.memory_space<semaphore_mem>>, %arg34: memref<!tpu.dma_semaphore, #tpu.memory_space<semaphore_mem>>) attributes {dimension_semantics = [#tpu.dimension_semantics<core_parallel>, #tpu.dimension_semantics<subcore_parallel>], iteration_bounds = array<i64: 2, 16>, scalar_prefetch = 0 : i64, scratch_operands = 27 : i64, tpu.core_type = #tpu.core_type<sc_vector_subcore>, window_params = [{transform_indices = #map}, {transform_indices = #map1}, {transform_indices = #map1}, {transform_indices = #map}, {transform_indices = #map}, {transform_indices = #map1}]} {
    %mul3A = arith.constant 2 : i32
    %mul3A_0 = arith.muli %arg1, %mul3A : i32
    %add3A = arith.addi %mul3A_0, %arg0 : i32
    %lt3A = arith.constant 15 : i32
    %lt3A_1 = arith.cmpi slt, %arg1, %lt3A : i32
    %convert_element_type3A = arith.extui %lt3A_1 : i1 to i32
    %cond3A = arith.constant 0 : i32
    %cond3A_2 = arith.cmpi ne, %convert_element_type3A, %cond3A : i32
    scf.if %cond3A_2 {
      %mul3A_244 = arith.constant 640 : i32
      %mul3A_245 = arith.muli %arg1, %mul3A_244 : i32
      "tpu.region"() ({
        %run_scoped3A = tpu.sem_alloc : memref<!tpu.dma_semaphore, #tpu.memory_space<semaphore_mem>>
        %dma_start3A_246 = arith.constant 0 : i32
        %dma_start3A_247 = tpu.memref_slice %arg18[%mul3A_245, %dma_start3A_246] : memref<10000x16xf32, #tpu.memory_space<vmem_shared>> -> memref<640x16xf32, #tpu.memory_space<vmem_shared>>
        %dma_start3A_248 = arith.constant 0 : i32
        %dma_start3A_249 = tpu.memref_slice %arg5[%mul3A_245, %dma_start3A_248] : memref<10000x16xf32, #tpu.memory_space<hbm>> -> memref<640x16xf32, #tpu.memory_space<hbm>>
        tpu.enqueue_dma source(%dma_start3A_249 : memref<640x16xf32, #tpu.memory_space<hbm>>) target(%dma_start3A_247 : memref<640x16xf32, #tpu.memory_space<vmem_shared>>) target_semaphore(%run_scoped3A : memref<!tpu.dma_semaphore, #tpu.memory_space<semaphore_mem>>)
        %dma_wait3A_250 = arith.constant 0 : i32
        %dma_wait3A_251 = tpu.memref_slice %arg18[%mul3A_245, %dma_wait3A_250] : memref<10000x16xf32, #tpu.memory_space<vmem_shared>> -> memref<640x16xf32, #tpu.memory_space<vmem_shared>>
        %dma_wait3A_252 = arith.constant 0 : i32
        %dma_wait3A_253 = tpu.memref_slice %arg5[%mul3A_245, %dma_wait3A_252] : memref<10000x16xf32, #tpu.memory_space<hbm>> -> memref<640x16xf32, #tpu.memory_space<hbm>>
        tpu.wait_dma2 semaphore(%run_scoped3A : memref<!tpu.dma_semaphore, #tpu.memory_space<semaphore_mem>>) src(%dma_wait3A_253 : memref<640x16xf32, #tpu.memory_space<hbm>>) dst(%dma_wait3A_251 : memref<640x16xf32, #tpu.memory_space<vmem_shared>>)
        tpu.yield
      }) : () -> ()
    } else {
    }
    %eq3A = arith.constant 15 : i32
    %eq3A_3 = arith.cmpi eq, %arg1, %eq3A : i32
    %convert_element_type3A_4 = arith.extui %eq3A_3 : i1 to i32
    %cond3A_5 = arith.constant 0 : i32
    %cond3A_6 = arith.cmpi ne, %convert_element_type3A_4, %cond3A_5 : i32
    scf.if %cond3A_6 {
      "tpu.region"() ({
        %run_scoped3A = tpu.sem_alloc : memref<!tpu.dma_semaphore, #tpu.memory_space<semaphore_mem>>
        %dma_start3A_244 = arith.constant 9600 : i32
        %dma_start3A_245 = arith.constant 0 : i32
        %dma_start3A_246 = tpu.memref_slice %arg18[%dma_start3A_244, %dma_start3A_245] : memref<10000x16xf32, #tpu.memory_space<vmem_shared>> -> memref<400x16xf32, #tpu.memory_space<vmem_shared>>
        %dma_start3A_247 = arith.constant 9600 : i32
        %dma_start3A_248 = arith.constant 0 : i32
        %dma_start3A_249 = tpu.memref_slice %arg5[%dma_start3A_247, %dma_start3A_248] : memref<10000x16xf32, #tpu.memory_space<hbm>> -> memref<400x16xf32, #tpu.memory_space<hbm>>
        tpu.enqueue_dma source(%dma_start3A_249 : memref<400x16xf32, #tpu.memory_space<hbm>>) target(%dma_start3A_246 : memref<400x16xf32, #tpu.memory_space<vmem_shared>>) target_semaphore(%run_scoped3A : memref<!tpu.dma_semaphore, #tpu.memory_space<semaphore_mem>>)
        %dma_wait3A_250 = arith.constant 9600 : i32
        %dma_wait3A_251 = arith.constant 0 : i32
        %dma_wait3A_252 = tpu.memref_slice %arg18[%dma_wait3A_250, %dma_wait3A_251] : memref<10000x16xf32, #tpu.memory_space<vmem_shared>> -> memref<400x16xf32, #tpu.memory_space<vmem_shared>>
        %dma_wait3A_253 = arith.constant 9600 : i32
        %dma_wait3A_254 = arith.constant 0 : i32
        %dma_wait3A_255 = tpu.memref_slice %arg5[%dma_wait3A_253, %dma_wait3A_254] : memref<10000x16xf32, #tpu.memory_space<hbm>> -> memref<400x16xf32, #tpu.memory_space<hbm>>
        tpu.wait_dma2 semaphore(%run_scoped3A : memref<!tpu.dma_semaphore, #tpu.memory_space<semaphore_mem>>) src(%dma_wait3A_255 : memref<400x16xf32, #tpu.memory_space<hbm>>) dst(%dma_wait3A_252 : memref<400x16xf32, #tpu.memory_space<vmem_shared>>)
        tpu.yield
      }) : () -> ()
    } else {
    }
    "tpu.region"() ({
      %run_scoped3A = tpu.sem_alloc : memref<!tpu.dma_semaphore, #tpu.memory_space<semaphore_mem>>
      %dma_start3A_244 = arith.constant 0 : i32
      %dma_start3A_245 = arith.constant 0 : i32
      %dma_start3A_246 = tpu.memref_slice %arg3[%add3A, %dma_start3A_244, %dma_start3A_245] : memref<32x80x125xi32, #tpu.memory_space<hbm>> -> memref<1x80x125xi32, #tpu.memory_space<hbm>>
      %dma_start3A_247 = tpu.memref_squeeze %dma_start3A_246 : memref<1x80x125xi32, #tpu.memory_space<hbm>> -> memref<80x125xi32, #tpu.memory_space<hbm>>
      %dma_start3A_248 = arith.constant 0 : i32
      %dma_start3A_249 = arith.constant 0 : i32
      %dma_start3A_250 = tpu.memref_slice %arg3[%add3A, %dma_start3A_248, %dma_start3A_249] : memref<32x80x125xi32, #tpu.memory_space<hbm>> -> memref<1x80x125xi32, #tpu.memory_space<hbm>>
      %dma_start3A_251 = tpu.memref_squeeze %dma_start3A_250 : memref<1x80x125xi32, #tpu.memory_space<hbm>> -> memref<80x125xi32, #tpu.memory_space<hbm>>
      tpu.enqueue_dma source(%dma_start3A_251 : memref<80x125xi32, #tpu.memory_space<hbm>>) target(%arg8 : memref<80x125xi32, #tpu.memory_space<vmem>>) target_semaphore(%run_scoped3A : memref<!tpu.dma_semaphore, #tpu.memory_space<semaphore_mem>>)
      %dma_wait3A_252 = arith.constant 0 : i32
      %dma_wait3A_253 = arith.constant 0 : i32
      %dma_wait3A_254 = tpu.memref_slice %arg3[%add3A, %dma_wait3A_252, %dma_wait3A_253] : memref<32x80x125xi32, #tpu.memory_space<hbm>> -> memref<1x80x125xi32, #tpu.memory_space<hbm>>
      %dma_wait3A_255 = tpu.memref_squeeze %dma_wait3A_254 : memref<1x80x125xi32, #tpu.memory_space<hbm>> -> memref<80x125xi32, #tpu.memory_space<hbm>>
      %dma_wait3A_256 = arith.constant 0 : i32
      %dma_wait3A_257 = arith.constant 0 : i32
      %dma_wait3A_258 = tpu.memref_slice %arg3[%add3A, %dma_wait3A_256, %dma_wait3A_257] : memref<32x80x125xi32, #tpu.memory_space<hbm>> -> memref<1x80x125xi32, #tpu.memory_space<hbm>>
      %dma_wait3A_259 = tpu.memref_squeeze %dma_wait3A_258 : memref<1x80x125xi32, #tpu.memory_space<hbm>> -> memref<80x125xi32, #tpu.memory_space<hbm>>
      tpu.wait_dma2 semaphore(%run_scoped3A : memref<!tpu.dma_semaphore, #tpu.memory_space<semaphore_mem>>) src(%dma_wait3A_259 : memref<80x125xi32, #tpu.memory_space<hbm>>) dst(%arg8 : memref<80x125xi32, #tpu.memory_space<vmem>>)
      tpu.yield
    }) : () -> ()
    "tpu.region"() ({
      %run_scoped3A = tpu.sem_alloc : memref<!tpu.dma_semaphore, #tpu.memory_space<semaphore_mem>>
      %dma_start3A_244 = arith.constant 0 : i32
      %dma_start3A_245 = arith.constant 0 : i32
      %dma_start3A_246 = tpu.memref_slice %arg4[%add3A, %dma_start3A_244, %dma_start3A_245] : memref<32x80x125xi32, #tpu.memory_space<hbm>> -> memref<1x80x125xi32, #tpu.memory_space<hbm>>
      %dma_start3A_247 = tpu.memref_squeeze %dma_start3A_246 : memref<1x80x125xi32, #tpu.memory_space<hbm>> -> memref<80x125xi32, #tpu.memory_space<hbm>>
      %dma_start3A_248 = arith.constant 0 : i32
      %dma_start3A_249 = arith.constant 0 : i32
      %dma_start3A_250 = tpu.memref_slice %arg4[%add3A, %dma_start3A_248, %dma_start3A_249] : memref<32x80x125xi32, #tpu.memory_space<hbm>> -> memref<1x80x125xi32, #tpu.memory_space<hbm>>
      %dma_start3A_251 = tpu.memref_squeeze %dma_start3A_250 : memref<1x80x125xi32, #tpu.memory_space<hbm>> -> memref<80x125xi32, #tpu.memory_space<hbm>>
      tpu.enqueue_dma source(%dma_start3A_251 : memref<80x125xi32, #tpu.memory_space<hbm>>) target(%arg9 : memref<80x125xi32, #tpu.memory_space<vmem>>) target_semaphore(%run_scoped3A : memref<!tpu.dma_semaphore, #tpu.memory_space<semaphore_mem>>)
      %dma_wait3A_252 = arith.constant 0 : i32
      %dma_wait3A_253 = arith.constant 0 : i32
      %dma_wait3A_254 = tpu.memref_slice %arg4[%add3A, %dma_wait3A_252, %dma_wait3A_253] : memref<32x80x125xi32, #tpu.memory_space<hbm>> -> memref<1x80x125xi32, #tpu.memory_space<hbm>>
      %dma_wait3A_255 = tpu.memref_squeeze %dma_wait3A_254 : memref<1x80x125xi32, #tpu.memory_space<hbm>> -> memref<80x125xi32, #tpu.memory_space<hbm>>
      %dma_wait3A_256 = arith.constant 0 : i32
      %dma_wait3A_257 = arith.constant 0 : i32
      %dma_wait3A_258 = tpu.memref_slice %arg4[%add3A, %dma_wait3A_256, %dma_wait3A_257] : memref<32x80x125xi32, #tpu.memory_space<hbm>> -> memref<1x80x125xi32, #tpu.memory_space<hbm>>
      %dma_wait3A_259 = tpu.memref_squeeze %dma_wait3A_258 : memref<1x80x125xi32, #tpu.memory_space<hbm>> -> memref<80x125xi32, #tpu.memory_space<hbm>>
      tpu.wait_dma2 semaphore(%run_scoped3A : memref<!tpu.dma_semaphore, #tpu.memory_space<semaphore_mem>>) src(%dma_wait3A_259 : memref<80x125xi32, #tpu.memory_space<hbm>>) dst(%arg9 : memref<80x125xi32, #tpu.memory_space<vmem>>)
      tpu.yield
    }) : () -> ()
    %barrier3A = arith.constant 0 : index
    tpu.barrier barrier_id(%barrier3A)
    %dma_start3A = arith.constant 0 : i32
    %dma_start3A_7 = arith.constant 0 : i32
    %dma_start3A_8 = tpu.memref_slice %arg8[%dma_start3A, %dma_start3A_7] : memref<80x125xi32, #tpu.memory_space<vmem>> -> memref<1x125xi32, #tpu.memory_space<vmem>>
    %dma_start3A_9 = tpu.memref_squeeze %dma_start3A_8 : memref<1x125xi32, #tpu.memory_space<vmem>> -> memref<125xi32, #tpu.memory_space<vmem>>
    %dma_start3A_10 = arith.constant 0 : i32
    %dma_start3A_11 = arith.constant 0 : i32
    %dma_start3A_12 = tpu.memref_slice %arg2[%dma_start3A_10, %dma_start3A_11] : memref<10000x16xf32, #tpu.memory_space<hbm>> -> memref<10000x16xf32, #tpu.memory_space<hbm>>
    tpu.enqueue_indirect_dma source(%dma_start3A_12 : memref<10000x16xf32, #tpu.memory_space<hbm>>) target(%arg10 : memref<125x16xf32, #tpu.memory_space<vmem>>) offsets(%dma_start3A_9 : memref<125xi32, #tpu.memory_space<vmem>>) semaphore(%arg19 : memref<!tpu.dma_semaphore, #tpu.memory_space<semaphore_mem>>)
    %dma_start3A_13 = arith.constant 1 : i32
    %dma_start3A_14 = arith.constant 0 : i32
    %dma_start3A_15 = tpu.memref_slice %arg8[%dma_start3A_13, %dma_start3A_14] : memref<80x125xi32, #tpu.memory_space<vmem>> -> memref<1x125xi32, #tpu.memory_space<vmem>>
    %dma_start3A_16 = tpu.memref_squeeze %dma_start3A_15 : memref<1x125xi32, #tpu.memory_space<vmem>> -> memref<125xi32, #tpu.memory_space<vmem>>
    %dma_start3A_17 = arith.constant 0 : i32
    %dma_start3A_18 = arith.constant 0 : i32
    %dma_start3A_19 = tpu.memref_slice %arg2[%dma_start3A_17, %dma_start3A_18] : memref<10000x16xf32, #tpu.memory_space<hbm>> -> memref<10000x16xf32, #tpu.memory_space<hbm>>
    tpu.enqueue_indirect_dma source(%dma_start3A_19 : memref<10000x16xf32, #tpu.memory_space<hbm>>) target(%arg11 : memref<125x16xf32, #tpu.memory_space<vmem>>) offsets(%dma_start3A_16 : memref<125xi32, #tpu.memory_space<vmem>>) semaphore(%arg20 : memref<!tpu.dma_semaphore, #tpu.memory_space<semaphore_mem>>)
    %dma_start3A_20 = arith.constant 2 : i32
    %dma_start3A_21 = arith.constant 0 : i32
    %dma_start3A_22 = tpu.memref_slice %arg8[%dma_start3A_20, %dma_start3A_21] : memref<80x125xi32, #tpu.memory_space<vmem>> -> memref<1x125xi32, #tpu.memory_space<vmem>>
    %dma_start3A_23 = tpu.memref_squeeze %dma_start3A_22 : memref<1x125xi32, #tpu.memory_space<vmem>> -> memref<125xi32, #tpu.memory_space<vmem>>
    %dma_start3A_24 = arith.constant 0 : i32
    %dma_start3A_25 = arith.constant 0 : i32
    %dma_start3A_26 = tpu.memref_slice %arg2[%dma_start3A_24, %dma_start3A_25] : memref<10000x16xf32, #tpu.memory_space<hbm>> -> memref<10000x16xf32, #tpu.memory_space<hbm>>
    tpu.enqueue_indirect_dma source(%dma_start3A_26 : memref<10000x16xf32, #tpu.memory_space<hbm>>) target(%arg12 : memref<125x16xf32, #tpu.memory_space<vmem>>) offsets(%dma_start3A_23 : memref<125xi32, #tpu.memory_space<vmem>>) semaphore(%arg21 : memref<!tpu.dma_semaphore, #tpu.memory_space<semaphore_mem>>)
    %dma_start3A_27 = arith.constant 3 : i32
    %dma_start3A_28 = arith.constant 0 : i32
    %dma_start3A_29 = tpu.memref_slice %arg8[%dma_start3A_27, %dma_start3A_28] : memref<80x125xi32, #tpu.memory_space<vmem>> -> memref<1x125xi32, #tpu.memory_space<vmem>>
    %dma_start3A_30 = tpu.memref_squeeze %dma_start3A_29 : memref<1x125xi32, #tpu.memory_space<vmem>> -> memref<125xi32, #tpu.memory_space<vmem>>
    %dma_start3A_31 = arith.constant 0 : i32
    %dma_start3A_32 = arith.constant 0 : i32
    %dma_start3A_33 = tpu.memref_slice %arg2[%dma_start3A_31, %dma_start3A_32] : memref<10000x16xf32, #tpu.memory_space<hbm>> -> memref<10000x16xf32, #tpu.memory_space<hbm>>
    tpu.enqueue_indirect_dma source(%dma_start3A_33 : memref<10000x16xf32, #tpu.memory_space<hbm>>) target(%arg13 : memref<125x16xf32, #tpu.memory_space<vmem>>) offsets(%dma_start3A_30 : memref<125xi32, #tpu.memory_space<vmem>>) semaphore(%arg22 : memref<!tpu.dma_semaphore, #tpu.memory_space<semaphore_mem>>)
    %dma_start3A_34 = arith.constant 4 : i32
    %dma_start3A_35 = arith.constant 0 : i32
    %dma_start3A_36 = tpu.memref_slice %arg8[%dma_start3A_34, %dma_start3A_35] : memref<80x125xi32, #tpu.memory_space<vmem>> -> memref<1x125xi32, #tpu.memory_space<vmem>>
    %dma_start3A_37 = tpu.memref_squeeze %dma_start3A_36 : memref<1x125xi32, #tpu.memory_space<vmem>> -> memref<125xi32, #tpu.memory_space<vmem>>
    %dma_start3A_38 = arith.constant 0 : i32
    %dma_start3A_39 = arith.constant 0 : i32
    %dma_start3A_40 = tpu.memref_slice %arg2[%dma_start3A_38, %dma_start3A_39] : memref<10000x16xf32, #tpu.memory_space<hbm>> -> memref<10000x16xf32, #tpu.memory_space<hbm>>
    tpu.enqueue_indirect_dma source(%dma_start3A_40 : memref<10000x16xf32, #tpu.memory_space<hbm>>) target(%arg14 : memref<125x16xf32, #tpu.memory_space<vmem>>) offsets(%dma_start3A_37 : memref<125xi32, #tpu.memory_space<vmem>>) semaphore(%arg23 : memref<!tpu.dma_semaphore, #tpu.memory_space<semaphore_mem>>)
    %dma_start3A_41 = arith.constant 5 : i32
    %dma_start3A_42 = arith.constant 0 : i32
    %dma_start3A_43 = tpu.memref_slice %arg8[%dma_start3A_41, %dma_start3A_42] : memref<80x125xi32, #tpu.memory_space<vmem>> -> memref<1x125xi32, #tpu.memory_space<vmem>>
    %dma_start3A_44 = tpu.memref_squeeze %dma_start3A_43 : memref<1x125xi32, #tpu.memory_space<vmem>> -> memref<125xi32, #tpu.memory_space<vmem>>
    %dma_start3A_45 = arith.constant 0 : i32
    %dma_start3A_46 = arith.constant 0 : i32
    %dma_start3A_47 = tpu.memref_slice %arg2[%dma_start3A_45, %dma_start3A_46] : memref<10000x16xf32, #tpu.memory_space<hbm>> -> memref<10000x16xf32, #tpu.memory_space<hbm>>
    tpu.enqueue_indirect_dma source(%dma_start3A_47 : memref<10000x16xf32, #tpu.memory_space<hbm>>) target(%arg15 : memref<125x16xf32, #tpu.memory_space<vmem>>) offsets(%dma_start3A_44 : memref<125xi32, #tpu.memory_space<vmem>>) semaphore(%arg24 : memref<!tpu.dma_semaphore, #tpu.memory_space<semaphore_mem>>)
    %dma_start3A_48 = arith.constant 6 : i32
    %dma_start3A_49 = arith.constant 0 : i32
    %dma_start3A_50 = tpu.memref_slice %arg8[%dma_start3A_48, %dma_start3A_49] : memref<80x125xi32, #tpu.memory_space<vmem>> -> memref<1x125xi32, #tpu.memory_space<vmem>>
    %dma_start3A_51 = tpu.memref_squeeze %dma_start3A_50 : memref<1x125xi32, #tpu.memory_space<vmem>> -> memref<125xi32, #tpu.memory_space<vmem>>
    %dma_start3A_52 = arith.constant 0 : i32
    %dma_start3A_53 = arith.constant 0 : i32
    %dma_start3A_54 = tpu.memref_slice %arg2[%dma_start3A_52, %dma_start3A_53] : memref<10000x16xf32, #tpu.memory_space<hbm>> -> memref<10000x16xf32, #tpu.memory_space<hbm>>
    tpu.enqueue_indirect_dma source(%dma_start3A_54 : memref<10000x16xf32, #tpu.memory_space<hbm>>) target(%arg16 : memref<125x16xf32, #tpu.memory_space<vmem>>) offsets(%dma_start3A_51 : memref<125xi32, #tpu.memory_space<vmem>>) semaphore(%arg25 : memref<!tpu.dma_semaphore, #tpu.memory_space<semaphore_mem>>)
    %dma_start3A_55 = arith.constant 7 : i32
    %dma_start3A_56 = arith.constant 0 : i32
    %dma_start3A_57 = tpu.memref_slice %arg8[%dma_start3A_55, %dma_start3A_56] : memref<80x125xi32, #tpu.memory_space<vmem>> -> memref<1x125xi32, #tpu.memory_space<vmem>>
    %dma_start3A_58 = tpu.memref_squeeze %dma_start3A_57 : memref<1x125xi32, #tpu.memory_space<vmem>> -> memref<125xi32, #tpu.memory_space<vmem>>
    %dma_start3A_59 = arith.constant 0 : i32
    %dma_start3A_60 = arith.constant 0 : i32
    %dma_start3A_61 = tpu.memref_slice %arg2[%dma_start3A_59, %dma_start3A_60] : memref<10000x16xf32, #tpu.memory_space<hbm>> -> memref<10000x16xf32, #tpu.memory_space<hbm>>
    tpu.enqueue_indirect_dma source(%dma_start3A_61 : memref<10000x16xf32, #tpu.memory_space<hbm>>) target(%arg17 : memref<125x16xf32, #tpu.memory_space<vmem>>) offsets(%dma_start3A_58 : memref<125xi32, #tpu.memory_space<vmem>>) semaphore(%arg26 : memref<!tpu.dma_semaphore, #tpu.memory_space<semaphore_mem>>)
    %dma_wait3A = arith.constant 0 : i32
    %dma_wait3A_62 = arith.constant 0 : i32
    %dma_wait3A_63 = tpu.memref_slice %arg8[%dma_wait3A, %dma_wait3A_62] : memref<80x125xi32, #tpu.memory_space<vmem>> -> memref<1x125xi32, #tpu.memory_space<vmem>>
    %dma_wait3A_64 = tpu.memref_squeeze %dma_wait3A_63 : memref<1x125xi32, #tpu.memory_space<vmem>> -> memref<125xi32, #tpu.memory_space<vmem>>
    %dma_wait3A_65 = arith.constant 0 : i32
    %dma_wait3A_66 = arith.constant 0 : i32
    %dma_wait3A_67 = tpu.memref_slice %arg2[%dma_wait3A_65, %dma_wait3A_66] : memref<10000x16xf32, #tpu.memory_space<hbm>> -> memref<10000x16xf32, #tpu.memory_space<hbm>>
    tpu.wait_indirect_dma semaphore(%arg19 : memref<!tpu.dma_semaphore, #tpu.memory_space<semaphore_mem>>) src(%dma_wait3A_67 : memref<10000x16xf32, #tpu.memory_space<hbm>>) dst(%arg10 : memref<125x16xf32, #tpu.memory_space<vmem>>)
    %dma_start3A_68 = arith.constant 0 : i32
    %dma_start3A_69 = arith.constant 0 : i32
    %dma_start3A_70 = tpu.memref_slice %arg9[%dma_start3A_68, %dma_start3A_69] : memref<80x125xi32, #tpu.memory_space<vmem>> -> memref<1x125xi32, #tpu.memory_space<vmem>>
    %dma_start3A_71 = tpu.memref_squeeze %dma_start3A_70 : memref<1x125xi32, #tpu.memory_space<vmem>> -> memref<125xi32, #tpu.memory_space<vmem>>
    %dma_start3A_72 = arith.constant 0 : i32
    %dma_start3A_73 = arith.constant 0 : i32
    %dma_start3A_74 = tpu.memref_slice %arg18[%dma_start3A_72, %dma_start3A_73] : memref<10000x16xf32, #tpu.memory_space<vmem_shared>> -> memref<10000x16xf32, #tpu.memory_space<vmem_shared>>
    tpu.enqueue_indirect_dma source(%arg10 : memref<125x16xf32, #tpu.memory_space<vmem>>) target(%dma_start3A_74 : memref<10000x16xf32, #tpu.memory_space<vmem_shared>>) offsets(%dma_start3A_71 : memref<125xi32, #tpu.memory_space<vmem>>) semaphore(%arg27 : memref<!tpu.dma_semaphore, #tpu.memory_space<semaphore_mem>>) {add = true}
    %dma_wait3A_75 = arith.constant 1 : i32
    %dma_wait3A_76 = arith.constant 0 : i32
    %dma_wait3A_77 = tpu.memref_slice %arg8[%dma_wait3A_75, %dma_wait3A_76] : memref<80x125xi32, #tpu.memory_space<vmem>> -> memref<1x125xi32, #tpu.memory_space<vmem>>
    %dma_wait3A_78 = tpu.memref_squeeze %dma_wait3A_77 : memref<1x125xi32, #tpu.memory_space<vmem>> -> memref<125xi32, #tpu.memory_space<vmem>>
    %dma_wait3A_79 = arith.constant 0 : i32
    %dma_wait3A_80 = arith.constant 0 : i32
    %dma_wait3A_81 = tpu.memref_slice %arg2[%dma_wait3A_79, %dma_wait3A_80] : memref<10000x16xf32, #tpu.memory_space<hbm>> -> memref<10000x16xf32, #tpu.memory_space<hbm>>
    tpu.wait_indirect_dma semaphore(%arg20 : memref<!tpu.dma_semaphore, #tpu.memory_space<semaphore_mem>>) src(%dma_wait3A_81 : memref<10000x16xf32, #tpu.memory_space<hbm>>) dst(%arg11 : memref<125x16xf32, #tpu.memory_space<vmem>>)
    %dma_start3A_82 = arith.constant 1 : i32
    %dma_start3A_83 = arith.constant 0 : i32
    %dma_start3A_84 = tpu.memref_slice %arg9[%dma_start3A_82, %dma_start3A_83] : memref<80x125xi32, #tpu.memory_space<vmem>> -> memref<1x125xi32, #tpu.memory_space<vmem>>
    %dma_start3A_85 = tpu.memref_squeeze %dma_start3A_84 : memref<1x125xi32, #tpu.memory_space<vmem>> -> memref<125xi32, #tpu.memory_space<vmem>>
    %dma_start3A_86 = arith.constant 0 : i32
    %dma_start3A_87 = arith.constant 0 : i32
    %dma_start3A_88 = tpu.memref_slice %arg18[%dma_start3A_86, %dma_start3A_87] : memref<10000x16xf32, #tpu.memory_space<vmem_shared>> -> memref<10000x16xf32, #tpu.memory_space<vmem_shared>>
    tpu.enqueue_indirect_dma source(%arg11 : memref<125x16xf32, #tpu.memory_space<vmem>>) target(%dma_start3A_88 : memref<10000x16xf32, #tpu.memory_space<vmem_shared>>) offsets(%dma_start3A_85 : memref<125xi32, #tpu.memory_space<vmem>>) semaphore(%arg28 : memref<!tpu.dma_semaphore, #tpu.memory_space<semaphore_mem>>) {add = true}
    %dma_wait3A_89 = arith.constant 2 : i32
    %dma_wait3A_90 = arith.constant 0 : i32
    %dma_wait3A_91 = tpu.memref_slice %arg8[%dma_wait3A_89, %dma_wait3A_90] : memref<80x125xi32, #tpu.memory_space<vmem>> -> memref<1x125xi32, #tpu.memory_space<vmem>>
    %dma_wait3A_92 = tpu.memref_squeeze %dma_wait3A_91 : memref<1x125xi32, #tpu.memory_space<vmem>> -> memref<125xi32, #tpu.memory_space<vmem>>
    %dma_wait3A_93 = arith.constant 0 : i32
    %dma_wait3A_94 = arith.constant 0 : i32
    %dma_wait3A_95 = tpu.memref_slice %arg2[%dma_wait3A_93, %dma_wait3A_94] : memref<10000x16xf32, #tpu.memory_space<hbm>> -> memref<10000x16xf32, #tpu.memory_space<hbm>>
    tpu.wait_indirect_dma semaphore(%arg21 : memref<!tpu.dma_semaphore, #tpu.memory_space<semaphore_mem>>) src(%dma_wait3A_95 : memref<10000x16xf32, #tpu.memory_space<hbm>>) dst(%arg12 : memref<125x16xf32, #tpu.memory_space<vmem>>)
    %dma_start3A_96 = arith.constant 2 : i32
    %dma_start3A_97 = arith.constant 0 : i32
    %dma_start3A_98 = tpu.memref_slice %arg9[%dma_start3A_96, %dma_start3A_97] : memref<80x125xi32, #tpu.memory_space<vmem>> -> memref<1x125xi32, #tpu.memory_space<vmem>>
    %dma_start3A_99 = tpu.memref_squeeze %dma_start3A_98 : memref<1x125xi32, #tpu.memory_space<vmem>> -> memref<125xi32, #tpu.memory_space<vmem>>
    %dma_start3A_100 = arith.constant 0 : i32
    %dma_start3A_101 = arith.constant 0 : i32
    %dma_start3A_102 = tpu.memref_slice %arg18[%dma_start3A_100, %dma_start3A_101] : memref<10000x16xf32, #tpu.memory_space<vmem_shared>> -> memref<10000x16xf32, #tpu.memory_space<vmem_shared>>
    tpu.enqueue_indirect_dma source(%arg12 : memref<125x16xf32, #tpu.memory_space<vmem>>) target(%dma_start3A_102 : memref<10000x16xf32, #tpu.memory_space<vmem_shared>>) offsets(%dma_start3A_99 : memref<125xi32, #tpu.memory_space<vmem>>) semaphore(%arg29 : memref<!tpu.dma_semaphore, #tpu.memory_space<semaphore_mem>>) {add = true}
    %dma_wait3A_103 = arith.constant 3 : i32
    %dma_wait3A_104 = arith.constant 0 : i32
    %dma_wait3A_105 = tpu.memref_slice %arg8[%dma_wait3A_103, %dma_wait3A_104] : memref<80x125xi32, #tpu.memory_space<vmem>> -> memref<1x125xi32, #tpu.memory_space<vmem>>
    %dma_wait3A_106 = tpu.memref_squeeze %dma_wait3A_105 : memref<1x125xi32, #tpu.memory_space<vmem>> -> memref<125xi32, #tpu.memory_space<vmem>>
    %dma_wait3A_107 = arith.constant 0 : i32
    %dma_wait3A_108 = arith.constant 0 : i32
    %dma_wait3A_109 = tpu.memref_slice %arg2[%dma_wait3A_107, %dma_wait3A_108] : memref<10000x16xf32, #tpu.memory_space<hbm>> -> memref<10000x16xf32, #tpu.memory_space<hbm>>
    tpu.wait_indirect_dma semaphore(%arg22 : memref<!tpu.dma_semaphore, #tpu.memory_space<semaphore_mem>>) src(%dma_wait3A_109 : memref<10000x16xf32, #tpu.memory_space<hbm>>) dst(%arg13 : memref<125x16xf32, #tpu.memory_space<vmem>>)
    %dma_start3A_110 = arith.constant 3 : i32
    %dma_start3A_111 = arith.constant 0 : i32
    %dma_start3A_112 = tpu.memref_slice %arg9[%dma_start3A_110, %dma_start3A_111] : memref<80x125xi32, #tpu.memory_space<vmem>> -> memref<1x125xi32, #tpu.memory_space<vmem>>
    %dma_start3A_113 = tpu.memref_squeeze %dma_start3A_112 : memref<1x125xi32, #tpu.memory_space<vmem>> -> memref<125xi32, #tpu.memory_space<vmem>>
    %dma_start3A_114 = arith.constant 0 : i32
    %dma_start3A_115 = arith.constant 0 : i32
    %dma_start3A_116 = tpu.memref_slice %arg18[%dma_start3A_114, %dma_start3A_115] : memref<10000x16xf32, #tpu.memory_space<vmem_shared>> -> memref<10000x16xf32, #tpu.memory_space<vmem_shared>>
    tpu.enqueue_indirect_dma source(%arg13 : memref<125x16xf32, #tpu.memory_space<vmem>>) target(%dma_start3A_116 : memref<10000x16xf32, #tpu.memory_space<vmem_shared>>) offsets(%dma_start3A_113 : memref<125xi32, #tpu.memory_space<vmem>>) semaphore(%arg30 : memref<!tpu.dma_semaphore, #tpu.memory_space<semaphore_mem>>) {add = true}
    %scan3A = arith.constant 0 : i32
    %scan3A_117 = arith.constant 9 : i32
    %scan3A_118 = arith.addi %scan3A, %scan3A_117 : i32
    %scan3A_119 = arith.constant 1 : i32
    scf.for %scan3A_244 = %scan3A to %scan3A_118 step %scan3A_119  : i32 {
      %mul3A_245 = arith.constant 8 : i32
      %mul3A_246 = arith.muli %scan3A_244, %mul3A_245 : i32
      %add3A_247 = arith.constant 4 : i32
      %add3A_248 = arith.addi %add3A_247, %mul3A_246 : i32
      %add3A_249 = arith.constant 0 : i32
      %add3A_250 = arith.addi %add3A_248, %add3A_249 : i32
      %dma_wait3A_251 = arith.constant 0 : i32
      %dma_wait3A_252 = tpu.memref_slice %arg8[%add3A_250, %dma_wait3A_251] : memref<80x125xi32, #tpu.memory_space<vmem>> -> memref<1x125xi32, #tpu.memory_space<vmem>>
      %dma_wait3A_253 = tpu.memref_squeeze %dma_wait3A_252 : memref<1x125xi32, #tpu.memory_space<vmem>> -> memref<125xi32, #tpu.memory_space<vmem>>
      %dma_wait3A_254 = arith.constant 0 : i32
      %dma_wait3A_255 = arith.constant 0 : i32
      %dma_wait3A_256 = tpu.memref_slice %arg2[%dma_wait3A_254, %dma_wait3A_255] : memref<10000x16xf32, #tpu.memory_space<hbm>> -> memref<10000x16xf32, #tpu.memory_space<hbm>>
      tpu.wait_indirect_dma semaphore(%arg23 : memref<!tpu.dma_semaphore, #tpu.memory_space<semaphore_mem>>) src(%dma_wait3A_256 : memref<10000x16xf32, #tpu.memory_space<hbm>>) dst(%arg14 : memref<125x16xf32, #tpu.memory_space<vmem>>)
      %dma_start3A_257 = arith.constant 0 : i32
      %dma_start3A_258 = tpu.memref_slice %arg9[%add3A_250, %dma_start3A_257] : memref<80x125xi32, #tpu.memory_space<vmem>> -> memref<1x125xi32, #tpu.memory_space<vmem>>
      %dma_start3A_259 = tpu.memref_squeeze %dma_start3A_258 : memref<1x125xi32, #tpu.memory_space<vmem>> -> memref<125xi32, #tpu.memory_space<vmem>>
      %dma_start3A_260 = arith.constant 0 : i32
      %dma_start3A_261 = arith.constant 0 : i32
      %dma_start3A_262 = tpu.memref_slice %arg18[%dma_start3A_260, %dma_start3A_261] : memref<10000x16xf32, #tpu.memory_space<vmem_shared>> -> memref<10000x16xf32, #tpu.memory_space<vmem_shared>>
      tpu.enqueue_indirect_dma source(%arg14 : memref<125x16xf32, #tpu.memory_space<vmem>>) target(%dma_start3A_262 : memref<10000x16xf32, #tpu.memory_space<vmem_shared>>) offsets(%dma_start3A_259 : memref<125xi32, #tpu.memory_space<vmem>>) semaphore(%arg31 : memref<!tpu.dma_semaphore, #tpu.memory_space<semaphore_mem>>) {add = true}
      %sub3A = arith.constant 4 : i32
      %sub3A_263 = arith.subi %add3A_250, %sub3A : i32
      %dma_wait3A_264 = arith.constant 0 : i32
      %dma_wait3A_265 = tpu.memref_slice %arg9[%sub3A_263, %dma_wait3A_264] : memref<80x125xi32, #tpu.memory_space<vmem>> -> memref<1x125xi32, #tpu.memory_space<vmem>>
      %dma_wait3A_266 = tpu.memref_squeeze %dma_wait3A_265 : memref<1x125xi32, #tpu.memory_space<vmem>> -> memref<125xi32, #tpu.memory_space<vmem>>
      %dma_wait3A_267 = arith.constant 0 : i32
      %dma_wait3A_268 = arith.constant 0 : i32
      %dma_wait3A_269 = tpu.memref_slice %arg18[%dma_wait3A_267, %dma_wait3A_268] : memref<10000x16xf32, #tpu.memory_space<vmem_shared>> -> memref<10000x16xf32, #tpu.memory_space<vmem_shared>>
      tpu.wait_indirect_dma semaphore(%arg27 : memref<!tpu.dma_semaphore, #tpu.memory_space<semaphore_mem>>) src(%arg10 : memref<125x16xf32, #tpu.memory_space<vmem>>) dst(%dma_wait3A_269 : memref<10000x16xf32, #tpu.memory_space<vmem_shared>>)
      %add3A_270 = arith.constant 4 : i32
      %add3A_271 = arith.addi %add3A_250, %add3A_270 : i32
      %dma_start3A_272 = arith.constant 0 : i32
      %dma_start3A_273 = tpu.memref_slice %arg8[%add3A_271, %dma_start3A_272] : memref<80x125xi32, #tpu.memory_space<vmem>> -> memref<1x125xi32, #tpu.memory_space<vmem>>
      %dma_start3A_274 = tpu.memref_squeeze %dma_start3A_273 : memref<1x125xi32, #tpu.memory_space<vmem>> -> memref<125xi32, #tpu.memory_space<vmem>>
      %dma_start3A_275 = arith.constant 0 : i32
      %dma_start3A_276 = arith.constant 0 : i32
      %dma_start3A_277 = tpu.memref_slice %arg2[%dma_start3A_275, %dma_start3A_276] : memref<10000x16xf32, #tpu.memory_space<hbm>> -> memref<10000x16xf32, #tpu.memory_space<hbm>>
      tpu.enqueue_indirect_dma source(%dma_start3A_277 : memref<10000x16xf32, #tpu.memory_space<hbm>>) target(%arg10 : memref<125x16xf32, #tpu.memory_space<vmem>>) offsets(%dma_start3A_274 : memref<125xi32, #tpu.memory_space<vmem>>) semaphore(%arg19 : memref<!tpu.dma_semaphore, #tpu.memory_space<semaphore_mem>>)
      %add3A_278 = arith.constant 1 : i32
      %add3A_279 = arith.addi %add3A_248, %add3A_278 : i32
      %dma_wait3A_280 = arith.constant 0 : i32
      %dma_wait3A_281 = tpu.memref_slice %arg8[%add3A_279, %dma_wait3A_280] : memref<80x125xi32, #tpu.memory_space<vmem>> -> memref<1x125xi32, #tpu.memory_space<vmem>>
      %dma_wait3A_282 = tpu.memref_squeeze %dma_wait3A_281 : memref<1x125xi32, #tpu.memory_space<vmem>> -> memref<125xi32, #tpu.memory_space<vmem>>
      %dma_wait3A_283 = arith.constant 0 : i32
      %dma_wait3A_284 = arith.constant 0 : i32
      %dma_wait3A_285 = tpu.memref_slice %arg2[%dma_wait3A_283, %dma_wait3A_284] : memref<10000x16xf32, #tpu.memory_space<hbm>> -> memref<10000x16xf32, #tpu.memory_space<hbm>>
      tpu.wait_indirect_dma semaphore(%arg24 : memref<!tpu.dma_semaphore, #tpu.memory_space<semaphore_mem>>) src(%dma_wait3A_285 : memref<10000x16xf32, #tpu.memory_space<hbm>>) dst(%arg15 : memref<125x16xf32, #tpu.memory_space<vmem>>)
      %dma_start3A_286 = arith.constant 0 : i32
      %dma_start3A_287 = tpu.memref_slice %arg9[%add3A_279, %dma_start3A_286] : memref<80x125xi32, #tpu.memory_space<vmem>> -> memref<1x125xi32, #tpu.memory_space<vmem>>
      %dma_start3A_288 = tpu.memref_squeeze %dma_start3A_287 : memref<1x125xi32, #tpu.memory_space<vmem>> -> memref<125xi32, #tpu.memory_space<vmem>>
      %dma_start3A_289 = arith.constant 0 : i32
      %dma_start3A_290 = arith.constant 0 : i32
      %dma_start3A_291 = tpu.memref_slice %arg18[%dma_start3A_289, %dma_start3A_290] : memref<10000x16xf32, #tpu.memory_space<vmem_shared>> -> memref<10000x16xf32, #tpu.memory_space<vmem_shared>>
      tpu.enqueue_indirect_dma source(%arg15 : memref<125x16xf32, #tpu.memory_space<vmem>>) target(%dma_start3A_291 : memref<10000x16xf32, #tpu.memory_space<vmem_shared>>) offsets(%dma_start3A_288 : memref<125xi32, #tpu.memory_space<vmem>>) semaphore(%arg32 : memref<!tpu.dma_semaphore, #tpu.memory_space<semaphore_mem>>) {add = true}
      %sub3A_292 = arith.constant 4 : i32
      %sub3A_293 = arith.subi %add3A_279, %sub3A_292 : i32
      %dma_wait3A_294 = arith.constant 0 : i32
      %dma_wait3A_295 = tpu.memref_slice %arg9[%sub3A_293, %dma_wait3A_294] : memref<80x125xi32, #tpu.memory_space<vmem>> -> memref<1x125xi32, #tpu.memory_space<vmem>>
      %dma_wait3A_296 = tpu.memref_squeeze %dma_wait3A_295 : memref<1x125xi32, #tpu.memory_space<vmem>> -> memref<125xi32, #tpu.memory_space<vmem>>
      %dma_wait3A_297 = arith.constant 0 : i32
      %dma_wait3A_298 = arith.constant 0 : i32
      %dma_wait3A_299 = tpu.memref_slice %arg18[%dma_wait3A_297, %dma_wait3A_298] : memref<10000x16xf32, #tpu.memory_space<vmem_shared>> -> memref<10000x16xf32, #tpu.memory_space<vmem_shared>>
      tpu.wait_indirect_dma semaphore(%arg28 : memref<!tpu.dma_semaphore, #tpu.memory_space<semaphore_mem>>) src(%arg11 : memref<125x16xf32, #tpu.memory_space<vmem>>) dst(%dma_wait3A_299 : memref<10000x16xf32, #tpu.memory_space<vmem_shared>>)
      %add3A_300 = arith.constant 4 : i32
      %add3A_301 = arith.addi %add3A_279, %add3A_300 : i32
      %dma_start3A_302 = arith.constant 0 : i32
      %dma_start3A_303 = tpu.memref_slice %arg8[%add3A_301, %dma_start3A_302] : memref<80x125xi32, #tpu.memory_space<vmem>> -> memref<1x125xi32, #tpu.memory_space<vmem>>
      %dma_start3A_304 = tpu.memref_squeeze %dma_start3A_303 : memref<1x125xi32, #tpu.memory_space<vmem>> -> memref<125xi32, #tpu.memory_space<vmem>>
      %dma_start3A_305 = arith.constant 0 : i32
      %dma_start3A_306 = arith.constant 0 : i32
      %dma_start3A_307 = tpu.memref_slice %arg2[%dma_start3A_305, %dma_start3A_306] : memref<10000x16xf32, #tpu.memory_space<hbm>> -> memref<10000x16xf32, #tpu.memory_space<hbm>>
      tpu.enqueue_indirect_dma source(%dma_start3A_307 : memref<10000x16xf32, #tpu.memory_space<hbm>>) target(%arg11 : memref<125x16xf32, #tpu.memory_space<vmem>>) offsets(%dma_start3A_304 : memref<125xi32, #tpu.memory_space<vmem>>) semaphore(%arg20 : memref<!tpu.dma_semaphore, #tpu.memory_space<semaphore_mem>>)
      %add3A_308 = arith.constant 2 : i32
      %add3A_309 = arith.addi %add3A_248, %add3A_308 : i32
      %dma_wait3A_310 = arith.constant 0 : i32
      %dma_wait3A_311 = tpu.memref_slice %arg8[%add3A_309, %dma_wait3A_310] : memref<80x125xi32, #tpu.memory_space<vmem>> -> memref<1x125xi32, #tpu.memory_space<vmem>>
      %dma_wait3A_312 = tpu.memref_squeeze %dma_wait3A_311 : memref<1x125xi32, #tpu.memory_space<vmem>> -> memref<125xi32, #tpu.memory_space<vmem>>
      %dma_wait3A_313 = arith.constant 0 : i32
      %dma_wait3A_314 = arith.constant 0 : i32
      %dma_wait3A_315 = tpu.memref_slice %arg2[%dma_wait3A_313, %dma_wait3A_314] : memref<10000x16xf32, #tpu.memory_space<hbm>> -> memref<10000x16xf32, #tpu.memory_space<hbm>>
      tpu.wait_indirect_dma semaphore(%arg25 : memref<!tpu.dma_semaphore, #tpu.memory_space<semaphore_mem>>) src(%dma_wait3A_315 : memref<10000x16xf32, #tpu.memory_space<hbm>>) dst(%arg16 : memref<125x16xf32, #tpu.memory_space<vmem>>)
      %dma_start3A_316 = arith.constant 0 : i32
      %dma_start3A_317 = tpu.memref_slice %arg9[%add3A_309, %dma_start3A_316] : memref<80x125xi32, #tpu.memory_space<vmem>> -> memref<1x125xi32, #tpu.memory_space<vmem>>
      %dma_start3A_318 = tpu.memref_squeeze %dma_start3A_317 : memref<1x125xi32, #tpu.memory_space<vmem>> -> memref<125xi32, #tpu.memory_space<vmem>>
      %dma_start3A_319 = arith.constant 0 : i32
      %dma_start3A_320 = arith.constant 0 : i32
      %dma_start3A_321 = tpu.memref_slice %arg18[%dma_start3A_319, %dma_start3A_320] : memref<10000x16xf32, #tpu.memory_space<vmem_shared>> -> memref<10000x16xf32, #tpu.memory_space<vmem_shared>>
      tpu.enqueue_indirect_dma source(%arg16 : memref<125x16xf32, #tpu.memory_space<vmem>>) target(%dma_start3A_321 : memref<10000x16xf32, #tpu.memory_space<vmem_shared>>) offsets(%dma_start3A_318 : memref<125xi32, #tpu.memory_space<vmem>>) semaphore(%arg33 : memref<!tpu.dma_semaphore, #tpu.memory_space<semaphore_mem>>) {add = true}
      %sub3A_322 = arith.constant 4 : i32
      %sub3A_323 = arith.subi %add3A_309, %sub3A_322 : i32
      %dma_wait3A_324 = arith.constant 0 : i32
      %dma_wait3A_325 = tpu.memref_slice %arg9[%sub3A_323, %dma_wait3A_324] : memref<80x125xi32, #tpu.memory_space<vmem>> -> memref<1x125xi32, #tpu.memory_space<vmem>>
      %dma_wait3A_326 = tpu.memref_squeeze %dma_wait3A_325 : memref<1x125xi32, #tpu.memory_space<vmem>> -> memref<125xi32, #tpu.memory_space<vmem>>
      %dma_wait3A_327 = arith.constant 0 : i32
      %dma_wait3A_328 = arith.constant 0 : i32
      %dma_wait3A_329 = tpu.memref_slice %arg18[%dma_wait3A_327, %dma_wait3A_328] : memref<10000x16xf32, #tpu.memory_space<vmem_shared>> -> memref<10000x16xf32, #tpu.memory_space<vmem_shared>>
      tpu.wait_indirect_dma semaphore(%arg29 : memref<!tpu.dma_semaphore, #tpu.memory_space<semaphore_mem>>) src(%arg12 : memref<125x16xf32, #tpu.memory_space<vmem>>) dst(%dma_wait3A_329 : memref<10000x16xf32, #tpu.memory_space<vmem_shared>>)
      %add3A_330 = arith.constant 4 : i32
      %add3A_331 = arith.addi %add3A_309, %add3A_330 : i32
      %dma_start3A_332 = arith.constant 0 : i32
      %dma_start3A_333 = tpu.memref_slice %arg8[%add3A_331, %dma_start3A_332] : memref<80x125xi32, #tpu.memory_space<vmem>> -> memref<1x125xi32, #tpu.memory_space<vmem>>
      %dma_start3A_334 = tpu.memref_squeeze %dma_start3A_333 : memref<1x125xi32, #tpu.memory_space<vmem>> -> memref<125xi32, #tpu.memory_space<vmem>>
      %dma_start3A_335 = arith.constant 0 : i32
      %dma_start3A_336 = arith.constant 0 : i32
      %dma_start3A_337 = tpu.memref_slice %arg2[%dma_start3A_335, %dma_start3A_336] : memref<10000x16xf32, #tpu.memory_space<hbm>> -> memref<10000x16xf32, #tpu.memory_space<hbm>>
      tpu.enqueue_indirect_dma source(%dma_start3A_337 : memref<10000x16xf32, #tpu.memory_space<hbm>>) target(%arg12 : memref<125x16xf32, #tpu.memory_space<vmem>>) offsets(%dma_start3A_334 : memref<125xi32, #tpu.memory_space<vmem>>) semaphore(%arg21 : memref<!tpu.dma_semaphore, #tpu.memory_space<semaphore_mem>>)
      %add3A_338 = arith.constant 3 : i32
      %add3A_339 = arith.addi %add3A_248, %add3A_338 : i32
      %dma_wait3A_340 = arith.constant 0 : i32
      %dma_wait3A_341 = tpu.memref_slice %arg8[%add3A_339, %dma_wait3A_340] : memref<80x125xi32, #tpu.memory_space<vmem>> -> memref<1x125xi32, #tpu.memory_space<vmem>>
      %dma_wait3A_342 = tpu.memref_squeeze %dma_wait3A_341 : memref<1x125xi32, #tpu.memory_space<vmem>> -> memref<125xi32, #tpu.memory_space<vmem>>
      %dma_wait3A_343 = arith.constant 0 : i32
      %dma_wait3A_344 = arith.constant 0 : i32
      %dma_wait3A_345 = tpu.memref_slice %arg2[%dma_wait3A_343, %dma_wait3A_344] : memref<10000x16xf32, #tpu.memory_space<hbm>> -> memref<10000x16xf32, #tpu.memory_space<hbm>>
      tpu.wait_indirect_dma semaphore(%arg26 : memref<!tpu.dma_semaphore, #tpu.memory_space<semaphore_mem>>) src(%dma_wait3A_345 : memref<10000x16xf32, #tpu.memory_space<hbm>>) dst(%arg17 : memref<125x16xf32, #tpu.memory_space<vmem>>)
      %dma_start3A_346 = arith.constant 0 : i32
      %dma_start3A_347 = tpu.memref_slice %arg9[%add3A_339, %dma_start3A_346] : memref<80x125xi32, #tpu.memory_space<vmem>> -> memref<1x125xi32, #tpu.memory_space<vmem>>
      %dma_start3A_348 = tpu.memref_squeeze %dma_start3A_347 : memref<1x125xi32, #tpu.memory_space<vmem>> -> memref<125xi32, #tpu.memory_space<vmem>>
      %dma_start3A_349 = arith.constant 0 : i32
      %dma_start3A_350 = arith.constant 0 : i32
      %dma_start3A_351 = tpu.memref_slice %arg18[%dma_start3A_349, %dma_start3A_350] : memref<10000x16xf32, #tpu.memory_space<vmem_shared>> -> memref<10000x16xf32, #tpu.memory_space<vmem_shared>>
      tpu.enqueue_indirect_dma source(%arg17 : memref<125x16xf32, #tpu.memory_space<vmem>>) target(%dma_start3A_351 : memref<10000x16xf32, #tpu.memory_space<vmem_shared>>) offsets(%dma_start3A_348 : memref<125xi32, #tpu.memory_space<vmem>>) semaphore(%arg34 : memref<!tpu.dma_semaphore, #tpu.memory_space<semaphore_mem>>) {add = true}
      %sub3A_352 = arith.constant 4 : i32
      %sub3A_353 = arith.subi %add3A_339, %sub3A_352 : i32
      %dma_wait3A_354 = arith.constant 0 : i32
      %dma_wait3A_355 = tpu.memref_slice %arg9[%sub3A_353, %dma_wait3A_354] : memref<80x125xi32, #tpu.memory_space<vmem>> -> memref<1x125xi32, #tpu.memory_space<vmem>>
      %dma_wait3A_356 = tpu.memref_squeeze %dma_wait3A_355 : memref<1x125xi32, #tpu.memory_space<vmem>> -> memref<125xi32, #tpu.memory_space<vmem>>
      %dma_wait3A_357 = arith.constant 0 : i32
      %dma_wait3A_358 = arith.constant 0 : i32
      %dma_wait3A_359 = tpu.memref_slice %arg18[%dma_wait3A_357, %dma_wait3A_358] : memref<10000x16xf32, #tpu.memory_space<vmem_shared>> -> memref<10000x16xf32, #tpu.memory_space<vmem_shared>>
      tpu.wait_indirect_dma semaphore(%arg30 : memref<!tpu.dma_semaphore, #tpu.memory_space<semaphore_mem>>) src(%arg13 : memref<125x16xf32, #tpu.memory_space<vmem>>) dst(%dma_wait3A_359 : memref<10000x16xf32, #tpu.memory_space<vmem_shared>>)
      %add3A_360 = arith.constant 4 : i32
      %add3A_361 = arith.addi %add3A_339, %add3A_360 : i32
      %dma_start3A_362 = arith.constant 0 : i32
      %dma_start3A_363 = tpu.memref_slice %arg8[%add3A_361, %dma_start3A_362] : memref<80x125xi32, #tpu.memory_space<vmem>> -> memref<1x125xi32, #tpu.memory_space<vmem>>
      %dma_start3A_364 = tpu.memref_squeeze %dma_start3A_363 : memref<1x125xi32, #tpu.memory_space<vmem>> -> memref<125xi32, #tpu.memory_space<vmem>>
      %dma_start3A_365 = arith.constant 0 : i32
      %dma_start3A_366 = arith.constant 0 : i32
      %dma_start3A_367 = tpu.memref_slice %arg2[%dma_start3A_365, %dma_start3A_366] : memref<10000x16xf32, #tpu.memory_space<hbm>> -> memref<10000x16xf32, #tpu.memory_space<hbm>>
      tpu.enqueue_indirect_dma source(%dma_start3A_367 : memref<10000x16xf32, #tpu.memory_space<hbm>>) target(%arg13 : memref<125x16xf32, #tpu.memory_space<vmem>>) offsets(%dma_start3A_364 : memref<125xi32, #tpu.memory_space<vmem>>) semaphore(%arg22 : memref<!tpu.dma_semaphore, #tpu.memory_space<semaphore_mem>>)
      %add3A_368 = arith.constant 4 : i32
      %add3A_369 = arith.addi %add3A_248, %add3A_368 : i32
      %dma_wait3A_370 = arith.constant 0 : i32
      %dma_wait3A_371 = tpu.memref_slice %arg8[%add3A_369, %dma_wait3A_370] : memref<80x125xi32, #tpu.memory_space<vmem>> -> memref<1x125xi32, #tpu.memory_space<vmem>>
      %dma_wait3A_372 = tpu.memref_squeeze %dma_wait3A_371 : memref<1x125xi32, #tpu.memory_space<vmem>> -> memref<125xi32, #tpu.memory_space<vmem>>
      %dma_wait3A_373 = arith.constant 0 : i32
      %dma_wait3A_374 = arith.constant 0 : i32
      %dma_wait3A_375 = tpu.memref_slice %arg2[%dma_wait3A_373, %dma_wait3A_374] : memref<10000x16xf32, #tpu.memory_space<hbm>> -> memref<10000x16xf32, #tpu.memory_space<hbm>>
      tpu.wait_indirect_dma semaphore(%arg19 : memref<!tpu.dma_semaphore, #tpu.memory_space<semaphore_mem>>) src(%dma_wait3A_375 : memref<10000x16xf32, #tpu.memory_space<hbm>>) dst(%arg10 : memref<125x16xf32, #tpu.memory_space<vmem>>)
      %dma_start3A_376 = arith.constant 0 : i32
      %dma_start3A_377 = tpu.memref_slice %arg9[%add3A_369, %dma_start3A_376] : memref<80x125xi32, #tpu.memory_space<vmem>> -> memref<1x125xi32, #tpu.memory_space<vmem>>
      %dma_start3A_378 = tpu.memref_squeeze %dma_start3A_377 : memref<1x125xi32, #tpu.memory_space<vmem>> -> memref<125xi32, #tpu.memory_space<vmem>>
      %dma_start3A_379 = arith.constant 0 : i32
      %dma_start3A_380 = arith.constant 0 : i32
      %dma_start3A_381 = tpu.memref_slice %arg18[%dma_start3A_379, %dma_start3A_380] : memref<10000x16xf32, #tpu.memory_space<vmem_shared>> -> memref<10000x16xf32, #tpu.memory_space<vmem_shared>>
      tpu.enqueue_indirect_dma source(%arg10 : memref<125x16xf32, #tpu.memory_space<vmem>>) target(%dma_start3A_381 : memref<10000x16xf32, #tpu.memory_space<vmem_shared>>) offsets(%dma_start3A_378 : memref<125xi32, #tpu.memory_space<vmem>>) semaphore(%arg27 : memref<!tpu.dma_semaphore, #tpu.memory_space<semaphore_mem>>) {add = true}
      %sub3A_382 = arith.constant 4 : i32
      %sub3A_383 = arith.subi %add3A_369, %sub3A_382 : i32
      %dma_wait3A_384 = arith.constant 0 : i32
      %dma_wait3A_385 = tpu.memref_slice %arg9[%sub3A_383, %dma_wait3A_384] : memref<80x125xi32, #tpu.memory_space<vmem>> -> memref<1x125xi32, #tpu.memory_space<vmem>>
      %dma_wait3A_386 = tpu.memref_squeeze %dma_wait3A_385 : memref<1x125xi32, #tpu.memory_space<vmem>> -> memref<125xi32, #tpu.memory_space<vmem>>
      %dma_wait3A_387 = arith.constant 0 : i32
      %dma_wait3A_388 = arith.constant 0 : i32
      %dma_wait3A_389 = tpu.memref_slice %arg18[%dma_wait3A_387, %dma_wait3A_388] : memref<10000x16xf32, #tpu.memory_space<vmem_shared>> -> memref<10000x16xf32, #tpu.memory_space<vmem_shared>>
      tpu.wait_indirect_dma semaphore(%arg31 : memref<!tpu.dma_semaphore, #tpu.memory_space<semaphore_mem>>) src(%arg14 : memref<125x16xf32, #tpu.memory_space<vmem>>) dst(%dma_wait3A_389 : memref<10000x16xf32, #tpu.memory_space<vmem_shared>>)
      %add3A_390 = arith.constant 4 : i32
      %add3A_391 = arith.addi %add3A_369, %add3A_390 : i32
      %dma_start3A_392 = arith.constant 0 : i32
      %dma_start3A_393 = tpu.memref_slice %arg8[%add3A_391, %dma_start3A_392] : memref<80x125xi32, #tpu.memory_space<vmem>> -> memref<1x125xi32, #tpu.memory_space<vmem>>
      %dma_start3A_394 = tpu.memref_squeeze %dma_start3A_393 : memref<1x125xi32, #tpu.memory_space<vmem>> -> memref<125xi32, #tpu.memory_space<vmem>>
      %dma_start3A_395 = arith.constant 0 : i32
      %dma_start3A_396 = arith.constant 0 : i32
      %dma_start3A_397 = tpu.memref_slice %arg2[%dma_start3A_395, %dma_start3A_396] : memref<10000x16xf32, #tpu.memory_space<hbm>> -> memref<10000x16xf32, #tpu.memory_space<hbm>>
      tpu.enqueue_indirect_dma source(%dma_start3A_397 : memref<10000x16xf32, #tpu.memory_space<hbm>>) target(%arg14 : memref<125x16xf32, #tpu.memory_space<vmem>>) offsets(%dma_start3A_394 : memref<125xi32, #tpu.memory_space<vmem>>) semaphore(%arg23 : memref<!tpu.dma_semaphore, #tpu.memory_space<semaphore_mem>>)
      %add3A_398 = arith.constant 5 : i32
      %add3A_399 = arith.addi %add3A_248, %add3A_398 : i32
      %dma_wait3A_400 = arith.constant 0 : i32
      %dma_wait3A_401 = tpu.memref_slice %arg8[%add3A_399, %dma_wait3A_400] : memref<80x125xi32, #tpu.memory_space<vmem>> -> memref<1x125xi32, #tpu.memory_space<vmem>>
      %dma_wait3A_402 = tpu.memref_squeeze %dma_wait3A_401 : memref<1x125xi32, #tpu.memory_space<vmem>> -> memref<125xi32, #tpu.memory_space<vmem>>
      %dma_wait3A_403 = arith.constant 0 : i32
      %dma_wait3A_404 = arith.constant 0 : i32
      %dma_wait3A_405 = tpu.memref_slice %arg2[%dma_wait3A_403, %dma_wait3A_404] : memref<10000x16xf32, #tpu.memory_space<hbm>> -> memref<10000x16xf32, #tpu.memory_space<hbm>>
      tpu.wait_indirect_dma semaphore(%arg20 : memref<!tpu.dma_semaphore, #tpu.memory_space<semaphore_mem>>) src(%dma_wait3A_405 : memref<10000x16xf32, #tpu.memory_space<hbm>>) dst(%arg11 : memref<125x16xf32, #tpu.memory_space<vmem>>)
      %dma_start3A_406 = arith.constant 0 : i32
      %dma_start3A_407 = tpu.memref_slice %arg9[%add3A_399, %dma_start3A_406] : memref<80x125xi32, #tpu.memory_space<vmem>> -> memref<1x125xi32, #tpu.memory_space<vmem>>
      %dma_start3A_408 = tpu.memref_squeeze %dma_start3A_407 : memref<1x125xi32, #tpu.memory_space<vmem>> -> memref<125xi32, #tpu.memory_space<vmem>>
      %dma_start3A_409 = arith.constant 0 : i32
      %dma_start3A_410 = arith.constant 0 : i32
      %dma_start3A_411 = tpu.memref_slice %arg18[%dma_start3A_409, %dma_start3A_410] : memref<10000x16xf32, #tpu.memory_space<vmem_shared>> -> memref<10000x16xf32, #tpu.memory_space<vmem_shared>>
      tpu.enqueue_indirect_dma source(%arg11 : memref<125x16xf32, #tpu.memory_space<vmem>>) target(%dma_start3A_411 : memref<10000x16xf32, #tpu.memory_space<vmem_shared>>) offsets(%dma_start3A_408 : memref<125xi32, #tpu.memory_space<vmem>>) semaphore(%arg28 : memref<!tpu.dma_semaphore, #tpu.memory_space<semaphore_mem>>) {add = true}
      %sub3A_412 = arith.constant 4 : i32
      %sub3A_413 = arith.subi %add3A_399, %sub3A_412 : i32
      %dma_wait3A_414 = arith.constant 0 : i32
      %dma_wait3A_415 = tpu.memref_slice %arg9[%sub3A_413, %dma_wait3A_414] : memref<80x125xi32, #tpu.memory_space<vmem>> -> memref<1x125xi32, #tpu.memory_space<vmem>>
      %dma_wait3A_416 = tpu.memref_squeeze %dma_wait3A_415 : memref<1x125xi32, #tpu.memory_space<vmem>> -> memref<125xi32, #tpu.memory_space<vmem>>
      %dma_wait3A_417 = arith.constant 0 : i32
      %dma_wait3A_418 = arith.constant 0 : i32
      %dma_wait3A_419 = tpu.memref_slice %arg18[%dma_wait3A_417, %dma_wait3A_418] : memref<10000x16xf32, #tpu.memory_space<vmem_shared>> -> memref<10000x16xf32, #tpu.memory_space<vmem_shared>>
      tpu.wait_indirect_dma semaphore(%arg32 : memref<!tpu.dma_semaphore, #tpu.memory_space<semaphore_mem>>) src(%arg15 : memref<125x16xf32, #tpu.memory_space<vmem>>) dst(%dma_wait3A_419 : memref<10000x16xf32, #tpu.memory_space<vmem_shared>>)
      %add3A_420 = arith.constant 4 : i32
      %add3A_421 = arith.addi %add3A_399, %add3A_420 : i32
      %dma_start3A_422 = arith.constant 0 : i32
      %dma_start3A_423 = tpu.memref_slice %arg8[%add3A_421, %dma_start3A_422] : memref<80x125xi32, #tpu.memory_space<vmem>> -> memref<1x125xi32, #tpu.memory_space<vmem>>
      %dma_start3A_424 = tpu.memref_squeeze %dma_start3A_423 : memref<1x125xi32, #tpu.memory_space<vmem>> -> memref<125xi32, #tpu.memory_space<vmem>>
      %dma_start3A_425 = arith.constant 0 : i32
      %dma_start3A_426 = arith.constant 0 : i32
      %dma_start3A_427 = tpu.memref_slice %arg2[%dma_start3A_425, %dma_start3A_426] : memref<10000x16xf32, #tpu.memory_space<hbm>> -> memref<10000x16xf32, #tpu.memory_space<hbm>>
      tpu.enqueue_indirect_dma source(%dma_start3A_427 : memref<10000x16xf32, #tpu.memory_space<hbm>>) target(%arg15 : memref<125x16xf32, #tpu.memory_space<vmem>>) offsets(%dma_start3A_424 : memref<125xi32, #tpu.memory_space<vmem>>) semaphore(%arg24 : memref<!tpu.dma_semaphore, #tpu.memory_space<semaphore_mem>>)
      %add3A_428 = arith.constant 6 : i32
      %add3A_429 = arith.addi %add3A_248, %add3A_428 : i32
      %dma_wait3A_430 = arith.constant 0 : i32
      %dma_wait3A_431 = tpu.memref_slice %arg8[%add3A_429, %dma_wait3A_430] : memref<80x125xi32, #tpu.memory_space<vmem>> -> memref<1x125xi32, #tpu.memory_space<vmem>>
      %dma_wait3A_432 = tpu.memref_squeeze %dma_wait3A_431 : memref<1x125xi32, #tpu.memory_space<vmem>> -> memref<125xi32, #tpu.memory_space<vmem>>
      %dma_wait3A_433 = arith.constant 0 : i32
      %dma_wait3A_434 = arith.constant 0 : i32
      %dma_wait3A_435 = tpu.memref_slice %arg2[%dma_wait3A_433, %dma_wait3A_434] : memref<10000x16xf32, #tpu.memory_space<hbm>> -> memref<10000x16xf32, #tpu.memory_space<hbm>>
      tpu.wait_indirect_dma semaphore(%arg21 : memref<!tpu.dma_semaphore, #tpu.memory_space<semaphore_mem>>) src(%dma_wait3A_435 : memref<10000x16xf32, #tpu.memory_space<hbm>>) dst(%arg12 : memref<125x16xf32, #tpu.memory_space<vmem>>)
      %dma_start3A_436 = arith.constant 0 : i32
      %dma_start3A_437 = tpu.memref_slice %arg9[%add3A_429, %dma_start3A_436] : memref<80x125xi32, #tpu.memory_space<vmem>> -> memref<1x125xi32, #tpu.memory_space<vmem>>
      %dma_start3A_438 = tpu.memref_squeeze %dma_start3A_437 : memref<1x125xi32, #tpu.memory_space<vmem>> -> memref<125xi32, #tpu.memory_space<vmem>>
      %dma_start3A_439 = arith.constant 0 : i32
      %dma_start3A_440 = arith.constant 0 : i32
      %dma_start3A_441 = tpu.memref_slice %arg18[%dma_start3A_439, %dma_start3A_440] : memref<10000x16xf32, #tpu.memory_space<vmem_shared>> -> memref<10000x16xf32, #tpu.memory_space<vmem_shared>>
      tpu.enqueue_indirect_dma source(%arg12 : memref<125x16xf32, #tpu.memory_space<vmem>>) target(%dma_start3A_441 : memref<10000x16xf32, #tpu.memory_space<vmem_shared>>) offsets(%dma_start3A_438 : memref<125xi32, #tpu.memory_space<vmem>>) semaphore(%arg29 : memref<!tpu.dma_semaphore, #tpu.memory_space<semaphore_mem>>) {add = true}
      %sub3A_442 = arith.constant 4 : i32
      %sub3A_443 = arith.subi %add3A_429, %sub3A_442 : i32
      %dma_wait3A_444 = arith.constant 0 : i32
      %dma_wait3A_445 = tpu.memref_slice %arg9[%sub3A_443, %dma_wait3A_444] : memref<80x125xi32, #tpu.memory_space<vmem>> -> memref<1x125xi32, #tpu.memory_space<vmem>>
      %dma_wait3A_446 = tpu.memref_squeeze %dma_wait3A_445 : memref<1x125xi32, #tpu.memory_space<vmem>> -> memref<125xi32, #tpu.memory_space<vmem>>
      %dma_wait3A_447 = arith.constant 0 : i32
      %dma_wait3A_448 = arith.constant 0 : i32
      %dma_wait3A_449 = tpu.memref_slice %arg18[%dma_wait3A_447, %dma_wait3A_448] : memref<10000x16xf32, #tpu.memory_space<vmem_shared>> -> memref<10000x16xf32, #tpu.memory_space<vmem_shared>>
      tpu.wait_indirect_dma semaphore(%arg33 : memref<!tpu.dma_semaphore, #tpu.memory_space<semaphore_mem>>) src(%arg16 : memref<125x16xf32, #tpu.memory_space<vmem>>) dst(%dma_wait3A_449 : memref<10000x16xf32, #tpu.memory_space<vmem_shared>>)
      %add3A_450 = arith.constant 4 : i32
      %add3A_451 = arith.addi %add3A_429, %add3A_450 : i32
      %dma_start3A_452 = arith.constant 0 : i32
      %dma_start3A_453 = tpu.memref_slice %arg8[%add3A_451, %dma_start3A_452] : memref<80x125xi32, #tpu.memory_space<vmem>> -> memref<1x125xi32, #tpu.memory_space<vmem>>
      %dma_start3A_454 = tpu.memref_squeeze %dma_start3A_453 : memref<1x125xi32, #tpu.memory_space<vmem>> -> memref<125xi32, #tpu.memory_space<vmem>>
      %dma_start3A_455 = arith.constant 0 : i32
      %dma_start3A_456 = arith.constant 0 : i32
      %dma_start3A_457 = tpu.memref_slice %arg2[%dma_start3A_455, %dma_start3A_456] : memref<10000x16xf32, #tpu.memory_space<hbm>> -> memref<10000x16xf32, #tpu.memory_space<hbm>>
      tpu.enqueue_indirect_dma source(%dma_start3A_457 : memref<10000x16xf32, #tpu.memory_space<hbm>>) target(%arg16 : memref<125x16xf32, #tpu.memory_space<vmem>>) offsets(%dma_start3A_454 : memref<125xi32, #tpu.memory_space<vmem>>) semaphore(%arg25 : memref<!tpu.dma_semaphore, #tpu.memory_space<semaphore_mem>>)
      %add3A_458 = arith.constant 7 : i32
      %add3A_459 = arith.addi %add3A_248, %add3A_458 : i32
      %dma_wait3A_460 = arith.constant 0 : i32
      %dma_wait3A_461 = tpu.memref_slice %arg8[%add3A_459, %dma_wait3A_460] : memref<80x125xi32, #tpu.memory_space<vmem>> -> memref<1x125xi32, #tpu.memory_space<vmem>>
      %dma_wait3A_462 = tpu.memref_squeeze %dma_wait3A_461 : memref<1x125xi32, #tpu.memory_space<vmem>> -> memref<125xi32, #tpu.memory_space<vmem>>
      %dma_wait3A_463 = arith.constant 0 : i32
      %dma_wait3A_464 = arith.constant 0 : i32
      %dma_wait3A_465 = tpu.memref_slice %arg2[%dma_wait3A_463, %dma_wait3A_464] : memref<10000x16xf32, #tpu.memory_space<hbm>> -> memref<10000x16xf32, #tpu.memory_space<hbm>>
      tpu.wait_indirect_dma semaphore(%arg22 : memref<!tpu.dma_semaphore, #tpu.memory_space<semaphore_mem>>) src(%dma_wait3A_465 : memref<10000x16xf32, #tpu.memory_space<hbm>>) dst(%arg13 : memref<125x16xf32, #tpu.memory_space<vmem>>)
      %dma_start3A_466 = arith.constant 0 : i32
      %dma_start3A_467 = tpu.memref_slice %arg9[%add3A_459, %dma_start3A_466] : memref<80x125xi32, #tpu.memory_space<vmem>> -> memref<1x125xi32, #tpu.memory_space<vmem>>
      %dma_start3A_468 = tpu.memref_squeeze %dma_start3A_467 : memref<1x125xi32, #tpu.memory_space<vmem>> -> memref<125xi32, #tpu.memory_space<vmem>>
      %dma_start3A_469 = arith.constant 0 : i32
      %dma_start3A_470 = arith.constant 0 : i32
      %dma_start3A_471 = tpu.memref_slice %arg18[%dma_start3A_469, %dma_start3A_470] : memref<10000x16xf32, #tpu.memory_space<vmem_shared>> -> memref<10000x16xf32, #tpu.memory_space<vmem_shared>>
      tpu.enqueue_indirect_dma source(%arg13 : memref<125x16xf32, #tpu.memory_space<vmem>>) target(%dma_start3A_471 : memref<10000x16xf32, #tpu.memory_space<vmem_shared>>) offsets(%dma_start3A_468 : memref<125xi32, #tpu.memory_space<vmem>>) semaphore(%arg30 : memref<!tpu.dma_semaphore, #tpu.memory_space<semaphore_mem>>) {add = true}
      %sub3A_472 = arith.constant 4 : i32
      %sub3A_473 = arith.subi %add3A_459, %sub3A_472 : i32
      %dma_wait3A_474 = arith.constant 0 : i32
      %dma_wait3A_475 = tpu.memref_slice %arg9[%sub3A_473, %dma_wait3A_474] : memref<80x125xi32, #tpu.memory_space<vmem>> -> memref<1x125xi32, #tpu.memory_space<vmem>>
      %dma_wait3A_476 = tpu.memref_squeeze %dma_wait3A_475 : memref<1x125xi32, #tpu.memory_space<vmem>> -> memref<125xi32, #tpu.memory_space<vmem>>
      %dma_wait3A_477 = arith.constant 0 : i32
      %dma_wait3A_478 = arith.constant 0 : i32
      %dma_wait3A_479 = tpu.memref_slice %arg18[%dma_wait3A_477, %dma_wait3A_478] : memref<10000x16xf32, #tpu.memory_space<vmem_shared>> -> memref<10000x16xf32, #tpu.memory_space<vmem_shared>>
      tpu.wait_indirect_dma semaphore(%arg34 : memref<!tpu.dma_semaphore, #tpu.memory_space<semaphore_mem>>) src(%arg17 : memref<125x16xf32, #tpu.memory_space<vmem>>) dst(%dma_wait3A_479 : memref<10000x16xf32, #tpu.memory_space<vmem_shared>>)
      %add3A_480 = arith.constant 4 : i32
      %add3A_481 = arith.addi %add3A_459, %add3A_480 : i32
      %dma_start3A_482 = arith.constant 0 : i32
      %dma_start3A_483 = tpu.memref_slice %arg8[%add3A_481, %dma_start3A_482] : memref<80x125xi32, #tpu.memory_space<vmem>> -> memref<1x125xi32, #tpu.memory_space<vmem>>
      %dma_start3A_484 = tpu.memref_squeeze %dma_start3A_483 : memref<1x125xi32, #tpu.memory_space<vmem>> -> memref<125xi32, #tpu.memory_space<vmem>>
      %dma_start3A_485 = arith.constant 0 : i32
      %dma_start3A_486 = arith.constant 0 : i32
      %dma_start3A_487 = tpu.memref_slice %arg2[%dma_start3A_485, %dma_start3A_486] : memref<10000x16xf32, #tpu.memory_space<hbm>> -> memref<10000x16xf32, #tpu.memory_space<hbm>>
      tpu.enqueue_indirect_dma source(%dma_start3A_487 : memref<10000x16xf32, #tpu.memory_space<hbm>>) target(%arg17 : memref<125x16xf32, #tpu.memory_space<vmem>>) offsets(%dma_start3A_484 : memref<125xi32, #tpu.memory_space<vmem>>) semaphore(%arg26 : memref<!tpu.dma_semaphore, #tpu.memory_space<semaphore_mem>>)
    }
    %scan3A_120 = arith.constant 9 : i32
    %dma_wait3A_121 = arith.constant 76 : i32
    %dma_wait3A_122 = arith.constant 0 : i32
    %dma_wait3A_123 = tpu.memref_slice %arg8[%dma_wait3A_121, %dma_wait3A_122] : memref<80x125xi32, #tpu.memory_space<vmem>> -> memref<1x125xi32, #tpu.memory_space<vmem>>
    %dma_wait3A_124 = tpu.memref_squeeze %dma_wait3A_123 : memref<1x125xi32, #tpu.memory_space<vmem>> -> memref<125xi32, #tpu.memory_space<vmem>>
    %dma_wait3A_125 = arith.constant 0 : i32
    %dma_wait3A_126 = arith.constant 0 : i32
    %dma_wait3A_127 = tpu.memref_slice %arg2[%dma_wait3A_125, %dma_wait3A_126] : memref<10000x16xf32, #tpu.memory_space<hbm>> -> memref<10000x16xf32, #tpu.memory_space<hbm>>
    tpu.wait_indirect_dma semaphore(%arg23 : memref<!tpu.dma_semaphore, #tpu.memory_space<semaphore_mem>>) src(%dma_wait3A_127 : memref<10000x16xf32, #tpu.memory_space<hbm>>) dst(%arg14 : memref<125x16xf32, #tpu.memory_space<vmem>>)
    %dma_start3A_128 = arith.constant 76 : i32
    %dma_start3A_129 = arith.constant 0 : i32
    %dma_start3A_130 = tpu.memref_slice %arg9[%dma_start3A_128, %dma_start3A_129] : memref<80x125xi32, #tpu.memory_space<vmem>> -> memref<1x125xi32, #tpu.memory_space<vmem>>
    %dma_start3A_131 = tpu.memref_squeeze %dma_start3A_130 : memref<1x125xi32, #tpu.memory_space<vmem>> -> memref<125xi32, #tpu.memory_space<vmem>>
    %dma_start3A_132 = arith.constant 0 : i32
    %dma_start3A_133 = arith.constant 0 : i32
    %dma_start3A_134 = tpu.memref_slice %arg18[%dma_start3A_132, %dma_start3A_133] : memref<10000x16xf32, #tpu.memory_space<vmem_shared>> -> memref<10000x16xf32, #tpu.memory_space<vmem_shared>>
    tpu.enqueue_indirect_dma source(%arg14 : memref<125x16xf32, #tpu.memory_space<vmem>>) target(%dma_start3A_134 : memref<10000x16xf32, #tpu.memory_space<vmem_shared>>) offsets(%dma_start3A_131 : memref<125xi32, #tpu.memory_space<vmem>>) semaphore(%arg31 : memref<!tpu.dma_semaphore, #tpu.memory_space<semaphore_mem>>) {add = true}
    %dma_wait3A_135 = arith.constant 77 : i32
    %dma_wait3A_136 = arith.constant 0 : i32
    %dma_wait3A_137 = tpu.memref_slice %arg8[%dma_wait3A_135, %dma_wait3A_136] : memref<80x125xi32, #tpu.memory_space<vmem>> -> memref<1x125xi32, #tpu.memory_space<vmem>>
    %dma_wait3A_138 = tpu.memref_squeeze %dma_wait3A_137 : memref<1x125xi32, #tpu.memory_space<vmem>> -> memref<125xi32, #tpu.memory_space<vmem>>
    %dma_wait3A_139 = arith.constant 0 : i32
    %dma_wait3A_140 = arith.constant 0 : i32
    %dma_wait3A_141 = tpu.memref_slice %arg2[%dma_wait3A_139, %dma_wait3A_140] : memref<10000x16xf32, #tpu.memory_space<hbm>> -> memref<10000x16xf32, #tpu.memory_space<hbm>>
    tpu.wait_indirect_dma semaphore(%arg24 : memref<!tpu.dma_semaphore, #tpu.memory_space<semaphore_mem>>) src(%dma_wait3A_141 : memref<10000x16xf32, #tpu.memory_space<hbm>>) dst(%arg15 : memref<125x16xf32, #tpu.memory_space<vmem>>)
    %dma_start3A_142 = arith.constant 77 : i32
    %dma_start3A_143 = arith.constant 0 : i32
    %dma_start3A_144 = tpu.memref_slice %arg9[%dma_start3A_142, %dma_start3A_143] : memref<80x125xi32, #tpu.memory_space<vmem>> -> memref<1x125xi32, #tpu.memory_space<vmem>>
    %dma_start3A_145 = tpu.memref_squeeze %dma_start3A_144 : memref<1x125xi32, #tpu.memory_space<vmem>> -> memref<125xi32, #tpu.memory_space<vmem>>
    %dma_start3A_146 = arith.constant 0 : i32
    %dma_start3A_147 = arith.constant 0 : i32
    %dma_start3A_148 = tpu.memref_slice %arg18[%dma_start3A_146, %dma_start3A_147] : memref<10000x16xf32, #tpu.memory_space<vmem_shared>> -> memref<10000x16xf32, #tpu.memory_space<vmem_shared>>
    tpu.enqueue_indirect_dma source(%arg15 : memref<125x16xf32, #tpu.memory_space<vmem>>) target(%dma_start3A_148 : memref<10000x16xf32, #tpu.memory_space<vmem_shared>>) offsets(%dma_start3A_145 : memref<125xi32, #tpu.memory_space<vmem>>) semaphore(%arg32 : memref<!tpu.dma_semaphore, #tpu.memory_space<semaphore_mem>>) {add = true}
    %dma_wait3A_149 = arith.constant 78 : i32
    %dma_wait3A_150 = arith.constant 0 : i32
    %dma_wait3A_151 = tpu.memref_slice %arg8[%dma_wait3A_149, %dma_wait3A_150] : memref<80x125xi32, #tpu.memory_space<vmem>> -> memref<1x125xi32, #tpu.memory_space<vmem>>
    %dma_wait3A_152 = tpu.memref_squeeze %dma_wait3A_151 : memref<1x125xi32, #tpu.memory_space<vmem>> -> memref<125xi32, #tpu.memory_space<vmem>>
    %dma_wait3A_153 = arith.constant 0 : i32
    %dma_wait3A_154 = arith.constant 0 : i32
    %dma_wait3A_155 = tpu.memref_slice %arg2[%dma_wait3A_153, %dma_wait3A_154] : memref<10000x16xf32, #tpu.memory_space<hbm>> -> memref<10000x16xf32, #tpu.memory_space<hbm>>
    tpu.wait_indirect_dma semaphore(%arg25 : memref<!tpu.dma_semaphore, #tpu.memory_space<semaphore_mem>>) src(%dma_wait3A_155 : memref<10000x16xf32, #tpu.memory_space<hbm>>) dst(%arg16 : memref<125x16xf32, #tpu.memory_space<vmem>>)
    %dma_start3A_156 = arith.constant 78 : i32
    %dma_start3A_157 = arith.constant 0 : i32
    %dma_start3A_158 = tpu.memref_slice %arg9[%dma_start3A_156, %dma_start3A_157] : memref<80x125xi32, #tpu.memory_space<vmem>> -> memref<1x125xi32, #tpu.memory_space<vmem>>
    %dma_start3A_159 = tpu.memref_squeeze %dma_start3A_158 : memref<1x125xi32, #tpu.memory_space<vmem>> -> memref<125xi32, #tpu.memory_space<vmem>>
    %dma_start3A_160 = arith.constant 0 : i32
    %dma_start3A_161 = arith.constant 0 : i32
    %dma_start3A_162 = tpu.memref_slice %arg18[%dma_start3A_160, %dma_start3A_161] : memref<10000x16xf32, #tpu.memory_space<vmem_shared>> -> memref<10000x16xf32, #tpu.memory_space<vmem_shared>>
    tpu.enqueue_indirect_dma source(%arg16 : memref<125x16xf32, #tpu.memory_space<vmem>>) target(%dma_start3A_162 : memref<10000x16xf32, #tpu.memory_space<vmem_shared>>) offsets(%dma_start3A_159 : memref<125xi32, #tpu.memory_space<vmem>>) semaphore(%arg33 : memref<!tpu.dma_semaphore, #tpu.memory_space<semaphore_mem>>) {add = true}
    %dma_wait3A_163 = arith.constant 79 : i32
    %dma_wait3A_164 = arith.constant 0 : i32
    %dma_wait3A_165 = tpu.memref_slice %arg8[%dma_wait3A_163, %dma_wait3A_164] : memref<80x125xi32, #tpu.memory_space<vmem>> -> memref<1x125xi32, #tpu.memory_space<vmem>>
    %dma_wait3A_166 = tpu.memref_squeeze %dma_wait3A_165 : memref<1x125xi32, #tpu.memory_space<vmem>> -> memref<125xi32, #tpu.memory_space<vmem>>
    %dma_wait3A_167 = arith.constant 0 : i32
    %dma_wait3A_168 = arith.constant 0 : i32
    %dma_wait3A_169 = tpu.memref_slice %arg2[%dma_wait3A_167, %dma_wait3A_168] : memref<10000x16xf32, #tpu.memory_space<hbm>> -> memref<10000x16xf32, #tpu.memory_space<hbm>>
    tpu.wait_indirect_dma semaphore(%arg26 : memref<!tpu.dma_semaphore, #tpu.memory_space<semaphore_mem>>) src(%dma_wait3A_169 : memref<10000x16xf32, #tpu.memory_space<hbm>>) dst(%arg17 : memref<125x16xf32, #tpu.memory_space<vmem>>)
    %dma_start3A_170 = arith.constant 79 : i32
    %dma_start3A_171 = arith.constant 0 : i32
    %dma_start3A_172 = tpu.memref_slice %arg9[%dma_start3A_170, %dma_start3A_171] : memref<80x125xi32, #tpu.memory_space<vmem>> -> memref<1x125xi32, #tpu.memory_space<vmem>>
    %dma_start3A_173 = tpu.memref_squeeze %dma_start3A_172 : memref<1x125xi32, #tpu.memory_space<vmem>> -> memref<125xi32, #tpu.memory_space<vmem>>
    %dma_start3A_174 = arith.constant 0 : i32
    %dma_start3A_175 = arith.constant 0 : i32
    %dma_start3A_176 = tpu.memref_slice %arg18[%dma_start3A_174, %dma_start3A_175] : memref<10000x16xf32, #tpu.memory_space<vmem_shared>> -> memref<10000x16xf32, #tpu.memory_space<vmem_shared>>
    tpu.enqueue_indirect_dma source(%arg17 : memref<125x16xf32, #tpu.memory_space<vmem>>) target(%dma_start3A_176 : memref<10000x16xf32, #tpu.memory_space<vmem_shared>>) offsets(%dma_start3A_173 : memref<125xi32, #tpu.memory_space<vmem>>) semaphore(%arg34 : memref<!tpu.dma_semaphore, #tpu.memory_space<semaphore_mem>>) {add = true}
    %dma_wait3A_177 = arith.constant 72 : i32
    %dma_wait3A_178 = arith.constant 0 : i32
    %dma_wait3A_179 = tpu.memref_slice %arg9[%dma_wait3A_177, %dma_wait3A_178] : memref<80x125xi32, #tpu.memory_space<vmem>> -> memref<1x125xi32, #tpu.memory_space<vmem>>
    %dma_wait3A_180 = tpu.memref_squeeze %dma_wait3A_179 : memref<1x125xi32, #tpu.memory_space<vmem>> -> memref<125xi32, #tpu.memory_space<vmem>>
    %dma_wait3A_181 = arith.constant 0 : i32
    %dma_wait3A_182 = arith.constant 0 : i32
    %dma_wait3A_183 = tpu.memref_slice %arg18[%dma_wait3A_181, %dma_wait3A_182] : memref<10000x16xf32, #tpu.memory_space<vmem_shared>> -> memref<10000x16xf32, #tpu.memory_space<vmem_shared>>
    tpu.wait_indirect_dma semaphore(%arg27 : memref<!tpu.dma_semaphore, #tpu.memory_space<semaphore_mem>>) src(%arg10 : memref<125x16xf32, #tpu.memory_space<vmem>>) dst(%dma_wait3A_183 : memref<10000x16xf32, #tpu.memory_space<vmem_shared>>)
    %dma_wait3A_184 = arith.constant 73 : i32
    %dma_wait3A_185 = arith.constant 0 : i32
    %dma_wait3A_186 = tpu.memref_slice %arg9[%dma_wait3A_184, %dma_wait3A_185] : memref<80x125xi32, #tpu.memory_space<vmem>> -> memref<1x125xi32, #tpu.memory_space<vmem>>
    %dma_wait3A_187 = tpu.memref_squeeze %dma_wait3A_186 : memref<1x125xi32, #tpu.memory_space<vmem>> -> memref<125xi32, #tpu.memory_space<vmem>>
    %dma_wait3A_188 = arith.constant 0 : i32
    %dma_wait3A_189 = arith.constant 0 : i32
    %dma_wait3A_190 = tpu.memref_slice %arg18[%dma_wait3A_188, %dma_wait3A_189] : memref<10000x16xf32, #tpu.memory_space<vmem_shared>> -> memref<10000x16xf32, #tpu.memory_space<vmem_shared>>
    tpu.wait_indirect_dma semaphore(%arg28 : memref<!tpu.dma_semaphore, #tpu.memory_space<semaphore_mem>>) src(%arg11 : memref<125x16xf32, #tpu.memory_space<vmem>>) dst(%dma_wait3A_190 : memref<10000x16xf32, #tpu.memory_space<vmem_shared>>)
    %dma_wait3A_191 = arith.constant 74 : i32
    %dma_wait3A_192 = arith.constant 0 : i32
    %dma_wait3A_193 = tpu.memref_slice %arg9[%dma_wait3A_191, %dma_wait3A_192] : memref<80x125xi32, #tpu.memory_space<vmem>> -> memref<1x125xi32, #tpu.memory_space<vmem>>
    %dma_wait3A_194 = tpu.memref_squeeze %dma_wait3A_193 : memref<1x125xi32, #tpu.memory_space<vmem>> -> memref<125xi32, #tpu.memory_space<vmem>>
    %dma_wait3A_195 = arith.constant 0 : i32
    %dma_wait3A_196 = arith.constant 0 : i32
    %dma_wait3A_197 = tpu.memref_slice %arg18[%dma_wait3A_195, %dma_wait3A_196] : memref<10000x16xf32, #tpu.memory_space<vmem_shared>> -> memref<10000x16xf32, #tpu.memory_space<vmem_shared>>
    tpu.wait_indirect_dma semaphore(%arg29 : memref<!tpu.dma_semaphore, #tpu.memory_space<semaphore_mem>>) src(%arg12 : memref<125x16xf32, #tpu.memory_space<vmem>>) dst(%dma_wait3A_197 : memref<10000x16xf32, #tpu.memory_space<vmem_shared>>)
    %dma_wait3A_198 = arith.constant 75 : i32
    %dma_wait3A_199 = arith.constant 0 : i32
    %dma_wait3A_200 = tpu.memref_slice %arg9[%dma_wait3A_198, %dma_wait3A_199] : memref<80x125xi32, #tpu.memory_space<vmem>> -> memref<1x125xi32, #tpu.memory_space<vmem>>
    %dma_wait3A_201 = tpu.memref_squeeze %dma_wait3A_200 : memref<1x125xi32, #tpu.memory_space<vmem>> -> memref<125xi32, #tpu.memory_space<vmem>>
    %dma_wait3A_202 = arith.constant 0 : i32
    %dma_wait3A_203 = arith.constant 0 : i32
    %dma_wait3A_204 = tpu.memref_slice %arg18[%dma_wait3A_202, %dma_wait3A_203] : memref<10000x16xf32, #tpu.memory_space<vmem_shared>> -> memref<10000x16xf32, #tpu.memory_space<vmem_shared>>
    tpu.wait_indirect_dma semaphore(%arg30 : memref<!tpu.dma_semaphore, #tpu.memory_space<semaphore_mem>>) src(%arg13 : memref<125x16xf32, #tpu.memory_space<vmem>>) dst(%dma_wait3A_204 : memref<10000x16xf32, #tpu.memory_space<vmem_shared>>)
    %dma_wait3A_205 = arith.constant 76 : i32
    %dma_wait3A_206 = arith.constant 0 : i32
    %dma_wait3A_207 = tpu.memref_slice %arg9[%dma_wait3A_205, %dma_wait3A_206] : memref<80x125xi32, #tpu.memory_space<vmem>> -> memref<1x125xi32, #tpu.memory_space<vmem>>
    %dma_wait3A_208 = tpu.memref_squeeze %dma_wait3A_207 : memref<1x125xi32, #tpu.memory_space<vmem>> -> memref<125xi32, #tpu.memory_space<vmem>>
    %dma_wait3A_209 = arith.constant 0 : i32
    %dma_wait3A_210 = arith.constant 0 : i32
    %dma_wait3A_211 = tpu.memref_slice %arg18[%dma_wait3A_209, %dma_wait3A_210] : memref<10000x16xf32, #tpu.memory_space<vmem_shared>> -> memref<10000x16xf32, #tpu.memory_space<vmem_shared>>
    tpu.wait_indirect_dma semaphore(%arg31 : memref<!tpu.dma_semaphore, #tpu.memory_space<semaphore_mem>>) src(%arg14 : memref<125x16xf32, #tpu.memory_space<vmem>>) dst(%dma_wait3A_211 : memref<10000x16xf32, #tpu.memory_space<vmem_shared>>)
    %dma_wait3A_212 = arith.constant 77 : i32
    %dma_wait3A_213 = arith.constant 0 : i32
    %dma_wait3A_214 = tpu.memref_slice %arg9[%dma_wait3A_212, %dma_wait3A_213] : memref<80x125xi32, #tpu.memory_space<vmem>> -> memref<1x125xi32, #tpu.memory_space<vmem>>
    %dma_wait3A_215 = tpu.memref_squeeze %dma_wait3A_214 : memref<1x125xi32, #tpu.memory_space<vmem>> -> memref<125xi32, #tpu.memory_space<vmem>>
    %dma_wait3A_216 = arith.constant 0 : i32
    %dma_wait3A_217 = arith.constant 0 : i32
    %dma_wait3A_218 = tpu.memref_slice %arg18[%dma_wait3A_216, %dma_wait3A_217] : memref<10000x16xf32, #tpu.memory_space<vmem_shared>> -> memref<10000x16xf32, #tpu.memory_space<vmem_shared>>
    tpu.wait_indirect_dma semaphore(%arg32 : memref<!tpu.dma_semaphore, #tpu.memory_space<semaphore_mem>>) src(%arg15 : memref<125x16xf32, #tpu.memory_space<vmem>>) dst(%dma_wait3A_218 : memref<10000x16xf32, #tpu.memory_space<vmem_shared>>)
    %dma_wait3A_219 = arith.constant 78 : i32
    %dma_wait3A_220 = arith.constant 0 : i32
    %dma_wait3A_221 = tpu.memref_slice %arg9[%dma_wait3A_219, %dma_wait3A_220] : memref<80x125xi32, #tpu.memory_space<vmem>> -> memref<1x125xi32, #tpu.memory_space<vmem>>
    %dma_wait3A_222 = tpu.memref_squeeze %dma_wait3A_221 : memref<1x125xi32, #tpu.memory_space<vmem>> -> memref<125xi32, #tpu.memory_space<vmem>>
    %dma_wait3A_223 = arith.constant 0 : i32
    %dma_wait3A_224 = arith.constant 0 : i32
    %dma_wait3A_225 = tpu.memref_slice %arg18[%dma_wait3A_223, %dma_wait3A_224] : memref<10000x16xf32, #tpu.memory_space<vmem_shared>> -> memref<10000x16xf32, #tpu.memory_space<vmem_shared>>
    tpu.wait_indirect_dma semaphore(%arg33 : memref<!tpu.dma_semaphore, #tpu.memory_space<semaphore_mem>>) src(%arg16 : memref<125x16xf32, #tpu.memory_space<vmem>>) dst(%dma_wait3A_225 : memref<10000x16xf32, #tpu.memory_space<vmem_shared>>)
    %dma_wait3A_226 = arith.constant 79 : i32
    %dma_wait3A_227 = arith.constant 0 : i32
    %dma_wait3A_228 = tpu.memref_slice %arg9[%dma_wait3A_226, %dma_wait3A_227] : memref<80x125xi32, #tpu.memory_space<vmem>> -> memref<1x125xi32, #tpu.memory_space<vmem>>
    %dma_wait3A_229 = tpu.memref_squeeze %dma_wait3A_228 : memref<1x125xi32, #tpu.memory_space<vmem>> -> memref<125xi32, #tpu.memory_space<vmem>>
    %dma_wait3A_230 = arith.constant 0 : i32
    %dma_wait3A_231 = arith.constant 0 : i32
    %dma_wait3A_232 = tpu.memref_slice %arg18[%dma_wait3A_230, %dma_wait3A_231] : memref<10000x16xf32, #tpu.memory_space<vmem_shared>> -> memref<10000x16xf32, #tpu.memory_space<vmem_shared>>
    tpu.wait_indirect_dma semaphore(%arg34 : memref<!tpu.dma_semaphore, #tpu.memory_space<semaphore_mem>>) src(%arg17 : memref<125x16xf32, #tpu.memory_space<vmem>>) dst(%dma_wait3A_232 : memref<10000x16xf32, #tpu.memory_space<vmem_shared>>)
    %barrier3A_233 = arith.constant 0 : index
    tpu.barrier barrier_id(%barrier3A_233)
    %lt3A_234 = arith.constant 15 : i32
    %lt3A_235 = arith.cmpi slt, %arg1, %lt3A_234 : i32
    %convert_element_type3A_236 = arith.extui %lt3A_235 : i1 to i32
    %cond3A_237 = arith.constant 0 : i32
    %cond3A_238 = arith.cmpi ne, %convert_element_type3A_236, %cond3A_237 : i32
    scf.if %cond3A_238 {
      %mul3A_244 = arith.constant 640 : i32
      %mul3A_245 = arith.muli %arg1, %mul3A_244 : i32
      "tpu.region"() ({
        %run_scoped3A = tpu.sem_alloc : memref<!tpu.dma_semaphore, #tpu.memory_space<semaphore_mem>>
        %dma_start3A_246 = arith.constant 0 : i32
        %dma_start3A_247 = arith.constant 0 : i32
        %dma_start3A_248 = tpu.memref_slice %arg7[%arg0, %dma_start3A_246, %dma_start3A_247] : memref<2x10000x16xf32, #tpu.memory_space<hbm>> -> memref<1x10000x16xf32, #tpu.memory_space<hbm>>
        %dma_start3A_249 = tpu.memref_squeeze %dma_start3A_248 : memref<1x10000x16xf32, #tpu.memory_space<hbm>> -> memref<10000x16xf32, #tpu.memory_space<hbm>>
        %dma_start3A_250 = arith.constant 0 : i32
        %dma_start3A_251 = tpu.memref_slice %dma_start3A_249[%mul3A_245, %dma_start3A_250] : memref<10000x16xf32, #tpu.memory_space<hbm>> -> memref<640x16xf32, #tpu.memory_space<hbm>>
        %dma_start3A_252 = arith.constant 0 : i32
        %dma_start3A_253 = tpu.memref_slice %arg18[%mul3A_245, %dma_start3A_252] : memref<10000x16xf32, #tpu.memory_space<vmem_shared>> -> memref<640x16xf32, #tpu.memory_space<vmem_shared>>
        tpu.enqueue_dma source(%dma_start3A_253 : memref<640x16xf32, #tpu.memory_space<vmem_shared>>) target(%dma_start3A_251 : memref<640x16xf32, #tpu.memory_space<hbm>>) target_semaphore(%run_scoped3A : memref<!tpu.dma_semaphore, #tpu.memory_space<semaphore_mem>>)
        %dma_wait3A_254 = arith.constant 0 : i32
        %dma_wait3A_255 = arith.constant 0 : i32
        %dma_wait3A_256 = tpu.memref_slice %arg7[%arg0, %dma_wait3A_254, %dma_wait3A_255] : memref<2x10000x16xf32, #tpu.memory_space<hbm>> -> memref<1x10000x16xf32, #tpu.memory_space<hbm>>
        %dma_wait3A_257 = tpu.memref_squeeze %dma_wait3A_256 : memref<1x10000x16xf32, #tpu.memory_space<hbm>> -> memref<10000x16xf32, #tpu.memory_space<hbm>>
        %dma_wait3A_258 = arith.constant 0 : i32
        %dma_wait3A_259 = tpu.memref_slice %dma_wait3A_257[%mul3A_245, %dma_wait3A_258] : memref<10000x16xf32, #tpu.memory_space<hbm>> -> memref<640x16xf32, #tpu.memory_space<hbm>>
        %dma_wait3A_260 = arith.constant 0 : i32
        %dma_wait3A_261 = tpu.memref_slice %arg18[%mul3A_245, %dma_wait3A_260] : memref<10000x16xf32, #tpu.memory_space<vmem_shared>> -> memref<640x16xf32, #tpu.memory_space<vmem_shared>>
        tpu.wait_dma2 semaphore(%run_scoped3A : memref<!tpu.dma_semaphore, #tpu.memory_space<semaphore_mem>>) src(%dma_wait3A_261 : memref<640x16xf32, #tpu.memory_space<vmem_shared>>) dst(%dma_wait3A_259 : memref<640x16xf32, #tpu.memory_space<hbm>>)
        tpu.yield
      }) : () -> ()
    } else {
    }
    %eq3A_239 = arith.constant 15 : i32
    %eq3A_240 = arith.cmpi eq, %arg1, %eq3A_239 : i32
    %convert_element_type3A_241 = arith.extui %eq3A_240 : i1 to i32
    %cond3A_242 = arith.constant 0 : i32
    %cond3A_243 = arith.cmpi ne, %convert_element_type3A_241, %cond3A_242 : i32
    scf.if %cond3A_243 {
      "tpu.region"() ({
        %run_scoped3A = tpu.sem_alloc : memref<!tpu.dma_semaphore, #tpu.memory_space<semaphore_mem>>
        %dma_start3A_244 = arith.constant 0 : i32
        %dma_start3A_245 = arith.constant 0 : i32
        %dma_start3A_246 = tpu.memref_slice %arg7[%arg0, %dma_start3A_244, %dma_start3A_245] : memref<2x10000x16xf32, #tpu.memory_space<hbm>> -> memref<1x10000x16xf32, #tpu.memory_space<hbm>>
        %dma_start3A_247 = tpu.memref_squeeze %dma_start3A_246 : memref<1x10000x16xf32, #tpu.memory_space<hbm>> -> memref<10000x16xf32, #tpu.memory_space<hbm>>
        %dma_start3A_248 = arith.constant 9600 : i32
        %dma_start3A_249 = arith.constant 0 : i32
        %dma_start3A_250 = tpu.memref_slice %dma_start3A_247[%dma_start3A_248, %dma_start3A_249] : memref<10000x16xf32, #tpu.memory_space<hbm>> -> memref<400x16xf32, #tpu.memory_space<hbm>>
        %dma_start3A_251 = arith.constant 9600 : i32
        %dma_start3A_252 = arith.constant 0 : i32
        %dma_start3A_253 = tpu.memref_slice %arg18[%dma_start3A_251, %dma_start3A_252] : memref<10000x16xf32, #tpu.memory_space<vmem_shared>> -> memref<400x16xf32, #tpu.memory_space<vmem_shared>>
        tpu.enqueue_dma source(%dma_start3A_253 : memref<400x16xf32, #tpu.memory_space<vmem_shared>>) target(%dma_start3A_250 : memref<400x16xf32, #tpu.memory_space<hbm>>) target_semaphore(%run_scoped3A : memref<!tpu.dma_semaphore, #tpu.memory_space<semaphore_mem>>)
        %dma_wait3A_254 = arith.constant 0 : i32
        %dma_wait3A_255 = arith.constant 0 : i32
        %dma_wait3A_256 = tpu.memref_slice %arg7[%arg0, %dma_wait3A_254, %dma_wait3A_255] : memref<2x10000x16xf32, #tpu.memory_space<hbm>> -> memref<1x10000x16xf32, #tpu.memory_space<hbm>>
        %dma_wait3A_257 = tpu.memref_squeeze %dma_wait3A_256 : memref<1x10000x16xf32, #tpu.memory_space<hbm>> -> memref<10000x16xf32, #tpu.memory_space<hbm>>
        %dma_wait3A_258 = arith.constant 9600 : i32
        %dma_wait3A_259 = arith.constant 0 : i32
        %dma_wait3A_260 = tpu.memref_slice %dma_wait3A_257[%dma_wait3A_258, %dma_wait3A_259] : memref<10000x16xf32, #tpu.memory_space<hbm>> -> memref<400x16xf32, #tpu.memory_space<hbm>>
        %dma_wait3A_261 = arith.constant 9600 : i32
        %dma_wait3A_262 = arith.constant 0 : i32
        %dma_wait3A_263 = tpu.memref_slice %arg18[%dma_wait3A_261, %dma_wait3A_262] : memref<10000x16xf32, #tpu.memory_space<vmem_shared>> -> memref<400x16xf32, #tpu.memory_space<vmem_shared>>
        tpu.wait_dma2 semaphore(%run_scoped3A : memref<!tpu.dma_semaphore, #tpu.memory_space<semaphore_mem>>) src(%dma_wait3A_263 : memref<400x16xf32, #tpu.memory_space<vmem_shared>>) dst(%dma_wait3A_260 : memref<400x16xf32, #tpu.memory_space<hbm>>)
        tpu.yield
      }) : () -> ()
    } else {
    }
    return
  }
}

#map = affine_map<(d0, d1) -> (0, 0)>
#map1 = affine_map<(d0, d1) -> (0, 0, 0)>
module attributes {stable_mosaic.version = 14 : i64} {
  func.func @sc_kernel(%arg0: i32, %arg1: i32, %arg2: memref<8x16xf32, #tpu.memory_space<hbm>>, %arg3: memref<32x80x125xi32, #tpu.memory_space<hbm>>, %arg4: memref<32x80x125xi32, #tpu.memory_space<hbm>>, %arg5: memref<10000x16xf32, #tpu.memory_space<hbm>>, %arg6: memref<320000x16xf32, #tpu.memory_space<hbm>>, %arg7: memref<2x10000x16xf32, #tpu.memory_space<hbm>>, %arg8: memref<80x125xi32, #tpu.memory_space<vmem>>, %arg9: memref<80x125xi32, #tpu.memory_space<vmem>>, %arg10: memref<125x16xf32, #tpu.memory_space<vmem>>, %arg11: memref<125x16xf32, #tpu.memory_space<vmem>>, %arg12: memref<125x16xf32, #tpu.memory_space<vmem>>, %arg13: memref<125x16xf32, #tpu.memory_space<vmem>>, %arg14: memref<125x16xf32, #tpu.memory_space<vmem>>, %arg15: memref<125x16xf32, #tpu.memory_space<vmem>>, %arg16: memref<125x16xf32, #tpu.memory_space<vmem>>, %arg17: memref<125x16xf32, #tpu.memory_space<vmem>>, %arg18: memref<10000x16xf32, #tpu.memory_space<vmem_shared>>, %arg19: memref<!tpu.dma_semaphore, #tpu.memory_space<semaphore_mem>>, %arg20: memref<!tpu.dma_semaphore, #tpu.memory_space<semaphore_mem>>, %arg21: memref<!tpu.dma_semaphore, #tpu.memory_space<semaphore_mem>>, %arg22: memref<!tpu.dma_semaphore, #tpu.memory_space<semaphore_mem>>, %arg23: memref<!tpu.dma_semaphore, #tpu.memory_space<semaphore_mem>>, %arg24: memref<!tpu.dma_semaphore, #tpu.memory_space<semaphore_mem>>, %arg25: memref<!tpu.dma_semaphore, #tpu.memory_space<semaphore_mem>>, %arg26: memref<!tpu.dma_semaphore, #tpu.memory_space<semaphore_mem>>, %arg27: memref<!tpu.dma_semaphore, #tpu.memory_space<semaphore_mem>>, %arg28: memref<!tpu.dma_semaphore, #tpu.memory_space<semaphore_mem>>, %arg29: memref<!tpu.dma_semaphore, #tpu.memory_space<semaphore_mem>>, %arg30: memref<!tpu.dma_semaphore, #tpu.memory_space<semaphore_mem>>, %arg31: memref<!tpu.dma_semaphore, #tpu.memory_space<semaphore_mem>>, %arg32: memref<!tpu.dma_semaphore, #tpu.memory_space<semaphore_mem>>, %arg33: memref<!tpu.dma_semaphore, #tpu.memory_space<semaphore_mem>>, %arg34: memref<!tpu.dma_semaphore, #tpu.memory_space<semaphore_mem>>) attributes {dimension_semantics = [#tpu.dimension_semantics<core_parallel>, #tpu.dimension_semantics<subcore_parallel>], iteration_bounds = array<i64: 2, 16>, scalar_prefetch = 0 : i64, scratch_operands = 27 : i64, tpu.core_type = #tpu.core_type<sc_vector_subcore>, window_params = [{transform_indices = #map}, {transform_indices = #map1}, {transform_indices = #map1}, {transform_indices = #map}, {transform_indices = #map}, {transform_indices = #map1}]} {
    %mul3A = arith.constant 2 : i32
    %mul3A_0 = arith.muli %arg1, %mul3A : i32
    %add3A = arith.addi %mul3A_0, %arg0 : i32
    %lt3A = arith.constant 15 : i32
    %lt3A_1 = arith.cmpi slt, %arg1, %lt3A : i32
    %convert_element_type3A = arith.extui %lt3A_1 : i1 to i32
    %cond3A = arith.constant 0 : i32
    %cond3A_2 = arith.cmpi ne, %convert_element_type3A, %cond3A : i32
    scf.if %cond3A_2 {
      %mul3A_260 = arith.constant 640 : i32
      %mul3A_261 = arith.muli %arg1, %mul3A_260 : i32
      "tpu.region"() ({
        %run_scoped3A = tpu.sem_alloc : memref<!tpu.dma_semaphore, #tpu.memory_space<semaphore_mem>>
        %dma_start3A_262 = arith.constant 0 : i32
        %dma_start3A_263 = tpu.memref_slice %arg18[%mul3A_261, %dma_start3A_262] : memref<10000x16xf32, #tpu.memory_space<vmem_shared>> -> memref<640x16xf32, #tpu.memory_space<vmem_shared>>
        %dma_start3A_264 = arith.constant 0 : i32
        %dma_start3A_265 = tpu.memref_slice %arg5[%mul3A_261, %dma_start3A_264] : memref<10000x16xf32, #tpu.memory_space<hbm>> -> memref<640x16xf32, #tpu.memory_space<hbm>>
        tpu.enqueue_dma source(%dma_start3A_265 : memref<640x16xf32, #tpu.memory_space<hbm>>) target(%dma_start3A_263 : memref<640x16xf32, #tpu.memory_space<vmem_shared>>) target_semaphore(%run_scoped3A : memref<!tpu.dma_semaphore, #tpu.memory_space<semaphore_mem>>)
        %dma_wait3A_266 = arith.constant 0 : i32
        %dma_wait3A_267 = tpu.memref_slice %arg18[%mul3A_261, %dma_wait3A_266] : memref<10000x16xf32, #tpu.memory_space<vmem_shared>> -> memref<640x16xf32, #tpu.memory_space<vmem_shared>>
        %dma_wait3A_268 = arith.constant 0 : i32
        %dma_wait3A_269 = tpu.memref_slice %arg5[%mul3A_261, %dma_wait3A_268] : memref<10000x16xf32, #tpu.memory_space<hbm>> -> memref<640x16xf32, #tpu.memory_space<hbm>>
        tpu.wait_dma2 semaphore(%run_scoped3A : memref<!tpu.dma_semaphore, #tpu.memory_space<semaphore_mem>>) src(%dma_wait3A_269 : memref<640x16xf32, #tpu.memory_space<hbm>>) dst(%dma_wait3A_267 : memref<640x16xf32, #tpu.memory_space<vmem_shared>>)
        tpu.yield
      }) : () -> ()
    } else {
    }
    %eq3A = arith.constant 15 : i32
    %eq3A_3 = arith.cmpi eq, %arg1, %eq3A : i32
    %convert_element_type3A_4 = arith.extui %eq3A_3 : i1 to i32
    %cond3A_5 = arith.constant 0 : i32
    %cond3A_6 = arith.cmpi ne, %convert_element_type3A_4, %cond3A_5 : i32
    scf.if %cond3A_6 {
      "tpu.region"() ({
        %run_scoped3A = tpu.sem_alloc : memref<!tpu.dma_semaphore, #tpu.memory_space<semaphore_mem>>
        %dma_start3A_260 = arith.constant 9600 : i32
        %dma_start3A_261 = arith.constant 0 : i32
        %dma_start3A_262 = tpu.memref_slice %arg18[%dma_start3A_260, %dma_start3A_261] : memref<10000x16xf32, #tpu.memory_space<vmem_shared>> -> memref<400x16xf32, #tpu.memory_space<vmem_shared>>
        %dma_start3A_263 = arith.constant 9600 : i32
        %dma_start3A_264 = arith.constant 0 : i32
        %dma_start3A_265 = tpu.memref_slice %arg5[%dma_start3A_263, %dma_start3A_264] : memref<10000x16xf32, #tpu.memory_space<hbm>> -> memref<400x16xf32, #tpu.memory_space<hbm>>
        tpu.enqueue_dma source(%dma_start3A_265 : memref<400x16xf32, #tpu.memory_space<hbm>>) target(%dma_start3A_262 : memref<400x16xf32, #tpu.memory_space<vmem_shared>>) target_semaphore(%run_scoped3A : memref<!tpu.dma_semaphore, #tpu.memory_space<semaphore_mem>>)
        %dma_wait3A_266 = arith.constant 9600 : i32
        %dma_wait3A_267 = arith.constant 0 : i32
        %dma_wait3A_268 = tpu.memref_slice %arg18[%dma_wait3A_266, %dma_wait3A_267] : memref<10000x16xf32, #tpu.memory_space<vmem_shared>> -> memref<400x16xf32, #tpu.memory_space<vmem_shared>>
        %dma_wait3A_269 = arith.constant 9600 : i32
        %dma_wait3A_270 = arith.constant 0 : i32
        %dma_wait3A_271 = tpu.memref_slice %arg5[%dma_wait3A_269, %dma_wait3A_270] : memref<10000x16xf32, #tpu.memory_space<hbm>> -> memref<400x16xf32, #tpu.memory_space<hbm>>
        tpu.wait_dma2 semaphore(%run_scoped3A : memref<!tpu.dma_semaphore, #tpu.memory_space<semaphore_mem>>) src(%dma_wait3A_271 : memref<400x16xf32, #tpu.memory_space<hbm>>) dst(%dma_wait3A_268 : memref<400x16xf32, #tpu.memory_space<vmem_shared>>)
        tpu.yield
      }) : () -> ()
    } else {
    }
    "tpu.region"() ({
      %run_scoped3A = tpu.sem_alloc : memref<!tpu.dma_semaphore, #tpu.memory_space<semaphore_mem>>
      %dma_start3A_260 = arith.constant 0 : i32
      %dma_start3A_261 = arith.constant 0 : i32
      %dma_start3A_262 = tpu.memref_slice %arg4[%add3A, %dma_start3A_260, %dma_start3A_261] : memref<32x80x125xi32, #tpu.memory_space<hbm>> -> memref<1x80x125xi32, #tpu.memory_space<hbm>>
      %dma_start3A_263 = tpu.memref_squeeze %dma_start3A_262 : memref<1x80x125xi32, #tpu.memory_space<hbm>> -> memref<80x125xi32, #tpu.memory_space<hbm>>
      %dma_start3A_264 = arith.constant 0 : i32
      %dma_start3A_265 = arith.constant 0 : i32
      %dma_start3A_266 = tpu.memref_slice %arg4[%add3A, %dma_start3A_264, %dma_start3A_265] : memref<32x80x125xi32, #tpu.memory_space<hbm>> -> memref<1x80x125xi32, #tpu.memory_space<hbm>>
      %dma_start3A_267 = tpu.memref_squeeze %dma_start3A_266 : memref<1x80x125xi32, #tpu.memory_space<hbm>> -> memref<80x125xi32, #tpu.memory_space<hbm>>
      tpu.enqueue_dma source(%dma_start3A_267 : memref<80x125xi32, #tpu.memory_space<hbm>>) target(%arg9 : memref<80x125xi32, #tpu.memory_space<vmem>>) target_semaphore(%run_scoped3A : memref<!tpu.dma_semaphore, #tpu.memory_space<semaphore_mem>>)
      %dma_wait3A_268 = arith.constant 0 : i32
      %dma_wait3A_269 = arith.constant 0 : i32
      %dma_wait3A_270 = tpu.memref_slice %arg4[%add3A, %dma_wait3A_268, %dma_wait3A_269] : memref<32x80x125xi32, #tpu.memory_space<hbm>> -> memref<1x80x125xi32, #tpu.memory_space<hbm>>
      %dma_wait3A_271 = tpu.memref_squeeze %dma_wait3A_270 : memref<1x80x125xi32, #tpu.memory_space<hbm>> -> memref<80x125xi32, #tpu.memory_space<hbm>>
      %dma_wait3A_272 = arith.constant 0 : i32
      %dma_wait3A_273 = arith.constant 0 : i32
      %dma_wait3A_274 = tpu.memref_slice %arg4[%add3A, %dma_wait3A_272, %dma_wait3A_273] : memref<32x80x125xi32, #tpu.memory_space<hbm>> -> memref<1x80x125xi32, #tpu.memory_space<hbm>>
      %dma_wait3A_275 = tpu.memref_squeeze %dma_wait3A_274 : memref<1x80x125xi32, #tpu.memory_space<hbm>> -> memref<80x125xi32, #tpu.memory_space<hbm>>
      tpu.wait_dma2 semaphore(%run_scoped3A : memref<!tpu.dma_semaphore, #tpu.memory_space<semaphore_mem>>) src(%dma_wait3A_275 : memref<80x125xi32, #tpu.memory_space<hbm>>) dst(%arg9 : memref<80x125xi32, #tpu.memory_space<vmem>>)
      tpu.yield
    }) : () -> ()
    %barrier3A = arith.constant 0 : index
    tpu.barrier barrier_id(%barrier3A)
    %mul3A_7 = arith.constant 10000 : i32
    %mul3A_8 = arith.muli %add3A, %mul3A_7 : i32
    %add3A_9 = arith.constant 0 : i32
    %add3A_10 = arith.addi %mul3A_8, %add3A_9 : i32
    %dma_start3A = arith.constant 0 : i32
    %dma_start3A_11 = tpu.memref_slice %arg6[%add3A_10, %dma_start3A] : memref<320000x16xf32, #tpu.memory_space<hbm>> -> memref<125x16xf32, #tpu.memory_space<hbm>>
    %dma_start3A_12 = arith.constant 0 : i32
    %dma_start3A_13 = tpu.memref_slice %arg6[%add3A_10, %dma_start3A_12] : memref<320000x16xf32, #tpu.memory_space<hbm>> -> memref<125x16xf32, #tpu.memory_space<hbm>>
    tpu.enqueue_dma source(%dma_start3A_13 : memref<125x16xf32, #tpu.memory_space<hbm>>) target(%arg10 : memref<125x16xf32, #tpu.memory_space<vmem>>) target_semaphore(%arg19 : memref<!tpu.dma_semaphore, #tpu.memory_space<semaphore_mem>>)
    %mul3A_14 = arith.constant 10000 : i32
    %mul3A_15 = arith.muli %add3A, %mul3A_14 : i32
    %add3A_16 = arith.constant 125 : i32
    %add3A_17 = arith.addi %mul3A_15, %add3A_16 : i32
    %dma_start3A_18 = arith.constant 0 : i32
    %dma_start3A_19 = tpu.memref_slice %arg6[%add3A_17, %dma_start3A_18] : memref<320000x16xf32, #tpu.memory_space<hbm>> -> memref<125x16xf32, #tpu.memory_space<hbm>>
    %dma_start3A_20 = arith.constant 0 : i32
    %dma_start3A_21 = tpu.memref_slice %arg6[%add3A_17, %dma_start3A_20] : memref<320000x16xf32, #tpu.memory_space<hbm>> -> memref<125x16xf32, #tpu.memory_space<hbm>>
    tpu.enqueue_dma source(%dma_start3A_21 : memref<125x16xf32, #tpu.memory_space<hbm>>) target(%arg11 : memref<125x16xf32, #tpu.memory_space<vmem>>) target_semaphore(%arg20 : memref<!tpu.dma_semaphore, #tpu.memory_space<semaphore_mem>>)
    %mul3A_22 = arith.constant 10000 : i32
    %mul3A_23 = arith.muli %add3A, %mul3A_22 : i32
    %add3A_24 = arith.constant 250 : i32
    %add3A_25 = arith.addi %mul3A_23, %add3A_24 : i32
    %dma_start3A_26 = arith.constant 0 : i32
    %dma_start3A_27 = tpu.memref_slice %arg6[%add3A_25, %dma_start3A_26] : memref<320000x16xf32, #tpu.memory_space<hbm>> -> memref<125x16xf32, #tpu.memory_space<hbm>>
    %dma_start3A_28 = arith.constant 0 : i32
    %dma_start3A_29 = tpu.memref_slice %arg6[%add3A_25, %dma_start3A_28] : memref<320000x16xf32, #tpu.memory_space<hbm>> -> memref<125x16xf32, #tpu.memory_space<hbm>>
    tpu.enqueue_dma source(%dma_start3A_29 : memref<125x16xf32, #tpu.memory_space<hbm>>) target(%arg12 : memref<125x16xf32, #tpu.memory_space<vmem>>) target_semaphore(%arg21 : memref<!tpu.dma_semaphore, #tpu.memory_space<semaphore_mem>>)
    %mul3A_30 = arith.constant 10000 : i32
    %mul3A_31 = arith.muli %add3A, %mul3A_30 : i32
    %add3A_32 = arith.constant 375 : i32
    %add3A_33 = arith.addi %mul3A_31, %add3A_32 : i32
    %dma_start3A_34 = arith.constant 0 : i32
    %dma_start3A_35 = tpu.memref_slice %arg6[%add3A_33, %dma_start3A_34] : memref<320000x16xf32, #tpu.memory_space<hbm>> -> memref<125x16xf32, #tpu.memory_space<hbm>>
    %dma_start3A_36 = arith.constant 0 : i32
    %dma_start3A_37 = tpu.memref_slice %arg6[%add3A_33, %dma_start3A_36] : memref<320000x16xf32, #tpu.memory_space<hbm>> -> memref<125x16xf32, #tpu.memory_space<hbm>>
    tpu.enqueue_dma source(%dma_start3A_37 : memref<125x16xf32, #tpu.memory_space<hbm>>) target(%arg13 : memref<125x16xf32, #tpu.memory_space<vmem>>) target_semaphore(%arg22 : memref<!tpu.dma_semaphore, #tpu.memory_space<semaphore_mem>>)
    %mul3A_38 = arith.constant 10000 : i32
    %mul3A_39 = arith.muli %add3A, %mul3A_38 : i32
    %add3A_40 = arith.constant 500 : i32
    %add3A_41 = arith.addi %mul3A_39, %add3A_40 : i32
    %dma_start3A_42 = arith.constant 0 : i32
    %dma_start3A_43 = tpu.memref_slice %arg6[%add3A_41, %dma_start3A_42] : memref<320000x16xf32, #tpu.memory_space<hbm>> -> memref<125x16xf32, #tpu.memory_space<hbm>>
    %dma_start3A_44 = arith.constant 0 : i32
    %dma_start3A_45 = tpu.memref_slice %arg6[%add3A_41, %dma_start3A_44] : memref<320000x16xf32, #tpu.memory_space<hbm>> -> memref<125x16xf32, #tpu.memory_space<hbm>>
    tpu.enqueue_dma source(%dma_start3A_45 : memref<125x16xf32, #tpu.memory_space<hbm>>) target(%arg14 : memref<125x16xf32, #tpu.memory_space<vmem>>) target_semaphore(%arg23 : memref<!tpu.dma_semaphore, #tpu.memory_space<semaphore_mem>>)
    %mul3A_46 = arith.constant 10000 : i32
    %mul3A_47 = arith.muli %add3A, %mul3A_46 : i32
    %add3A_48 = arith.constant 625 : i32
    %add3A_49 = arith.addi %mul3A_47, %add3A_48 : i32
    %dma_start3A_50 = arith.constant 0 : i32
    %dma_start3A_51 = tpu.memref_slice %arg6[%add3A_49, %dma_start3A_50] : memref<320000x16xf32, #tpu.memory_space<hbm>> -> memref<125x16xf32, #tpu.memory_space<hbm>>
    %dma_start3A_52 = arith.constant 0 : i32
    %dma_start3A_53 = tpu.memref_slice %arg6[%add3A_49, %dma_start3A_52] : memref<320000x16xf32, #tpu.memory_space<hbm>> -> memref<125x16xf32, #tpu.memory_space<hbm>>
    tpu.enqueue_dma source(%dma_start3A_53 : memref<125x16xf32, #tpu.memory_space<hbm>>) target(%arg15 : memref<125x16xf32, #tpu.memory_space<vmem>>) target_semaphore(%arg24 : memref<!tpu.dma_semaphore, #tpu.memory_space<semaphore_mem>>)
    %mul3A_54 = arith.constant 10000 : i32
    %mul3A_55 = arith.muli %add3A, %mul3A_54 : i32
    %add3A_56 = arith.constant 750 : i32
    %add3A_57 = arith.addi %mul3A_55, %add3A_56 : i32
    %dma_start3A_58 = arith.constant 0 : i32
    %dma_start3A_59 = tpu.memref_slice %arg6[%add3A_57, %dma_start3A_58] : memref<320000x16xf32, #tpu.memory_space<hbm>> -> memref<125x16xf32, #tpu.memory_space<hbm>>
    %dma_start3A_60 = arith.constant 0 : i32
    %dma_start3A_61 = tpu.memref_slice %arg6[%add3A_57, %dma_start3A_60] : memref<320000x16xf32, #tpu.memory_space<hbm>> -> memref<125x16xf32, #tpu.memory_space<hbm>>
    tpu.enqueue_dma source(%dma_start3A_61 : memref<125x16xf32, #tpu.memory_space<hbm>>) target(%arg16 : memref<125x16xf32, #tpu.memory_space<vmem>>) target_semaphore(%arg25 : memref<!tpu.dma_semaphore, #tpu.memory_space<semaphore_mem>>)
    %mul3A_62 = arith.constant 10000 : i32
    %mul3A_63 = arith.muli %add3A, %mul3A_62 : i32
    %add3A_64 = arith.constant 875 : i32
    %add3A_65 = arith.addi %mul3A_63, %add3A_64 : i32
    %dma_start3A_66 = arith.constant 0 : i32
    %dma_start3A_67 = tpu.memref_slice %arg6[%add3A_65, %dma_start3A_66] : memref<320000x16xf32, #tpu.memory_space<hbm>> -> memref<125x16xf32, #tpu.memory_space<hbm>>
    %dma_start3A_68 = arith.constant 0 : i32
    %dma_start3A_69 = tpu.memref_slice %arg6[%add3A_65, %dma_start3A_68] : memref<320000x16xf32, #tpu.memory_space<hbm>> -> memref<125x16xf32, #tpu.memory_space<hbm>>
    tpu.enqueue_dma source(%dma_start3A_69 : memref<125x16xf32, #tpu.memory_space<hbm>>) target(%arg17 : memref<125x16xf32, #tpu.memory_space<vmem>>) target_semaphore(%arg26 : memref<!tpu.dma_semaphore, #tpu.memory_space<semaphore_mem>>)
    %mul3A_70 = arith.constant 10000 : i32
    %mul3A_71 = arith.muli %add3A, %mul3A_70 : i32
    %add3A_72 = arith.constant 0 : i32
    %add3A_73 = arith.addi %mul3A_71, %add3A_72 : i32
    %dma_wait3A = arith.constant 0 : i32
    %dma_wait3A_74 = tpu.memref_slice %arg6[%add3A_73, %dma_wait3A] : memref<320000x16xf32, #tpu.memory_space<hbm>> -> memref<125x16xf32, #tpu.memory_space<hbm>>
    %dma_wait3A_75 = arith.constant 0 : i32
    %dma_wait3A_76 = tpu.memref_slice %arg6[%add3A_73, %dma_wait3A_75] : memref<320000x16xf32, #tpu.memory_space<hbm>> -> memref<125x16xf32, #tpu.memory_space<hbm>>
    tpu.wait_dma2 semaphore(%arg19 : memref<!tpu.dma_semaphore, #tpu.memory_space<semaphore_mem>>) src(%dma_wait3A_76 : memref<125x16xf32, #tpu.memory_space<hbm>>) dst(%arg10 : memref<125x16xf32, #tpu.memory_space<vmem>>)
    %dma_start3A_77 = arith.constant 0 : i32
    %dma_start3A_78 = arith.constant 0 : i32
    %dma_start3A_79 = tpu.memref_slice %arg9[%dma_start3A_77, %dma_start3A_78] : memref<80x125xi32, #tpu.memory_space<vmem>> -> memref<1x125xi32, #tpu.memory_space<vmem>>
    %dma_start3A_80 = tpu.memref_squeeze %dma_start3A_79 : memref<1x125xi32, #tpu.memory_space<vmem>> -> memref<125xi32, #tpu.memory_space<vmem>>
    %dma_start3A_81 = arith.constant 0 : i32
    %dma_start3A_82 = arith.constant 0 : i32
    %dma_start3A_83 = tpu.memref_slice %arg18[%dma_start3A_81, %dma_start3A_82] : memref<10000x16xf32, #tpu.memory_space<vmem_shared>> -> memref<10000x16xf32, #tpu.memory_space<vmem_shared>>
    tpu.enqueue_indirect_dma source(%arg10 : memref<125x16xf32, #tpu.memory_space<vmem>>) target(%dma_start3A_83 : memref<10000x16xf32, #tpu.memory_space<vmem_shared>>) offsets(%dma_start3A_80 : memref<125xi32, #tpu.memory_space<vmem>>) semaphore(%arg27 : memref<!tpu.dma_semaphore, #tpu.memory_space<semaphore_mem>>) {add = true}
    %mul3A_84 = arith.constant 10000 : i32
    %mul3A_85 = arith.muli %add3A, %mul3A_84 : i32
    %add3A_86 = arith.constant 125 : i32
    %add3A_87 = arith.addi %mul3A_85, %add3A_86 : i32
    %dma_wait3A_88 = arith.constant 0 : i32
    %dma_wait3A_89 = tpu.memref_slice %arg6[%add3A_87, %dma_wait3A_88] : memref<320000x16xf32, #tpu.memory_space<hbm>> -> memref<125x16xf32, #tpu.memory_space<hbm>>
    %dma_wait3A_90 = arith.constant 0 : i32
    %dma_wait3A_91 = tpu.memref_slice %arg6[%add3A_87, %dma_wait3A_90] : memref<320000x16xf32, #tpu.memory_space<hbm>> -> memref<125x16xf32, #tpu.memory_space<hbm>>
    tpu.wait_dma2 semaphore(%arg20 : memref<!tpu.dma_semaphore, #tpu.memory_space<semaphore_mem>>) src(%dma_wait3A_91 : memref<125x16xf32, #tpu.memory_space<hbm>>) dst(%arg11 : memref<125x16xf32, #tpu.memory_space<vmem>>)
    %dma_start3A_92 = arith.constant 1 : i32
    %dma_start3A_93 = arith.constant 0 : i32
    %dma_start3A_94 = tpu.memref_slice %arg9[%dma_start3A_92, %dma_start3A_93] : memref<80x125xi32, #tpu.memory_space<vmem>> -> memref<1x125xi32, #tpu.memory_space<vmem>>
    %dma_start3A_95 = tpu.memref_squeeze %dma_start3A_94 : memref<1x125xi32, #tpu.memory_space<vmem>> -> memref<125xi32, #tpu.memory_space<vmem>>
    %dma_start3A_96 = arith.constant 0 : i32
    %dma_start3A_97 = arith.constant 0 : i32
    %dma_start3A_98 = tpu.memref_slice %arg18[%dma_start3A_96, %dma_start3A_97] : memref<10000x16xf32, #tpu.memory_space<vmem_shared>> -> memref<10000x16xf32, #tpu.memory_space<vmem_shared>>
    tpu.enqueue_indirect_dma source(%arg11 : memref<125x16xf32, #tpu.memory_space<vmem>>) target(%dma_start3A_98 : memref<10000x16xf32, #tpu.memory_space<vmem_shared>>) offsets(%dma_start3A_95 : memref<125xi32, #tpu.memory_space<vmem>>) semaphore(%arg28 : memref<!tpu.dma_semaphore, #tpu.memory_space<semaphore_mem>>) {add = true}
    %mul3A_99 = arith.constant 10000 : i32
    %mul3A_100 = arith.muli %add3A, %mul3A_99 : i32
    %add3A_101 = arith.constant 250 : i32
    %add3A_102 = arith.addi %mul3A_100, %add3A_101 : i32
    %dma_wait3A_103 = arith.constant 0 : i32
    %dma_wait3A_104 = tpu.memref_slice %arg6[%add3A_102, %dma_wait3A_103] : memref<320000x16xf32, #tpu.memory_space<hbm>> -> memref<125x16xf32, #tpu.memory_space<hbm>>
    %dma_wait3A_105 = arith.constant 0 : i32
    %dma_wait3A_106 = tpu.memref_slice %arg6[%add3A_102, %dma_wait3A_105] : memref<320000x16xf32, #tpu.memory_space<hbm>> -> memref<125x16xf32, #tpu.memory_space<hbm>>
    tpu.wait_dma2 semaphore(%arg21 : memref<!tpu.dma_semaphore, #tpu.memory_space<semaphore_mem>>) src(%dma_wait3A_106 : memref<125x16xf32, #tpu.memory_space<hbm>>) dst(%arg12 : memref<125x16xf32, #tpu.memory_space<vmem>>)
    %dma_start3A_107 = arith.constant 2 : i32
    %dma_start3A_108 = arith.constant 0 : i32
    %dma_start3A_109 = tpu.memref_slice %arg9[%dma_start3A_107, %dma_start3A_108] : memref<80x125xi32, #tpu.memory_space<vmem>> -> memref<1x125xi32, #tpu.memory_space<vmem>>
    %dma_start3A_110 = tpu.memref_squeeze %dma_start3A_109 : memref<1x125xi32, #tpu.memory_space<vmem>> -> memref<125xi32, #tpu.memory_space<vmem>>
    %dma_start3A_111 = arith.constant 0 : i32
    %dma_start3A_112 = arith.constant 0 : i32
    %dma_start3A_113 = tpu.memref_slice %arg18[%dma_start3A_111, %dma_start3A_112] : memref<10000x16xf32, #tpu.memory_space<vmem_shared>> -> memref<10000x16xf32, #tpu.memory_space<vmem_shared>>
    tpu.enqueue_indirect_dma source(%arg12 : memref<125x16xf32, #tpu.memory_space<vmem>>) target(%dma_start3A_113 : memref<10000x16xf32, #tpu.memory_space<vmem_shared>>) offsets(%dma_start3A_110 : memref<125xi32, #tpu.memory_space<vmem>>) semaphore(%arg29 : memref<!tpu.dma_semaphore, #tpu.memory_space<semaphore_mem>>) {add = true}
    %mul3A_114 = arith.constant 10000 : i32
    %mul3A_115 = arith.muli %add3A, %mul3A_114 : i32
    %add3A_116 = arith.constant 375 : i32
    %add3A_117 = arith.addi %mul3A_115, %add3A_116 : i32
    %dma_wait3A_118 = arith.constant 0 : i32
    %dma_wait3A_119 = tpu.memref_slice %arg6[%add3A_117, %dma_wait3A_118] : memref<320000x16xf32, #tpu.memory_space<hbm>> -> memref<125x16xf32, #tpu.memory_space<hbm>>
    %dma_wait3A_120 = arith.constant 0 : i32
    %dma_wait3A_121 = tpu.memref_slice %arg6[%add3A_117, %dma_wait3A_120] : memref<320000x16xf32, #tpu.memory_space<hbm>> -> memref<125x16xf32, #tpu.memory_space<hbm>>
    tpu.wait_dma2 semaphore(%arg22 : memref<!tpu.dma_semaphore, #tpu.memory_space<semaphore_mem>>) src(%dma_wait3A_121 : memref<125x16xf32, #tpu.memory_space<hbm>>) dst(%arg13 : memref<125x16xf32, #tpu.memory_space<vmem>>)
    %dma_start3A_122 = arith.constant 3 : i32
    %dma_start3A_123 = arith.constant 0 : i32
    %dma_start3A_124 = tpu.memref_slice %arg9[%dma_start3A_122, %dma_start3A_123] : memref<80x125xi32, #tpu.memory_space<vmem>> -> memref<1x125xi32, #tpu.memory_space<vmem>>
    %dma_start3A_125 = tpu.memref_squeeze %dma_start3A_124 : memref<1x125xi32, #tpu.memory_space<vmem>> -> memref<125xi32, #tpu.memory_space<vmem>>
    %dma_start3A_126 = arith.constant 0 : i32
    %dma_start3A_127 = arith.constant 0 : i32
    %dma_start3A_128 = tpu.memref_slice %arg18[%dma_start3A_126, %dma_start3A_127] : memref<10000x16xf32, #tpu.memory_space<vmem_shared>> -> memref<10000x16xf32, #tpu.memory_space<vmem_shared>>
    tpu.enqueue_indirect_dma source(%arg13 : memref<125x16xf32, #tpu.memory_space<vmem>>) target(%dma_start3A_128 : memref<10000x16xf32, #tpu.memory_space<vmem_shared>>) offsets(%dma_start3A_125 : memref<125xi32, #tpu.memory_space<vmem>>) semaphore(%arg30 : memref<!tpu.dma_semaphore, #tpu.memory_space<semaphore_mem>>) {add = true}
    %scan3A = arith.constant 0 : i32
    %scan3A_129 = arith.constant 9 : i32
    %scan3A_130 = arith.addi %scan3A, %scan3A_129 : i32
    %scan3A_131 = arith.constant 1 : i32
    scf.for %scan3A_260 = %scan3A to %scan3A_130 step %scan3A_131  : i32 {
      %mul3A_261 = arith.constant 8 : i32
      %mul3A_262 = arith.muli %scan3A_260, %mul3A_261 : i32
      %add3A_263 = arith.constant 4 : i32
      %add3A_264 = arith.addi %add3A_263, %mul3A_262 : i32
      %add3A_265 = arith.constant 0 : i32
      %add3A_266 = arith.addi %add3A_264, %add3A_265 : i32
      %mul3A_267 = arith.constant 10000 : i32
      %mul3A_268 = arith.muli %add3A, %mul3A_267 : i32
      %mul3A_269 = arith.constant 125 : i32
      %mul3A_270 = arith.muli %add3A_266, %mul3A_269 : i32
      %add3A_271 = arith.addi %mul3A_268, %mul3A_270 : i32
      %dma_wait3A_272 = arith.constant 0 : i32
      %dma_wait3A_273 = tpu.memref_slice %arg6[%add3A_271, %dma_wait3A_272] : memref<320000x16xf32, #tpu.memory_space<hbm>> -> memref<125x16xf32, #tpu.memory_space<hbm>>
      %dma_wait3A_274 = arith.constant 0 : i32
      %dma_wait3A_275 = tpu.memref_slice %arg6[%add3A_271, %dma_wait3A_274] : memref<320000x16xf32, #tpu.memory_space<hbm>> -> memref<125x16xf32, #tpu.memory_space<hbm>>
      tpu.wait_dma2 semaphore(%arg23 : memref<!tpu.dma_semaphore, #tpu.memory_space<semaphore_mem>>) src(%dma_wait3A_275 : memref<125x16xf32, #tpu.memory_space<hbm>>) dst(%arg14 : memref<125x16xf32, #tpu.memory_space<vmem>>)
      %dma_start3A_276 = arith.constant 0 : i32
      %dma_start3A_277 = tpu.memref_slice %arg9[%add3A_266, %dma_start3A_276] : memref<80x125xi32, #tpu.memory_space<vmem>> -> memref<1x125xi32, #tpu.memory_space<vmem>>
      %dma_start3A_278 = tpu.memref_squeeze %dma_start3A_277 : memref<1x125xi32, #tpu.memory_space<vmem>> -> memref<125xi32, #tpu.memory_space<vmem>>
      %dma_start3A_279 = arith.constant 0 : i32
      %dma_start3A_280 = arith.constant 0 : i32
      %dma_start3A_281 = tpu.memref_slice %arg18[%dma_start3A_279, %dma_start3A_280] : memref<10000x16xf32, #tpu.memory_space<vmem_shared>> -> memref<10000x16xf32, #tpu.memory_space<vmem_shared>>
      tpu.enqueue_indirect_dma source(%arg14 : memref<125x16xf32, #tpu.memory_space<vmem>>) target(%dma_start3A_281 : memref<10000x16xf32, #tpu.memory_space<vmem_shared>>) offsets(%dma_start3A_278 : memref<125xi32, #tpu.memory_space<vmem>>) semaphore(%arg31 : memref<!tpu.dma_semaphore, #tpu.memory_space<semaphore_mem>>) {add = true}
      %sub3A = arith.constant 4 : i32
      %sub3A_282 = arith.subi %add3A_266, %sub3A : i32
      %dma_wait3A_283 = arith.constant 0 : i32
      %dma_wait3A_284 = tpu.memref_slice %arg9[%sub3A_282, %dma_wait3A_283] : memref<80x125xi32, #tpu.memory_space<vmem>> -> memref<1x125xi32, #tpu.memory_space<vmem>>
      %dma_wait3A_285 = tpu.memref_squeeze %dma_wait3A_284 : memref<1x125xi32, #tpu.memory_space<vmem>> -> memref<125xi32, #tpu.memory_space<vmem>>
      %dma_wait3A_286 = arith.constant 0 : i32
      %dma_wait3A_287 = arith.constant 0 : i32
      %dma_wait3A_288 = tpu.memref_slice %arg18[%dma_wait3A_286, %dma_wait3A_287] : memref<10000x16xf32, #tpu.memory_space<vmem_shared>> -> memref<10000x16xf32, #tpu.memory_space<vmem_shared>>
      tpu.wait_indirect_dma semaphore(%arg27 : memref<!tpu.dma_semaphore, #tpu.memory_space<semaphore_mem>>) src(%arg10 : memref<125x16xf32, #tpu.memory_space<vmem>>) dst(%dma_wait3A_288 : memref<10000x16xf32, #tpu.memory_space<vmem_shared>>)
      %add3A_289 = arith.constant 4 : i32
      %add3A_290 = arith.addi %add3A_266, %add3A_289 : i32
      %mul3A_291 = arith.constant 10000 : i32
      %mul3A_292 = arith.muli %add3A, %mul3A_291 : i32
      %mul3A_293 = arith.constant 125 : i32
      %mul3A_294 = arith.muli %add3A_290, %mul3A_293 : i32
      %add3A_295 = arith.addi %mul3A_292, %mul3A_294 : i32
      %dma_start3A_296 = arith.constant 0 : i32
      %dma_start3A_297 = tpu.memref_slice %arg6[%add3A_295, %dma_start3A_296] : memref<320000x16xf32, #tpu.memory_space<hbm>> -> memref<125x16xf32, #tpu.memory_space<hbm>>
      %dma_start3A_298 = arith.constant 0 : i32
      %dma_start3A_299 = tpu.memref_slice %arg6[%add3A_295, %dma_start3A_298] : memref<320000x16xf32, #tpu.memory_space<hbm>> -> memref<125x16xf32, #tpu.memory_space<hbm>>
      tpu.enqueue_dma source(%dma_start3A_299 : memref<125x16xf32, #tpu.memory_space<hbm>>) target(%arg10 : memref<125x16xf32, #tpu.memory_space<vmem>>) target_semaphore(%arg19 : memref<!tpu.dma_semaphore, #tpu.memory_space<semaphore_mem>>)
      %add3A_300 = arith.constant 1 : i32
      %add3A_301 = arith.addi %add3A_264, %add3A_300 : i32
      %mul3A_302 = arith.constant 10000 : i32
      %mul3A_303 = arith.muli %add3A, %mul3A_302 : i32
      %mul3A_304 = arith.constant 125 : i32
      %mul3A_305 = arith.muli %add3A_301, %mul3A_304 : i32
      %add3A_306 = arith.addi %mul3A_303, %mul3A_305 : i32
      %dma_wait3A_307 = arith.constant 0 : i32
      %dma_wait3A_308 = tpu.memref_slice %arg6[%add3A_306, %dma_wait3A_307] : memref<320000x16xf32, #tpu.memory_space<hbm>> -> memref<125x16xf32, #tpu.memory_space<hbm>>
      %dma_wait3A_309 = arith.constant 0 : i32
      %dma_wait3A_310 = tpu.memref_slice %arg6[%add3A_306, %dma_wait3A_309] : memref<320000x16xf32, #tpu.memory_space<hbm>> -> memref<125x16xf32, #tpu.memory_space<hbm>>
      tpu.wait_dma2 semaphore(%arg24 : memref<!tpu.dma_semaphore, #tpu.memory_space<semaphore_mem>>) src(%dma_wait3A_310 : memref<125x16xf32, #tpu.memory_space<hbm>>) dst(%arg15 : memref<125x16xf32, #tpu.memory_space<vmem>>)
      %dma_start3A_311 = arith.constant 0 : i32
      %dma_start3A_312 = tpu.memref_slice %arg9[%add3A_301, %dma_start3A_311] : memref<80x125xi32, #tpu.memory_space<vmem>> -> memref<1x125xi32, #tpu.memory_space<vmem>>
      %dma_start3A_313 = tpu.memref_squeeze %dma_start3A_312 : memref<1x125xi32, #tpu.memory_space<vmem>> -> memref<125xi32, #tpu.memory_space<vmem>>
      %dma_start3A_314 = arith.constant 0 : i32
      %dma_start3A_315 = arith.constant 0 : i32
      %dma_start3A_316 = tpu.memref_slice %arg18[%dma_start3A_314, %dma_start3A_315] : memref<10000x16xf32, #tpu.memory_space<vmem_shared>> -> memref<10000x16xf32, #tpu.memory_space<vmem_shared>>
      tpu.enqueue_indirect_dma source(%arg15 : memref<125x16xf32, #tpu.memory_space<vmem>>) target(%dma_start3A_316 : memref<10000x16xf32, #tpu.memory_space<vmem_shared>>) offsets(%dma_start3A_313 : memref<125xi32, #tpu.memory_space<vmem>>) semaphore(%arg32 : memref<!tpu.dma_semaphore, #tpu.memory_space<semaphore_mem>>) {add = true}
      %sub3A_317 = arith.constant 4 : i32
      %sub3A_318 = arith.subi %add3A_301, %sub3A_317 : i32
      %dma_wait3A_319 = arith.constant 0 : i32
      %dma_wait3A_320 = tpu.memref_slice %arg9[%sub3A_318, %dma_wait3A_319] : memref<80x125xi32, #tpu.memory_space<vmem>> -> memref<1x125xi32, #tpu.memory_space<vmem>>
      %dma_wait3A_321 = tpu.memref_squeeze %dma_wait3A_320 : memref<1x125xi32, #tpu.memory_space<vmem>> -> memref<125xi32, #tpu.memory_space<vmem>>
      %dma_wait3A_322 = arith.constant 0 : i32
      %dma_wait3A_323 = arith.constant 0 : i32
      %dma_wait3A_324 = tpu.memref_slice %arg18[%dma_wait3A_322, %dma_wait3A_323] : memref<10000x16xf32, #tpu.memory_space<vmem_shared>> -> memref<10000x16xf32, #tpu.memory_space<vmem_shared>>
      tpu.wait_indirect_dma semaphore(%arg28 : memref<!tpu.dma_semaphore, #tpu.memory_space<semaphore_mem>>) src(%arg11 : memref<125x16xf32, #tpu.memory_space<vmem>>) dst(%dma_wait3A_324 : memref<10000x16xf32, #tpu.memory_space<vmem_shared>>)
      %add3A_325 = arith.constant 4 : i32
      %add3A_326 = arith.addi %add3A_301, %add3A_325 : i32
      %mul3A_327 = arith.constant 10000 : i32
      %mul3A_328 = arith.muli %add3A, %mul3A_327 : i32
      %mul3A_329 = arith.constant 125 : i32
      %mul3A_330 = arith.muli %add3A_326, %mul3A_329 : i32
      %add3A_331 = arith.addi %mul3A_328, %mul3A_330 : i32
      %dma_start3A_332 = arith.constant 0 : i32
      %dma_start3A_333 = tpu.memref_slice %arg6[%add3A_331, %dma_start3A_332] : memref<320000x16xf32, #tpu.memory_space<hbm>> -> memref<125x16xf32, #tpu.memory_space<hbm>>
      %dma_start3A_334 = arith.constant 0 : i32
      %dma_start3A_335 = tpu.memref_slice %arg6[%add3A_331, %dma_start3A_334] : memref<320000x16xf32, #tpu.memory_space<hbm>> -> memref<125x16xf32, #tpu.memory_space<hbm>>
      tpu.enqueue_dma source(%dma_start3A_335 : memref<125x16xf32, #tpu.memory_space<hbm>>) target(%arg11 : memref<125x16xf32, #tpu.memory_space<vmem>>) target_semaphore(%arg20 : memref<!tpu.dma_semaphore, #tpu.memory_space<semaphore_mem>>)
      %add3A_336 = arith.constant 2 : i32
      %add3A_337 = arith.addi %add3A_264, %add3A_336 : i32
      %mul3A_338 = arith.constant 10000 : i32
      %mul3A_339 = arith.muli %add3A, %mul3A_338 : i32
      %mul3A_340 = arith.constant 125 : i32
      %mul3A_341 = arith.muli %add3A_337, %mul3A_340 : i32
      %add3A_342 = arith.addi %mul3A_339, %mul3A_341 : i32
      %dma_wait3A_343 = arith.constant 0 : i32
      %dma_wait3A_344 = tpu.memref_slice %arg6[%add3A_342, %dma_wait3A_343] : memref<320000x16xf32, #tpu.memory_space<hbm>> -> memref<125x16xf32, #tpu.memory_space<hbm>>
      %dma_wait3A_345 = arith.constant 0 : i32
      %dma_wait3A_346 = tpu.memref_slice %arg6[%add3A_342, %dma_wait3A_345] : memref<320000x16xf32, #tpu.memory_space<hbm>> -> memref<125x16xf32, #tpu.memory_space<hbm>>
      tpu.wait_dma2 semaphore(%arg25 : memref<!tpu.dma_semaphore, #tpu.memory_space<semaphore_mem>>) src(%dma_wait3A_346 : memref<125x16xf32, #tpu.memory_space<hbm>>) dst(%arg16 : memref<125x16xf32, #tpu.memory_space<vmem>>)
      %dma_start3A_347 = arith.constant 0 : i32
      %dma_start3A_348 = tpu.memref_slice %arg9[%add3A_337, %dma_start3A_347] : memref<80x125xi32, #tpu.memory_space<vmem>> -> memref<1x125xi32, #tpu.memory_space<vmem>>
      %dma_start3A_349 = tpu.memref_squeeze %dma_start3A_348 : memref<1x125xi32, #tpu.memory_space<vmem>> -> memref<125xi32, #tpu.memory_space<vmem>>
      %dma_start3A_350 = arith.constant 0 : i32
      %dma_start3A_351 = arith.constant 0 : i32
      %dma_start3A_352 = tpu.memref_slice %arg18[%dma_start3A_350, %dma_start3A_351] : memref<10000x16xf32, #tpu.memory_space<vmem_shared>> -> memref<10000x16xf32, #tpu.memory_space<vmem_shared>>
      tpu.enqueue_indirect_dma source(%arg16 : memref<125x16xf32, #tpu.memory_space<vmem>>) target(%dma_start3A_352 : memref<10000x16xf32, #tpu.memory_space<vmem_shared>>) offsets(%dma_start3A_349 : memref<125xi32, #tpu.memory_space<vmem>>) semaphore(%arg33 : memref<!tpu.dma_semaphore, #tpu.memory_space<semaphore_mem>>) {add = true}
      %sub3A_353 = arith.constant 4 : i32
      %sub3A_354 = arith.subi %add3A_337, %sub3A_353 : i32
      %dma_wait3A_355 = arith.constant 0 : i32
      %dma_wait3A_356 = tpu.memref_slice %arg9[%sub3A_354, %dma_wait3A_355] : memref<80x125xi32, #tpu.memory_space<vmem>> -> memref<1x125xi32, #tpu.memory_space<vmem>>
      %dma_wait3A_357 = tpu.memref_squeeze %dma_wait3A_356 : memref<1x125xi32, #tpu.memory_space<vmem>> -> memref<125xi32, #tpu.memory_space<vmem>>
      %dma_wait3A_358 = arith.constant 0 : i32
      %dma_wait3A_359 = arith.constant 0 : i32
      %dma_wait3A_360 = tpu.memref_slice %arg18[%dma_wait3A_358, %dma_wait3A_359] : memref<10000x16xf32, #tpu.memory_space<vmem_shared>> -> memref<10000x16xf32, #tpu.memory_space<vmem_shared>>
      tpu.wait_indirect_dma semaphore(%arg29 : memref<!tpu.dma_semaphore, #tpu.memory_space<semaphore_mem>>) src(%arg12 : memref<125x16xf32, #tpu.memory_space<vmem>>) dst(%dma_wait3A_360 : memref<10000x16xf32, #tpu.memory_space<vmem_shared>>)
      %add3A_361 = arith.constant 4 : i32
      %add3A_362 = arith.addi %add3A_337, %add3A_361 : i32
      %mul3A_363 = arith.constant 10000 : i32
      %mul3A_364 = arith.muli %add3A, %mul3A_363 : i32
      %mul3A_365 = arith.constant 125 : i32
      %mul3A_366 = arith.muli %add3A_362, %mul3A_365 : i32
      %add3A_367 = arith.addi %mul3A_364, %mul3A_366 : i32
      %dma_start3A_368 = arith.constant 0 : i32
      %dma_start3A_369 = tpu.memref_slice %arg6[%add3A_367, %dma_start3A_368] : memref<320000x16xf32, #tpu.memory_space<hbm>> -> memref<125x16xf32, #tpu.memory_space<hbm>>
      %dma_start3A_370 = arith.constant 0 : i32
      %dma_start3A_371 = tpu.memref_slice %arg6[%add3A_367, %dma_start3A_370] : memref<320000x16xf32, #tpu.memory_space<hbm>> -> memref<125x16xf32, #tpu.memory_space<hbm>>
      tpu.enqueue_dma source(%dma_start3A_371 : memref<125x16xf32, #tpu.memory_space<hbm>>) target(%arg12 : memref<125x16xf32, #tpu.memory_space<vmem>>) target_semaphore(%arg21 : memref<!tpu.dma_semaphore, #tpu.memory_space<semaphore_mem>>)
      %add3A_372 = arith.constant 3 : i32
      %add3A_373 = arith.addi %add3A_264, %add3A_372 : i32
      %mul3A_374 = arith.constant 10000 : i32
      %mul3A_375 = arith.muli %add3A, %mul3A_374 : i32
      %mul3A_376 = arith.constant 125 : i32
      %mul3A_377 = arith.muli %add3A_373, %mul3A_376 : i32
      %add3A_378 = arith.addi %mul3A_375, %mul3A_377 : i32
      %dma_wait3A_379 = arith.constant 0 : i32
      %dma_wait3A_380 = tpu.memref_slice %arg6[%add3A_378, %dma_wait3A_379] : memref<320000x16xf32, #tpu.memory_space<hbm>> -> memref<125x16xf32, #tpu.memory_space<hbm>>
      %dma_wait3A_381 = arith.constant 0 : i32
      %dma_wait3A_382 = tpu.memref_slice %arg6[%add3A_378, %dma_wait3A_381] : memref<320000x16xf32, #tpu.memory_space<hbm>> -> memref<125x16xf32, #tpu.memory_space<hbm>>
      tpu.wait_dma2 semaphore(%arg26 : memref<!tpu.dma_semaphore, #tpu.memory_space<semaphore_mem>>) src(%dma_wait3A_382 : memref<125x16xf32, #tpu.memory_space<hbm>>) dst(%arg17 : memref<125x16xf32, #tpu.memory_space<vmem>>)
      %dma_start3A_383 = arith.constant 0 : i32
      %dma_start3A_384 = tpu.memref_slice %arg9[%add3A_373, %dma_start3A_383] : memref<80x125xi32, #tpu.memory_space<vmem>> -> memref<1x125xi32, #tpu.memory_space<vmem>>
      %dma_start3A_385 = tpu.memref_squeeze %dma_start3A_384 : memref<1x125xi32, #tpu.memory_space<vmem>> -> memref<125xi32, #tpu.memory_space<vmem>>
      %dma_start3A_386 = arith.constant 0 : i32
      %dma_start3A_387 = arith.constant 0 : i32
      %dma_start3A_388 = tpu.memref_slice %arg18[%dma_start3A_386, %dma_start3A_387] : memref<10000x16xf32, #tpu.memory_space<vmem_shared>> -> memref<10000x16xf32, #tpu.memory_space<vmem_shared>>
      tpu.enqueue_indirect_dma source(%arg17 : memref<125x16xf32, #tpu.memory_space<vmem>>) target(%dma_start3A_388 : memref<10000x16xf32, #tpu.memory_space<vmem_shared>>) offsets(%dma_start3A_385 : memref<125xi32, #tpu.memory_space<vmem>>) semaphore(%arg34 : memref<!tpu.dma_semaphore, #tpu.memory_space<semaphore_mem>>) {add = true}
      %sub3A_389 = arith.constant 4 : i32
      %sub3A_390 = arith.subi %add3A_373, %sub3A_389 : i32
      %dma_wait3A_391 = arith.constant 0 : i32
      %dma_wait3A_392 = tpu.memref_slice %arg9[%sub3A_390, %dma_wait3A_391] : memref<80x125xi32, #tpu.memory_space<vmem>> -> memref<1x125xi32, #tpu.memory_space<vmem>>
      %dma_wait3A_393 = tpu.memref_squeeze %dma_wait3A_392 : memref<1x125xi32, #tpu.memory_space<vmem>> -> memref<125xi32, #tpu.memory_space<vmem>>
      %dma_wait3A_394 = arith.constant 0 : i32
      %dma_wait3A_395 = arith.constant 0 : i32
      %dma_wait3A_396 = tpu.memref_slice %arg18[%dma_wait3A_394, %dma_wait3A_395] : memref<10000x16xf32, #tpu.memory_space<vmem_shared>> -> memref<10000x16xf32, #tpu.memory_space<vmem_shared>>
      tpu.wait_indirect_dma semaphore(%arg30 : memref<!tpu.dma_semaphore, #tpu.memory_space<semaphore_mem>>) src(%arg13 : memref<125x16xf32, #tpu.memory_space<vmem>>) dst(%dma_wait3A_396 : memref<10000x16xf32, #tpu.memory_space<vmem_shared>>)
      %add3A_397 = arith.constant 4 : i32
      %add3A_398 = arith.addi %add3A_373, %add3A_397 : i32
      %mul3A_399 = arith.constant 10000 : i32
      %mul3A_400 = arith.muli %add3A, %mul3A_399 : i32
      %mul3A_401 = arith.constant 125 : i32
      %mul3A_402 = arith.muli %add3A_398, %mul3A_401 : i32
      %add3A_403 = arith.addi %mul3A_400, %mul3A_402 : i32
      %dma_start3A_404 = arith.constant 0 : i32
      %dma_start3A_405 = tpu.memref_slice %arg6[%add3A_403, %dma_start3A_404] : memref<320000x16xf32, #tpu.memory_space<hbm>> -> memref<125x16xf32, #tpu.memory_space<hbm>>
      %dma_start3A_406 = arith.constant 0 : i32
      %dma_start3A_407 = tpu.memref_slice %arg6[%add3A_403, %dma_start3A_406] : memref<320000x16xf32, #tpu.memory_space<hbm>> -> memref<125x16xf32, #tpu.memory_space<hbm>>
      tpu.enqueue_dma source(%dma_start3A_407 : memref<125x16xf32, #tpu.memory_space<hbm>>) target(%arg13 : memref<125x16xf32, #tpu.memory_space<vmem>>) target_semaphore(%arg22 : memref<!tpu.dma_semaphore, #tpu.memory_space<semaphore_mem>>)
      %add3A_408 = arith.constant 4 : i32
      %add3A_409 = arith.addi %add3A_264, %add3A_408 : i32
      %mul3A_410 = arith.constant 10000 : i32
      %mul3A_411 = arith.muli %add3A, %mul3A_410 : i32
      %mul3A_412 = arith.constant 125 : i32
      %mul3A_413 = arith.muli %add3A_409, %mul3A_412 : i32
      %add3A_414 = arith.addi %mul3A_411, %mul3A_413 : i32
      %dma_wait3A_415 = arith.constant 0 : i32
      %dma_wait3A_416 = tpu.memref_slice %arg6[%add3A_414, %dma_wait3A_415] : memref<320000x16xf32, #tpu.memory_space<hbm>> -> memref<125x16xf32, #tpu.memory_space<hbm>>
      %dma_wait3A_417 = arith.constant 0 : i32
      %dma_wait3A_418 = tpu.memref_slice %arg6[%add3A_414, %dma_wait3A_417] : memref<320000x16xf32, #tpu.memory_space<hbm>> -> memref<125x16xf32, #tpu.memory_space<hbm>>
      tpu.wait_dma2 semaphore(%arg19 : memref<!tpu.dma_semaphore, #tpu.memory_space<semaphore_mem>>) src(%dma_wait3A_418 : memref<125x16xf32, #tpu.memory_space<hbm>>) dst(%arg10 : memref<125x16xf32, #tpu.memory_space<vmem>>)
      %dma_start3A_419 = arith.constant 0 : i32
      %dma_start3A_420 = tpu.memref_slice %arg9[%add3A_409, %dma_start3A_419] : memref<80x125xi32, #tpu.memory_space<vmem>> -> memref<1x125xi32, #tpu.memory_space<vmem>>
      %dma_start3A_421 = tpu.memref_squeeze %dma_start3A_420 : memref<1x125xi32, #tpu.memory_space<vmem>> -> memref<125xi32, #tpu.memory_space<vmem>>
      %dma_start3A_422 = arith.constant 0 : i32
      %dma_start3A_423 = arith.constant 0 : i32
      %dma_start3A_424 = tpu.memref_slice %arg18[%dma_start3A_422, %dma_start3A_423] : memref<10000x16xf32, #tpu.memory_space<vmem_shared>> -> memref<10000x16xf32, #tpu.memory_space<vmem_shared>>
      tpu.enqueue_indirect_dma source(%arg10 : memref<125x16xf32, #tpu.memory_space<vmem>>) target(%dma_start3A_424 : memref<10000x16xf32, #tpu.memory_space<vmem_shared>>) offsets(%dma_start3A_421 : memref<125xi32, #tpu.memory_space<vmem>>) semaphore(%arg27 : memref<!tpu.dma_semaphore, #tpu.memory_space<semaphore_mem>>) {add = true}
      %sub3A_425 = arith.constant 4 : i32
      %sub3A_426 = arith.subi %add3A_409, %sub3A_425 : i32
      %dma_wait3A_427 = arith.constant 0 : i32
      %dma_wait3A_428 = tpu.memref_slice %arg9[%sub3A_426, %dma_wait3A_427] : memref<80x125xi32, #tpu.memory_space<vmem>> -> memref<1x125xi32, #tpu.memory_space<vmem>>
      %dma_wait3A_429 = tpu.memref_squeeze %dma_wait3A_428 : memref<1x125xi32, #tpu.memory_space<vmem>> -> memref<125xi32, #tpu.memory_space<vmem>>
      %dma_wait3A_430 = arith.constant 0 : i32
      %dma_wait3A_431 = arith.constant 0 : i32
      %dma_wait3A_432 = tpu.memref_slice %arg18[%dma_wait3A_430, %dma_wait3A_431] : memref<10000x16xf32, #tpu.memory_space<vmem_shared>> -> memref<10000x16xf32, #tpu.memory_space<vmem_shared>>
      tpu.wait_indirect_dma semaphore(%arg31 : memref<!tpu.dma_semaphore, #tpu.memory_space<semaphore_mem>>) src(%arg14 : memref<125x16xf32, #tpu.memory_space<vmem>>) dst(%dma_wait3A_432 : memref<10000x16xf32, #tpu.memory_space<vmem_shared>>)
      %add3A_433 = arith.constant 4 : i32
      %add3A_434 = arith.addi %add3A_409, %add3A_433 : i32
      %mul3A_435 = arith.constant 10000 : i32
      %mul3A_436 = arith.muli %add3A, %mul3A_435 : i32
      %mul3A_437 = arith.constant 125 : i32
      %mul3A_438 = arith.muli %add3A_434, %mul3A_437 : i32
      %add3A_439 = arith.addi %mul3A_436, %mul3A_438 : i32
      %dma_start3A_440 = arith.constant 0 : i32
      %dma_start3A_441 = tpu.memref_slice %arg6[%add3A_439, %dma_start3A_440] : memref<320000x16xf32, #tpu.memory_space<hbm>> -> memref<125x16xf32, #tpu.memory_space<hbm>>
      %dma_start3A_442 = arith.constant 0 : i32
      %dma_start3A_443 = tpu.memref_slice %arg6[%add3A_439, %dma_start3A_442] : memref<320000x16xf32, #tpu.memory_space<hbm>> -> memref<125x16xf32, #tpu.memory_space<hbm>>
      tpu.enqueue_dma source(%dma_start3A_443 : memref<125x16xf32, #tpu.memory_space<hbm>>) target(%arg14 : memref<125x16xf32, #tpu.memory_space<vmem>>) target_semaphore(%arg23 : memref<!tpu.dma_semaphore, #tpu.memory_space<semaphore_mem>>)
      %add3A_444 = arith.constant 5 : i32
      %add3A_445 = arith.addi %add3A_264, %add3A_444 : i32
      %mul3A_446 = arith.constant 10000 : i32
      %mul3A_447 = arith.muli %add3A, %mul3A_446 : i32
      %mul3A_448 = arith.constant 125 : i32
      %mul3A_449 = arith.muli %add3A_445, %mul3A_448 : i32
      %add3A_450 = arith.addi %mul3A_447, %mul3A_449 : i32
      %dma_wait3A_451 = arith.constant 0 : i32
      %dma_wait3A_452 = tpu.memref_slice %arg6[%add3A_450, %dma_wait3A_451] : memref<320000x16xf32, #tpu.memory_space<hbm>> -> memref<125x16xf32, #tpu.memory_space<hbm>>
      %dma_wait3A_453 = arith.constant 0 : i32
      %dma_wait3A_454 = tpu.memref_slice %arg6[%add3A_450, %dma_wait3A_453] : memref<320000x16xf32, #tpu.memory_space<hbm>> -> memref<125x16xf32, #tpu.memory_space<hbm>>
      tpu.wait_dma2 semaphore(%arg20 : memref<!tpu.dma_semaphore, #tpu.memory_space<semaphore_mem>>) src(%dma_wait3A_454 : memref<125x16xf32, #tpu.memory_space<hbm>>) dst(%arg11 : memref<125x16xf32, #tpu.memory_space<vmem>>)
      %dma_start3A_455 = arith.constant 0 : i32
      %dma_start3A_456 = tpu.memref_slice %arg9[%add3A_445, %dma_start3A_455] : memref<80x125xi32, #tpu.memory_space<vmem>> -> memref<1x125xi32, #tpu.memory_space<vmem>>
      %dma_start3A_457 = tpu.memref_squeeze %dma_start3A_456 : memref<1x125xi32, #tpu.memory_space<vmem>> -> memref<125xi32, #tpu.memory_space<vmem>>
      %dma_start3A_458 = arith.constant 0 : i32
      %dma_start3A_459 = arith.constant 0 : i32
      %dma_start3A_460 = tpu.memref_slice %arg18[%dma_start3A_458, %dma_start3A_459] : memref<10000x16xf32, #tpu.memory_space<vmem_shared>> -> memref<10000x16xf32, #tpu.memory_space<vmem_shared>>
      tpu.enqueue_indirect_dma source(%arg11 : memref<125x16xf32, #tpu.memory_space<vmem>>) target(%dma_start3A_460 : memref<10000x16xf32, #tpu.memory_space<vmem_shared>>) offsets(%dma_start3A_457 : memref<125xi32, #tpu.memory_space<vmem>>) semaphore(%arg28 : memref<!tpu.dma_semaphore, #tpu.memory_space<semaphore_mem>>) {add = true}
      %sub3A_461 = arith.constant 4 : i32
      %sub3A_462 = arith.subi %add3A_445, %sub3A_461 : i32
      %dma_wait3A_463 = arith.constant 0 : i32
      %dma_wait3A_464 = tpu.memref_slice %arg9[%sub3A_462, %dma_wait3A_463] : memref<80x125xi32, #tpu.memory_space<vmem>> -> memref<1x125xi32, #tpu.memory_space<vmem>>
      %dma_wait3A_465 = tpu.memref_squeeze %dma_wait3A_464 : memref<1x125xi32, #tpu.memory_space<vmem>> -> memref<125xi32, #tpu.memory_space<vmem>>
      %dma_wait3A_466 = arith.constant 0 : i32
      %dma_wait3A_467 = arith.constant 0 : i32
      %dma_wait3A_468 = tpu.memref_slice %arg18[%dma_wait3A_466, %dma_wait3A_467] : memref<10000x16xf32, #tpu.memory_space<vmem_shared>> -> memref<10000x16xf32, #tpu.memory_space<vmem_shared>>
      tpu.wait_indirect_dma semaphore(%arg32 : memref<!tpu.dma_semaphore, #tpu.memory_space<semaphore_mem>>) src(%arg15 : memref<125x16xf32, #tpu.memory_space<vmem>>) dst(%dma_wait3A_468 : memref<10000x16xf32, #tpu.memory_space<vmem_shared>>)
      %add3A_469 = arith.constant 4 : i32
      %add3A_470 = arith.addi %add3A_445, %add3A_469 : i32
      %mul3A_471 = arith.constant 10000 : i32
      %mul3A_472 = arith.muli %add3A, %mul3A_471 : i32
      %mul3A_473 = arith.constant 125 : i32
      %mul3A_474 = arith.muli %add3A_470, %mul3A_473 : i32
      %add3A_475 = arith.addi %mul3A_472, %mul3A_474 : i32
      %dma_start3A_476 = arith.constant 0 : i32
      %dma_start3A_477 = tpu.memref_slice %arg6[%add3A_475, %dma_start3A_476] : memref<320000x16xf32, #tpu.memory_space<hbm>> -> memref<125x16xf32, #tpu.memory_space<hbm>>
      %dma_start3A_478 = arith.constant 0 : i32
      %dma_start3A_479 = tpu.memref_slice %arg6[%add3A_475, %dma_start3A_478] : memref<320000x16xf32, #tpu.memory_space<hbm>> -> memref<125x16xf32, #tpu.memory_space<hbm>>
      tpu.enqueue_dma source(%dma_start3A_479 : memref<125x16xf32, #tpu.memory_space<hbm>>) target(%arg15 : memref<125x16xf32, #tpu.memory_space<vmem>>) target_semaphore(%arg24 : memref<!tpu.dma_semaphore, #tpu.memory_space<semaphore_mem>>)
      %add3A_480 = arith.constant 6 : i32
      %add3A_481 = arith.addi %add3A_264, %add3A_480 : i32
      %mul3A_482 = arith.constant 10000 : i32
      %mul3A_483 = arith.muli %add3A, %mul3A_482 : i32
      %mul3A_484 = arith.constant 125 : i32
      %mul3A_485 = arith.muli %add3A_481, %mul3A_484 : i32
      %add3A_486 = arith.addi %mul3A_483, %mul3A_485 : i32
      %dma_wait3A_487 = arith.constant 0 : i32
      %dma_wait3A_488 = tpu.memref_slice %arg6[%add3A_486, %dma_wait3A_487] : memref<320000x16xf32, #tpu.memory_space<hbm>> -> memref<125x16xf32, #tpu.memory_space<hbm>>
      %dma_wait3A_489 = arith.constant 0 : i32
      %dma_wait3A_490 = tpu.memref_slice %arg6[%add3A_486, %dma_wait3A_489] : memref<320000x16xf32, #tpu.memory_space<hbm>> -> memref<125x16xf32, #tpu.memory_space<hbm>>
      tpu.wait_dma2 semaphore(%arg21 : memref<!tpu.dma_semaphore, #tpu.memory_space<semaphore_mem>>) src(%dma_wait3A_490 : memref<125x16xf32, #tpu.memory_space<hbm>>) dst(%arg12 : memref<125x16xf32, #tpu.memory_space<vmem>>)
      %dma_start3A_491 = arith.constant 0 : i32
      %dma_start3A_492 = tpu.memref_slice %arg9[%add3A_481, %dma_start3A_491] : memref<80x125xi32, #tpu.memory_space<vmem>> -> memref<1x125xi32, #tpu.memory_space<vmem>>
      %dma_start3A_493 = tpu.memref_squeeze %dma_start3A_492 : memref<1x125xi32, #tpu.memory_space<vmem>> -> memref<125xi32, #tpu.memory_space<vmem>>
      %dma_start3A_494 = arith.constant 0 : i32
      %dma_start3A_495 = arith.constant 0 : i32
      %dma_start3A_496 = tpu.memref_slice %arg18[%dma_start3A_494, %dma_start3A_495] : memref<10000x16xf32, #tpu.memory_space<vmem_shared>> -> memref<10000x16xf32, #tpu.memory_space<vmem_shared>>
      tpu.enqueue_indirect_dma source(%arg12 : memref<125x16xf32, #tpu.memory_space<vmem>>) target(%dma_start3A_496 : memref<10000x16xf32, #tpu.memory_space<vmem_shared>>) offsets(%dma_start3A_493 : memref<125xi32, #tpu.memory_space<vmem>>) semaphore(%arg29 : memref<!tpu.dma_semaphore, #tpu.memory_space<semaphore_mem>>) {add = true}
      %sub3A_497 = arith.constant 4 : i32
      %sub3A_498 = arith.subi %add3A_481, %sub3A_497 : i32
      %dma_wait3A_499 = arith.constant 0 : i32
      %dma_wait3A_500 = tpu.memref_slice %arg9[%sub3A_498, %dma_wait3A_499] : memref<80x125xi32, #tpu.memory_space<vmem>> -> memref<1x125xi32, #tpu.memory_space<vmem>>
      %dma_wait3A_501 = tpu.memref_squeeze %dma_wait3A_500 : memref<1x125xi32, #tpu.memory_space<vmem>> -> memref<125xi32, #tpu.memory_space<vmem>>
      %dma_wait3A_502 = arith.constant 0 : i32
      %dma_wait3A_503 = arith.constant 0 : i32
      %dma_wait3A_504 = tpu.memref_slice %arg18[%dma_wait3A_502, %dma_wait3A_503] : memref<10000x16xf32, #tpu.memory_space<vmem_shared>> -> memref<10000x16xf32, #tpu.memory_space<vmem_shared>>
      tpu.wait_indirect_dma semaphore(%arg33 : memref<!tpu.dma_semaphore, #tpu.memory_space<semaphore_mem>>) src(%arg16 : memref<125x16xf32, #tpu.memory_space<vmem>>) dst(%dma_wait3A_504 : memref<10000x16xf32, #tpu.memory_space<vmem_shared>>)
      %add3A_505 = arith.constant 4 : i32
      %add3A_506 = arith.addi %add3A_481, %add3A_505 : i32
      %mul3A_507 = arith.constant 10000 : i32
      %mul3A_508 = arith.muli %add3A, %mul3A_507 : i32
      %mul3A_509 = arith.constant 125 : i32
      %mul3A_510 = arith.muli %add3A_506, %mul3A_509 : i32
      %add3A_511 = arith.addi %mul3A_508, %mul3A_510 : i32
      %dma_start3A_512 = arith.constant 0 : i32
      %dma_start3A_513 = tpu.memref_slice %arg6[%add3A_511, %dma_start3A_512] : memref<320000x16xf32, #tpu.memory_space<hbm>> -> memref<125x16xf32, #tpu.memory_space<hbm>>
      %dma_start3A_514 = arith.constant 0 : i32
      %dma_start3A_515 = tpu.memref_slice %arg6[%add3A_511, %dma_start3A_514] : memref<320000x16xf32, #tpu.memory_space<hbm>> -> memref<125x16xf32, #tpu.memory_space<hbm>>
      tpu.enqueue_dma source(%dma_start3A_515 : memref<125x16xf32, #tpu.memory_space<hbm>>) target(%arg16 : memref<125x16xf32, #tpu.memory_space<vmem>>) target_semaphore(%arg25 : memref<!tpu.dma_semaphore, #tpu.memory_space<semaphore_mem>>)
      %add3A_516 = arith.constant 7 : i32
      %add3A_517 = arith.addi %add3A_264, %add3A_516 : i32
      %mul3A_518 = arith.constant 10000 : i32
      %mul3A_519 = arith.muli %add3A, %mul3A_518 : i32
      %mul3A_520 = arith.constant 125 : i32
      %mul3A_521 = arith.muli %add3A_517, %mul3A_520 : i32
      %add3A_522 = arith.addi %mul3A_519, %mul3A_521 : i32
      %dma_wait3A_523 = arith.constant 0 : i32
      %dma_wait3A_524 = tpu.memref_slice %arg6[%add3A_522, %dma_wait3A_523] : memref<320000x16xf32, #tpu.memory_space<hbm>> -> memref<125x16xf32, #tpu.memory_space<hbm>>
      %dma_wait3A_525 = arith.constant 0 : i32
      %dma_wait3A_526 = tpu.memref_slice %arg6[%add3A_522, %dma_wait3A_525] : memref<320000x16xf32, #tpu.memory_space<hbm>> -> memref<125x16xf32, #tpu.memory_space<hbm>>
      tpu.wait_dma2 semaphore(%arg22 : memref<!tpu.dma_semaphore, #tpu.memory_space<semaphore_mem>>) src(%dma_wait3A_526 : memref<125x16xf32, #tpu.memory_space<hbm>>) dst(%arg13 : memref<125x16xf32, #tpu.memory_space<vmem>>)
      %dma_start3A_527 = arith.constant 0 : i32
      %dma_start3A_528 = tpu.memref_slice %arg9[%add3A_517, %dma_start3A_527] : memref<80x125xi32, #tpu.memory_space<vmem>> -> memref<1x125xi32, #tpu.memory_space<vmem>>
      %dma_start3A_529 = tpu.memref_squeeze %dma_start3A_528 : memref<1x125xi32, #tpu.memory_space<vmem>> -> memref<125xi32, #tpu.memory_space<vmem>>
      %dma_start3A_530 = arith.constant 0 : i32
      %dma_start3A_531 = arith.constant 0 : i32
      %dma_start3A_532 = tpu.memref_slice %arg18[%dma_start3A_530, %dma_start3A_531] : memref<10000x16xf32, #tpu.memory_space<vmem_shared>> -> memref<10000x16xf32, #tpu.memory_space<vmem_shared>>
      tpu.enqueue_indirect_dma source(%arg13 : memref<125x16xf32, #tpu.memory_space<vmem>>) target(%dma_start3A_532 : memref<10000x16xf32, #tpu.memory_space<vmem_shared>>) offsets(%dma_start3A_529 : memref<125xi32, #tpu.memory_space<vmem>>) semaphore(%arg30 : memref<!tpu.dma_semaphore, #tpu.memory_space<semaphore_mem>>) {add = true}
      %sub3A_533 = arith.constant 4 : i32
      %sub3A_534 = arith.subi %add3A_517, %sub3A_533 : i32
      %dma_wait3A_535 = arith.constant 0 : i32
      %dma_wait3A_536 = tpu.memref_slice %arg9[%sub3A_534, %dma_wait3A_535] : memref<80x125xi32, #tpu.memory_space<vmem>> -> memref<1x125xi32, #tpu.memory_space<vmem>>
      %dma_wait3A_537 = tpu.memref_squeeze %dma_wait3A_536 : memref<1x125xi32, #tpu.memory_space<vmem>> -> memref<125xi32, #tpu.memory_space<vmem>>
      %dma_wait3A_538 = arith.constant 0 : i32
      %dma_wait3A_539 = arith.constant 0 : i32
      %dma_wait3A_540 = tpu.memref_slice %arg18[%dma_wait3A_538, %dma_wait3A_539] : memref<10000x16xf32, #tpu.memory_space<vmem_shared>> -> memref<10000x16xf32, #tpu.memory_space<vmem_shared>>
      tpu.wait_indirect_dma semaphore(%arg34 : memref<!tpu.dma_semaphore, #tpu.memory_space<semaphore_mem>>) src(%arg17 : memref<125x16xf32, #tpu.memory_space<vmem>>) dst(%dma_wait3A_540 : memref<10000x16xf32, #tpu.memory_space<vmem_shared>>)
      %add3A_541 = arith.constant 4 : i32
      %add3A_542 = arith.addi %add3A_517, %add3A_541 : i32
      %mul3A_543 = arith.constant 10000 : i32
      %mul3A_544 = arith.muli %add3A, %mul3A_543 : i32
      %mul3A_545 = arith.constant 125 : i32
      %mul3A_546 = arith.muli %add3A_542, %mul3A_545 : i32
      %add3A_547 = arith.addi %mul3A_544, %mul3A_546 : i32
      %dma_start3A_548 = arith.constant 0 : i32
      %dma_start3A_549 = tpu.memref_slice %arg6[%add3A_547, %dma_start3A_548] : memref<320000x16xf32, #tpu.memory_space<hbm>> -> memref<125x16xf32, #tpu.memory_space<hbm>>
      %dma_start3A_550 = arith.constant 0 : i32
      %dma_start3A_551 = tpu.memref_slice %arg6[%add3A_547, %dma_start3A_550] : memref<320000x16xf32, #tpu.memory_space<hbm>> -> memref<125x16xf32, #tpu.memory_space<hbm>>
      tpu.enqueue_dma source(%dma_start3A_551 : memref<125x16xf32, #tpu.memory_space<hbm>>) target(%arg17 : memref<125x16xf32, #tpu.memory_space<vmem>>) target_semaphore(%arg26 : memref<!tpu.dma_semaphore, #tpu.memory_space<semaphore_mem>>)
    }
    %scan3A_132 = arith.constant 9 : i32
    %mul3A_133 = arith.constant 10000 : i32
    %mul3A_134 = arith.muli %add3A, %mul3A_133 : i32
    %add3A_135 = arith.constant 9500 : i32
    %add3A_136 = arith.addi %mul3A_134, %add3A_135 : i32
    %dma_wait3A_137 = arith.constant 0 : i32
    %dma_wait3A_138 = tpu.memref_slice %arg6[%add3A_136, %dma_wait3A_137] : memref<320000x16xf32, #tpu.memory_space<hbm>> -> memref<125x16xf32, #tpu.memory_space<hbm>>
    %dma_wait3A_139 = arith.constant 0 : i32
    %dma_wait3A_140 = tpu.memref_slice %arg6[%add3A_136, %dma_wait3A_139] : memref<320000x16xf32, #tpu.memory_space<hbm>> -> memref<125x16xf32, #tpu.memory_space<hbm>>
    tpu.wait_dma2 semaphore(%arg23 : memref<!tpu.dma_semaphore, #tpu.memory_space<semaphore_mem>>) src(%dma_wait3A_140 : memref<125x16xf32, #tpu.memory_space<hbm>>) dst(%arg14 : memref<125x16xf32, #tpu.memory_space<vmem>>)
    %dma_start3A_141 = arith.constant 76 : i32
    %dma_start3A_142 = arith.constant 0 : i32
    %dma_start3A_143 = tpu.memref_slice %arg9[%dma_start3A_141, %dma_start3A_142] : memref<80x125xi32, #tpu.memory_space<vmem>> -> memref<1x125xi32, #tpu.memory_space<vmem>>
    %dma_start3A_144 = tpu.memref_squeeze %dma_start3A_143 : memref<1x125xi32, #tpu.memory_space<vmem>> -> memref<125xi32, #tpu.memory_space<vmem>>
    %dma_start3A_145 = arith.constant 0 : i32
    %dma_start3A_146 = arith.constant 0 : i32
    %dma_start3A_147 = tpu.memref_slice %arg18[%dma_start3A_145, %dma_start3A_146] : memref<10000x16xf32, #tpu.memory_space<vmem_shared>> -> memref<10000x16xf32, #tpu.memory_space<vmem_shared>>
    tpu.enqueue_indirect_dma source(%arg14 : memref<125x16xf32, #tpu.memory_space<vmem>>) target(%dma_start3A_147 : memref<10000x16xf32, #tpu.memory_space<vmem_shared>>) offsets(%dma_start3A_144 : memref<125xi32, #tpu.memory_space<vmem>>) semaphore(%arg31 : memref<!tpu.dma_semaphore, #tpu.memory_space<semaphore_mem>>) {add = true}
    %mul3A_148 = arith.constant 10000 : i32
    %mul3A_149 = arith.muli %add3A, %mul3A_148 : i32
    %add3A_150 = arith.constant 9625 : i32
    %add3A_151 = arith.addi %mul3A_149, %add3A_150 : i32
    %dma_wait3A_152 = arith.constant 0 : i32
    %dma_wait3A_153 = tpu.memref_slice %arg6[%add3A_151, %dma_wait3A_152] : memref<320000x16xf32, #tpu.memory_space<hbm>> -> memref<125x16xf32, #tpu.memory_space<hbm>>
    %dma_wait3A_154 = arith.constant 0 : i32
    %dma_wait3A_155 = tpu.memref_slice %arg6[%add3A_151, %dma_wait3A_154] : memref<320000x16xf32, #tpu.memory_space<hbm>> -> memref<125x16xf32, #tpu.memory_space<hbm>>
    tpu.wait_dma2 semaphore(%arg24 : memref<!tpu.dma_semaphore, #tpu.memory_space<semaphore_mem>>) src(%dma_wait3A_155 : memref<125x16xf32, #tpu.memory_space<hbm>>) dst(%arg15 : memref<125x16xf32, #tpu.memory_space<vmem>>)
    %dma_start3A_156 = arith.constant 77 : i32
    %dma_start3A_157 = arith.constant 0 : i32
    %dma_start3A_158 = tpu.memref_slice %arg9[%dma_start3A_156, %dma_start3A_157] : memref<80x125xi32, #tpu.memory_space<vmem>> -> memref<1x125xi32, #tpu.memory_space<vmem>>
    %dma_start3A_159 = tpu.memref_squeeze %dma_start3A_158 : memref<1x125xi32, #tpu.memory_space<vmem>> -> memref<125xi32, #tpu.memory_space<vmem>>
    %dma_start3A_160 = arith.constant 0 : i32
    %dma_start3A_161 = arith.constant 0 : i32
    %dma_start3A_162 = tpu.memref_slice %arg18[%dma_start3A_160, %dma_start3A_161] : memref<10000x16xf32, #tpu.memory_space<vmem_shared>> -> memref<10000x16xf32, #tpu.memory_space<vmem_shared>>
    tpu.enqueue_indirect_dma source(%arg15 : memref<125x16xf32, #tpu.memory_space<vmem>>) target(%dma_start3A_162 : memref<10000x16xf32, #tpu.memory_space<vmem_shared>>) offsets(%dma_start3A_159 : memref<125xi32, #tpu.memory_space<vmem>>) semaphore(%arg32 : memref<!tpu.dma_semaphore, #tpu.memory_space<semaphore_mem>>) {add = true}
    %mul3A_163 = arith.constant 10000 : i32
    %mul3A_164 = arith.muli %add3A, %mul3A_163 : i32
    %add3A_165 = arith.constant 9750 : i32
    %add3A_166 = arith.addi %mul3A_164, %add3A_165 : i32
    %dma_wait3A_167 = arith.constant 0 : i32
    %dma_wait3A_168 = tpu.memref_slice %arg6[%add3A_166, %dma_wait3A_167] : memref<320000x16xf32, #tpu.memory_space<hbm>> -> memref<125x16xf32, #tpu.memory_space<hbm>>
    %dma_wait3A_169 = arith.constant 0 : i32
    %dma_wait3A_170 = tpu.memref_slice %arg6[%add3A_166, %dma_wait3A_169] : memref<320000x16xf32, #tpu.memory_space<hbm>> -> memref<125x16xf32, #tpu.memory_space<hbm>>
    tpu.wait_dma2 semaphore(%arg25 : memref<!tpu.dma_semaphore, #tpu.memory_space<semaphore_mem>>) src(%dma_wait3A_170 : memref<125x16xf32, #tpu.memory_space<hbm>>) dst(%arg16 : memref<125x16xf32, #tpu.memory_space<vmem>>)
    %dma_start3A_171 = arith.constant 78 : i32
    %dma_start3A_172 = arith.constant 0 : i32
    %dma_start3A_173 = tpu.memref_slice %arg9[%dma_start3A_171, %dma_start3A_172] : memref<80x125xi32, #tpu.memory_space<vmem>> -> memref<1x125xi32, #tpu.memory_space<vmem>>
    %dma_start3A_174 = tpu.memref_squeeze %dma_start3A_173 : memref<1x125xi32, #tpu.memory_space<vmem>> -> memref<125xi32, #tpu.memory_space<vmem>>
    %dma_start3A_175 = arith.constant 0 : i32
    %dma_start3A_176 = arith.constant 0 : i32
    %dma_start3A_177 = tpu.memref_slice %arg18[%dma_start3A_175, %dma_start3A_176] : memref<10000x16xf32, #tpu.memory_space<vmem_shared>> -> memref<10000x16xf32, #tpu.memory_space<vmem_shared>>
    tpu.enqueue_indirect_dma source(%arg16 : memref<125x16xf32, #tpu.memory_space<vmem>>) target(%dma_start3A_177 : memref<10000x16xf32, #tpu.memory_space<vmem_shared>>) offsets(%dma_start3A_174 : memref<125xi32, #tpu.memory_space<vmem>>) semaphore(%arg33 : memref<!tpu.dma_semaphore, #tpu.memory_space<semaphore_mem>>) {add = true}
    %mul3A_178 = arith.constant 10000 : i32
    %mul3A_179 = arith.muli %add3A, %mul3A_178 : i32
    %add3A_180 = arith.constant 9875 : i32
    %add3A_181 = arith.addi %mul3A_179, %add3A_180 : i32
    %dma_wait3A_182 = arith.constant 0 : i32
    %dma_wait3A_183 = tpu.memref_slice %arg6[%add3A_181, %dma_wait3A_182] : memref<320000x16xf32, #tpu.memory_space<hbm>> -> memref<125x16xf32, #tpu.memory_space<hbm>>
    %dma_wait3A_184 = arith.constant 0 : i32
    %dma_wait3A_185 = tpu.memref_slice %arg6[%add3A_181, %dma_wait3A_184] : memref<320000x16xf32, #tpu.memory_space<hbm>> -> memref<125x16xf32, #tpu.memory_space<hbm>>
    tpu.wait_dma2 semaphore(%arg26 : memref<!tpu.dma_semaphore, #tpu.memory_space<semaphore_mem>>) src(%dma_wait3A_185 : memref<125x16xf32, #tpu.memory_space<hbm>>) dst(%arg17 : memref<125x16xf32, #tpu.memory_space<vmem>>)
    %dma_start3A_186 = arith.constant 79 : i32
    %dma_start3A_187 = arith.constant 0 : i32
    %dma_start3A_188 = tpu.memref_slice %arg9[%dma_start3A_186, %dma_start3A_187] : memref<80x125xi32, #tpu.memory_space<vmem>> -> memref<1x125xi32, #tpu.memory_space<vmem>>
    %dma_start3A_189 = tpu.memref_squeeze %dma_start3A_188 : memref<1x125xi32, #tpu.memory_space<vmem>> -> memref<125xi32, #tpu.memory_space<vmem>>
    %dma_start3A_190 = arith.constant 0 : i32
    %dma_start3A_191 = arith.constant 0 : i32
    %dma_start3A_192 = tpu.memref_slice %arg18[%dma_start3A_190, %dma_start3A_191] : memref<10000x16xf32, #tpu.memory_space<vmem_shared>> -> memref<10000x16xf32, #tpu.memory_space<vmem_shared>>
    tpu.enqueue_indirect_dma source(%arg17 : memref<125x16xf32, #tpu.memory_space<vmem>>) target(%dma_start3A_192 : memref<10000x16xf32, #tpu.memory_space<vmem_shared>>) offsets(%dma_start3A_189 : memref<125xi32, #tpu.memory_space<vmem>>) semaphore(%arg34 : memref<!tpu.dma_semaphore, #tpu.memory_space<semaphore_mem>>) {add = true}
    %dma_wait3A_193 = arith.constant 72 : i32
    %dma_wait3A_194 = arith.constant 0 : i32
    %dma_wait3A_195 = tpu.memref_slice %arg9[%dma_wait3A_193, %dma_wait3A_194] : memref<80x125xi32, #tpu.memory_space<vmem>> -> memref<1x125xi32, #tpu.memory_space<vmem>>
    %dma_wait3A_196 = tpu.memref_squeeze %dma_wait3A_195 : memref<1x125xi32, #tpu.memory_space<vmem>> -> memref<125xi32, #tpu.memory_space<vmem>>
    %dma_wait3A_197 = arith.constant 0 : i32
    %dma_wait3A_198 = arith.constant 0 : i32
    %dma_wait3A_199 = tpu.memref_slice %arg18[%dma_wait3A_197, %dma_wait3A_198] : memref<10000x16xf32, #tpu.memory_space<vmem_shared>> -> memref<10000x16xf32, #tpu.memory_space<vmem_shared>>
    tpu.wait_indirect_dma semaphore(%arg27 : memref<!tpu.dma_semaphore, #tpu.memory_space<semaphore_mem>>) src(%arg10 : memref<125x16xf32, #tpu.memory_space<vmem>>) dst(%dma_wait3A_199 : memref<10000x16xf32, #tpu.memory_space<vmem_shared>>)
    %dma_wait3A_200 = arith.constant 73 : i32
    %dma_wait3A_201 = arith.constant 0 : i32
    %dma_wait3A_202 = tpu.memref_slice %arg9[%dma_wait3A_200, %dma_wait3A_201] : memref<80x125xi32, #tpu.memory_space<vmem>> -> memref<1x125xi32, #tpu.memory_space<vmem>>
    %dma_wait3A_203 = tpu.memref_squeeze %dma_wait3A_202 : memref<1x125xi32, #tpu.memory_space<vmem>> -> memref<125xi32, #tpu.memory_space<vmem>>
    %dma_wait3A_204 = arith.constant 0 : i32
    %dma_wait3A_205 = arith.constant 0 : i32
    %dma_wait3A_206 = tpu.memref_slice %arg18[%dma_wait3A_204, %dma_wait3A_205] : memref<10000x16xf32, #tpu.memory_space<vmem_shared>> -> memref<10000x16xf32, #tpu.memory_space<vmem_shared>>
    tpu.wait_indirect_dma semaphore(%arg28 : memref<!tpu.dma_semaphore, #tpu.memory_space<semaphore_mem>>) src(%arg11 : memref<125x16xf32, #tpu.memory_space<vmem>>) dst(%dma_wait3A_206 : memref<10000x16xf32, #tpu.memory_space<vmem_shared>>)
    %dma_wait3A_207 = arith.constant 74 : i32
    %dma_wait3A_208 = arith.constant 0 : i32
    %dma_wait3A_209 = tpu.memref_slice %arg9[%dma_wait3A_207, %dma_wait3A_208] : memref<80x125xi32, #tpu.memory_space<vmem>> -> memref<1x125xi32, #tpu.memory_space<vmem>>
    %dma_wait3A_210 = tpu.memref_squeeze %dma_wait3A_209 : memref<1x125xi32, #tpu.memory_space<vmem>> -> memref<125xi32, #tpu.memory_space<vmem>>
    %dma_wait3A_211 = arith.constant 0 : i32
    %dma_wait3A_212 = arith.constant 0 : i32
    %dma_wait3A_213 = tpu.memref_slice %arg18[%dma_wait3A_211, %dma_wait3A_212] : memref<10000x16xf32, #tpu.memory_space<vmem_shared>> -> memref<10000x16xf32, #tpu.memory_space<vmem_shared>>
    tpu.wait_indirect_dma semaphore(%arg29 : memref<!tpu.dma_semaphore, #tpu.memory_space<semaphore_mem>>) src(%arg12 : memref<125x16xf32, #tpu.memory_space<vmem>>) dst(%dma_wait3A_213 : memref<10000x16xf32, #tpu.memory_space<vmem_shared>>)
    %dma_wait3A_214 = arith.constant 75 : i32
    %dma_wait3A_215 = arith.constant 0 : i32
    %dma_wait3A_216 = tpu.memref_slice %arg9[%dma_wait3A_214, %dma_wait3A_215] : memref<80x125xi32, #tpu.memory_space<vmem>> -> memref<1x125xi32, #tpu.memory_space<vmem>>
    %dma_wait3A_217 = tpu.memref_squeeze %dma_wait3A_216 : memref<1x125xi32, #tpu.memory_space<vmem>> -> memref<125xi32, #tpu.memory_space<vmem>>
    %dma_wait3A_218 = arith.constant 0 : i32
    %dma_wait3A_219 = arith.constant 0 : i32
    %dma_wait3A_220 = tpu.memref_slice %arg18[%dma_wait3A_218, %dma_wait3A_219] : memref<10000x16xf32, #tpu.memory_space<vmem_shared>> -> memref<10000x16xf32, #tpu.memory_space<vmem_shared>>
    tpu.wait_indirect_dma semaphore(%arg30 : memref<!tpu.dma_semaphore, #tpu.memory_space<semaphore_mem>>) src(%arg13 : memref<125x16xf32, #tpu.memory_space<vmem>>) dst(%dma_wait3A_220 : memref<10000x16xf32, #tpu.memory_space<vmem_shared>>)
    %dma_wait3A_221 = arith.constant 76 : i32
    %dma_wait3A_222 = arith.constant 0 : i32
    %dma_wait3A_223 = tpu.memref_slice %arg9[%dma_wait3A_221, %dma_wait3A_222] : memref<80x125xi32, #tpu.memory_space<vmem>> -> memref<1x125xi32, #tpu.memory_space<vmem>>
    %dma_wait3A_224 = tpu.memref_squeeze %dma_wait3A_223 : memref<1x125xi32, #tpu.memory_space<vmem>> -> memref<125xi32, #tpu.memory_space<vmem>>
    %dma_wait3A_225 = arith.constant 0 : i32
    %dma_wait3A_226 = arith.constant 0 : i32
    %dma_wait3A_227 = tpu.memref_slice %arg18[%dma_wait3A_225, %dma_wait3A_226] : memref<10000x16xf32, #tpu.memory_space<vmem_shared>> -> memref<10000x16xf32, #tpu.memory_space<vmem_shared>>
    tpu.wait_indirect_dma semaphore(%arg31 : memref<!tpu.dma_semaphore, #tpu.memory_space<semaphore_mem>>) src(%arg14 : memref<125x16xf32, #tpu.memory_space<vmem>>) dst(%dma_wait3A_227 : memref<10000x16xf32, #tpu.memory_space<vmem_shared>>)
    %dma_wait3A_228 = arith.constant 77 : i32
    %dma_wait3A_229 = arith.constant 0 : i32
    %dma_wait3A_230 = tpu.memref_slice %arg9[%dma_wait3A_228, %dma_wait3A_229] : memref<80x125xi32, #tpu.memory_space<vmem>> -> memref<1x125xi32, #tpu.memory_space<vmem>>
    %dma_wait3A_231 = tpu.memref_squeeze %dma_wait3A_230 : memref<1x125xi32, #tpu.memory_space<vmem>> -> memref<125xi32, #tpu.memory_space<vmem>>
    %dma_wait3A_232 = arith.constant 0 : i32
    %dma_wait3A_233 = arith.constant 0 : i32
    %dma_wait3A_234 = tpu.memref_slice %arg18[%dma_wait3A_232, %dma_wait3A_233] : memref<10000x16xf32, #tpu.memory_space<vmem_shared>> -> memref<10000x16xf32, #tpu.memory_space<vmem_shared>>
    tpu.wait_indirect_dma semaphore(%arg32 : memref<!tpu.dma_semaphore, #tpu.memory_space<semaphore_mem>>) src(%arg15 : memref<125x16xf32, #tpu.memory_space<vmem>>) dst(%dma_wait3A_234 : memref<10000x16xf32, #tpu.memory_space<vmem_shared>>)
    %dma_wait3A_235 = arith.constant 78 : i32
    %dma_wait3A_236 = arith.constant 0 : i32
    %dma_wait3A_237 = tpu.memref_slice %arg9[%dma_wait3A_235, %dma_wait3A_236] : memref<80x125xi32, #tpu.memory_space<vmem>> -> memref<1x125xi32, #tpu.memory_space<vmem>>
    %dma_wait3A_238 = tpu.memref_squeeze %dma_wait3A_237 : memref<1x125xi32, #tpu.memory_space<vmem>> -> memref<125xi32, #tpu.memory_space<vmem>>
    %dma_wait3A_239 = arith.constant 0 : i32
    %dma_wait3A_240 = arith.constant 0 : i32
    %dma_wait3A_241 = tpu.memref_slice %arg18[%dma_wait3A_239, %dma_wait3A_240] : memref<10000x16xf32, #tpu.memory_space<vmem_shared>> -> memref<10000x16xf32, #tpu.memory_space<vmem_shared>>
    tpu.wait_indirect_dma semaphore(%arg33 : memref<!tpu.dma_semaphore, #tpu.memory_space<semaphore_mem>>) src(%arg16 : memref<125x16xf32, #tpu.memory_space<vmem>>) dst(%dma_wait3A_241 : memref<10000x16xf32, #tpu.memory_space<vmem_shared>>)
    %dma_wait3A_242 = arith.constant 79 : i32
    %dma_wait3A_243 = arith.constant 0 : i32
    %dma_wait3A_244 = tpu.memref_slice %arg9[%dma_wait3A_242, %dma_wait3A_243] : memref<80x125xi32, #tpu.memory_space<vmem>> -> memref<1x125xi32, #tpu.memory_space<vmem>>
    %dma_wait3A_245 = tpu.memref_squeeze %dma_wait3A_244 : memref<1x125xi32, #tpu.memory_space<vmem>> -> memref<125xi32, #tpu.memory_space<vmem>>
    %dma_wait3A_246 = arith.constant 0 : i32
    %dma_wait3A_247 = arith.constant 0 : i32
    %dma_wait3A_248 = tpu.memref_slice %arg18[%dma_wait3A_246, %dma_wait3A_247] : memref<10000x16xf32, #tpu.memory_space<vmem_shared>> -> memref<10000x16xf32, #tpu.memory_space<vmem_shared>>
    tpu.wait_indirect_dma semaphore(%arg34 : memref<!tpu.dma_semaphore, #tpu.memory_space<semaphore_mem>>) src(%arg17 : memref<125x16xf32, #tpu.memory_space<vmem>>) dst(%dma_wait3A_248 : memref<10000x16xf32, #tpu.memory_space<vmem_shared>>)
    %barrier3A_249 = arith.constant 0 : index
    tpu.barrier barrier_id(%barrier3A_249)
    %lt3A_250 = arith.constant 15 : i32
    %lt3A_251 = arith.cmpi slt, %arg1, %lt3A_250 : i32
    %convert_element_type3A_252 = arith.extui %lt3A_251 : i1 to i32
    %cond3A_253 = arith.constant 0 : i32
    %cond3A_254 = arith.cmpi ne, %convert_element_type3A_252, %cond3A_253 : i32
    scf.if %cond3A_254 {
      %mul3A_260 = arith.constant 640 : i32
      %mul3A_261 = arith.muli %arg1, %mul3A_260 : i32
      "tpu.region"() ({
        %run_scoped3A = tpu.sem_alloc : memref<!tpu.dma_semaphore, #tpu.memory_space<semaphore_mem>>
        %dma_start3A_262 = arith.constant 0 : i32
        %dma_start3A_263 = arith.constant 0 : i32
        %dma_start3A_264 = tpu.memref_slice %arg7[%arg0, %dma_start3A_262, %dma_start3A_263] : memref<2x10000x16xf32, #tpu.memory_space<hbm>> -> memref<1x10000x16xf32, #tpu.memory_space<hbm>>
        %dma_start3A_265 = tpu.memref_squeeze %dma_start3A_264 : memref<1x10000x16xf32, #tpu.memory_space<hbm>> -> memref<10000x16xf32, #tpu.memory_space<hbm>>
        %dma_start3A_266 = arith.constant 0 : i32
        %dma_start3A_267 = tpu.memref_slice %dma_start3A_265[%mul3A_261, %dma_start3A_266] : memref<10000x16xf32, #tpu.memory_space<hbm>> -> memref<640x16xf32, #tpu.memory_space<hbm>>
        %dma_start3A_268 = arith.constant 0 : i32
        %dma_start3A_269 = tpu.memref_slice %arg18[%mul3A_261, %dma_start3A_268] : memref<10000x16xf32, #tpu.memory_space<vmem_shared>> -> memref<640x16xf32, #tpu.memory_space<vmem_shared>>
        tpu.enqueue_dma source(%dma_start3A_269 : memref<640x16xf32, #tpu.memory_space<vmem_shared>>) target(%dma_start3A_267 : memref<640x16xf32, #tpu.memory_space<hbm>>) target_semaphore(%run_scoped3A : memref<!tpu.dma_semaphore, #tpu.memory_space<semaphore_mem>>)
        %dma_wait3A_270 = arith.constant 0 : i32
        %dma_wait3A_271 = arith.constant 0 : i32
        %dma_wait3A_272 = tpu.memref_slice %arg7[%arg0, %dma_wait3A_270, %dma_wait3A_271] : memref<2x10000x16xf32, #tpu.memory_space<hbm>> -> memref<1x10000x16xf32, #tpu.memory_space<hbm>>
        %dma_wait3A_273 = tpu.memref_squeeze %dma_wait3A_272 : memref<1x10000x16xf32, #tpu.memory_space<hbm>> -> memref<10000x16xf32, #tpu.memory_space<hbm>>
        %dma_wait3A_274 = arith.constant 0 : i32
        %dma_wait3A_275 = tpu.memref_slice %dma_wait3A_273[%mul3A_261, %dma_wait3A_274] : memref<10000x16xf32, #tpu.memory_space<hbm>> -> memref<640x16xf32, #tpu.memory_space<hbm>>
        %dma_wait3A_276 = arith.constant 0 : i32
        %dma_wait3A_277 = tpu.memref_slice %arg18[%mul3A_261, %dma_wait3A_276] : memref<10000x16xf32, #tpu.memory_space<vmem_shared>> -> memref<640x16xf32, #tpu.memory_space<vmem_shared>>
        tpu.wait_dma2 semaphore(%run_scoped3A : memref<!tpu.dma_semaphore, #tpu.memory_space<semaphore_mem>>) src(%dma_wait3A_277 : memref<640x16xf32, #tpu.memory_space<vmem_shared>>) dst(%dma_wait3A_275 : memref<640x16xf32, #tpu.memory_space<hbm>>)
        tpu.yield
      }) : () -> ()
    } else {
    }
    %eq3A_255 = arith.constant 15 : i32
    %eq3A_256 = arith.cmpi eq, %arg1, %eq3A_255 : i32
    %convert_element_type3A_257 = arith.extui %eq3A_256 : i1 to i32
    %cond3A_258 = arith.constant 0 : i32
    %cond3A_259 = arith.cmpi ne, %convert_element_type3A_257, %cond3A_258 : i32
    scf.if %cond3A_259 {
      "tpu.region"() ({
        %run_scoped3A = tpu.sem_alloc : memref<!tpu.dma_semaphore, #tpu.memory_space<semaphore_mem>>
        %dma_start3A_260 = arith.constant 0 : i32
        %dma_start3A_261 = arith.constant 0 : i32
        %dma_start3A_262 = tpu.memref_slice %arg7[%arg0, %dma_start3A_260, %dma_start3A_261] : memref<2x10000x16xf32, #tpu.memory_space<hbm>> -> memref<1x10000x16xf32, #tpu.memory_space<hbm>>
        %dma_start3A_263 = tpu.memref_squeeze %dma_start3A_262 : memref<1x10000x16xf32, #tpu.memory_space<hbm>> -> memref<10000x16xf32, #tpu.memory_space<hbm>>
        %dma_start3A_264 = arith.constant 9600 : i32
        %dma_start3A_265 = arith.constant 0 : i32
        %dma_start3A_266 = tpu.memref_slice %dma_start3A_263[%dma_start3A_264, %dma_start3A_265] : memref<10000x16xf32, #tpu.memory_space<hbm>> -> memref<400x16xf32, #tpu.memory_space<hbm>>
        %dma_start3A_267 = arith.constant 9600 : i32
        %dma_start3A_268 = arith.constant 0 : i32
        %dma_start3A_269 = tpu.memref_slice %arg18[%dma_start3A_267, %dma_start3A_268] : memref<10000x16xf32, #tpu.memory_space<vmem_shared>> -> memref<400x16xf32, #tpu.memory_space<vmem_shared>>
        tpu.enqueue_dma source(%dma_start3A_269 : memref<400x16xf32, #tpu.memory_space<vmem_shared>>) target(%dma_start3A_266 : memref<400x16xf32, #tpu.memory_space<hbm>>) target_semaphore(%run_scoped3A : memref<!tpu.dma_semaphore, #tpu.memory_space<semaphore_mem>>)
        %dma_wait3A_270 = arith.constant 0 : i32
        %dma_wait3A_271 = arith.constant 0 : i32
        %dma_wait3A_272 = tpu.memref_slice %arg7[%arg0, %dma_wait3A_270, %dma_wait3A_271] : memref<2x10000x16xf32, #tpu.memory_space<hbm>> -> memref<1x10000x16xf32, #tpu.memory_space<hbm>>
        %dma_wait3A_273 = tpu.memref_squeeze %dma_wait3A_272 : memref<1x10000x16xf32, #tpu.memory_space<hbm>> -> memref<10000x16xf32, #tpu.memory_space<hbm>>
        %dma_wait3A_274 = arith.constant 9600 : i32
        %dma_wait3A_275 = arith.constant 0 : i32
        %dma_wait3A_276 = tpu.memref_slice %dma_wait3A_273[%dma_wait3A_274, %dma_wait3A_275] : memref<10000x16xf32, #tpu.memory_space<hbm>> -> memref<400x16xf32, #tpu.memory_space<hbm>>
        %dma_wait3A_277 = arith.constant 9600 : i32
        %dma_wait3A_278 = arith.constant 0 : i32
        %dma_wait3A_279 = tpu.memref_slice %arg18[%dma_wait3A_277, %dma_wait3A_278] : memref<10000x16xf32, #tpu.memory_space<vmem_shared>> -> memref<400x16xf32, #tpu.memory_space<vmem_shared>>
        tpu.wait_dma2 semaphore(%run_scoped3A : memref<!tpu.dma_semaphore, #tpu.memory_space<semaphore_mem>>) src(%dma_wait3A_279 : memref<400x16xf32, #tpu.memory_space<vmem_shared>>) dst(%dma_wait3A_276 : memref<400x16xf32, #tpu.memory_space<hbm>>)
        tpu.yield
      }) : () -> ()
    } else {
    }
    return
  }
}

#map = affine_map<(d0, d1) -> (0, 0)>
#map1 = affine_map<(d0, d1) -> (0, 0, 0)>
module attributes {stable_mosaic.version = 14 : i64} {
  func.func @sc_kernel(%arg0: i32, %arg1: i32, %arg2: memref<10000x64xf32, #tpu.memory_space<hbm>>, %arg3: memref<32x80x125xi32, #tpu.memory_space<hbm>>, %arg4: memref<32x80x125xi32, #tpu.memory_space<hbm>>, %arg5: memref<10000x64xf32, #tpu.memory_space<hbm>>, %arg6: memref<8x16xf32, #tpu.memory_space<hbm>>, %arg7: memref<2x10000x64xf32, #tpu.memory_space<hbm>>, %arg8: memref<80x125xi32, #tpu.memory_space<vmem>>, %arg9: memref<80x125xi32, #tpu.memory_space<vmem>>, %arg10: memref<125x64xf32, #tpu.memory_space<vmem>>, %arg11: memref<125x64xf32, #tpu.memory_space<vmem>>, %arg12: memref<125x64xf32, #tpu.memory_space<vmem>>, %arg13: memref<125x64xf32, #tpu.memory_space<vmem>>, %arg14: memref<125x64xf32, #tpu.memory_space<vmem>>, %arg15: memref<125x64xf32, #tpu.memory_space<vmem>>, %arg16: memref<125x64xf32, #tpu.memory_space<vmem>>, %arg17: memref<125x64xf32, #tpu.memory_space<vmem>>, %arg18: memref<10000x64xf32, #tpu.memory_space<vmem_shared>>, %arg19: memref<!tpu.dma_semaphore, #tpu.memory_space<semaphore_mem>>, %arg20: memref<!tpu.dma_semaphore, #tpu.memory_space<semaphore_mem>>, %arg21: memref<!tpu.dma_semaphore, #tpu.memory_space<semaphore_mem>>, %arg22: memref<!tpu.dma_semaphore, #tpu.memory_space<semaphore_mem>>, %arg23: memref<!tpu.dma_semaphore, #tpu.memory_space<semaphore_mem>>, %arg24: memref<!tpu.dma_semaphore, #tpu.memory_space<semaphore_mem>>, %arg25: memref<!tpu.dma_semaphore, #tpu.memory_space<semaphore_mem>>, %arg26: memref<!tpu.dma_semaphore, #tpu.memory_space<semaphore_mem>>, %arg27: memref<!tpu.dma_semaphore, #tpu.memory_space<semaphore_mem>>, %arg28: memref<!tpu.dma_semaphore, #tpu.memory_space<semaphore_mem>>, %arg29: memref<!tpu.dma_semaphore, #tpu.memory_space<semaphore_mem>>, %arg30: memref<!tpu.dma_semaphore, #tpu.memory_space<semaphore_mem>>, %arg31: memref<!tpu.dma_semaphore, #tpu.memory_space<semaphore_mem>>, %arg32: memref<!tpu.dma_semaphore, #tpu.memory_space<semaphore_mem>>, %arg33: memref<!tpu.dma_semaphore, #tpu.memory_space<semaphore_mem>>, %arg34: memref<!tpu.dma_semaphore, #tpu.memory_space<semaphore_mem>>) attributes {dimension_semantics = [#tpu.dimension_semantics<core_parallel>, #tpu.dimension_semantics<subcore_parallel>], iteration_bounds = array<i64: 2, 16>, scalar_prefetch = 0 : i64, scratch_operands = 27 : i64, tpu.core_type = #tpu.core_type<sc_vector_subcore>, window_params = [{transform_indices = #map}, {transform_indices = #map1}, {transform_indices = #map1}, {transform_indices = #map}, {transform_indices = #map}, {transform_indices = #map1}]} {
    %mul3A = arith.constant 2 : i32
    %mul3A_0 = arith.muli %arg1, %mul3A : i32
    %add3A = arith.addi %mul3A_0, %arg0 : i32
    %lt3A = arith.constant 15 : i32
    %lt3A_1 = arith.cmpi slt, %arg1, %lt3A : i32
    %convert_element_type3A = arith.extui %lt3A_1 : i1 to i32
    %cond3A = arith.constant 0 : i32
    %cond3A_2 = arith.cmpi ne, %convert_element_type3A, %cond3A : i32
    scf.if %cond3A_2 {
      %mul3A_244 = arith.constant 640 : i32
      %mul3A_245 = arith.muli %arg1, %mul3A_244 : i32
      "tpu.region"() ({
        %run_scoped3A = tpu.sem_alloc : memref<!tpu.dma_semaphore, #tpu.memory_space<semaphore_mem>>
        %dma_start3A_246 = arith.constant 0 : i32
        %dma_start3A_247 = tpu.memref_slice %arg18[%mul3A_245, %dma_start3A_246] : memref<10000x64xf32, #tpu.memory_space<vmem_shared>> -> memref<640x64xf32, #tpu.memory_space<vmem_shared>>
        %dma_start3A_248 = arith.constant 0 : i32
        %dma_start3A_249 = tpu.memref_slice %arg5[%mul3A_245, %dma_start3A_248] : memref<10000x64xf32, #tpu.memory_space<hbm>> -> memref<640x64xf32, #tpu.memory_space<hbm>>
        tpu.enqueue_dma source(%dma_start3A_249 : memref<640x64xf32, #tpu.memory_space<hbm>>) target(%dma_start3A_247 : memref<640x64xf32, #tpu.memory_space<vmem_shared>>) target_semaphore(%run_scoped3A : memref<!tpu.dma_semaphore, #tpu.memory_space<semaphore_mem>>)
        %dma_wait3A_250 = arith.constant 0 : i32
        %dma_wait3A_251 = tpu.memref_slice %arg18[%mul3A_245, %dma_wait3A_250] : memref<10000x64xf32, #tpu.memory_space<vmem_shared>> -> memref<640x64xf32, #tpu.memory_space<vmem_shared>>
        %dma_wait3A_252 = arith.constant 0 : i32
        %dma_wait3A_253 = tpu.memref_slice %arg5[%mul3A_245, %dma_wait3A_252] : memref<10000x64xf32, #tpu.memory_space<hbm>> -> memref<640x64xf32, #tpu.memory_space<hbm>>
        tpu.wait_dma2 semaphore(%run_scoped3A : memref<!tpu.dma_semaphore, #tpu.memory_space<semaphore_mem>>) src(%dma_wait3A_253 : memref<640x64xf32, #tpu.memory_space<hbm>>) dst(%dma_wait3A_251 : memref<640x64xf32, #tpu.memory_space<vmem_shared>>)
        tpu.yield
      }) : () -> ()
    } else {
    }
    %eq3A = arith.constant 15 : i32
    %eq3A_3 = arith.cmpi eq, %arg1, %eq3A : i32
    %convert_element_type3A_4 = arith.extui %eq3A_3 : i1 to i32
    %cond3A_5 = arith.constant 0 : i32
    %cond3A_6 = arith.cmpi ne, %convert_element_type3A_4, %cond3A_5 : i32
    scf.if %cond3A_6 {
      "tpu.region"() ({
        %run_scoped3A = tpu.sem_alloc : memref<!tpu.dma_semaphore, #tpu.memory_space<semaphore_mem>>
        %dma_start3A_244 = arith.constant 9600 : i32
        %dma_start3A_245 = arith.constant 0 : i32
        %dma_start3A_246 = tpu.memref_slice %arg18[%dma_start3A_244, %dma_start3A_245] : memref<10000x64xf32, #tpu.memory_space<vmem_shared>> -> memref<400x64xf32, #tpu.memory_space<vmem_shared>>
        %dma_start3A_247 = arith.constant 9600 : i32
        %dma_start3A_248 = arith.constant 0 : i32
        %dma_start3A_249 = tpu.memref_slice %arg5[%dma_start3A_247, %dma_start3A_248] : memref<10000x64xf32, #tpu.memory_space<hbm>> -> memref<400x64xf32, #tpu.memory_space<hbm>>
        tpu.enqueue_dma source(%dma_start3A_249 : memref<400x64xf32, #tpu.memory_space<hbm>>) target(%dma_start3A_246 : memref<400x64xf32, #tpu.memory_space<vmem_shared>>) target_semaphore(%run_scoped3A : memref<!tpu.dma_semaphore, #tpu.memory_space<semaphore_mem>>)
        %dma_wait3A_250 = arith.constant 9600 : i32
        %dma_wait3A_251 = arith.constant 0 : i32
        %dma_wait3A_252 = tpu.memref_slice %arg18[%dma_wait3A_250, %dma_wait3A_251] : memref<10000x64xf32, #tpu.memory_space<vmem_shared>> -> memref<400x64xf32, #tpu.memory_space<vmem_shared>>
        %dma_wait3A_253 = arith.constant 9600 : i32
        %dma_wait3A_254 = arith.constant 0 : i32
        %dma_wait3A_255 = tpu.memref_slice %arg5[%dma_wait3A_253, %dma_wait3A_254] : memref<10000x64xf32, #tpu.memory_space<hbm>> -> memref<400x64xf32, #tpu.memory_space<hbm>>
        tpu.wait_dma2 semaphore(%run_scoped3A : memref<!tpu.dma_semaphore, #tpu.memory_space<semaphore_mem>>) src(%dma_wait3A_255 : memref<400x64xf32, #tpu.memory_space<hbm>>) dst(%dma_wait3A_252 : memref<400x64xf32, #tpu.memory_space<vmem_shared>>)
        tpu.yield
      }) : () -> ()
    } else {
    }
    "tpu.region"() ({
      %run_scoped3A = tpu.sem_alloc : memref<!tpu.dma_semaphore, #tpu.memory_space<semaphore_mem>>
      %dma_start3A_244 = arith.constant 0 : i32
      %dma_start3A_245 = arith.constant 0 : i32
      %dma_start3A_246 = tpu.memref_slice %arg3[%add3A, %dma_start3A_244, %dma_start3A_245] : memref<32x80x125xi32, #tpu.memory_space<hbm>> -> memref<1x80x125xi32, #tpu.memory_space<hbm>>
      %dma_start3A_247 = tpu.memref_squeeze %dma_start3A_246 : memref<1x80x125xi32, #tpu.memory_space<hbm>> -> memref<80x125xi32, #tpu.memory_space<hbm>>
      %dma_start3A_248 = arith.constant 0 : i32
      %dma_start3A_249 = arith.constant 0 : i32
      %dma_start3A_250 = tpu.memref_slice %arg3[%add3A, %dma_start3A_248, %dma_start3A_249] : memref<32x80x125xi32, #tpu.memory_space<hbm>> -> memref<1x80x125xi32, #tpu.memory_space<hbm>>
      %dma_start3A_251 = tpu.memref_squeeze %dma_start3A_250 : memref<1x80x125xi32, #tpu.memory_space<hbm>> -> memref<80x125xi32, #tpu.memory_space<hbm>>
      tpu.enqueue_dma source(%dma_start3A_251 : memref<80x125xi32, #tpu.memory_space<hbm>>) target(%arg8 : memref<80x125xi32, #tpu.memory_space<vmem>>) target_semaphore(%run_scoped3A : memref<!tpu.dma_semaphore, #tpu.memory_space<semaphore_mem>>)
      %dma_wait3A_252 = arith.constant 0 : i32
      %dma_wait3A_253 = arith.constant 0 : i32
      %dma_wait3A_254 = tpu.memref_slice %arg3[%add3A, %dma_wait3A_252, %dma_wait3A_253] : memref<32x80x125xi32, #tpu.memory_space<hbm>> -> memref<1x80x125xi32, #tpu.memory_space<hbm>>
      %dma_wait3A_255 = tpu.memref_squeeze %dma_wait3A_254 : memref<1x80x125xi32, #tpu.memory_space<hbm>> -> memref<80x125xi32, #tpu.memory_space<hbm>>
      %dma_wait3A_256 = arith.constant 0 : i32
      %dma_wait3A_257 = arith.constant 0 : i32
      %dma_wait3A_258 = tpu.memref_slice %arg3[%add3A, %dma_wait3A_256, %dma_wait3A_257] : memref<32x80x125xi32, #tpu.memory_space<hbm>> -> memref<1x80x125xi32, #tpu.memory_space<hbm>>
      %dma_wait3A_259 = tpu.memref_squeeze %dma_wait3A_258 : memref<1x80x125xi32, #tpu.memory_space<hbm>> -> memref<80x125xi32, #tpu.memory_space<hbm>>
      tpu.wait_dma2 semaphore(%run_scoped3A : memref<!tpu.dma_semaphore, #tpu.memory_space<semaphore_mem>>) src(%dma_wait3A_259 : memref<80x125xi32, #tpu.memory_space<hbm>>) dst(%arg8 : memref<80x125xi32, #tpu.memory_space<vmem>>)
      tpu.yield
    }) : () -> ()
    "tpu.region"() ({
      %run_scoped3A = tpu.sem_alloc : memref<!tpu.dma_semaphore, #tpu.memory_space<semaphore_mem>>
      %dma_start3A_244 = arith.constant 0 : i32
      %dma_start3A_245 = arith.constant 0 : i32
      %dma_start3A_246 = tpu.memref_slice %arg4[%add3A, %dma_start3A_244, %dma_start3A_245] : memref<32x80x125xi32, #tpu.memory_space<hbm>> -> memref<1x80x125xi32, #tpu.memory_space<hbm>>
      %dma_start3A_247 = tpu.memref_squeeze %dma_start3A_246 : memref<1x80x125xi32, #tpu.memory_space<hbm>> -> memref<80x125xi32, #tpu.memory_space<hbm>>
      %dma_start3A_248 = arith.constant 0 : i32
      %dma_start3A_249 = arith.constant 0 : i32
      %dma_start3A_250 = tpu.memref_slice %arg4[%add3A, %dma_start3A_248, %dma_start3A_249] : memref<32x80x125xi32, #tpu.memory_space<hbm>> -> memref<1x80x125xi32, #tpu.memory_space<hbm>>
      %dma_start3A_251 = tpu.memref_squeeze %dma_start3A_250 : memref<1x80x125xi32, #tpu.memory_space<hbm>> -> memref<80x125xi32, #tpu.memory_space<hbm>>
      tpu.enqueue_dma source(%dma_start3A_251 : memref<80x125xi32, #tpu.memory_space<hbm>>) target(%arg9 : memref<80x125xi32, #tpu.memory_space<vmem>>) target_semaphore(%run_scoped3A : memref<!tpu.dma_semaphore, #tpu.memory_space<semaphore_mem>>)
      %dma_wait3A_252 = arith.constant 0 : i32
      %dma_wait3A_253 = arith.constant 0 : i32
      %dma_wait3A_254 = tpu.memref_slice %arg4[%add3A, %dma_wait3A_252, %dma_wait3A_253] : memref<32x80x125xi32, #tpu.memory_space<hbm>> -> memref<1x80x125xi32, #tpu.memory_space<hbm>>
      %dma_wait3A_255 = tpu.memref_squeeze %dma_wait3A_254 : memref<1x80x125xi32, #tpu.memory_space<hbm>> -> memref<80x125xi32, #tpu.memory_space<hbm>>
      %dma_wait3A_256 = arith.constant 0 : i32
      %dma_wait3A_257 = arith.constant 0 : i32
      %dma_wait3A_258 = tpu.memref_slice %arg4[%add3A, %dma_wait3A_256, %dma_wait3A_257] : memref<32x80x125xi32, #tpu.memory_space<hbm>> -> memref<1x80x125xi32, #tpu.memory_space<hbm>>
      %dma_wait3A_259 = tpu.memref_squeeze %dma_wait3A_258 : memref<1x80x125xi32, #tpu.memory_space<hbm>> -> memref<80x125xi32, #tpu.memory_space<hbm>>
      tpu.wait_dma2 semaphore(%run_scoped3A : memref<!tpu.dma_semaphore, #tpu.memory_space<semaphore_mem>>) src(%dma_wait3A_259 : memref<80x125xi32, #tpu.memory_space<hbm>>) dst(%arg9 : memref<80x125xi32, #tpu.memory_space<vmem>>)
      tpu.yield
    }) : () -> ()
    %barrier3A = arith.constant 0 : index
    tpu.barrier barrier_id(%barrier3A)
    %dma_start3A = arith.constant 0 : i32
    %dma_start3A_7 = arith.constant 0 : i32
    %dma_start3A_8 = tpu.memref_slice %arg8[%dma_start3A, %dma_start3A_7] : memref<80x125xi32, #tpu.memory_space<vmem>> -> memref<1x125xi32, #tpu.memory_space<vmem>>
    %dma_start3A_9 = tpu.memref_squeeze %dma_start3A_8 : memref<1x125xi32, #tpu.memory_space<vmem>> -> memref<125xi32, #tpu.memory_space<vmem>>
    %dma_start3A_10 = arith.constant 0 : i32
    %dma_start3A_11 = arith.constant 0 : i32
    %dma_start3A_12 = tpu.memref_slice %arg2[%dma_start3A_10, %dma_start3A_11] : memref<10000x64xf32, #tpu.memory_space<hbm>> -> memref<10000x64xf32, #tpu.memory_space<hbm>>
    tpu.enqueue_indirect_dma source(%dma_start3A_12 : memref<10000x64xf32, #tpu.memory_space<hbm>>) target(%arg10 : memref<125x64xf32, #tpu.memory_space<vmem>>) offsets(%dma_start3A_9 : memref<125xi32, #tpu.memory_space<vmem>>) semaphore(%arg19 : memref<!tpu.dma_semaphore, #tpu.memory_space<semaphore_mem>>)
    %dma_start3A_13 = arith.constant 1 : i32
    %dma_start3A_14 = arith.constant 0 : i32
    %dma_start3A_15 = tpu.memref_slice %arg8[%dma_start3A_13, %dma_start3A_14] : memref<80x125xi32, #tpu.memory_space<vmem>> -> memref<1x125xi32, #tpu.memory_space<vmem>>
    %dma_start3A_16 = tpu.memref_squeeze %dma_start3A_15 : memref<1x125xi32, #tpu.memory_space<vmem>> -> memref<125xi32, #tpu.memory_space<vmem>>
    %dma_start3A_17 = arith.constant 0 : i32
    %dma_start3A_18 = arith.constant 0 : i32
    %dma_start3A_19 = tpu.memref_slice %arg2[%dma_start3A_17, %dma_start3A_18] : memref<10000x64xf32, #tpu.memory_space<hbm>> -> memref<10000x64xf32, #tpu.memory_space<hbm>>
    tpu.enqueue_indirect_dma source(%dma_start3A_19 : memref<10000x64xf32, #tpu.memory_space<hbm>>) target(%arg11 : memref<125x64xf32, #tpu.memory_space<vmem>>) offsets(%dma_start3A_16 : memref<125xi32, #tpu.memory_space<vmem>>) semaphore(%arg20 : memref<!tpu.dma_semaphore, #tpu.memory_space<semaphore_mem>>)
    %dma_start3A_20 = arith.constant 2 : i32
    %dma_start3A_21 = arith.constant 0 : i32
    %dma_start3A_22 = tpu.memref_slice %arg8[%dma_start3A_20, %dma_start3A_21] : memref<80x125xi32, #tpu.memory_space<vmem>> -> memref<1x125xi32, #tpu.memory_space<vmem>>
    %dma_start3A_23 = tpu.memref_squeeze %dma_start3A_22 : memref<1x125xi32, #tpu.memory_space<vmem>> -> memref<125xi32, #tpu.memory_space<vmem>>
    %dma_start3A_24 = arith.constant 0 : i32
    %dma_start3A_25 = arith.constant 0 : i32
    %dma_start3A_26 = tpu.memref_slice %arg2[%dma_start3A_24, %dma_start3A_25] : memref<10000x64xf32, #tpu.memory_space<hbm>> -> memref<10000x64xf32, #tpu.memory_space<hbm>>
    tpu.enqueue_indirect_dma source(%dma_start3A_26 : memref<10000x64xf32, #tpu.memory_space<hbm>>) target(%arg12 : memref<125x64xf32, #tpu.memory_space<vmem>>) offsets(%dma_start3A_23 : memref<125xi32, #tpu.memory_space<vmem>>) semaphore(%arg21 : memref<!tpu.dma_semaphore, #tpu.memory_space<semaphore_mem>>)
    %dma_start3A_27 = arith.constant 3 : i32
    %dma_start3A_28 = arith.constant 0 : i32
    %dma_start3A_29 = tpu.memref_slice %arg8[%dma_start3A_27, %dma_start3A_28] : memref<80x125xi32, #tpu.memory_space<vmem>> -> memref<1x125xi32, #tpu.memory_space<vmem>>
    %dma_start3A_30 = tpu.memref_squeeze %dma_start3A_29 : memref<1x125xi32, #tpu.memory_space<vmem>> -> memref<125xi32, #tpu.memory_space<vmem>>
    %dma_start3A_31 = arith.constant 0 : i32
    %dma_start3A_32 = arith.constant 0 : i32
    %dma_start3A_33 = tpu.memref_slice %arg2[%dma_start3A_31, %dma_start3A_32] : memref<10000x64xf32, #tpu.memory_space<hbm>> -> memref<10000x64xf32, #tpu.memory_space<hbm>>
    tpu.enqueue_indirect_dma source(%dma_start3A_33 : memref<10000x64xf32, #tpu.memory_space<hbm>>) target(%arg13 : memref<125x64xf32, #tpu.memory_space<vmem>>) offsets(%dma_start3A_30 : memref<125xi32, #tpu.memory_space<vmem>>) semaphore(%arg22 : memref<!tpu.dma_semaphore, #tpu.memory_space<semaphore_mem>>)
    %dma_start3A_34 = arith.constant 4 : i32
    %dma_start3A_35 = arith.constant 0 : i32
    %dma_start3A_36 = tpu.memref_slice %arg8[%dma_start3A_34, %dma_start3A_35] : memref<80x125xi32, #tpu.memory_space<vmem>> -> memref<1x125xi32, #tpu.memory_space<vmem>>
    %dma_start3A_37 = tpu.memref_squeeze %dma_start3A_36 : memref<1x125xi32, #tpu.memory_space<vmem>> -> memref<125xi32, #tpu.memory_space<vmem>>
    %dma_start3A_38 = arith.constant 0 : i32
    %dma_start3A_39 = arith.constant 0 : i32
    %dma_start3A_40 = tpu.memref_slice %arg2[%dma_start3A_38, %dma_start3A_39] : memref<10000x64xf32, #tpu.memory_space<hbm>> -> memref<10000x64xf32, #tpu.memory_space<hbm>>
    tpu.enqueue_indirect_dma source(%dma_start3A_40 : memref<10000x64xf32, #tpu.memory_space<hbm>>) target(%arg14 : memref<125x64xf32, #tpu.memory_space<vmem>>) offsets(%dma_start3A_37 : memref<125xi32, #tpu.memory_space<vmem>>) semaphore(%arg23 : memref<!tpu.dma_semaphore, #tpu.memory_space<semaphore_mem>>)
    %dma_start3A_41 = arith.constant 5 : i32
    %dma_start3A_42 = arith.constant 0 : i32
    %dma_start3A_43 = tpu.memref_slice %arg8[%dma_start3A_41, %dma_start3A_42] : memref<80x125xi32, #tpu.memory_space<vmem>> -> memref<1x125xi32, #tpu.memory_space<vmem>>
    %dma_start3A_44 = tpu.memref_squeeze %dma_start3A_43 : memref<1x125xi32, #tpu.memory_space<vmem>> -> memref<125xi32, #tpu.memory_space<vmem>>
    %dma_start3A_45 = arith.constant 0 : i32
    %dma_start3A_46 = arith.constant 0 : i32
    %dma_start3A_47 = tpu.memref_slice %arg2[%dma_start3A_45, %dma_start3A_46] : memref<10000x64xf32, #tpu.memory_space<hbm>> -> memref<10000x64xf32, #tpu.memory_space<hbm>>
    tpu.enqueue_indirect_dma source(%dma_start3A_47 : memref<10000x64xf32, #tpu.memory_space<hbm>>) target(%arg15 : memref<125x64xf32, #tpu.memory_space<vmem>>) offsets(%dma_start3A_44 : memref<125xi32, #tpu.memory_space<vmem>>) semaphore(%arg24 : memref<!tpu.dma_semaphore, #tpu.memory_space<semaphore_mem>>)
    %dma_start3A_48 = arith.constant 6 : i32
    %dma_start3A_49 = arith.constant 0 : i32
    %dma_start3A_50 = tpu.memref_slice %arg8[%dma_start3A_48, %dma_start3A_49] : memref<80x125xi32, #tpu.memory_space<vmem>> -> memref<1x125xi32, #tpu.memory_space<vmem>>
    %dma_start3A_51 = tpu.memref_squeeze %dma_start3A_50 : memref<1x125xi32, #tpu.memory_space<vmem>> -> memref<125xi32, #tpu.memory_space<vmem>>
    %dma_start3A_52 = arith.constant 0 : i32
    %dma_start3A_53 = arith.constant 0 : i32
    %dma_start3A_54 = tpu.memref_slice %arg2[%dma_start3A_52, %dma_start3A_53] : memref<10000x64xf32, #tpu.memory_space<hbm>> -> memref<10000x64xf32, #tpu.memory_space<hbm>>
    tpu.enqueue_indirect_dma source(%dma_start3A_54 : memref<10000x64xf32, #tpu.memory_space<hbm>>) target(%arg16 : memref<125x64xf32, #tpu.memory_space<vmem>>) offsets(%dma_start3A_51 : memref<125xi32, #tpu.memory_space<vmem>>) semaphore(%arg25 : memref<!tpu.dma_semaphore, #tpu.memory_space<semaphore_mem>>)
    %dma_start3A_55 = arith.constant 7 : i32
    %dma_start3A_56 = arith.constant 0 : i32
    %dma_start3A_57 = tpu.memref_slice %arg8[%dma_start3A_55, %dma_start3A_56] : memref<80x125xi32, #tpu.memory_space<vmem>> -> memref<1x125xi32, #tpu.memory_space<vmem>>
    %dma_start3A_58 = tpu.memref_squeeze %dma_start3A_57 : memref<1x125xi32, #tpu.memory_space<vmem>> -> memref<125xi32, #tpu.memory_space<vmem>>
    %dma_start3A_59 = arith.constant 0 : i32
    %dma_start3A_60 = arith.constant 0 : i32
    %dma_start3A_61 = tpu.memref_slice %arg2[%dma_start3A_59, %dma_start3A_60] : memref<10000x64xf32, #tpu.memory_space<hbm>> -> memref<10000x64xf32, #tpu.memory_space<hbm>>
    tpu.enqueue_indirect_dma source(%dma_start3A_61 : memref<10000x64xf32, #tpu.memory_space<hbm>>) target(%arg17 : memref<125x64xf32, #tpu.memory_space<vmem>>) offsets(%dma_start3A_58 : memref<125xi32, #tpu.memory_space<vmem>>) semaphore(%arg26 : memref<!tpu.dma_semaphore, #tpu.memory_space<semaphore_mem>>)
    %dma_wait3A = arith.constant 0 : i32
    %dma_wait3A_62 = arith.constant 0 : i32
    %dma_wait3A_63 = tpu.memref_slice %arg8[%dma_wait3A, %dma_wait3A_62] : memref<80x125xi32, #tpu.memory_space<vmem>> -> memref<1x125xi32, #tpu.memory_space<vmem>>
    %dma_wait3A_64 = tpu.memref_squeeze %dma_wait3A_63 : memref<1x125xi32, #tpu.memory_space<vmem>> -> memref<125xi32, #tpu.memory_space<vmem>>
    %dma_wait3A_65 = arith.constant 0 : i32
    %dma_wait3A_66 = arith.constant 0 : i32
    %dma_wait3A_67 = tpu.memref_slice %arg2[%dma_wait3A_65, %dma_wait3A_66] : memref<10000x64xf32, #tpu.memory_space<hbm>> -> memref<10000x64xf32, #tpu.memory_space<hbm>>
    tpu.wait_indirect_dma semaphore(%arg19 : memref<!tpu.dma_semaphore, #tpu.memory_space<semaphore_mem>>) src(%dma_wait3A_67 : memref<10000x64xf32, #tpu.memory_space<hbm>>) dst(%arg10 : memref<125x64xf32, #tpu.memory_space<vmem>>)
    %dma_start3A_68 = arith.constant 0 : i32
    %dma_start3A_69 = arith.constant 0 : i32
    %dma_start3A_70 = tpu.memref_slice %arg9[%dma_start3A_68, %dma_start3A_69] : memref<80x125xi32, #tpu.memory_space<vmem>> -> memref<1x125xi32, #tpu.memory_space<vmem>>
    %dma_start3A_71 = tpu.memref_squeeze %dma_start3A_70 : memref<1x125xi32, #tpu.memory_space<vmem>> -> memref<125xi32, #tpu.memory_space<vmem>>
    %dma_start3A_72 = arith.constant 0 : i32
    %dma_start3A_73 = arith.constant 0 : i32
    %dma_start3A_74 = tpu.memref_slice %arg18[%dma_start3A_72, %dma_start3A_73] : memref<10000x64xf32, #tpu.memory_space<vmem_shared>> -> memref<10000x64xf32, #tpu.memory_space<vmem_shared>>
    tpu.enqueue_indirect_dma source(%arg10 : memref<125x64xf32, #tpu.memory_space<vmem>>) target(%dma_start3A_74 : memref<10000x64xf32, #tpu.memory_space<vmem_shared>>) offsets(%dma_start3A_71 : memref<125xi32, #tpu.memory_space<vmem>>) semaphore(%arg27 : memref<!tpu.dma_semaphore, #tpu.memory_space<semaphore_mem>>) {add = true}
    %dma_wait3A_75 = arith.constant 1 : i32
    %dma_wait3A_76 = arith.constant 0 : i32
    %dma_wait3A_77 = tpu.memref_slice %arg8[%dma_wait3A_75, %dma_wait3A_76] : memref<80x125xi32, #tpu.memory_space<vmem>> -> memref<1x125xi32, #tpu.memory_space<vmem>>
    %dma_wait3A_78 = tpu.memref_squeeze %dma_wait3A_77 : memref<1x125xi32, #tpu.memory_space<vmem>> -> memref<125xi32, #tpu.memory_space<vmem>>
    %dma_wait3A_79 = arith.constant 0 : i32
    %dma_wait3A_80 = arith.constant 0 : i32
    %dma_wait3A_81 = tpu.memref_slice %arg2[%dma_wait3A_79, %dma_wait3A_80] : memref<10000x64xf32, #tpu.memory_space<hbm>> -> memref<10000x64xf32, #tpu.memory_space<hbm>>
    tpu.wait_indirect_dma semaphore(%arg20 : memref<!tpu.dma_semaphore, #tpu.memory_space<semaphore_mem>>) src(%dma_wait3A_81 : memref<10000x64xf32, #tpu.memory_space<hbm>>) dst(%arg11 : memref<125x64xf32, #tpu.memory_space<vmem>>)
    %dma_start3A_82 = arith.constant 1 : i32
    %dma_start3A_83 = arith.constant 0 : i32
    %dma_start3A_84 = tpu.memref_slice %arg9[%dma_start3A_82, %dma_start3A_83] : memref<80x125xi32, #tpu.memory_space<vmem>> -> memref<1x125xi32, #tpu.memory_space<vmem>>
    %dma_start3A_85 = tpu.memref_squeeze %dma_start3A_84 : memref<1x125xi32, #tpu.memory_space<vmem>> -> memref<125xi32, #tpu.memory_space<vmem>>
    %dma_start3A_86 = arith.constant 0 : i32
    %dma_start3A_87 = arith.constant 0 : i32
    %dma_start3A_88 = tpu.memref_slice %arg18[%dma_start3A_86, %dma_start3A_87] : memref<10000x64xf32, #tpu.memory_space<vmem_shared>> -> memref<10000x64xf32, #tpu.memory_space<vmem_shared>>
    tpu.enqueue_indirect_dma source(%arg11 : memref<125x64xf32, #tpu.memory_space<vmem>>) target(%dma_start3A_88 : memref<10000x64xf32, #tpu.memory_space<vmem_shared>>) offsets(%dma_start3A_85 : memref<125xi32, #tpu.memory_space<vmem>>) semaphore(%arg28 : memref<!tpu.dma_semaphore, #tpu.memory_space<semaphore_mem>>) {add = true}
    %dma_wait3A_89 = arith.constant 2 : i32
    %dma_wait3A_90 = arith.constant 0 : i32
    %dma_wait3A_91 = tpu.memref_slice %arg8[%dma_wait3A_89, %dma_wait3A_90] : memref<80x125xi32, #tpu.memory_space<vmem>> -> memref<1x125xi32, #tpu.memory_space<vmem>>
    %dma_wait3A_92 = tpu.memref_squeeze %dma_wait3A_91 : memref<1x125xi32, #tpu.memory_space<vmem>> -> memref<125xi32, #tpu.memory_space<vmem>>
    %dma_wait3A_93 = arith.constant 0 : i32
    %dma_wait3A_94 = arith.constant 0 : i32
    %dma_wait3A_95 = tpu.memref_slice %arg2[%dma_wait3A_93, %dma_wait3A_94] : memref<10000x64xf32, #tpu.memory_space<hbm>> -> memref<10000x64xf32, #tpu.memory_space<hbm>>
    tpu.wait_indirect_dma semaphore(%arg21 : memref<!tpu.dma_semaphore, #tpu.memory_space<semaphore_mem>>) src(%dma_wait3A_95 : memref<10000x64xf32, #tpu.memory_space<hbm>>) dst(%arg12 : memref<125x64xf32, #tpu.memory_space<vmem>>)
    %dma_start3A_96 = arith.constant 2 : i32
    %dma_start3A_97 = arith.constant 0 : i32
    %dma_start3A_98 = tpu.memref_slice %arg9[%dma_start3A_96, %dma_start3A_97] : memref<80x125xi32, #tpu.memory_space<vmem>> -> memref<1x125xi32, #tpu.memory_space<vmem>>
    %dma_start3A_99 = tpu.memref_squeeze %dma_start3A_98 : memref<1x125xi32, #tpu.memory_space<vmem>> -> memref<125xi32, #tpu.memory_space<vmem>>
    %dma_start3A_100 = arith.constant 0 : i32
    %dma_start3A_101 = arith.constant 0 : i32
    %dma_start3A_102 = tpu.memref_slice %arg18[%dma_start3A_100, %dma_start3A_101] : memref<10000x64xf32, #tpu.memory_space<vmem_shared>> -> memref<10000x64xf32, #tpu.memory_space<vmem_shared>>
    tpu.enqueue_indirect_dma source(%arg12 : memref<125x64xf32, #tpu.memory_space<vmem>>) target(%dma_start3A_102 : memref<10000x64xf32, #tpu.memory_space<vmem_shared>>) offsets(%dma_start3A_99 : memref<125xi32, #tpu.memory_space<vmem>>) semaphore(%arg29 : memref<!tpu.dma_semaphore, #tpu.memory_space<semaphore_mem>>) {add = true}
    %dma_wait3A_103 = arith.constant 3 : i32
    %dma_wait3A_104 = arith.constant 0 : i32
    %dma_wait3A_105 = tpu.memref_slice %arg8[%dma_wait3A_103, %dma_wait3A_104] : memref<80x125xi32, #tpu.memory_space<vmem>> -> memref<1x125xi32, #tpu.memory_space<vmem>>
    %dma_wait3A_106 = tpu.memref_squeeze %dma_wait3A_105 : memref<1x125xi32, #tpu.memory_space<vmem>> -> memref<125xi32, #tpu.memory_space<vmem>>
    %dma_wait3A_107 = arith.constant 0 : i32
    %dma_wait3A_108 = arith.constant 0 : i32
    %dma_wait3A_109 = tpu.memref_slice %arg2[%dma_wait3A_107, %dma_wait3A_108] : memref<10000x64xf32, #tpu.memory_space<hbm>> -> memref<10000x64xf32, #tpu.memory_space<hbm>>
    tpu.wait_indirect_dma semaphore(%arg22 : memref<!tpu.dma_semaphore, #tpu.memory_space<semaphore_mem>>) src(%dma_wait3A_109 : memref<10000x64xf32, #tpu.memory_space<hbm>>) dst(%arg13 : memref<125x64xf32, #tpu.memory_space<vmem>>)
    %dma_start3A_110 = arith.constant 3 : i32
    %dma_start3A_111 = arith.constant 0 : i32
    %dma_start3A_112 = tpu.memref_slice %arg9[%dma_start3A_110, %dma_start3A_111] : memref<80x125xi32, #tpu.memory_space<vmem>> -> memref<1x125xi32, #tpu.memory_space<vmem>>
    %dma_start3A_113 = tpu.memref_squeeze %dma_start3A_112 : memref<1x125xi32, #tpu.memory_space<vmem>> -> memref<125xi32, #tpu.memory_space<vmem>>
    %dma_start3A_114 = arith.constant 0 : i32
    %dma_start3A_115 = arith.constant 0 : i32
    %dma_start3A_116 = tpu.memref_slice %arg18[%dma_start3A_114, %dma_start3A_115] : memref<10000x64xf32, #tpu.memory_space<vmem_shared>> -> memref<10000x64xf32, #tpu.memory_space<vmem_shared>>
    tpu.enqueue_indirect_dma source(%arg13 : memref<125x64xf32, #tpu.memory_space<vmem>>) target(%dma_start3A_116 : memref<10000x64xf32, #tpu.memory_space<vmem_shared>>) offsets(%dma_start3A_113 : memref<125xi32, #tpu.memory_space<vmem>>) semaphore(%arg30 : memref<!tpu.dma_semaphore, #tpu.memory_space<semaphore_mem>>) {add = true}
    %scan3A = arith.constant 0 : i32
    %scan3A_117 = arith.constant 9 : i32
    %scan3A_118 = arith.addi %scan3A, %scan3A_117 : i32
    %scan3A_119 = arith.constant 1 : i32
    scf.for %scan3A_244 = %scan3A to %scan3A_118 step %scan3A_119  : i32 {
      %mul3A_245 = arith.constant 8 : i32
      %mul3A_246 = arith.muli %scan3A_244, %mul3A_245 : i32
      %add3A_247 = arith.constant 4 : i32
      %add3A_248 = arith.addi %add3A_247, %mul3A_246 : i32
      %add3A_249 = arith.constant 0 : i32
      %add3A_250 = arith.addi %add3A_248, %add3A_249 : i32
      %dma_wait3A_251 = arith.constant 0 : i32
      %dma_wait3A_252 = tpu.memref_slice %arg8[%add3A_250, %dma_wait3A_251] : memref<80x125xi32, #tpu.memory_space<vmem>> -> memref<1x125xi32, #tpu.memory_space<vmem>>
      %dma_wait3A_253 = tpu.memref_squeeze %dma_wait3A_252 : memref<1x125xi32, #tpu.memory_space<vmem>> -> memref<125xi32, #tpu.memory_space<vmem>>
      %dma_wait3A_254 = arith.constant 0 : i32
      %dma_wait3A_255 = arith.constant 0 : i32
      %dma_wait3A_256 = tpu.memref_slice %arg2[%dma_wait3A_254, %dma_wait3A_255] : memref<10000x64xf32, #tpu.memory_space<hbm>> -> memref<10000x64xf32, #tpu.memory_space<hbm>>
      tpu.wait_indirect_dma semaphore(%arg23 : memref<!tpu.dma_semaphore, #tpu.memory_space<semaphore_mem>>) src(%dma_wait3A_256 : memref<10000x64xf32, #tpu.memory_space<hbm>>) dst(%arg14 : memref<125x64xf32, #tpu.memory_space<vmem>>)
      %dma_start3A_257 = arith.constant 0 : i32
      %dma_start3A_258 = tpu.memref_slice %arg9[%add3A_250, %dma_start3A_257] : memref<80x125xi32, #tpu.memory_space<vmem>> -> memref<1x125xi32, #tpu.memory_space<vmem>>
      %dma_start3A_259 = tpu.memref_squeeze %dma_start3A_258 : memref<1x125xi32, #tpu.memory_space<vmem>> -> memref<125xi32, #tpu.memory_space<vmem>>
      %dma_start3A_260 = arith.constant 0 : i32
      %dma_start3A_261 = arith.constant 0 : i32
      %dma_start3A_262 = tpu.memref_slice %arg18[%dma_start3A_260, %dma_start3A_261] : memref<10000x64xf32, #tpu.memory_space<vmem_shared>> -> memref<10000x64xf32, #tpu.memory_space<vmem_shared>>
      tpu.enqueue_indirect_dma source(%arg14 : memref<125x64xf32, #tpu.memory_space<vmem>>) target(%dma_start3A_262 : memref<10000x64xf32, #tpu.memory_space<vmem_shared>>) offsets(%dma_start3A_259 : memref<125xi32, #tpu.memory_space<vmem>>) semaphore(%arg31 : memref<!tpu.dma_semaphore, #tpu.memory_space<semaphore_mem>>) {add = true}
      %sub3A = arith.constant 4 : i32
      %sub3A_263 = arith.subi %add3A_250, %sub3A : i32
      %dma_wait3A_264 = arith.constant 0 : i32
      %dma_wait3A_265 = tpu.memref_slice %arg9[%sub3A_263, %dma_wait3A_264] : memref<80x125xi32, #tpu.memory_space<vmem>> -> memref<1x125xi32, #tpu.memory_space<vmem>>
      %dma_wait3A_266 = tpu.memref_squeeze %dma_wait3A_265 : memref<1x125xi32, #tpu.memory_space<vmem>> -> memref<125xi32, #tpu.memory_space<vmem>>
      %dma_wait3A_267 = arith.constant 0 : i32
      %dma_wait3A_268 = arith.constant 0 : i32
      %dma_wait3A_269 = tpu.memref_slice %arg18[%dma_wait3A_267, %dma_wait3A_268] : memref<10000x64xf32, #tpu.memory_space<vmem_shared>> -> memref<10000x64xf32, #tpu.memory_space<vmem_shared>>
      tpu.wait_indirect_dma semaphore(%arg27 : memref<!tpu.dma_semaphore, #tpu.memory_space<semaphore_mem>>) src(%arg10 : memref<125x64xf32, #tpu.memory_space<vmem>>) dst(%dma_wait3A_269 : memref<10000x64xf32, #tpu.memory_space<vmem_shared>>)
      %add3A_270 = arith.constant 4 : i32
      %add3A_271 = arith.addi %add3A_250, %add3A_270 : i32
      %dma_start3A_272 = arith.constant 0 : i32
      %dma_start3A_273 = tpu.memref_slice %arg8[%add3A_271, %dma_start3A_272] : memref<80x125xi32, #tpu.memory_space<vmem>> -> memref<1x125xi32, #tpu.memory_space<vmem>>
      %dma_start3A_274 = tpu.memref_squeeze %dma_start3A_273 : memref<1x125xi32, #tpu.memory_space<vmem>> -> memref<125xi32, #tpu.memory_space<vmem>>
      %dma_start3A_275 = arith.constant 0 : i32
      %dma_start3A_276 = arith.constant 0 : i32
      %dma_start3A_277 = tpu.memref_slice %arg2[%dma_start3A_275, %dma_start3A_276] : memref<10000x64xf32, #tpu.memory_space<hbm>> -> memref<10000x64xf32, #tpu.memory_space<hbm>>
      tpu.enqueue_indirect_dma source(%dma_start3A_277 : memref<10000x64xf32, #tpu.memory_space<hbm>>) target(%arg10 : memref<125x64xf32, #tpu.memory_space<vmem>>) offsets(%dma_start3A_274 : memref<125xi32, #tpu.memory_space<vmem>>) semaphore(%arg19 : memref<!tpu.dma_semaphore, #tpu.memory_space<semaphore_mem>>)
      %add3A_278 = arith.constant 1 : i32
      %add3A_279 = arith.addi %add3A_248, %add3A_278 : i32
      %dma_wait3A_280 = arith.constant 0 : i32
      %dma_wait3A_281 = tpu.memref_slice %arg8[%add3A_279, %dma_wait3A_280] : memref<80x125xi32, #tpu.memory_space<vmem>> -> memref<1x125xi32, #tpu.memory_space<vmem>>
      %dma_wait3A_282 = tpu.memref_squeeze %dma_wait3A_281 : memref<1x125xi32, #tpu.memory_space<vmem>> -> memref<125xi32, #tpu.memory_space<vmem>>
      %dma_wait3A_283 = arith.constant 0 : i32
      %dma_wait3A_284 = arith.constant 0 : i32
      %dma_wait3A_285 = tpu.memref_slice %arg2[%dma_wait3A_283, %dma_wait3A_284] : memref<10000x64xf32, #tpu.memory_space<hbm>> -> memref<10000x64xf32, #tpu.memory_space<hbm>>
      tpu.wait_indirect_dma semaphore(%arg24 : memref<!tpu.dma_semaphore, #tpu.memory_space<semaphore_mem>>) src(%dma_wait3A_285 : memref<10000x64xf32, #tpu.memory_space<hbm>>) dst(%arg15 : memref<125x64xf32, #tpu.memory_space<vmem>>)
      %dma_start3A_286 = arith.constant 0 : i32
      %dma_start3A_287 = tpu.memref_slice %arg9[%add3A_279, %dma_start3A_286] : memref<80x125xi32, #tpu.memory_space<vmem>> -> memref<1x125xi32, #tpu.memory_space<vmem>>
      %dma_start3A_288 = tpu.memref_squeeze %dma_start3A_287 : memref<1x125xi32, #tpu.memory_space<vmem>> -> memref<125xi32, #tpu.memory_space<vmem>>
      %dma_start3A_289 = arith.constant 0 : i32
      %dma_start3A_290 = arith.constant 0 : i32
      %dma_start3A_291 = tpu.memref_slice %arg18[%dma_start3A_289, %dma_start3A_290] : memref<10000x64xf32, #tpu.memory_space<vmem_shared>> -> memref<10000x64xf32, #tpu.memory_space<vmem_shared>>
      tpu.enqueue_indirect_dma source(%arg15 : memref<125x64xf32, #tpu.memory_space<vmem>>) target(%dma_start3A_291 : memref<10000x64xf32, #tpu.memory_space<vmem_shared>>) offsets(%dma_start3A_288 : memref<125xi32, #tpu.memory_space<vmem>>) semaphore(%arg32 : memref<!tpu.dma_semaphore, #tpu.memory_space<semaphore_mem>>) {add = true}
      %sub3A_292 = arith.constant 4 : i32
      %sub3A_293 = arith.subi %add3A_279, %sub3A_292 : i32
      %dma_wait3A_294 = arith.constant 0 : i32
      %dma_wait3A_295 = tpu.memref_slice %arg9[%sub3A_293, %dma_wait3A_294] : memref<80x125xi32, #tpu.memory_space<vmem>> -> memref<1x125xi32, #tpu.memory_space<vmem>>
      %dma_wait3A_296 = tpu.memref_squeeze %dma_wait3A_295 : memref<1x125xi32, #tpu.memory_space<vmem>> -> memref<125xi32, #tpu.memory_space<vmem>>
      %dma_wait3A_297 = arith.constant 0 : i32
      %dma_wait3A_298 = arith.constant 0 : i32
      %dma_wait3A_299 = tpu.memref_slice %arg18[%dma_wait3A_297, %dma_wait3A_298] : memref<10000x64xf32, #tpu.memory_space<vmem_shared>> -> memref<10000x64xf32, #tpu.memory_space<vmem_shared>>
      tpu.wait_indirect_dma semaphore(%arg28 : memref<!tpu.dma_semaphore, #tpu.memory_space<semaphore_mem>>) src(%arg11 : memref<125x64xf32, #tpu.memory_space<vmem>>) dst(%dma_wait3A_299 : memref<10000x64xf32, #tpu.memory_space<vmem_shared>>)
      %add3A_300 = arith.constant 4 : i32
      %add3A_301 = arith.addi %add3A_279, %add3A_300 : i32
      %dma_start3A_302 = arith.constant 0 : i32
      %dma_start3A_303 = tpu.memref_slice %arg8[%add3A_301, %dma_start3A_302] : memref<80x125xi32, #tpu.memory_space<vmem>> -> memref<1x125xi32, #tpu.memory_space<vmem>>
      %dma_start3A_304 = tpu.memref_squeeze %dma_start3A_303 : memref<1x125xi32, #tpu.memory_space<vmem>> -> memref<125xi32, #tpu.memory_space<vmem>>
      %dma_start3A_305 = arith.constant 0 : i32
      %dma_start3A_306 = arith.constant 0 : i32
      %dma_start3A_307 = tpu.memref_slice %arg2[%dma_start3A_305, %dma_start3A_306] : memref<10000x64xf32, #tpu.memory_space<hbm>> -> memref<10000x64xf32, #tpu.memory_space<hbm>>
      tpu.enqueue_indirect_dma source(%dma_start3A_307 : memref<10000x64xf32, #tpu.memory_space<hbm>>) target(%arg11 : memref<125x64xf32, #tpu.memory_space<vmem>>) offsets(%dma_start3A_304 : memref<125xi32, #tpu.memory_space<vmem>>) semaphore(%arg20 : memref<!tpu.dma_semaphore, #tpu.memory_space<semaphore_mem>>)
      %add3A_308 = arith.constant 2 : i32
      %add3A_309 = arith.addi %add3A_248, %add3A_308 : i32
      %dma_wait3A_310 = arith.constant 0 : i32
      %dma_wait3A_311 = tpu.memref_slice %arg8[%add3A_309, %dma_wait3A_310] : memref<80x125xi32, #tpu.memory_space<vmem>> -> memref<1x125xi32, #tpu.memory_space<vmem>>
      %dma_wait3A_312 = tpu.memref_squeeze %dma_wait3A_311 : memref<1x125xi32, #tpu.memory_space<vmem>> -> memref<125xi32, #tpu.memory_space<vmem>>
      %dma_wait3A_313 = arith.constant 0 : i32
      %dma_wait3A_314 = arith.constant 0 : i32
      %dma_wait3A_315 = tpu.memref_slice %arg2[%dma_wait3A_313, %dma_wait3A_314] : memref<10000x64xf32, #tpu.memory_space<hbm>> -> memref<10000x64xf32, #tpu.memory_space<hbm>>
      tpu.wait_indirect_dma semaphore(%arg25 : memref<!tpu.dma_semaphore, #tpu.memory_space<semaphore_mem>>) src(%dma_wait3A_315 : memref<10000x64xf32, #tpu.memory_space<hbm>>) dst(%arg16 : memref<125x64xf32, #tpu.memory_space<vmem>>)
      %dma_start3A_316 = arith.constant 0 : i32
      %dma_start3A_317 = tpu.memref_slice %arg9[%add3A_309, %dma_start3A_316] : memref<80x125xi32, #tpu.memory_space<vmem>> -> memref<1x125xi32, #tpu.memory_space<vmem>>
      %dma_start3A_318 = tpu.memref_squeeze %dma_start3A_317 : memref<1x125xi32, #tpu.memory_space<vmem>> -> memref<125xi32, #tpu.memory_space<vmem>>
      %dma_start3A_319 = arith.constant 0 : i32
      %dma_start3A_320 = arith.constant 0 : i32
      %dma_start3A_321 = tpu.memref_slice %arg18[%dma_start3A_319, %dma_start3A_320] : memref<10000x64xf32, #tpu.memory_space<vmem_shared>> -> memref<10000x64xf32, #tpu.memory_space<vmem_shared>>
      tpu.enqueue_indirect_dma source(%arg16 : memref<125x64xf32, #tpu.memory_space<vmem>>) target(%dma_start3A_321 : memref<10000x64xf32, #tpu.memory_space<vmem_shared>>) offsets(%dma_start3A_318 : memref<125xi32, #tpu.memory_space<vmem>>) semaphore(%arg33 : memref<!tpu.dma_semaphore, #tpu.memory_space<semaphore_mem>>) {add = true}
      %sub3A_322 = arith.constant 4 : i32
      %sub3A_323 = arith.subi %add3A_309, %sub3A_322 : i32
      %dma_wait3A_324 = arith.constant 0 : i32
      %dma_wait3A_325 = tpu.memref_slice %arg9[%sub3A_323, %dma_wait3A_324] : memref<80x125xi32, #tpu.memory_space<vmem>> -> memref<1x125xi32, #tpu.memory_space<vmem>>
      %dma_wait3A_326 = tpu.memref_squeeze %dma_wait3A_325 : memref<1x125xi32, #tpu.memory_space<vmem>> -> memref<125xi32, #tpu.memory_space<vmem>>
      %dma_wait3A_327 = arith.constant 0 : i32
      %dma_wait3A_328 = arith.constant 0 : i32
      %dma_wait3A_329 = tpu.memref_slice %arg18[%dma_wait3A_327, %dma_wait3A_328] : memref<10000x64xf32, #tpu.memory_space<vmem_shared>> -> memref<10000x64xf32, #tpu.memory_space<vmem_shared>>
      tpu.wait_indirect_dma semaphore(%arg29 : memref<!tpu.dma_semaphore, #tpu.memory_space<semaphore_mem>>) src(%arg12 : memref<125x64xf32, #tpu.memory_space<vmem>>) dst(%dma_wait3A_329 : memref<10000x64xf32, #tpu.memory_space<vmem_shared>>)
      %add3A_330 = arith.constant 4 : i32
      %add3A_331 = arith.addi %add3A_309, %add3A_330 : i32
      %dma_start3A_332 = arith.constant 0 : i32
      %dma_start3A_333 = tpu.memref_slice %arg8[%add3A_331, %dma_start3A_332] : memref<80x125xi32, #tpu.memory_space<vmem>> -> memref<1x125xi32, #tpu.memory_space<vmem>>
      %dma_start3A_334 = tpu.memref_squeeze %dma_start3A_333 : memref<1x125xi32, #tpu.memory_space<vmem>> -> memref<125xi32, #tpu.memory_space<vmem>>
      %dma_start3A_335 = arith.constant 0 : i32
      %dma_start3A_336 = arith.constant 0 : i32
      %dma_start3A_337 = tpu.memref_slice %arg2[%dma_start3A_335, %dma_start3A_336] : memref<10000x64xf32, #tpu.memory_space<hbm>> -> memref<10000x64xf32, #tpu.memory_space<hbm>>
      tpu.enqueue_indirect_dma source(%dma_start3A_337 : memref<10000x64xf32, #tpu.memory_space<hbm>>) target(%arg12 : memref<125x64xf32, #tpu.memory_space<vmem>>) offsets(%dma_start3A_334 : memref<125xi32, #tpu.memory_space<vmem>>) semaphore(%arg21 : memref<!tpu.dma_semaphore, #tpu.memory_space<semaphore_mem>>)
      %add3A_338 = arith.constant 3 : i32
      %add3A_339 = arith.addi %add3A_248, %add3A_338 : i32
      %dma_wait3A_340 = arith.constant 0 : i32
      %dma_wait3A_341 = tpu.memref_slice %arg8[%add3A_339, %dma_wait3A_340] : memref<80x125xi32, #tpu.memory_space<vmem>> -> memref<1x125xi32, #tpu.memory_space<vmem>>
      %dma_wait3A_342 = tpu.memref_squeeze %dma_wait3A_341 : memref<1x125xi32, #tpu.memory_space<vmem>> -> memref<125xi32, #tpu.memory_space<vmem>>
      %dma_wait3A_343 = arith.constant 0 : i32
      %dma_wait3A_344 = arith.constant 0 : i32
      %dma_wait3A_345 = tpu.memref_slice %arg2[%dma_wait3A_343, %dma_wait3A_344] : memref<10000x64xf32, #tpu.memory_space<hbm>> -> memref<10000x64xf32, #tpu.memory_space<hbm>>
      tpu.wait_indirect_dma semaphore(%arg26 : memref<!tpu.dma_semaphore, #tpu.memory_space<semaphore_mem>>) src(%dma_wait3A_345 : memref<10000x64xf32, #tpu.memory_space<hbm>>) dst(%arg17 : memref<125x64xf32, #tpu.memory_space<vmem>>)
      %dma_start3A_346 = arith.constant 0 : i32
      %dma_start3A_347 = tpu.memref_slice %arg9[%add3A_339, %dma_start3A_346] : memref<80x125xi32, #tpu.memory_space<vmem>> -> memref<1x125xi32, #tpu.memory_space<vmem>>
      %dma_start3A_348 = tpu.memref_squeeze %dma_start3A_347 : memref<1x125xi32, #tpu.memory_space<vmem>> -> memref<125xi32, #tpu.memory_space<vmem>>
      %dma_start3A_349 = arith.constant 0 : i32
      %dma_start3A_350 = arith.constant 0 : i32
      %dma_start3A_351 = tpu.memref_slice %arg18[%dma_start3A_349, %dma_start3A_350] : memref<10000x64xf32, #tpu.memory_space<vmem_shared>> -> memref<10000x64xf32, #tpu.memory_space<vmem_shared>>
      tpu.enqueue_indirect_dma source(%arg17 : memref<125x64xf32, #tpu.memory_space<vmem>>) target(%dma_start3A_351 : memref<10000x64xf32, #tpu.memory_space<vmem_shared>>) offsets(%dma_start3A_348 : memref<125xi32, #tpu.memory_space<vmem>>) semaphore(%arg34 : memref<!tpu.dma_semaphore, #tpu.memory_space<semaphore_mem>>) {add = true}
      %sub3A_352 = arith.constant 4 : i32
      %sub3A_353 = arith.subi %add3A_339, %sub3A_352 : i32
      %dma_wait3A_354 = arith.constant 0 : i32
      %dma_wait3A_355 = tpu.memref_slice %arg9[%sub3A_353, %dma_wait3A_354] : memref<80x125xi32, #tpu.memory_space<vmem>> -> memref<1x125xi32, #tpu.memory_space<vmem>>
      %dma_wait3A_356 = tpu.memref_squeeze %dma_wait3A_355 : memref<1x125xi32, #tpu.memory_space<vmem>> -> memref<125xi32, #tpu.memory_space<vmem>>
      %dma_wait3A_357 = arith.constant 0 : i32
      %dma_wait3A_358 = arith.constant 0 : i32
      %dma_wait3A_359 = tpu.memref_slice %arg18[%dma_wait3A_357, %dma_wait3A_358] : memref<10000x64xf32, #tpu.memory_space<vmem_shared>> -> memref<10000x64xf32, #tpu.memory_space<vmem_shared>>
      tpu.wait_indirect_dma semaphore(%arg30 : memref<!tpu.dma_semaphore, #tpu.memory_space<semaphore_mem>>) src(%arg13 : memref<125x64xf32, #tpu.memory_space<vmem>>) dst(%dma_wait3A_359 : memref<10000x64xf32, #tpu.memory_space<vmem_shared>>)
      %add3A_360 = arith.constant 4 : i32
      %add3A_361 = arith.addi %add3A_339, %add3A_360 : i32
      %dma_start3A_362 = arith.constant 0 : i32
      %dma_start3A_363 = tpu.memref_slice %arg8[%add3A_361, %dma_start3A_362] : memref<80x125xi32, #tpu.memory_space<vmem>> -> memref<1x125xi32, #tpu.memory_space<vmem>>
      %dma_start3A_364 = tpu.memref_squeeze %dma_start3A_363 : memref<1x125xi32, #tpu.memory_space<vmem>> -> memref<125xi32, #tpu.memory_space<vmem>>
      %dma_start3A_365 = arith.constant 0 : i32
      %dma_start3A_366 = arith.constant 0 : i32
      %dma_start3A_367 = tpu.memref_slice %arg2[%dma_start3A_365, %dma_start3A_366] : memref<10000x64xf32, #tpu.memory_space<hbm>> -> memref<10000x64xf32, #tpu.memory_space<hbm>>
      tpu.enqueue_indirect_dma source(%dma_start3A_367 : memref<10000x64xf32, #tpu.memory_space<hbm>>) target(%arg13 : memref<125x64xf32, #tpu.memory_space<vmem>>) offsets(%dma_start3A_364 : memref<125xi32, #tpu.memory_space<vmem>>) semaphore(%arg22 : memref<!tpu.dma_semaphore, #tpu.memory_space<semaphore_mem>>)
      %add3A_368 = arith.constant 4 : i32
      %add3A_369 = arith.addi %add3A_248, %add3A_368 : i32
      %dma_wait3A_370 = arith.constant 0 : i32
      %dma_wait3A_371 = tpu.memref_slice %arg8[%add3A_369, %dma_wait3A_370] : memref<80x125xi32, #tpu.memory_space<vmem>> -> memref<1x125xi32, #tpu.memory_space<vmem>>
      %dma_wait3A_372 = tpu.memref_squeeze %dma_wait3A_371 : memref<1x125xi32, #tpu.memory_space<vmem>> -> memref<125xi32, #tpu.memory_space<vmem>>
      %dma_wait3A_373 = arith.constant 0 : i32
      %dma_wait3A_374 = arith.constant 0 : i32
      %dma_wait3A_375 = tpu.memref_slice %arg2[%dma_wait3A_373, %dma_wait3A_374] : memref<10000x64xf32, #tpu.memory_space<hbm>> -> memref<10000x64xf32, #tpu.memory_space<hbm>>
      tpu.wait_indirect_dma semaphore(%arg19 : memref<!tpu.dma_semaphore, #tpu.memory_space<semaphore_mem>>) src(%dma_wait3A_375 : memref<10000x64xf32, #tpu.memory_space<hbm>>) dst(%arg10 : memref<125x64xf32, #tpu.memory_space<vmem>>)
      %dma_start3A_376 = arith.constant 0 : i32
      %dma_start3A_377 = tpu.memref_slice %arg9[%add3A_369, %dma_start3A_376] : memref<80x125xi32, #tpu.memory_space<vmem>> -> memref<1x125xi32, #tpu.memory_space<vmem>>
      %dma_start3A_378 = tpu.memref_squeeze %dma_start3A_377 : memref<1x125xi32, #tpu.memory_space<vmem>> -> memref<125xi32, #tpu.memory_space<vmem>>
      %dma_start3A_379 = arith.constant 0 : i32
      %dma_start3A_380 = arith.constant 0 : i32
      %dma_start3A_381 = tpu.memref_slice %arg18[%dma_start3A_379, %dma_start3A_380] : memref<10000x64xf32, #tpu.memory_space<vmem_shared>> -> memref<10000x64xf32, #tpu.memory_space<vmem_shared>>
      tpu.enqueue_indirect_dma source(%arg10 : memref<125x64xf32, #tpu.memory_space<vmem>>) target(%dma_start3A_381 : memref<10000x64xf32, #tpu.memory_space<vmem_shared>>) offsets(%dma_start3A_378 : memref<125xi32, #tpu.memory_space<vmem>>) semaphore(%arg27 : memref<!tpu.dma_semaphore, #tpu.memory_space<semaphore_mem>>) {add = true}
      %sub3A_382 = arith.constant 4 : i32
      %sub3A_383 = arith.subi %add3A_369, %sub3A_382 : i32
      %dma_wait3A_384 = arith.constant 0 : i32
      %dma_wait3A_385 = tpu.memref_slice %arg9[%sub3A_383, %dma_wait3A_384] : memref<80x125xi32, #tpu.memory_space<vmem>> -> memref<1x125xi32, #tpu.memory_space<vmem>>
      %dma_wait3A_386 = tpu.memref_squeeze %dma_wait3A_385 : memref<1x125xi32, #tpu.memory_space<vmem>> -> memref<125xi32, #tpu.memory_space<vmem>>
      %dma_wait3A_387 = arith.constant 0 : i32
      %dma_wait3A_388 = arith.constant 0 : i32
      %dma_wait3A_389 = tpu.memref_slice %arg18[%dma_wait3A_387, %dma_wait3A_388] : memref<10000x64xf32, #tpu.memory_space<vmem_shared>> -> memref<10000x64xf32, #tpu.memory_space<vmem_shared>>
      tpu.wait_indirect_dma semaphore(%arg31 : memref<!tpu.dma_semaphore, #tpu.memory_space<semaphore_mem>>) src(%arg14 : memref<125x64xf32, #tpu.memory_space<vmem>>) dst(%dma_wait3A_389 : memref<10000x64xf32, #tpu.memory_space<vmem_shared>>)
      %add3A_390 = arith.constant 4 : i32
      %add3A_391 = arith.addi %add3A_369, %add3A_390 : i32
      %dma_start3A_392 = arith.constant 0 : i32
      %dma_start3A_393 = tpu.memref_slice %arg8[%add3A_391, %dma_start3A_392] : memref<80x125xi32, #tpu.memory_space<vmem>> -> memref<1x125xi32, #tpu.memory_space<vmem>>
      %dma_start3A_394 = tpu.memref_squeeze %dma_start3A_393 : memref<1x125xi32, #tpu.memory_space<vmem>> -> memref<125xi32, #tpu.memory_space<vmem>>
      %dma_start3A_395 = arith.constant 0 : i32
      %dma_start3A_396 = arith.constant 0 : i32
      %dma_start3A_397 = tpu.memref_slice %arg2[%dma_start3A_395, %dma_start3A_396] : memref<10000x64xf32, #tpu.memory_space<hbm>> -> memref<10000x64xf32, #tpu.memory_space<hbm>>
      tpu.enqueue_indirect_dma source(%dma_start3A_397 : memref<10000x64xf32, #tpu.memory_space<hbm>>) target(%arg14 : memref<125x64xf32, #tpu.memory_space<vmem>>) offsets(%dma_start3A_394 : memref<125xi32, #tpu.memory_space<vmem>>) semaphore(%arg23 : memref<!tpu.dma_semaphore, #tpu.memory_space<semaphore_mem>>)
      %add3A_398 = arith.constant 5 : i32
      %add3A_399 = arith.addi %add3A_248, %add3A_398 : i32
      %dma_wait3A_400 = arith.constant 0 : i32
      %dma_wait3A_401 = tpu.memref_slice %arg8[%add3A_399, %dma_wait3A_400] : memref<80x125xi32, #tpu.memory_space<vmem>> -> memref<1x125xi32, #tpu.memory_space<vmem>>
      %dma_wait3A_402 = tpu.memref_squeeze %dma_wait3A_401 : memref<1x125xi32, #tpu.memory_space<vmem>> -> memref<125xi32, #tpu.memory_space<vmem>>
      %dma_wait3A_403 = arith.constant 0 : i32
      %dma_wait3A_404 = arith.constant 0 : i32
      %dma_wait3A_405 = tpu.memref_slice %arg2[%dma_wait3A_403, %dma_wait3A_404] : memref<10000x64xf32, #tpu.memory_space<hbm>> -> memref<10000x64xf32, #tpu.memory_space<hbm>>
      tpu.wait_indirect_dma semaphore(%arg20 : memref<!tpu.dma_semaphore, #tpu.memory_space<semaphore_mem>>) src(%dma_wait3A_405 : memref<10000x64xf32, #tpu.memory_space<hbm>>) dst(%arg11 : memref<125x64xf32, #tpu.memory_space<vmem>>)
      %dma_start3A_406 = arith.constant 0 : i32
      %dma_start3A_407 = tpu.memref_slice %arg9[%add3A_399, %dma_start3A_406] : memref<80x125xi32, #tpu.memory_space<vmem>> -> memref<1x125xi32, #tpu.memory_space<vmem>>
      %dma_start3A_408 = tpu.memref_squeeze %dma_start3A_407 : memref<1x125xi32, #tpu.memory_space<vmem>> -> memref<125xi32, #tpu.memory_space<vmem>>
      %dma_start3A_409 = arith.constant 0 : i32
      %dma_start3A_410 = arith.constant 0 : i32
      %dma_start3A_411 = tpu.memref_slice %arg18[%dma_start3A_409, %dma_start3A_410] : memref<10000x64xf32, #tpu.memory_space<vmem_shared>> -> memref<10000x64xf32, #tpu.memory_space<vmem_shared>>
      tpu.enqueue_indirect_dma source(%arg11 : memref<125x64xf32, #tpu.memory_space<vmem>>) target(%dma_start3A_411 : memref<10000x64xf32, #tpu.memory_space<vmem_shared>>) offsets(%dma_start3A_408 : memref<125xi32, #tpu.memory_space<vmem>>) semaphore(%arg28 : memref<!tpu.dma_semaphore, #tpu.memory_space<semaphore_mem>>) {add = true}
      %sub3A_412 = arith.constant 4 : i32
      %sub3A_413 = arith.subi %add3A_399, %sub3A_412 : i32
      %dma_wait3A_414 = arith.constant 0 : i32
      %dma_wait3A_415 = tpu.memref_slice %arg9[%sub3A_413, %dma_wait3A_414] : memref<80x125xi32, #tpu.memory_space<vmem>> -> memref<1x125xi32, #tpu.memory_space<vmem>>
      %dma_wait3A_416 = tpu.memref_squeeze %dma_wait3A_415 : memref<1x125xi32, #tpu.memory_space<vmem>> -> memref<125xi32, #tpu.memory_space<vmem>>
      %dma_wait3A_417 = arith.constant 0 : i32
      %dma_wait3A_418 = arith.constant 0 : i32
      %dma_wait3A_419 = tpu.memref_slice %arg18[%dma_wait3A_417, %dma_wait3A_418] : memref<10000x64xf32, #tpu.memory_space<vmem_shared>> -> memref<10000x64xf32, #tpu.memory_space<vmem_shared>>
      tpu.wait_indirect_dma semaphore(%arg32 : memref<!tpu.dma_semaphore, #tpu.memory_space<semaphore_mem>>) src(%arg15 : memref<125x64xf32, #tpu.memory_space<vmem>>) dst(%dma_wait3A_419 : memref<10000x64xf32, #tpu.memory_space<vmem_shared>>)
      %add3A_420 = arith.constant 4 : i32
      %add3A_421 = arith.addi %add3A_399, %add3A_420 : i32
      %dma_start3A_422 = arith.constant 0 : i32
      %dma_start3A_423 = tpu.memref_slice %arg8[%add3A_421, %dma_start3A_422] : memref<80x125xi32, #tpu.memory_space<vmem>> -> memref<1x125xi32, #tpu.memory_space<vmem>>
      %dma_start3A_424 = tpu.memref_squeeze %dma_start3A_423 : memref<1x125xi32, #tpu.memory_space<vmem>> -> memref<125xi32, #tpu.memory_space<vmem>>
      %dma_start3A_425 = arith.constant 0 : i32
      %dma_start3A_426 = arith.constant 0 : i32
      %dma_start3A_427 = tpu.memref_slice %arg2[%dma_start3A_425, %dma_start3A_426] : memref<10000x64xf32, #tpu.memory_space<hbm>> -> memref<10000x64xf32, #tpu.memory_space<hbm>>
      tpu.enqueue_indirect_dma source(%dma_start3A_427 : memref<10000x64xf32, #tpu.memory_space<hbm>>) target(%arg15 : memref<125x64xf32, #tpu.memory_space<vmem>>) offsets(%dma_start3A_424 : memref<125xi32, #tpu.memory_space<vmem>>) semaphore(%arg24 : memref<!tpu.dma_semaphore, #tpu.memory_space<semaphore_mem>>)
      %add3A_428 = arith.constant 6 : i32
      %add3A_429 = arith.addi %add3A_248, %add3A_428 : i32
      %dma_wait3A_430 = arith.constant 0 : i32
      %dma_wait3A_431 = tpu.memref_slice %arg8[%add3A_429, %dma_wait3A_430] : memref<80x125xi32, #tpu.memory_space<vmem>> -> memref<1x125xi32, #tpu.memory_space<vmem>>
      %dma_wait3A_432 = tpu.memref_squeeze %dma_wait3A_431 : memref<1x125xi32, #tpu.memory_space<vmem>> -> memref<125xi32, #tpu.memory_space<vmem>>
      %dma_wait3A_433 = arith.constant 0 : i32
      %dma_wait3A_434 = arith.constant 0 : i32
      %dma_wait3A_435 = tpu.memref_slice %arg2[%dma_wait3A_433, %dma_wait3A_434] : memref<10000x64xf32, #tpu.memory_space<hbm>> -> memref<10000x64xf32, #tpu.memory_space<hbm>>
      tpu.wait_indirect_dma semaphore(%arg21 : memref<!tpu.dma_semaphore, #tpu.memory_space<semaphore_mem>>) src(%dma_wait3A_435 : memref<10000x64xf32, #tpu.memory_space<hbm>>) dst(%arg12 : memref<125x64xf32, #tpu.memory_space<vmem>>)
      %dma_start3A_436 = arith.constant 0 : i32
      %dma_start3A_437 = tpu.memref_slice %arg9[%add3A_429, %dma_start3A_436] : memref<80x125xi32, #tpu.memory_space<vmem>> -> memref<1x125xi32, #tpu.memory_space<vmem>>
      %dma_start3A_438 = tpu.memref_squeeze %dma_start3A_437 : memref<1x125xi32, #tpu.memory_space<vmem>> -> memref<125xi32, #tpu.memory_space<vmem>>
      %dma_start3A_439 = arith.constant 0 : i32
      %dma_start3A_440 = arith.constant 0 : i32
      %dma_start3A_441 = tpu.memref_slice %arg18[%dma_start3A_439, %dma_start3A_440] : memref<10000x64xf32, #tpu.memory_space<vmem_shared>> -> memref<10000x64xf32, #tpu.memory_space<vmem_shared>>
      tpu.enqueue_indirect_dma source(%arg12 : memref<125x64xf32, #tpu.memory_space<vmem>>) target(%dma_start3A_441 : memref<10000x64xf32, #tpu.memory_space<vmem_shared>>) offsets(%dma_start3A_438 : memref<125xi32, #tpu.memory_space<vmem>>) semaphore(%arg29 : memref<!tpu.dma_semaphore, #tpu.memory_space<semaphore_mem>>) {add = true}
      %sub3A_442 = arith.constant 4 : i32
      %sub3A_443 = arith.subi %add3A_429, %sub3A_442 : i32
      %dma_wait3A_444 = arith.constant 0 : i32
      %dma_wait3A_445 = tpu.memref_slice %arg9[%sub3A_443, %dma_wait3A_444] : memref<80x125xi32, #tpu.memory_space<vmem>> -> memref<1x125xi32, #tpu.memory_space<vmem>>
      %dma_wait3A_446 = tpu.memref_squeeze %dma_wait3A_445 : memref<1x125xi32, #tpu.memory_space<vmem>> -> memref<125xi32, #tpu.memory_space<vmem>>
      %dma_wait3A_447 = arith.constant 0 : i32
      %dma_wait3A_448 = arith.constant 0 : i32
      %dma_wait3A_449 = tpu.memref_slice %arg18[%dma_wait3A_447, %dma_wait3A_448] : memref<10000x64xf32, #tpu.memory_space<vmem_shared>> -> memref<10000x64xf32, #tpu.memory_space<vmem_shared>>
      tpu.wait_indirect_dma semaphore(%arg33 : memref<!tpu.dma_semaphore, #tpu.memory_space<semaphore_mem>>) src(%arg16 : memref<125x64xf32, #tpu.memory_space<vmem>>) dst(%dma_wait3A_449 : memref<10000x64xf32, #tpu.memory_space<vmem_shared>>)
      %add3A_450 = arith.constant 4 : i32
      %add3A_451 = arith.addi %add3A_429, %add3A_450 : i32
      %dma_start3A_452 = arith.constant 0 : i32
      %dma_start3A_453 = tpu.memref_slice %arg8[%add3A_451, %dma_start3A_452] : memref<80x125xi32, #tpu.memory_space<vmem>> -> memref<1x125xi32, #tpu.memory_space<vmem>>
      %dma_start3A_454 = tpu.memref_squeeze %dma_start3A_453 : memref<1x125xi32, #tpu.memory_space<vmem>> -> memref<125xi32, #tpu.memory_space<vmem>>
      %dma_start3A_455 = arith.constant 0 : i32
      %dma_start3A_456 = arith.constant 0 : i32
      %dma_start3A_457 = tpu.memref_slice %arg2[%dma_start3A_455, %dma_start3A_456] : memref<10000x64xf32, #tpu.memory_space<hbm>> -> memref<10000x64xf32, #tpu.memory_space<hbm>>
      tpu.enqueue_indirect_dma source(%dma_start3A_457 : memref<10000x64xf32, #tpu.memory_space<hbm>>) target(%arg16 : memref<125x64xf32, #tpu.memory_space<vmem>>) offsets(%dma_start3A_454 : memref<125xi32, #tpu.memory_space<vmem>>) semaphore(%arg25 : memref<!tpu.dma_semaphore, #tpu.memory_space<semaphore_mem>>)
      %add3A_458 = arith.constant 7 : i32
      %add3A_459 = arith.addi %add3A_248, %add3A_458 : i32
      %dma_wait3A_460 = arith.constant 0 : i32
      %dma_wait3A_461 = tpu.memref_slice %arg8[%add3A_459, %dma_wait3A_460] : memref<80x125xi32, #tpu.memory_space<vmem>> -> memref<1x125xi32, #tpu.memory_space<vmem>>
      %dma_wait3A_462 = tpu.memref_squeeze %dma_wait3A_461 : memref<1x125xi32, #tpu.memory_space<vmem>> -> memref<125xi32, #tpu.memory_space<vmem>>
      %dma_wait3A_463 = arith.constant 0 : i32
      %dma_wait3A_464 = arith.constant 0 : i32
      %dma_wait3A_465 = tpu.memref_slice %arg2[%dma_wait3A_463, %dma_wait3A_464] : memref<10000x64xf32, #tpu.memory_space<hbm>> -> memref<10000x64xf32, #tpu.memory_space<hbm>>
      tpu.wait_indirect_dma semaphore(%arg22 : memref<!tpu.dma_semaphore, #tpu.memory_space<semaphore_mem>>) src(%dma_wait3A_465 : memref<10000x64xf32, #tpu.memory_space<hbm>>) dst(%arg13 : memref<125x64xf32, #tpu.memory_space<vmem>>)
      %dma_start3A_466 = arith.constant 0 : i32
      %dma_start3A_467 = tpu.memref_slice %arg9[%add3A_459, %dma_start3A_466] : memref<80x125xi32, #tpu.memory_space<vmem>> -> memref<1x125xi32, #tpu.memory_space<vmem>>
      %dma_start3A_468 = tpu.memref_squeeze %dma_start3A_467 : memref<1x125xi32, #tpu.memory_space<vmem>> -> memref<125xi32, #tpu.memory_space<vmem>>
      %dma_start3A_469 = arith.constant 0 : i32
      %dma_start3A_470 = arith.constant 0 : i32
      %dma_start3A_471 = tpu.memref_slice %arg18[%dma_start3A_469, %dma_start3A_470] : memref<10000x64xf32, #tpu.memory_space<vmem_shared>> -> memref<10000x64xf32, #tpu.memory_space<vmem_shared>>
      tpu.enqueue_indirect_dma source(%arg13 : memref<125x64xf32, #tpu.memory_space<vmem>>) target(%dma_start3A_471 : memref<10000x64xf32, #tpu.memory_space<vmem_shared>>) offsets(%dma_start3A_468 : memref<125xi32, #tpu.memory_space<vmem>>) semaphore(%arg30 : memref<!tpu.dma_semaphore, #tpu.memory_space<semaphore_mem>>) {add = true}
      %sub3A_472 = arith.constant 4 : i32
      %sub3A_473 = arith.subi %add3A_459, %sub3A_472 : i32
      %dma_wait3A_474 = arith.constant 0 : i32
      %dma_wait3A_475 = tpu.memref_slice %arg9[%sub3A_473, %dma_wait3A_474] : memref<80x125xi32, #tpu.memory_space<vmem>> -> memref<1x125xi32, #tpu.memory_space<vmem>>
      %dma_wait3A_476 = tpu.memref_squeeze %dma_wait3A_475 : memref<1x125xi32, #tpu.memory_space<vmem>> -> memref<125xi32, #tpu.memory_space<vmem>>
      %dma_wait3A_477 = arith.constant 0 : i32
      %dma_wait3A_478 = arith.constant 0 : i32
      %dma_wait3A_479 = tpu.memref_slice %arg18[%dma_wait3A_477, %dma_wait3A_478] : memref<10000x64xf32, #tpu.memory_space<vmem_shared>> -> memref<10000x64xf32, #tpu.memory_space<vmem_shared>>
      tpu.wait_indirect_dma semaphore(%arg34 : memref<!tpu.dma_semaphore, #tpu.memory_space<semaphore_mem>>) src(%arg17 : memref<125x64xf32, #tpu.memory_space<vmem>>) dst(%dma_wait3A_479 : memref<10000x64xf32, #tpu.memory_space<vmem_shared>>)
      %add3A_480 = arith.constant 4 : i32
      %add3A_481 = arith.addi %add3A_459, %add3A_480 : i32
      %dma_start3A_482 = arith.constant 0 : i32
      %dma_start3A_483 = tpu.memref_slice %arg8[%add3A_481, %dma_start3A_482] : memref<80x125xi32, #tpu.memory_space<vmem>> -> memref<1x125xi32, #tpu.memory_space<vmem>>
      %dma_start3A_484 = tpu.memref_squeeze %dma_start3A_483 : memref<1x125xi32, #tpu.memory_space<vmem>> -> memref<125xi32, #tpu.memory_space<vmem>>
      %dma_start3A_485 = arith.constant 0 : i32
      %dma_start3A_486 = arith.constant 0 : i32
      %dma_start3A_487 = tpu.memref_slice %arg2[%dma_start3A_485, %dma_start3A_486] : memref<10000x64xf32, #tpu.memory_space<hbm>> -> memref<10000x64xf32, #tpu.memory_space<hbm>>
      tpu.enqueue_indirect_dma source(%dma_start3A_487 : memref<10000x64xf32, #tpu.memory_space<hbm>>) target(%arg17 : memref<125x64xf32, #tpu.memory_space<vmem>>) offsets(%dma_start3A_484 : memref<125xi32, #tpu.memory_space<vmem>>) semaphore(%arg26 : memref<!tpu.dma_semaphore, #tpu.memory_space<semaphore_mem>>)
    }
    %scan3A_120 = arith.constant 9 : i32
    %dma_wait3A_121 = arith.constant 76 : i32
    %dma_wait3A_122 = arith.constant 0 : i32
    %dma_wait3A_123 = tpu.memref_slice %arg8[%dma_wait3A_121, %dma_wait3A_122] : memref<80x125xi32, #tpu.memory_space<vmem>> -> memref<1x125xi32, #tpu.memory_space<vmem>>
    %dma_wait3A_124 = tpu.memref_squeeze %dma_wait3A_123 : memref<1x125xi32, #tpu.memory_space<vmem>> -> memref<125xi32, #tpu.memory_space<vmem>>
    %dma_wait3A_125 = arith.constant 0 : i32
    %dma_wait3A_126 = arith.constant 0 : i32
    %dma_wait3A_127 = tpu.memref_slice %arg2[%dma_wait3A_125, %dma_wait3A_126] : memref<10000x64xf32, #tpu.memory_space<hbm>> -> memref<10000x64xf32, #tpu.memory_space<hbm>>
    tpu.wait_indirect_dma semaphore(%arg23 : memref<!tpu.dma_semaphore, #tpu.memory_space<semaphore_mem>>) src(%dma_wait3A_127 : memref<10000x64xf32, #tpu.memory_space<hbm>>) dst(%arg14 : memref<125x64xf32, #tpu.memory_space<vmem>>)
    %dma_start3A_128 = arith.constant 76 : i32
    %dma_start3A_129 = arith.constant 0 : i32
    %dma_start3A_130 = tpu.memref_slice %arg9[%dma_start3A_128, %dma_start3A_129] : memref<80x125xi32, #tpu.memory_space<vmem>> -> memref<1x125xi32, #tpu.memory_space<vmem>>
    %dma_start3A_131 = tpu.memref_squeeze %dma_start3A_130 : memref<1x125xi32, #tpu.memory_space<vmem>> -> memref<125xi32, #tpu.memory_space<vmem>>
    %dma_start3A_132 = arith.constant 0 : i32
    %dma_start3A_133 = arith.constant 0 : i32
    %dma_start3A_134 = tpu.memref_slice %arg18[%dma_start3A_132, %dma_start3A_133] : memref<10000x64xf32, #tpu.memory_space<vmem_shared>> -> memref<10000x64xf32, #tpu.memory_space<vmem_shared>>
    tpu.enqueue_indirect_dma source(%arg14 : memref<125x64xf32, #tpu.memory_space<vmem>>) target(%dma_start3A_134 : memref<10000x64xf32, #tpu.memory_space<vmem_shared>>) offsets(%dma_start3A_131 : memref<125xi32, #tpu.memory_space<vmem>>) semaphore(%arg31 : memref<!tpu.dma_semaphore, #tpu.memory_space<semaphore_mem>>) {add = true}
    %dma_wait3A_135 = arith.constant 77 : i32
    %dma_wait3A_136 = arith.constant 0 : i32
    %dma_wait3A_137 = tpu.memref_slice %arg8[%dma_wait3A_135, %dma_wait3A_136] : memref<80x125xi32, #tpu.memory_space<vmem>> -> memref<1x125xi32, #tpu.memory_space<vmem>>
    %dma_wait3A_138 = tpu.memref_squeeze %dma_wait3A_137 : memref<1x125xi32, #tpu.memory_space<vmem>> -> memref<125xi32, #tpu.memory_space<vmem>>
    %dma_wait3A_139 = arith.constant 0 : i32
    %dma_wait3A_140 = arith.constant 0 : i32
    %dma_wait3A_141 = tpu.memref_slice %arg2[%dma_wait3A_139, %dma_wait3A_140] : memref<10000x64xf32, #tpu.memory_space<hbm>> -> memref<10000x64xf32, #tpu.memory_space<hbm>>
    tpu.wait_indirect_dma semaphore(%arg24 : memref<!tpu.dma_semaphore, #tpu.memory_space<semaphore_mem>>) src(%dma_wait3A_141 : memref<10000x64xf32, #tpu.memory_space<hbm>>) dst(%arg15 : memref<125x64xf32, #tpu.memory_space<vmem>>)
    %dma_start3A_142 = arith.constant 77 : i32
    %dma_start3A_143 = arith.constant 0 : i32
    %dma_start3A_144 = tpu.memref_slice %arg9[%dma_start3A_142, %dma_start3A_143] : memref<80x125xi32, #tpu.memory_space<vmem>> -> memref<1x125xi32, #tpu.memory_space<vmem>>
    %dma_start3A_145 = tpu.memref_squeeze %dma_start3A_144 : memref<1x125xi32, #tpu.memory_space<vmem>> -> memref<125xi32, #tpu.memory_space<vmem>>
    %dma_start3A_146 = arith.constant 0 : i32
    %dma_start3A_147 = arith.constant 0 : i32
    %dma_start3A_148 = tpu.memref_slice %arg18[%dma_start3A_146, %dma_start3A_147] : memref<10000x64xf32, #tpu.memory_space<vmem_shared>> -> memref<10000x64xf32, #tpu.memory_space<vmem_shared>>
    tpu.enqueue_indirect_dma source(%arg15 : memref<125x64xf32, #tpu.memory_space<vmem>>) target(%dma_start3A_148 : memref<10000x64xf32, #tpu.memory_space<vmem_shared>>) offsets(%dma_start3A_145 : memref<125xi32, #tpu.memory_space<vmem>>) semaphore(%arg32 : memref<!tpu.dma_semaphore, #tpu.memory_space<semaphore_mem>>) {add = true}
    %dma_wait3A_149 = arith.constant 78 : i32
    %dma_wait3A_150 = arith.constant 0 : i32
    %dma_wait3A_151 = tpu.memref_slice %arg8[%dma_wait3A_149, %dma_wait3A_150] : memref<80x125xi32, #tpu.memory_space<vmem>> -> memref<1x125xi32, #tpu.memory_space<vmem>>
    %dma_wait3A_152 = tpu.memref_squeeze %dma_wait3A_151 : memref<1x125xi32, #tpu.memory_space<vmem>> -> memref<125xi32, #tpu.memory_space<vmem>>
    %dma_wait3A_153 = arith.constant 0 : i32
    %dma_wait3A_154 = arith.constant 0 : i32
    %dma_wait3A_155 = tpu.memref_slice %arg2[%dma_wait3A_153, %dma_wait3A_154] : memref<10000x64xf32, #tpu.memory_space<hbm>> -> memref<10000x64xf32, #tpu.memory_space<hbm>>
    tpu.wait_indirect_dma semaphore(%arg25 : memref<!tpu.dma_semaphore, #tpu.memory_space<semaphore_mem>>) src(%dma_wait3A_155 : memref<10000x64xf32, #tpu.memory_space<hbm>>) dst(%arg16 : memref<125x64xf32, #tpu.memory_space<vmem>>)
    %dma_start3A_156 = arith.constant 78 : i32
    %dma_start3A_157 = arith.constant 0 : i32
    %dma_start3A_158 = tpu.memref_slice %arg9[%dma_start3A_156, %dma_start3A_157] : memref<80x125xi32, #tpu.memory_space<vmem>> -> memref<1x125xi32, #tpu.memory_space<vmem>>
    %dma_start3A_159 = tpu.memref_squeeze %dma_start3A_158 : memref<1x125xi32, #tpu.memory_space<vmem>> -> memref<125xi32, #tpu.memory_space<vmem>>
    %dma_start3A_160 = arith.constant 0 : i32
    %dma_start3A_161 = arith.constant 0 : i32
    %dma_start3A_162 = tpu.memref_slice %arg18[%dma_start3A_160, %dma_start3A_161] : memref<10000x64xf32, #tpu.memory_space<vmem_shared>> -> memref<10000x64xf32, #tpu.memory_space<vmem_shared>>
    tpu.enqueue_indirect_dma source(%arg16 : memref<125x64xf32, #tpu.memory_space<vmem>>) target(%dma_start3A_162 : memref<10000x64xf32, #tpu.memory_space<vmem_shared>>) offsets(%dma_start3A_159 : memref<125xi32, #tpu.memory_space<vmem>>) semaphore(%arg33 : memref<!tpu.dma_semaphore, #tpu.memory_space<semaphore_mem>>) {add = true}
    %dma_wait3A_163 = arith.constant 79 : i32
    %dma_wait3A_164 = arith.constant 0 : i32
    %dma_wait3A_165 = tpu.memref_slice %arg8[%dma_wait3A_163, %dma_wait3A_164] : memref<80x125xi32, #tpu.memory_space<vmem>> -> memref<1x125xi32, #tpu.memory_space<vmem>>
    %dma_wait3A_166 = tpu.memref_squeeze %dma_wait3A_165 : memref<1x125xi32, #tpu.memory_space<vmem>> -> memref<125xi32, #tpu.memory_space<vmem>>
    %dma_wait3A_167 = arith.constant 0 : i32
    %dma_wait3A_168 = arith.constant 0 : i32
    %dma_wait3A_169 = tpu.memref_slice %arg2[%dma_wait3A_167, %dma_wait3A_168] : memref<10000x64xf32, #tpu.memory_space<hbm>> -> memref<10000x64xf32, #tpu.memory_space<hbm>>
    tpu.wait_indirect_dma semaphore(%arg26 : memref<!tpu.dma_semaphore, #tpu.memory_space<semaphore_mem>>) src(%dma_wait3A_169 : memref<10000x64xf32, #tpu.memory_space<hbm>>) dst(%arg17 : memref<125x64xf32, #tpu.memory_space<vmem>>)
    %dma_start3A_170 = arith.constant 79 : i32
    %dma_start3A_171 = arith.constant 0 : i32
    %dma_start3A_172 = tpu.memref_slice %arg9[%dma_start3A_170, %dma_start3A_171] : memref<80x125xi32, #tpu.memory_space<vmem>> -> memref<1x125xi32, #tpu.memory_space<vmem>>
    %dma_start3A_173 = tpu.memref_squeeze %dma_start3A_172 : memref<1x125xi32, #tpu.memory_space<vmem>> -> memref<125xi32, #tpu.memory_space<vmem>>
    %dma_start3A_174 = arith.constant 0 : i32
    %dma_start3A_175 = arith.constant 0 : i32
    %dma_start3A_176 = tpu.memref_slice %arg18[%dma_start3A_174, %dma_start3A_175] : memref<10000x64xf32, #tpu.memory_space<vmem_shared>> -> memref<10000x64xf32, #tpu.memory_space<vmem_shared>>
    tpu.enqueue_indirect_dma source(%arg17 : memref<125x64xf32, #tpu.memory_space<vmem>>) target(%dma_start3A_176 : memref<10000x64xf32, #tpu.memory_space<vmem_shared>>) offsets(%dma_start3A_173 : memref<125xi32, #tpu.memory_space<vmem>>) semaphore(%arg34 : memref<!tpu.dma_semaphore, #tpu.memory_space<semaphore_mem>>) {add = true}
    %dma_wait3A_177 = arith.constant 72 : i32
    %dma_wait3A_178 = arith.constant 0 : i32
    %dma_wait3A_179 = tpu.memref_slice %arg9[%dma_wait3A_177, %dma_wait3A_178] : memref<80x125xi32, #tpu.memory_space<vmem>> -> memref<1x125xi32, #tpu.memory_space<vmem>>
    %dma_wait3A_180 = tpu.memref_squeeze %dma_wait3A_179 : memref<1x125xi32, #tpu.memory_space<vmem>> -> memref<125xi32, #tpu.memory_space<vmem>>
    %dma_wait3A_181 = arith.constant 0 : i32
    %dma_wait3A_182 = arith.constant 0 : i32
    %dma_wait3A_183 = tpu.memref_slice %arg18[%dma_wait3A_181, %dma_wait3A_182] : memref<10000x64xf32, #tpu.memory_space<vmem_shared>> -> memref<10000x64xf32, #tpu.memory_space<vmem_shared>>
    tpu.wait_indirect_dma semaphore(%arg27 : memref<!tpu.dma_semaphore, #tpu.memory_space<semaphore_mem>>) src(%arg10 : memref<125x64xf32, #tpu.memory_space<vmem>>) dst(%dma_wait3A_183 : memref<10000x64xf32, #tpu.memory_space<vmem_shared>>)
    %dma_wait3A_184 = arith.constant 73 : i32
    %dma_wait3A_185 = arith.constant 0 : i32
    %dma_wait3A_186 = tpu.memref_slice %arg9[%dma_wait3A_184, %dma_wait3A_185] : memref<80x125xi32, #tpu.memory_space<vmem>> -> memref<1x125xi32, #tpu.memory_space<vmem>>
    %dma_wait3A_187 = tpu.memref_squeeze %dma_wait3A_186 : memref<1x125xi32, #tpu.memory_space<vmem>> -> memref<125xi32, #tpu.memory_space<vmem>>
    %dma_wait3A_188 = arith.constant 0 : i32
    %dma_wait3A_189 = arith.constant 0 : i32
    %dma_wait3A_190 = tpu.memref_slice %arg18[%dma_wait3A_188, %dma_wait3A_189] : memref<10000x64xf32, #tpu.memory_space<vmem_shared>> -> memref<10000x64xf32, #tpu.memory_space<vmem_shared>>
    tpu.wait_indirect_dma semaphore(%arg28 : memref<!tpu.dma_semaphore, #tpu.memory_space<semaphore_mem>>) src(%arg11 : memref<125x64xf32, #tpu.memory_space<vmem>>) dst(%dma_wait3A_190 : memref<10000x64xf32, #tpu.memory_space<vmem_shared>>)
    %dma_wait3A_191 = arith.constant 74 : i32
    %dma_wait3A_192 = arith.constant 0 : i32
    %dma_wait3A_193 = tpu.memref_slice %arg9[%dma_wait3A_191, %dma_wait3A_192] : memref<80x125xi32, #tpu.memory_space<vmem>> -> memref<1x125xi32, #tpu.memory_space<vmem>>
    %dma_wait3A_194 = tpu.memref_squeeze %dma_wait3A_193 : memref<1x125xi32, #tpu.memory_space<vmem>> -> memref<125xi32, #tpu.memory_space<vmem>>
    %dma_wait3A_195 = arith.constant 0 : i32
    %dma_wait3A_196 = arith.constant 0 : i32
    %dma_wait3A_197 = tpu.memref_slice %arg18[%dma_wait3A_195, %dma_wait3A_196] : memref<10000x64xf32, #tpu.memory_space<vmem_shared>> -> memref<10000x64xf32, #tpu.memory_space<vmem_shared>>
    tpu.wait_indirect_dma semaphore(%arg29 : memref<!tpu.dma_semaphore, #tpu.memory_space<semaphore_mem>>) src(%arg12 : memref<125x64xf32, #tpu.memory_space<vmem>>) dst(%dma_wait3A_197 : memref<10000x64xf32, #tpu.memory_space<vmem_shared>>)
    %dma_wait3A_198 = arith.constant 75 : i32
    %dma_wait3A_199 = arith.constant 0 : i32
    %dma_wait3A_200 = tpu.memref_slice %arg9[%dma_wait3A_198, %dma_wait3A_199] : memref<80x125xi32, #tpu.memory_space<vmem>> -> memref<1x125xi32, #tpu.memory_space<vmem>>
    %dma_wait3A_201 = tpu.memref_squeeze %dma_wait3A_200 : memref<1x125xi32, #tpu.memory_space<vmem>> -> memref<125xi32, #tpu.memory_space<vmem>>
    %dma_wait3A_202 = arith.constant 0 : i32
    %dma_wait3A_203 = arith.constant 0 : i32
    %dma_wait3A_204 = tpu.memref_slice %arg18[%dma_wait3A_202, %dma_wait3A_203] : memref<10000x64xf32, #tpu.memory_space<vmem_shared>> -> memref<10000x64xf32, #tpu.memory_space<vmem_shared>>
    tpu.wait_indirect_dma semaphore(%arg30 : memref<!tpu.dma_semaphore, #tpu.memory_space<semaphore_mem>>) src(%arg13 : memref<125x64xf32, #tpu.memory_space<vmem>>) dst(%dma_wait3A_204 : memref<10000x64xf32, #tpu.memory_space<vmem_shared>>)
    %dma_wait3A_205 = arith.constant 76 : i32
    %dma_wait3A_206 = arith.constant 0 : i32
    %dma_wait3A_207 = tpu.memref_slice %arg9[%dma_wait3A_205, %dma_wait3A_206] : memref<80x125xi32, #tpu.memory_space<vmem>> -> memref<1x125xi32, #tpu.memory_space<vmem>>
    %dma_wait3A_208 = tpu.memref_squeeze %dma_wait3A_207 : memref<1x125xi32, #tpu.memory_space<vmem>> -> memref<125xi32, #tpu.memory_space<vmem>>
    %dma_wait3A_209 = arith.constant 0 : i32
    %dma_wait3A_210 = arith.constant 0 : i32
    %dma_wait3A_211 = tpu.memref_slice %arg18[%dma_wait3A_209, %dma_wait3A_210] : memref<10000x64xf32, #tpu.memory_space<vmem_shared>> -> memref<10000x64xf32, #tpu.memory_space<vmem_shared>>
    tpu.wait_indirect_dma semaphore(%arg31 : memref<!tpu.dma_semaphore, #tpu.memory_space<semaphore_mem>>) src(%arg14 : memref<125x64xf32, #tpu.memory_space<vmem>>) dst(%dma_wait3A_211 : memref<10000x64xf32, #tpu.memory_space<vmem_shared>>)
    %dma_wait3A_212 = arith.constant 77 : i32
    %dma_wait3A_213 = arith.constant 0 : i32
    %dma_wait3A_214 = tpu.memref_slice %arg9[%dma_wait3A_212, %dma_wait3A_213] : memref<80x125xi32, #tpu.memory_space<vmem>> -> memref<1x125xi32, #tpu.memory_space<vmem>>
    %dma_wait3A_215 = tpu.memref_squeeze %dma_wait3A_214 : memref<1x125xi32, #tpu.memory_space<vmem>> -> memref<125xi32, #tpu.memory_space<vmem>>
    %dma_wait3A_216 = arith.constant 0 : i32
    %dma_wait3A_217 = arith.constant 0 : i32
    %dma_wait3A_218 = tpu.memref_slice %arg18[%dma_wait3A_216, %dma_wait3A_217] : memref<10000x64xf32, #tpu.memory_space<vmem_shared>> -> memref<10000x64xf32, #tpu.memory_space<vmem_shared>>
    tpu.wait_indirect_dma semaphore(%arg32 : memref<!tpu.dma_semaphore, #tpu.memory_space<semaphore_mem>>) src(%arg15 : memref<125x64xf32, #tpu.memory_space<vmem>>) dst(%dma_wait3A_218 : memref<10000x64xf32, #tpu.memory_space<vmem_shared>>)
    %dma_wait3A_219 = arith.constant 78 : i32
    %dma_wait3A_220 = arith.constant 0 : i32
    %dma_wait3A_221 = tpu.memref_slice %arg9[%dma_wait3A_219, %dma_wait3A_220] : memref<80x125xi32, #tpu.memory_space<vmem>> -> memref<1x125xi32, #tpu.memory_space<vmem>>
    %dma_wait3A_222 = tpu.memref_squeeze %dma_wait3A_221 : memref<1x125xi32, #tpu.memory_space<vmem>> -> memref<125xi32, #tpu.memory_space<vmem>>
    %dma_wait3A_223 = arith.constant 0 : i32
    %dma_wait3A_224 = arith.constant 0 : i32
    %dma_wait3A_225 = tpu.memref_slice %arg18[%dma_wait3A_223, %dma_wait3A_224] : memref<10000x64xf32, #tpu.memory_space<vmem_shared>> -> memref<10000x64xf32, #tpu.memory_space<vmem_shared>>
    tpu.wait_indirect_dma semaphore(%arg33 : memref<!tpu.dma_semaphore, #tpu.memory_space<semaphore_mem>>) src(%arg16 : memref<125x64xf32, #tpu.memory_space<vmem>>) dst(%dma_wait3A_225 : memref<10000x64xf32, #tpu.memory_space<vmem_shared>>)
    %dma_wait3A_226 = arith.constant 79 : i32
    %dma_wait3A_227 = arith.constant 0 : i32
    %dma_wait3A_228 = tpu.memref_slice %arg9[%dma_wait3A_226, %dma_wait3A_227] : memref<80x125xi32, #tpu.memory_space<vmem>> -> memref<1x125xi32, #tpu.memory_space<vmem>>
    %dma_wait3A_229 = tpu.memref_squeeze %dma_wait3A_228 : memref<1x125xi32, #tpu.memory_space<vmem>> -> memref<125xi32, #tpu.memory_space<vmem>>
    %dma_wait3A_230 = arith.constant 0 : i32
    %dma_wait3A_231 = arith.constant 0 : i32
    %dma_wait3A_232 = tpu.memref_slice %arg18[%dma_wait3A_230, %dma_wait3A_231] : memref<10000x64xf32, #tpu.memory_space<vmem_shared>> -> memref<10000x64xf32, #tpu.memory_space<vmem_shared>>
    tpu.wait_indirect_dma semaphore(%arg34 : memref<!tpu.dma_semaphore, #tpu.memory_space<semaphore_mem>>) src(%arg17 : memref<125x64xf32, #tpu.memory_space<vmem>>) dst(%dma_wait3A_232 : memref<10000x64xf32, #tpu.memory_space<vmem_shared>>)
    %barrier3A_233 = arith.constant 0 : index
    tpu.barrier barrier_id(%barrier3A_233)
    %lt3A_234 = arith.constant 15 : i32
    %lt3A_235 = arith.cmpi slt, %arg1, %lt3A_234 : i32
    %convert_element_type3A_236 = arith.extui %lt3A_235 : i1 to i32
    %cond3A_237 = arith.constant 0 : i32
    %cond3A_238 = arith.cmpi ne, %convert_element_type3A_236, %cond3A_237 : i32
    scf.if %cond3A_238 {
      %mul3A_244 = arith.constant 640 : i32
      %mul3A_245 = arith.muli %arg1, %mul3A_244 : i32
      "tpu.region"() ({
        %run_scoped3A = tpu.sem_alloc : memref<!tpu.dma_semaphore, #tpu.memory_space<semaphore_mem>>
        %dma_start3A_246 = arith.constant 0 : i32
        %dma_start3A_247 = arith.constant 0 : i32
        %dma_start3A_248 = tpu.memref_slice %arg7[%arg0, %dma_start3A_246, %dma_start3A_247] : memref<2x10000x64xf32, #tpu.memory_space<hbm>> -> memref<1x10000x64xf32, #tpu.memory_space<hbm>>
        %dma_start3A_249 = tpu.memref_squeeze %dma_start3A_248 : memref<1x10000x64xf32, #tpu.memory_space<hbm>> -> memref<10000x64xf32, #tpu.memory_space<hbm>>
        %dma_start3A_250 = arith.constant 0 : i32
        %dma_start3A_251 = tpu.memref_slice %dma_start3A_249[%mul3A_245, %dma_start3A_250] : memref<10000x64xf32, #tpu.memory_space<hbm>> -> memref<640x64xf32, #tpu.memory_space<hbm>>
        %dma_start3A_252 = arith.constant 0 : i32
        %dma_start3A_253 = tpu.memref_slice %arg18[%mul3A_245, %dma_start3A_252] : memref<10000x64xf32, #tpu.memory_space<vmem_shared>> -> memref<640x64xf32, #tpu.memory_space<vmem_shared>>
        tpu.enqueue_dma source(%dma_start3A_253 : memref<640x64xf32, #tpu.memory_space<vmem_shared>>) target(%dma_start3A_251 : memref<640x64xf32, #tpu.memory_space<hbm>>) target_semaphore(%run_scoped3A : memref<!tpu.dma_semaphore, #tpu.memory_space<semaphore_mem>>)
        %dma_wait3A_254 = arith.constant 0 : i32
        %dma_wait3A_255 = arith.constant 0 : i32
        %dma_wait3A_256 = tpu.memref_slice %arg7[%arg0, %dma_wait3A_254, %dma_wait3A_255] : memref<2x10000x64xf32, #tpu.memory_space<hbm>> -> memref<1x10000x64xf32, #tpu.memory_space<hbm>>
        %dma_wait3A_257 = tpu.memref_squeeze %dma_wait3A_256 : memref<1x10000x64xf32, #tpu.memory_space<hbm>> -> memref<10000x64xf32, #tpu.memory_space<hbm>>
        %dma_wait3A_258 = arith.constant 0 : i32
        %dma_wait3A_259 = tpu.memref_slice %dma_wait3A_257[%mul3A_245, %dma_wait3A_258] : memref<10000x64xf32, #tpu.memory_space<hbm>> -> memref<640x64xf32, #tpu.memory_space<hbm>>
        %dma_wait3A_260 = arith.constant 0 : i32
        %dma_wait3A_261 = tpu.memref_slice %arg18[%mul3A_245, %dma_wait3A_260] : memref<10000x64xf32, #tpu.memory_space<vmem_shared>> -> memref<640x64xf32, #tpu.memory_space<vmem_shared>>
        tpu.wait_dma2 semaphore(%run_scoped3A : memref<!tpu.dma_semaphore, #tpu.memory_space<semaphore_mem>>) src(%dma_wait3A_261 : memref<640x64xf32, #tpu.memory_space<vmem_shared>>) dst(%dma_wait3A_259 : memref<640x64xf32, #tpu.memory_space<hbm>>)
        tpu.yield
      }) : () -> ()
    } else {
    }
    %eq3A_239 = arith.constant 15 : i32
    %eq3A_240 = arith.cmpi eq, %arg1, %eq3A_239 : i32
    %convert_element_type3A_241 = arith.extui %eq3A_240 : i1 to i32
    %cond3A_242 = arith.constant 0 : i32
    %cond3A_243 = arith.cmpi ne, %convert_element_type3A_241, %cond3A_242 : i32
    scf.if %cond3A_243 {
      "tpu.region"() ({
        %run_scoped3A = tpu.sem_alloc : memref<!tpu.dma_semaphore, #tpu.memory_space<semaphore_mem>>
        %dma_start3A_244 = arith.constant 0 : i32
        %dma_start3A_245 = arith.constant 0 : i32
        %dma_start3A_246 = tpu.memref_slice %arg7[%arg0, %dma_start3A_244, %dma_start3A_245] : memref<2x10000x64xf32, #tpu.memory_space<hbm>> -> memref<1x10000x64xf32, #tpu.memory_space<hbm>>
        %dma_start3A_247 = tpu.memref_squeeze %dma_start3A_246 : memref<1x10000x64xf32, #tpu.memory_space<hbm>> -> memref<10000x64xf32, #tpu.memory_space<hbm>>
        %dma_start3A_248 = arith.constant 9600 : i32
        %dma_start3A_249 = arith.constant 0 : i32
        %dma_start3A_250 = tpu.memref_slice %dma_start3A_247[%dma_start3A_248, %dma_start3A_249] : memref<10000x64xf32, #tpu.memory_space<hbm>> -> memref<400x64xf32, #tpu.memory_space<hbm>>
        %dma_start3A_251 = arith.constant 9600 : i32
        %dma_start3A_252 = arith.constant 0 : i32
        %dma_start3A_253 = tpu.memref_slice %arg18[%dma_start3A_251, %dma_start3A_252] : memref<10000x64xf32, #tpu.memory_space<vmem_shared>> -> memref<400x64xf32, #tpu.memory_space<vmem_shared>>
        tpu.enqueue_dma source(%dma_start3A_253 : memref<400x64xf32, #tpu.memory_space<vmem_shared>>) target(%dma_start3A_250 : memref<400x64xf32, #tpu.memory_space<hbm>>) target_semaphore(%run_scoped3A : memref<!tpu.dma_semaphore, #tpu.memory_space<semaphore_mem>>)
        %dma_wait3A_254 = arith.constant 0 : i32
        %dma_wait3A_255 = arith.constant 0 : i32
        %dma_wait3A_256 = tpu.memref_slice %arg7[%arg0, %dma_wait3A_254, %dma_wait3A_255] : memref<2x10000x64xf32, #tpu.memory_space<hbm>> -> memref<1x10000x64xf32, #tpu.memory_space<hbm>>
        %dma_wait3A_257 = tpu.memref_squeeze %dma_wait3A_256 : memref<1x10000x64xf32, #tpu.memory_space<hbm>> -> memref<10000x64xf32, #tpu.memory_space<hbm>>
        %dma_wait3A_258 = arith.constant 9600 : i32
        %dma_wait3A_259 = arith.constant 0 : i32
        %dma_wait3A_260 = tpu.memref_slice %dma_wait3A_257[%dma_wait3A_258, %dma_wait3A_259] : memref<10000x64xf32, #tpu.memory_space<hbm>> -> memref<400x64xf32, #tpu.memory_space<hbm>>
        %dma_wait3A_261 = arith.constant 9600 : i32
        %dma_wait3A_262 = arith.constant 0 : i32
        %dma_wait3A_263 = tpu.memref_slice %arg18[%dma_wait3A_261, %dma_wait3A_262] : memref<10000x64xf32, #tpu.memory_space<vmem_shared>> -> memref<400x64xf32, #tpu.memory_space<vmem_shared>>
        tpu.wait_dma2 semaphore(%run_scoped3A : memref<!tpu.dma_semaphore, #tpu.memory_space<semaphore_mem>>) src(%dma_wait3A_263 : memref<400x64xf32, #tpu.memory_space<vmem_shared>>) dst(%dma_wait3A_260 : memref<400x64xf32, #tpu.memory_space<hbm>>)
        tpu.yield
      }) : () -> ()
    } else {
    }
    return
  }
}

#map = affine_map<(d0, d1) -> (0, 0)>
#map1 = affine_map<(d0, d1) -> (0, 0, 0)>
module attributes {stable_mosaic.version = 14 : i64} {
  func.func @sc_kernel(%arg0: i32, %arg1: i32, %arg2: memref<10000x32xf32, #tpu.memory_space<hbm>>, %arg3: memref<32x80x125xi32, #tpu.memory_space<hbm>>, %arg4: memref<32x80x125xi32, #tpu.memory_space<hbm>>, %arg5: memref<10000x32xf32, #tpu.memory_space<hbm>>, %arg6: memref<8x16xf32, #tpu.memory_space<hbm>>, %arg7: memref<2x10000x32xf32, #tpu.memory_space<hbm>>, %arg8: memref<80x125xi32, #tpu.memory_space<vmem>>, %arg9: memref<80x125xi32, #tpu.memory_space<vmem>>, %arg10: memref<125x32xf32, #tpu.memory_space<vmem>>, %arg11: memref<125x32xf32, #tpu.memory_space<vmem>>, %arg12: memref<125x32xf32, #tpu.memory_space<vmem>>, %arg13: memref<125x32xf32, #tpu.memory_space<vmem>>, %arg14: memref<125x32xf32, #tpu.memory_space<vmem>>, %arg15: memref<125x32xf32, #tpu.memory_space<vmem>>, %arg16: memref<125x32xf32, #tpu.memory_space<vmem>>, %arg17: memref<125x32xf32, #tpu.memory_space<vmem>>, %arg18: memref<10000x32xf32, #tpu.memory_space<vmem_shared>>, %arg19: memref<!tpu.dma_semaphore, #tpu.memory_space<semaphore_mem>>, %arg20: memref<!tpu.dma_semaphore, #tpu.memory_space<semaphore_mem>>, %arg21: memref<!tpu.dma_semaphore, #tpu.memory_space<semaphore_mem>>, %arg22: memref<!tpu.dma_semaphore, #tpu.memory_space<semaphore_mem>>, %arg23: memref<!tpu.dma_semaphore, #tpu.memory_space<semaphore_mem>>, %arg24: memref<!tpu.dma_semaphore, #tpu.memory_space<semaphore_mem>>, %arg25: memref<!tpu.dma_semaphore, #tpu.memory_space<semaphore_mem>>, %arg26: memref<!tpu.dma_semaphore, #tpu.memory_space<semaphore_mem>>, %arg27: memref<!tpu.dma_semaphore, #tpu.memory_space<semaphore_mem>>, %arg28: memref<!tpu.dma_semaphore, #tpu.memory_space<semaphore_mem>>, %arg29: memref<!tpu.dma_semaphore, #tpu.memory_space<semaphore_mem>>, %arg30: memref<!tpu.dma_semaphore, #tpu.memory_space<semaphore_mem>>, %arg31: memref<!tpu.dma_semaphore, #tpu.memory_space<semaphore_mem>>, %arg32: memref<!tpu.dma_semaphore, #tpu.memory_space<semaphore_mem>>, %arg33: memref<!tpu.dma_semaphore, #tpu.memory_space<semaphore_mem>>, %arg34: memref<!tpu.dma_semaphore, #tpu.memory_space<semaphore_mem>>) attributes {dimension_semantics = [#tpu.dimension_semantics<core_parallel>, #tpu.dimension_semantics<subcore_parallel>], iteration_bounds = array<i64: 2, 16>, scalar_prefetch = 0 : i64, scratch_operands = 27 : i64, tpu.core_type = #tpu.core_type<sc_vector_subcore>, window_params = [{transform_indices = #map}, {transform_indices = #map1}, {transform_indices = #map1}, {transform_indices = #map}, {transform_indices = #map}, {transform_indices = #map1}]} {
    %mul3A = arith.constant 2 : i32
    %mul3A_0 = arith.muli %arg1, %mul3A : i32
    %add3A = arith.addi %mul3A_0, %arg0 : i32
    %lt3A = arith.constant 15 : i32
    %lt3A_1 = arith.cmpi slt, %arg1, %lt3A : i32
    %convert_element_type3A = arith.extui %lt3A_1 : i1 to i32
    %cond3A = arith.constant 0 : i32
    %cond3A_2 = arith.cmpi ne, %convert_element_type3A, %cond3A : i32
    scf.if %cond3A_2 {
      %mul3A_244 = arith.constant 640 : i32
      %mul3A_245 = arith.muli %arg1, %mul3A_244 : i32
      "tpu.region"() ({
        %run_scoped3A = tpu.sem_alloc : memref<!tpu.dma_semaphore, #tpu.memory_space<semaphore_mem>>
        %dma_start3A_246 = arith.constant 0 : i32
        %dma_start3A_247 = tpu.memref_slice %arg18[%mul3A_245, %dma_start3A_246] : memref<10000x32xf32, #tpu.memory_space<vmem_shared>> -> memref<640x32xf32, #tpu.memory_space<vmem_shared>>
        %dma_start3A_248 = arith.constant 0 : i32
        %dma_start3A_249 = tpu.memref_slice %arg5[%mul3A_245, %dma_start3A_248] : memref<10000x32xf32, #tpu.memory_space<hbm>> -> memref<640x32xf32, #tpu.memory_space<hbm>>
        tpu.enqueue_dma source(%dma_start3A_249 : memref<640x32xf32, #tpu.memory_space<hbm>>) target(%dma_start3A_247 : memref<640x32xf32, #tpu.memory_space<vmem_shared>>) target_semaphore(%run_scoped3A : memref<!tpu.dma_semaphore, #tpu.memory_space<semaphore_mem>>)
        %dma_wait3A_250 = arith.constant 0 : i32
        %dma_wait3A_251 = tpu.memref_slice %arg18[%mul3A_245, %dma_wait3A_250] : memref<10000x32xf32, #tpu.memory_space<vmem_shared>> -> memref<640x32xf32, #tpu.memory_space<vmem_shared>>
        %dma_wait3A_252 = arith.constant 0 : i32
        %dma_wait3A_253 = tpu.memref_slice %arg5[%mul3A_245, %dma_wait3A_252] : memref<10000x32xf32, #tpu.memory_space<hbm>> -> memref<640x32xf32, #tpu.memory_space<hbm>>
        tpu.wait_dma2 semaphore(%run_scoped3A : memref<!tpu.dma_semaphore, #tpu.memory_space<semaphore_mem>>) src(%dma_wait3A_253 : memref<640x32xf32, #tpu.memory_space<hbm>>) dst(%dma_wait3A_251 : memref<640x32xf32, #tpu.memory_space<vmem_shared>>)
        tpu.yield
      }) : () -> ()
    } else {
    }
    %eq3A = arith.constant 15 : i32
    %eq3A_3 = arith.cmpi eq, %arg1, %eq3A : i32
    %convert_element_type3A_4 = arith.extui %eq3A_3 : i1 to i32
    %cond3A_5 = arith.constant 0 : i32
    %cond3A_6 = arith.cmpi ne, %convert_element_type3A_4, %cond3A_5 : i32
    scf.if %cond3A_6 {
      "tpu.region"() ({
        %run_scoped3A = tpu.sem_alloc : memref<!tpu.dma_semaphore, #tpu.memory_space<semaphore_mem>>
        %dma_start3A_244 = arith.constant 9600 : i32
        %dma_start3A_245 = arith.constant 0 : i32
        %dma_start3A_246 = tpu.memref_slice %arg18[%dma_start3A_244, %dma_start3A_245] : memref<10000x32xf32, #tpu.memory_space<vmem_shared>> -> memref<400x32xf32, #tpu.memory_space<vmem_shared>>
        %dma_start3A_247 = arith.constant 9600 : i32
        %dma_start3A_248 = arith.constant 0 : i32
        %dma_start3A_249 = tpu.memref_slice %arg5[%dma_start3A_247, %dma_start3A_248] : memref<10000x32xf32, #tpu.memory_space<hbm>> -> memref<400x32xf32, #tpu.memory_space<hbm>>
        tpu.enqueue_dma source(%dma_start3A_249 : memref<400x32xf32, #tpu.memory_space<hbm>>) target(%dma_start3A_246 : memref<400x32xf32, #tpu.memory_space<vmem_shared>>) target_semaphore(%run_scoped3A : memref<!tpu.dma_semaphore, #tpu.memory_space<semaphore_mem>>)
        %dma_wait3A_250 = arith.constant 9600 : i32
        %dma_wait3A_251 = arith.constant 0 : i32
        %dma_wait3A_252 = tpu.memref_slice %arg18[%dma_wait3A_250, %dma_wait3A_251] : memref<10000x32xf32, #tpu.memory_space<vmem_shared>> -> memref<400x32xf32, #tpu.memory_space<vmem_shared>>
        %dma_wait3A_253 = arith.constant 9600 : i32
        %dma_wait3A_254 = arith.constant 0 : i32
        %dma_wait3A_255 = tpu.memref_slice %arg5[%dma_wait3A_253, %dma_wait3A_254] : memref<10000x32xf32, #tpu.memory_space<hbm>> -> memref<400x32xf32, #tpu.memory_space<hbm>>
        tpu.wait_dma2 semaphore(%run_scoped3A : memref<!tpu.dma_semaphore, #tpu.memory_space<semaphore_mem>>) src(%dma_wait3A_255 : memref<400x32xf32, #tpu.memory_space<hbm>>) dst(%dma_wait3A_252 : memref<400x32xf32, #tpu.memory_space<vmem_shared>>)
        tpu.yield
      }) : () -> ()
    } else {
    }
    "tpu.region"() ({
      %run_scoped3A = tpu.sem_alloc : memref<!tpu.dma_semaphore, #tpu.memory_space<semaphore_mem>>
      %dma_start3A_244 = arith.constant 0 : i32
      %dma_start3A_245 = arith.constant 0 : i32
      %dma_start3A_246 = tpu.memref_slice %arg3[%add3A, %dma_start3A_244, %dma_start3A_245] : memref<32x80x125xi32, #tpu.memory_space<hbm>> -> memref<1x80x125xi32, #tpu.memory_space<hbm>>
      %dma_start3A_247 = tpu.memref_squeeze %dma_start3A_246 : memref<1x80x125xi32, #tpu.memory_space<hbm>> -> memref<80x125xi32, #tpu.memory_space<hbm>>
      %dma_start3A_248 = arith.constant 0 : i32
      %dma_start3A_249 = arith.constant 0 : i32
      %dma_start3A_250 = tpu.memref_slice %arg3[%add3A, %dma_start3A_248, %dma_start3A_249] : memref<32x80x125xi32, #tpu.memory_space<hbm>> -> memref<1x80x125xi32, #tpu.memory_space<hbm>>
      %dma_start3A_251 = tpu.memref_squeeze %dma_start3A_250 : memref<1x80x125xi32, #tpu.memory_space<hbm>> -> memref<80x125xi32, #tpu.memory_space<hbm>>
      tpu.enqueue_dma source(%dma_start3A_251 : memref<80x125xi32, #tpu.memory_space<hbm>>) target(%arg8 : memref<80x125xi32, #tpu.memory_space<vmem>>) target_semaphore(%run_scoped3A : memref<!tpu.dma_semaphore, #tpu.memory_space<semaphore_mem>>)
      %dma_wait3A_252 = arith.constant 0 : i32
      %dma_wait3A_253 = arith.constant 0 : i32
      %dma_wait3A_254 = tpu.memref_slice %arg3[%add3A, %dma_wait3A_252, %dma_wait3A_253] : memref<32x80x125xi32, #tpu.memory_space<hbm>> -> memref<1x80x125xi32, #tpu.memory_space<hbm>>
      %dma_wait3A_255 = tpu.memref_squeeze %dma_wait3A_254 : memref<1x80x125xi32, #tpu.memory_space<hbm>> -> memref<80x125xi32, #tpu.memory_space<hbm>>
      %dma_wait3A_256 = arith.constant 0 : i32
      %dma_wait3A_257 = arith.constant 0 : i32
      %dma_wait3A_258 = tpu.memref_slice %arg3[%add3A, %dma_wait3A_256, %dma_wait3A_257] : memref<32x80x125xi32, #tpu.memory_space<hbm>> -> memref<1x80x125xi32, #tpu.memory_space<hbm>>
      %dma_wait3A_259 = tpu.memref_squeeze %dma_wait3A_258 : memref<1x80x125xi32, #tpu.memory_space<hbm>> -> memref<80x125xi32, #tpu.memory_space<hbm>>
      tpu.wait_dma2 semaphore(%run_scoped3A : memref<!tpu.dma_semaphore, #tpu.memory_space<semaphore_mem>>) src(%dma_wait3A_259 : memref<80x125xi32, #tpu.memory_space<hbm>>) dst(%arg8 : memref<80x125xi32, #tpu.memory_space<vmem>>)
      tpu.yield
    }) : () -> ()
    "tpu.region"() ({
      %run_scoped3A = tpu.sem_alloc : memref<!tpu.dma_semaphore, #tpu.memory_space<semaphore_mem>>
      %dma_start3A_244 = arith.constant 0 : i32
      %dma_start3A_245 = arith.constant 0 : i32
      %dma_start3A_246 = tpu.memref_slice %arg4[%add3A, %dma_start3A_244, %dma_start3A_245] : memref<32x80x125xi32, #tpu.memory_space<hbm>> -> memref<1x80x125xi32, #tpu.memory_space<hbm>>
      %dma_start3A_247 = tpu.memref_squeeze %dma_start3A_246 : memref<1x80x125xi32, #tpu.memory_space<hbm>> -> memref<80x125xi32, #tpu.memory_space<hbm>>
      %dma_start3A_248 = arith.constant 0 : i32
      %dma_start3A_249 = arith.constant 0 : i32
      %dma_start3A_250 = tpu.memref_slice %arg4[%add3A, %dma_start3A_248, %dma_start3A_249] : memref<32x80x125xi32, #tpu.memory_space<hbm>> -> memref<1x80x125xi32, #tpu.memory_space<hbm>>
      %dma_start3A_251 = tpu.memref_squeeze %dma_start3A_250 : memref<1x80x125xi32, #tpu.memory_space<hbm>> -> memref<80x125xi32, #tpu.memory_space<hbm>>
      tpu.enqueue_dma source(%dma_start3A_251 : memref<80x125xi32, #tpu.memory_space<hbm>>) target(%arg9 : memref<80x125xi32, #tpu.memory_space<vmem>>) target_semaphore(%run_scoped3A : memref<!tpu.dma_semaphore, #tpu.memory_space<semaphore_mem>>)
      %dma_wait3A_252 = arith.constant 0 : i32
      %dma_wait3A_253 = arith.constant 0 : i32
      %dma_wait3A_254 = tpu.memref_slice %arg4[%add3A, %dma_wait3A_252, %dma_wait3A_253] : memref<32x80x125xi32, #tpu.memory_space<hbm>> -> memref<1x80x125xi32, #tpu.memory_space<hbm>>
      %dma_wait3A_255 = tpu.memref_squeeze %dma_wait3A_254 : memref<1x80x125xi32, #tpu.memory_space<hbm>> -> memref<80x125xi32, #tpu.memory_space<hbm>>
      %dma_wait3A_256 = arith.constant 0 : i32
      %dma_wait3A_257 = arith.constant 0 : i32
      %dma_wait3A_258 = tpu.memref_slice %arg4[%add3A, %dma_wait3A_256, %dma_wait3A_257] : memref<32x80x125xi32, #tpu.memory_space<hbm>> -> memref<1x80x125xi32, #tpu.memory_space<hbm>>
      %dma_wait3A_259 = tpu.memref_squeeze %dma_wait3A_258 : memref<1x80x125xi32, #tpu.memory_space<hbm>> -> memref<80x125xi32, #tpu.memory_space<hbm>>
      tpu.wait_dma2 semaphore(%run_scoped3A : memref<!tpu.dma_semaphore, #tpu.memory_space<semaphore_mem>>) src(%dma_wait3A_259 : memref<80x125xi32, #tpu.memory_space<hbm>>) dst(%arg9 : memref<80x125xi32, #tpu.memory_space<vmem>>)
      tpu.yield
    }) : () -> ()
    %barrier3A = arith.constant 0 : index
    tpu.barrier barrier_id(%barrier3A)
    %dma_start3A = arith.constant 0 : i32
    %dma_start3A_7 = arith.constant 0 : i32
    %dma_start3A_8 = tpu.memref_slice %arg8[%dma_start3A, %dma_start3A_7] : memref<80x125xi32, #tpu.memory_space<vmem>> -> memref<1x125xi32, #tpu.memory_space<vmem>>
    %dma_start3A_9 = tpu.memref_squeeze %dma_start3A_8 : memref<1x125xi32, #tpu.memory_space<vmem>> -> memref<125xi32, #tpu.memory_space<vmem>>
    %dma_start3A_10 = arith.constant 0 : i32
    %dma_start3A_11 = arith.constant 0 : i32
    %dma_start3A_12 = tpu.memref_slice %arg2[%dma_start3A_10, %dma_start3A_11] : memref<10000x32xf32, #tpu.memory_space<hbm>> -> memref<10000x32xf32, #tpu.memory_space<hbm>>
    tpu.enqueue_indirect_dma source(%dma_start3A_12 : memref<10000x32xf32, #tpu.memory_space<hbm>>) target(%arg10 : memref<125x32xf32, #tpu.memory_space<vmem>>) offsets(%dma_start3A_9 : memref<125xi32, #tpu.memory_space<vmem>>) semaphore(%arg19 : memref<!tpu.dma_semaphore, #tpu.memory_space<semaphore_mem>>)
    %dma_start3A_13 = arith.constant 1 : i32
    %dma_start3A_14 = arith.constant 0 : i32
    %dma_start3A_15 = tpu.memref_slice %arg8[%dma_start3A_13, %dma_start3A_14] : memref<80x125xi32, #tpu.memory_space<vmem>> -> memref<1x125xi32, #tpu.memory_space<vmem>>
    %dma_start3A_16 = tpu.memref_squeeze %dma_start3A_15 : memref<1x125xi32, #tpu.memory_space<vmem>> -> memref<125xi32, #tpu.memory_space<vmem>>
    %dma_start3A_17 = arith.constant 0 : i32
    %dma_start3A_18 = arith.constant 0 : i32
    %dma_start3A_19 = tpu.memref_slice %arg2[%dma_start3A_17, %dma_start3A_18] : memref<10000x32xf32, #tpu.memory_space<hbm>> -> memref<10000x32xf32, #tpu.memory_space<hbm>>
    tpu.enqueue_indirect_dma source(%dma_start3A_19 : memref<10000x32xf32, #tpu.memory_space<hbm>>) target(%arg11 : memref<125x32xf32, #tpu.memory_space<vmem>>) offsets(%dma_start3A_16 : memref<125xi32, #tpu.memory_space<vmem>>) semaphore(%arg20 : memref<!tpu.dma_semaphore, #tpu.memory_space<semaphore_mem>>)
    %dma_start3A_20 = arith.constant 2 : i32
    %dma_start3A_21 = arith.constant 0 : i32
    %dma_start3A_22 = tpu.memref_slice %arg8[%dma_start3A_20, %dma_start3A_21] : memref<80x125xi32, #tpu.memory_space<vmem>> -> memref<1x125xi32, #tpu.memory_space<vmem>>
    %dma_start3A_23 = tpu.memref_squeeze %dma_start3A_22 : memref<1x125xi32, #tpu.memory_space<vmem>> -> memref<125xi32, #tpu.memory_space<vmem>>
    %dma_start3A_24 = arith.constant 0 : i32
    %dma_start3A_25 = arith.constant 0 : i32
    %dma_start3A_26 = tpu.memref_slice %arg2[%dma_start3A_24, %dma_start3A_25] : memref<10000x32xf32, #tpu.memory_space<hbm>> -> memref<10000x32xf32, #tpu.memory_space<hbm>>
    tpu.enqueue_indirect_dma source(%dma_start3A_26 : memref<10000x32xf32, #tpu.memory_space<hbm>>) target(%arg12 : memref<125x32xf32, #tpu.memory_space<vmem>>) offsets(%dma_start3A_23 : memref<125xi32, #tpu.memory_space<vmem>>) semaphore(%arg21 : memref<!tpu.dma_semaphore, #tpu.memory_space<semaphore_mem>>)
    %dma_start3A_27 = arith.constant 3 : i32
    %dma_start3A_28 = arith.constant 0 : i32
    %dma_start3A_29 = tpu.memref_slice %arg8[%dma_start3A_27, %dma_start3A_28] : memref<80x125xi32, #tpu.memory_space<vmem>> -> memref<1x125xi32, #tpu.memory_space<vmem>>
    %dma_start3A_30 = tpu.memref_squeeze %dma_start3A_29 : memref<1x125xi32, #tpu.memory_space<vmem>> -> memref<125xi32, #tpu.memory_space<vmem>>
    %dma_start3A_31 = arith.constant 0 : i32
    %dma_start3A_32 = arith.constant 0 : i32
    %dma_start3A_33 = tpu.memref_slice %arg2[%dma_start3A_31, %dma_start3A_32] : memref<10000x32xf32, #tpu.memory_space<hbm>> -> memref<10000x32xf32, #tpu.memory_space<hbm>>
    tpu.enqueue_indirect_dma source(%dma_start3A_33 : memref<10000x32xf32, #tpu.memory_space<hbm>>) target(%arg13 : memref<125x32xf32, #tpu.memory_space<vmem>>) offsets(%dma_start3A_30 : memref<125xi32, #tpu.memory_space<vmem>>) semaphore(%arg22 : memref<!tpu.dma_semaphore, #tpu.memory_space<semaphore_mem>>)
    %dma_start3A_34 = arith.constant 4 : i32
    %dma_start3A_35 = arith.constant 0 : i32
    %dma_start3A_36 = tpu.memref_slice %arg8[%dma_start3A_34, %dma_start3A_35] : memref<80x125xi32, #tpu.memory_space<vmem>> -> memref<1x125xi32, #tpu.memory_space<vmem>>
    %dma_start3A_37 = tpu.memref_squeeze %dma_start3A_36 : memref<1x125xi32, #tpu.memory_space<vmem>> -> memref<125xi32, #tpu.memory_space<vmem>>
    %dma_start3A_38 = arith.constant 0 : i32
    %dma_start3A_39 = arith.constant 0 : i32
    %dma_start3A_40 = tpu.memref_slice %arg2[%dma_start3A_38, %dma_start3A_39] : memref<10000x32xf32, #tpu.memory_space<hbm>> -> memref<10000x32xf32, #tpu.memory_space<hbm>>
    tpu.enqueue_indirect_dma source(%dma_start3A_40 : memref<10000x32xf32, #tpu.memory_space<hbm>>) target(%arg14 : memref<125x32xf32, #tpu.memory_space<vmem>>) offsets(%dma_start3A_37 : memref<125xi32, #tpu.memory_space<vmem>>) semaphore(%arg23 : memref<!tpu.dma_semaphore, #tpu.memory_space<semaphore_mem>>)
    %dma_start3A_41 = arith.constant 5 : i32
    %dma_start3A_42 = arith.constant 0 : i32
    %dma_start3A_43 = tpu.memref_slice %arg8[%dma_start3A_41, %dma_start3A_42] : memref<80x125xi32, #tpu.memory_space<vmem>> -> memref<1x125xi32, #tpu.memory_space<vmem>>
    %dma_start3A_44 = tpu.memref_squeeze %dma_start3A_43 : memref<1x125xi32, #tpu.memory_space<vmem>> -> memref<125xi32, #tpu.memory_space<vmem>>
    %dma_start3A_45 = arith.constant 0 : i32
    %dma_start3A_46 = arith.constant 0 : i32
    %dma_start3A_47 = tpu.memref_slice %arg2[%dma_start3A_45, %dma_start3A_46] : memref<10000x32xf32, #tpu.memory_space<hbm>> -> memref<10000x32xf32, #tpu.memory_space<hbm>>
    tpu.enqueue_indirect_dma source(%dma_start3A_47 : memref<10000x32xf32, #tpu.memory_space<hbm>>) target(%arg15 : memref<125x32xf32, #tpu.memory_space<vmem>>) offsets(%dma_start3A_44 : memref<125xi32, #tpu.memory_space<vmem>>) semaphore(%arg24 : memref<!tpu.dma_semaphore, #tpu.memory_space<semaphore_mem>>)
    %dma_start3A_48 = arith.constant 6 : i32
    %dma_start3A_49 = arith.constant 0 : i32
    %dma_start3A_50 = tpu.memref_slice %arg8[%dma_start3A_48, %dma_start3A_49] : memref<80x125xi32, #tpu.memory_space<vmem>> -> memref<1x125xi32, #tpu.memory_space<vmem>>
    %dma_start3A_51 = tpu.memref_squeeze %dma_start3A_50 : memref<1x125xi32, #tpu.memory_space<vmem>> -> memref<125xi32, #tpu.memory_space<vmem>>
    %dma_start3A_52 = arith.constant 0 : i32
    %dma_start3A_53 = arith.constant 0 : i32
    %dma_start3A_54 = tpu.memref_slice %arg2[%dma_start3A_52, %dma_start3A_53] : memref<10000x32xf32, #tpu.memory_space<hbm>> -> memref<10000x32xf32, #tpu.memory_space<hbm>>
    tpu.enqueue_indirect_dma source(%dma_start3A_54 : memref<10000x32xf32, #tpu.memory_space<hbm>>) target(%arg16 : memref<125x32xf32, #tpu.memory_space<vmem>>) offsets(%dma_start3A_51 : memref<125xi32, #tpu.memory_space<vmem>>) semaphore(%arg25 : memref<!tpu.dma_semaphore, #tpu.memory_space<semaphore_mem>>)
    %dma_start3A_55 = arith.constant 7 : i32
    %dma_start3A_56 = arith.constant 0 : i32
    %dma_start3A_57 = tpu.memref_slice %arg8[%dma_start3A_55, %dma_start3A_56] : memref<80x125xi32, #tpu.memory_space<vmem>> -> memref<1x125xi32, #tpu.memory_space<vmem>>
    %dma_start3A_58 = tpu.memref_squeeze %dma_start3A_57 : memref<1x125xi32, #tpu.memory_space<vmem>> -> memref<125xi32, #tpu.memory_space<vmem>>
    %dma_start3A_59 = arith.constant 0 : i32
    %dma_start3A_60 = arith.constant 0 : i32
    %dma_start3A_61 = tpu.memref_slice %arg2[%dma_start3A_59, %dma_start3A_60] : memref<10000x32xf32, #tpu.memory_space<hbm>> -> memref<10000x32xf32, #tpu.memory_space<hbm>>
    tpu.enqueue_indirect_dma source(%dma_start3A_61 : memref<10000x32xf32, #tpu.memory_space<hbm>>) target(%arg17 : memref<125x32xf32, #tpu.memory_space<vmem>>) offsets(%dma_start3A_58 : memref<125xi32, #tpu.memory_space<vmem>>) semaphore(%arg26 : memref<!tpu.dma_semaphore, #tpu.memory_space<semaphore_mem>>)
    %dma_wait3A = arith.constant 0 : i32
    %dma_wait3A_62 = arith.constant 0 : i32
    %dma_wait3A_63 = tpu.memref_slice %arg8[%dma_wait3A, %dma_wait3A_62] : memref<80x125xi32, #tpu.memory_space<vmem>> -> memref<1x125xi32, #tpu.memory_space<vmem>>
    %dma_wait3A_64 = tpu.memref_squeeze %dma_wait3A_63 : memref<1x125xi32, #tpu.memory_space<vmem>> -> memref<125xi32, #tpu.memory_space<vmem>>
    %dma_wait3A_65 = arith.constant 0 : i32
    %dma_wait3A_66 = arith.constant 0 : i32
    %dma_wait3A_67 = tpu.memref_slice %arg2[%dma_wait3A_65, %dma_wait3A_66] : memref<10000x32xf32, #tpu.memory_space<hbm>> -> memref<10000x32xf32, #tpu.memory_space<hbm>>
    tpu.wait_indirect_dma semaphore(%arg19 : memref<!tpu.dma_semaphore, #tpu.memory_space<semaphore_mem>>) src(%dma_wait3A_67 : memref<10000x32xf32, #tpu.memory_space<hbm>>) dst(%arg10 : memref<125x32xf32, #tpu.memory_space<vmem>>)
    %dma_start3A_68 = arith.constant 0 : i32
    %dma_start3A_69 = arith.constant 0 : i32
    %dma_start3A_70 = tpu.memref_slice %arg9[%dma_start3A_68, %dma_start3A_69] : memref<80x125xi32, #tpu.memory_space<vmem>> -> memref<1x125xi32, #tpu.memory_space<vmem>>
    %dma_start3A_71 = tpu.memref_squeeze %dma_start3A_70 : memref<1x125xi32, #tpu.memory_space<vmem>> -> memref<125xi32, #tpu.memory_space<vmem>>
    %dma_start3A_72 = arith.constant 0 : i32
    %dma_start3A_73 = arith.constant 0 : i32
    %dma_start3A_74 = tpu.memref_slice %arg18[%dma_start3A_72, %dma_start3A_73] : memref<10000x32xf32, #tpu.memory_space<vmem_shared>> -> memref<10000x32xf32, #tpu.memory_space<vmem_shared>>
    tpu.enqueue_indirect_dma source(%arg10 : memref<125x32xf32, #tpu.memory_space<vmem>>) target(%dma_start3A_74 : memref<10000x32xf32, #tpu.memory_space<vmem_shared>>) offsets(%dma_start3A_71 : memref<125xi32, #tpu.memory_space<vmem>>) semaphore(%arg27 : memref<!tpu.dma_semaphore, #tpu.memory_space<semaphore_mem>>) {add = true}
    %dma_wait3A_75 = arith.constant 1 : i32
    %dma_wait3A_76 = arith.constant 0 : i32
    %dma_wait3A_77 = tpu.memref_slice %arg8[%dma_wait3A_75, %dma_wait3A_76] : memref<80x125xi32, #tpu.memory_space<vmem>> -> memref<1x125xi32, #tpu.memory_space<vmem>>
    %dma_wait3A_78 = tpu.memref_squeeze %dma_wait3A_77 : memref<1x125xi32, #tpu.memory_space<vmem>> -> memref<125xi32, #tpu.memory_space<vmem>>
    %dma_wait3A_79 = arith.constant 0 : i32
    %dma_wait3A_80 = arith.constant 0 : i32
    %dma_wait3A_81 = tpu.memref_slice %arg2[%dma_wait3A_79, %dma_wait3A_80] : memref<10000x32xf32, #tpu.memory_space<hbm>> -> memref<10000x32xf32, #tpu.memory_space<hbm>>
    tpu.wait_indirect_dma semaphore(%arg20 : memref<!tpu.dma_semaphore, #tpu.memory_space<semaphore_mem>>) src(%dma_wait3A_81 : memref<10000x32xf32, #tpu.memory_space<hbm>>) dst(%arg11 : memref<125x32xf32, #tpu.memory_space<vmem>>)
    %dma_start3A_82 = arith.constant 1 : i32
    %dma_start3A_83 = arith.constant 0 : i32
    %dma_start3A_84 = tpu.memref_slice %arg9[%dma_start3A_82, %dma_start3A_83] : memref<80x125xi32, #tpu.memory_space<vmem>> -> memref<1x125xi32, #tpu.memory_space<vmem>>
    %dma_start3A_85 = tpu.memref_squeeze %dma_start3A_84 : memref<1x125xi32, #tpu.memory_space<vmem>> -> memref<125xi32, #tpu.memory_space<vmem>>
    %dma_start3A_86 = arith.constant 0 : i32
    %dma_start3A_87 = arith.constant 0 : i32
    %dma_start3A_88 = tpu.memref_slice %arg18[%dma_start3A_86, %dma_start3A_87] : memref<10000x32xf32, #tpu.memory_space<vmem_shared>> -> memref<10000x32xf32, #tpu.memory_space<vmem_shared>>
    tpu.enqueue_indirect_dma source(%arg11 : memref<125x32xf32, #tpu.memory_space<vmem>>) target(%dma_start3A_88 : memref<10000x32xf32, #tpu.memory_space<vmem_shared>>) offsets(%dma_start3A_85 : memref<125xi32, #tpu.memory_space<vmem>>) semaphore(%arg28 : memref<!tpu.dma_semaphore, #tpu.memory_space<semaphore_mem>>) {add = true}
    %dma_wait3A_89 = arith.constant 2 : i32
    %dma_wait3A_90 = arith.constant 0 : i32
    %dma_wait3A_91 = tpu.memref_slice %arg8[%dma_wait3A_89, %dma_wait3A_90] : memref<80x125xi32, #tpu.memory_space<vmem>> -> memref<1x125xi32, #tpu.memory_space<vmem>>
    %dma_wait3A_92 = tpu.memref_squeeze %dma_wait3A_91 : memref<1x125xi32, #tpu.memory_space<vmem>> -> memref<125xi32, #tpu.memory_space<vmem>>
    %dma_wait3A_93 = arith.constant 0 : i32
    %dma_wait3A_94 = arith.constant 0 : i32
    %dma_wait3A_95 = tpu.memref_slice %arg2[%dma_wait3A_93, %dma_wait3A_94] : memref<10000x32xf32, #tpu.memory_space<hbm>> -> memref<10000x32xf32, #tpu.memory_space<hbm>>
    tpu.wait_indirect_dma semaphore(%arg21 : memref<!tpu.dma_semaphore, #tpu.memory_space<semaphore_mem>>) src(%dma_wait3A_95 : memref<10000x32xf32, #tpu.memory_space<hbm>>) dst(%arg12 : memref<125x32xf32, #tpu.memory_space<vmem>>)
    %dma_start3A_96 = arith.constant 2 : i32
    %dma_start3A_97 = arith.constant 0 : i32
    %dma_start3A_98 = tpu.memref_slice %arg9[%dma_start3A_96, %dma_start3A_97] : memref<80x125xi32, #tpu.memory_space<vmem>> -> memref<1x125xi32, #tpu.memory_space<vmem>>
    %dma_start3A_99 = tpu.memref_squeeze %dma_start3A_98 : memref<1x125xi32, #tpu.memory_space<vmem>> -> memref<125xi32, #tpu.memory_space<vmem>>
    %dma_start3A_100 = arith.constant 0 : i32
    %dma_start3A_101 = arith.constant 0 : i32
    %dma_start3A_102 = tpu.memref_slice %arg18[%dma_start3A_100, %dma_start3A_101] : memref<10000x32xf32, #tpu.memory_space<vmem_shared>> -> memref<10000x32xf32, #tpu.memory_space<vmem_shared>>
    tpu.enqueue_indirect_dma source(%arg12 : memref<125x32xf32, #tpu.memory_space<vmem>>) target(%dma_start3A_102 : memref<10000x32xf32, #tpu.memory_space<vmem_shared>>) offsets(%dma_start3A_99 : memref<125xi32, #tpu.memory_space<vmem>>) semaphore(%arg29 : memref<!tpu.dma_semaphore, #tpu.memory_space<semaphore_mem>>) {add = true}
    %dma_wait3A_103 = arith.constant 3 : i32
    %dma_wait3A_104 = arith.constant 0 : i32
    %dma_wait3A_105 = tpu.memref_slice %arg8[%dma_wait3A_103, %dma_wait3A_104] : memref<80x125xi32, #tpu.memory_space<vmem>> -> memref<1x125xi32, #tpu.memory_space<vmem>>
    %dma_wait3A_106 = tpu.memref_squeeze %dma_wait3A_105 : memref<1x125xi32, #tpu.memory_space<vmem>> -> memref<125xi32, #tpu.memory_space<vmem>>
    %dma_wait3A_107 = arith.constant 0 : i32
    %dma_wait3A_108 = arith.constant 0 : i32
    %dma_wait3A_109 = tpu.memref_slice %arg2[%dma_wait3A_107, %dma_wait3A_108] : memref<10000x32xf32, #tpu.memory_space<hbm>> -> memref<10000x32xf32, #tpu.memory_space<hbm>>
    tpu.wait_indirect_dma semaphore(%arg22 : memref<!tpu.dma_semaphore, #tpu.memory_space<semaphore_mem>>) src(%dma_wait3A_109 : memref<10000x32xf32, #tpu.memory_space<hbm>>) dst(%arg13 : memref<125x32xf32, #tpu.memory_space<vmem>>)
    %dma_start3A_110 = arith.constant 3 : i32
    %dma_start3A_111 = arith.constant 0 : i32
    %dma_start3A_112 = tpu.memref_slice %arg9[%dma_start3A_110, %dma_start3A_111] : memref<80x125xi32, #tpu.memory_space<vmem>> -> memref<1x125xi32, #tpu.memory_space<vmem>>
    %dma_start3A_113 = tpu.memref_squeeze %dma_start3A_112 : memref<1x125xi32, #tpu.memory_space<vmem>> -> memref<125xi32, #tpu.memory_space<vmem>>
    %dma_start3A_114 = arith.constant 0 : i32
    %dma_start3A_115 = arith.constant 0 : i32
    %dma_start3A_116 = tpu.memref_slice %arg18[%dma_start3A_114, %dma_start3A_115] : memref<10000x32xf32, #tpu.memory_space<vmem_shared>> -> memref<10000x32xf32, #tpu.memory_space<vmem_shared>>
    tpu.enqueue_indirect_dma source(%arg13 : memref<125x32xf32, #tpu.memory_space<vmem>>) target(%dma_start3A_116 : memref<10000x32xf32, #tpu.memory_space<vmem_shared>>) offsets(%dma_start3A_113 : memref<125xi32, #tpu.memory_space<vmem>>) semaphore(%arg30 : memref<!tpu.dma_semaphore, #tpu.memory_space<semaphore_mem>>) {add = true}
    %scan3A = arith.constant 0 : i32
    %scan3A_117 = arith.constant 9 : i32
    %scan3A_118 = arith.addi %scan3A, %scan3A_117 : i32
    %scan3A_119 = arith.constant 1 : i32
    scf.for %scan3A_244 = %scan3A to %scan3A_118 step %scan3A_119  : i32 {
      %mul3A_245 = arith.constant 8 : i32
      %mul3A_246 = arith.muli %scan3A_244, %mul3A_245 : i32
      %add3A_247 = arith.constant 4 : i32
      %add3A_248 = arith.addi %add3A_247, %mul3A_246 : i32
      %add3A_249 = arith.constant 0 : i32
      %add3A_250 = arith.addi %add3A_248, %add3A_249 : i32
      %dma_wait3A_251 = arith.constant 0 : i32
      %dma_wait3A_252 = tpu.memref_slice %arg8[%add3A_250, %dma_wait3A_251] : memref<80x125xi32, #tpu.memory_space<vmem>> -> memref<1x125xi32, #tpu.memory_space<vmem>>
      %dma_wait3A_253 = tpu.memref_squeeze %dma_wait3A_252 : memref<1x125xi32, #tpu.memory_space<vmem>> -> memref<125xi32, #tpu.memory_space<vmem>>
      %dma_wait3A_254 = arith.constant 0 : i32
      %dma_wait3A_255 = arith.constant 0 : i32
      %dma_wait3A_256 = tpu.memref_slice %arg2[%dma_wait3A_254, %dma_wait3A_255] : memref<10000x32xf32, #tpu.memory_space<hbm>> -> memref<10000x32xf32, #tpu.memory_space<hbm>>
      tpu.wait_indirect_dma semaphore(%arg23 : memref<!tpu.dma_semaphore, #tpu.memory_space<semaphore_mem>>) src(%dma_wait3A_256 : memref<10000x32xf32, #tpu.memory_space<hbm>>) dst(%arg14 : memref<125x32xf32, #tpu.memory_space<vmem>>)
      %dma_start3A_257 = arith.constant 0 : i32
      %dma_start3A_258 = tpu.memref_slice %arg9[%add3A_250, %dma_start3A_257] : memref<80x125xi32, #tpu.memory_space<vmem>> -> memref<1x125xi32, #tpu.memory_space<vmem>>
      %dma_start3A_259 = tpu.memref_squeeze %dma_start3A_258 : memref<1x125xi32, #tpu.memory_space<vmem>> -> memref<125xi32, #tpu.memory_space<vmem>>
      %dma_start3A_260 = arith.constant 0 : i32
      %dma_start3A_261 = arith.constant 0 : i32
      %dma_start3A_262 = tpu.memref_slice %arg18[%dma_start3A_260, %dma_start3A_261] : memref<10000x32xf32, #tpu.memory_space<vmem_shared>> -> memref<10000x32xf32, #tpu.memory_space<vmem_shared>>
      tpu.enqueue_indirect_dma source(%arg14 : memref<125x32xf32, #tpu.memory_space<vmem>>) target(%dma_start3A_262 : memref<10000x32xf32, #tpu.memory_space<vmem_shared>>) offsets(%dma_start3A_259 : memref<125xi32, #tpu.memory_space<vmem>>) semaphore(%arg31 : memref<!tpu.dma_semaphore, #tpu.memory_space<semaphore_mem>>) {add = true}
      %sub3A = arith.constant 4 : i32
      %sub3A_263 = arith.subi %add3A_250, %sub3A : i32
      %dma_wait3A_264 = arith.constant 0 : i32
      %dma_wait3A_265 = tpu.memref_slice %arg9[%sub3A_263, %dma_wait3A_264] : memref<80x125xi32, #tpu.memory_space<vmem>> -> memref<1x125xi32, #tpu.memory_space<vmem>>
      %dma_wait3A_266 = tpu.memref_squeeze %dma_wait3A_265 : memref<1x125xi32, #tpu.memory_space<vmem>> -> memref<125xi32, #tpu.memory_space<vmem>>
      %dma_wait3A_267 = arith.constant 0 : i32
      %dma_wait3A_268 = arith.constant 0 : i32
      %dma_wait3A_269 = tpu.memref_slice %arg18[%dma_wait3A_267, %dma_wait3A_268] : memref<10000x32xf32, #tpu.memory_space<vmem_shared>> -> memref<10000x32xf32, #tpu.memory_space<vmem_shared>>
      tpu.wait_indirect_dma semaphore(%arg27 : memref<!tpu.dma_semaphore, #tpu.memory_space<semaphore_mem>>) src(%arg10 : memref<125x32xf32, #tpu.memory_space<vmem>>) dst(%dma_wait3A_269 : memref<10000x32xf32, #tpu.memory_space<vmem_shared>>)
      %add3A_270 = arith.constant 4 : i32
      %add3A_271 = arith.addi %add3A_250, %add3A_270 : i32
      %dma_start3A_272 = arith.constant 0 : i32
      %dma_start3A_273 = tpu.memref_slice %arg8[%add3A_271, %dma_start3A_272] : memref<80x125xi32, #tpu.memory_space<vmem>> -> memref<1x125xi32, #tpu.memory_space<vmem>>
      %dma_start3A_274 = tpu.memref_squeeze %dma_start3A_273 : memref<1x125xi32, #tpu.memory_space<vmem>> -> memref<125xi32, #tpu.memory_space<vmem>>
      %dma_start3A_275 = arith.constant 0 : i32
      %dma_start3A_276 = arith.constant 0 : i32
      %dma_start3A_277 = tpu.memref_slice %arg2[%dma_start3A_275, %dma_start3A_276] : memref<10000x32xf32, #tpu.memory_space<hbm>> -> memref<10000x32xf32, #tpu.memory_space<hbm>>
      tpu.enqueue_indirect_dma source(%dma_start3A_277 : memref<10000x32xf32, #tpu.memory_space<hbm>>) target(%arg10 : memref<125x32xf32, #tpu.memory_space<vmem>>) offsets(%dma_start3A_274 : memref<125xi32, #tpu.memory_space<vmem>>) semaphore(%arg19 : memref<!tpu.dma_semaphore, #tpu.memory_space<semaphore_mem>>)
      %add3A_278 = arith.constant 1 : i32
      %add3A_279 = arith.addi %add3A_248, %add3A_278 : i32
      %dma_wait3A_280 = arith.constant 0 : i32
      %dma_wait3A_281 = tpu.memref_slice %arg8[%add3A_279, %dma_wait3A_280] : memref<80x125xi32, #tpu.memory_space<vmem>> -> memref<1x125xi32, #tpu.memory_space<vmem>>
      %dma_wait3A_282 = tpu.memref_squeeze %dma_wait3A_281 : memref<1x125xi32, #tpu.memory_space<vmem>> -> memref<125xi32, #tpu.memory_space<vmem>>
      %dma_wait3A_283 = arith.constant 0 : i32
      %dma_wait3A_284 = arith.constant 0 : i32
      %dma_wait3A_285 = tpu.memref_slice %arg2[%dma_wait3A_283, %dma_wait3A_284] : memref<10000x32xf32, #tpu.memory_space<hbm>> -> memref<10000x32xf32, #tpu.memory_space<hbm>>
      tpu.wait_indirect_dma semaphore(%arg24 : memref<!tpu.dma_semaphore, #tpu.memory_space<semaphore_mem>>) src(%dma_wait3A_285 : memref<10000x32xf32, #tpu.memory_space<hbm>>) dst(%arg15 : memref<125x32xf32, #tpu.memory_space<vmem>>)
      %dma_start3A_286 = arith.constant 0 : i32
      %dma_start3A_287 = tpu.memref_slice %arg9[%add3A_279, %dma_start3A_286] : memref<80x125xi32, #tpu.memory_space<vmem>> -> memref<1x125xi32, #tpu.memory_space<vmem>>
      %dma_start3A_288 = tpu.memref_squeeze %dma_start3A_287 : memref<1x125xi32, #tpu.memory_space<vmem>> -> memref<125xi32, #tpu.memory_space<vmem>>
      %dma_start3A_289 = arith.constant 0 : i32
      %dma_start3A_290 = arith.constant 0 : i32
      %dma_start3A_291 = tpu.memref_slice %arg18[%dma_start3A_289, %dma_start3A_290] : memref<10000x32xf32, #tpu.memory_space<vmem_shared>> -> memref<10000x32xf32, #tpu.memory_space<vmem_shared>>
      tpu.enqueue_indirect_dma source(%arg15 : memref<125x32xf32, #tpu.memory_space<vmem>>) target(%dma_start3A_291 : memref<10000x32xf32, #tpu.memory_space<vmem_shared>>) offsets(%dma_start3A_288 : memref<125xi32, #tpu.memory_space<vmem>>) semaphore(%arg32 : memref<!tpu.dma_semaphore, #tpu.memory_space<semaphore_mem>>) {add = true}
      %sub3A_292 = arith.constant 4 : i32
      %sub3A_293 = arith.subi %add3A_279, %sub3A_292 : i32
      %dma_wait3A_294 = arith.constant 0 : i32
      %dma_wait3A_295 = tpu.memref_slice %arg9[%sub3A_293, %dma_wait3A_294] : memref<80x125xi32, #tpu.memory_space<vmem>> -> memref<1x125xi32, #tpu.memory_space<vmem>>
      %dma_wait3A_296 = tpu.memref_squeeze %dma_wait3A_295 : memref<1x125xi32, #tpu.memory_space<vmem>> -> memref<125xi32, #tpu.memory_space<vmem>>
      %dma_wait3A_297 = arith.constant 0 : i32
      %dma_wait3A_298 = arith.constant 0 : i32
      %dma_wait3A_299 = tpu.memref_slice %arg18[%dma_wait3A_297, %dma_wait3A_298] : memref<10000x32xf32, #tpu.memory_space<vmem_shared>> -> memref<10000x32xf32, #tpu.memory_space<vmem_shared>>
      tpu.wait_indirect_dma semaphore(%arg28 : memref<!tpu.dma_semaphore, #tpu.memory_space<semaphore_mem>>) src(%arg11 : memref<125x32xf32, #tpu.memory_space<vmem>>) dst(%dma_wait3A_299 : memref<10000x32xf32, #tpu.memory_space<vmem_shared>>)
      %add3A_300 = arith.constant 4 : i32
      %add3A_301 = arith.addi %add3A_279, %add3A_300 : i32
      %dma_start3A_302 = arith.constant 0 : i32
      %dma_start3A_303 = tpu.memref_slice %arg8[%add3A_301, %dma_start3A_302] : memref<80x125xi32, #tpu.memory_space<vmem>> -> memref<1x125xi32, #tpu.memory_space<vmem>>
      %dma_start3A_304 = tpu.memref_squeeze %dma_start3A_303 : memref<1x125xi32, #tpu.memory_space<vmem>> -> memref<125xi32, #tpu.memory_space<vmem>>
      %dma_start3A_305 = arith.constant 0 : i32
      %dma_start3A_306 = arith.constant 0 : i32
      %dma_start3A_307 = tpu.memref_slice %arg2[%dma_start3A_305, %dma_start3A_306] : memref<10000x32xf32, #tpu.memory_space<hbm>> -> memref<10000x32xf32, #tpu.memory_space<hbm>>
      tpu.enqueue_indirect_dma source(%dma_start3A_307 : memref<10000x32xf32, #tpu.memory_space<hbm>>) target(%arg11 : memref<125x32xf32, #tpu.memory_space<vmem>>) offsets(%dma_start3A_304 : memref<125xi32, #tpu.memory_space<vmem>>) semaphore(%arg20 : memref<!tpu.dma_semaphore, #tpu.memory_space<semaphore_mem>>)
      %add3A_308 = arith.constant 2 : i32
      %add3A_309 = arith.addi %add3A_248, %add3A_308 : i32
      %dma_wait3A_310 = arith.constant 0 : i32
      %dma_wait3A_311 = tpu.memref_slice %arg8[%add3A_309, %dma_wait3A_310] : memref<80x125xi32, #tpu.memory_space<vmem>> -> memref<1x125xi32, #tpu.memory_space<vmem>>
      %dma_wait3A_312 = tpu.memref_squeeze %dma_wait3A_311 : memref<1x125xi32, #tpu.memory_space<vmem>> -> memref<125xi32, #tpu.memory_space<vmem>>
      %dma_wait3A_313 = arith.constant 0 : i32
      %dma_wait3A_314 = arith.constant 0 : i32
      %dma_wait3A_315 = tpu.memref_slice %arg2[%dma_wait3A_313, %dma_wait3A_314] : memref<10000x32xf32, #tpu.memory_space<hbm>> -> memref<10000x32xf32, #tpu.memory_space<hbm>>
      tpu.wait_indirect_dma semaphore(%arg25 : memref<!tpu.dma_semaphore, #tpu.memory_space<semaphore_mem>>) src(%dma_wait3A_315 : memref<10000x32xf32, #tpu.memory_space<hbm>>) dst(%arg16 : memref<125x32xf32, #tpu.memory_space<vmem>>)
      %dma_start3A_316 = arith.constant 0 : i32
      %dma_start3A_317 = tpu.memref_slice %arg9[%add3A_309, %dma_start3A_316] : memref<80x125xi32, #tpu.memory_space<vmem>> -> memref<1x125xi32, #tpu.memory_space<vmem>>
      %dma_start3A_318 = tpu.memref_squeeze %dma_start3A_317 : memref<1x125xi32, #tpu.memory_space<vmem>> -> memref<125xi32, #tpu.memory_space<vmem>>
      %dma_start3A_319 = arith.constant 0 : i32
      %dma_start3A_320 = arith.constant 0 : i32
      %dma_start3A_321 = tpu.memref_slice %arg18[%dma_start3A_319, %dma_start3A_320] : memref<10000x32xf32, #tpu.memory_space<vmem_shared>> -> memref<10000x32xf32, #tpu.memory_space<vmem_shared>>
      tpu.enqueue_indirect_dma source(%arg16 : memref<125x32xf32, #tpu.memory_space<vmem>>) target(%dma_start3A_321 : memref<10000x32xf32, #tpu.memory_space<vmem_shared>>) offsets(%dma_start3A_318 : memref<125xi32, #tpu.memory_space<vmem>>) semaphore(%arg33 : memref<!tpu.dma_semaphore, #tpu.memory_space<semaphore_mem>>) {add = true}
      %sub3A_322 = arith.constant 4 : i32
      %sub3A_323 = arith.subi %add3A_309, %sub3A_322 : i32
      %dma_wait3A_324 = arith.constant 0 : i32
      %dma_wait3A_325 = tpu.memref_slice %arg9[%sub3A_323, %dma_wait3A_324] : memref<80x125xi32, #tpu.memory_space<vmem>> -> memref<1x125xi32, #tpu.memory_space<vmem>>
      %dma_wait3A_326 = tpu.memref_squeeze %dma_wait3A_325 : memref<1x125xi32, #tpu.memory_space<vmem>> -> memref<125xi32, #tpu.memory_space<vmem>>
      %dma_wait3A_327 = arith.constant 0 : i32
      %dma_wait3A_328 = arith.constant 0 : i32
      %dma_wait3A_329 = tpu.memref_slice %arg18[%dma_wait3A_327, %dma_wait3A_328] : memref<10000x32xf32, #tpu.memory_space<vmem_shared>> -> memref<10000x32xf32, #tpu.memory_space<vmem_shared>>
      tpu.wait_indirect_dma semaphore(%arg29 : memref<!tpu.dma_semaphore, #tpu.memory_space<semaphore_mem>>) src(%arg12 : memref<125x32xf32, #tpu.memory_space<vmem>>) dst(%dma_wait3A_329 : memref<10000x32xf32, #tpu.memory_space<vmem_shared>>)
      %add3A_330 = arith.constant 4 : i32
      %add3A_331 = arith.addi %add3A_309, %add3A_330 : i32
      %dma_start3A_332 = arith.constant 0 : i32
      %dma_start3A_333 = tpu.memref_slice %arg8[%add3A_331, %dma_start3A_332] : memref<80x125xi32, #tpu.memory_space<vmem>> -> memref<1x125xi32, #tpu.memory_space<vmem>>
      %dma_start3A_334 = tpu.memref_squeeze %dma_start3A_333 : memref<1x125xi32, #tpu.memory_space<vmem>> -> memref<125xi32, #tpu.memory_space<vmem>>
      %dma_start3A_335 = arith.constant 0 : i32
      %dma_start3A_336 = arith.constant 0 : i32
      %dma_start3A_337 = tpu.memref_slice %arg2[%dma_start3A_335, %dma_start3A_336] : memref<10000x32xf32, #tpu.memory_space<hbm>> -> memref<10000x32xf32, #tpu.memory_space<hbm>>
      tpu.enqueue_indirect_dma source(%dma_start3A_337 : memref<10000x32xf32, #tpu.memory_space<hbm>>) target(%arg12 : memref<125x32xf32, #tpu.memory_space<vmem>>) offsets(%dma_start3A_334 : memref<125xi32, #tpu.memory_space<vmem>>) semaphore(%arg21 : memref<!tpu.dma_semaphore, #tpu.memory_space<semaphore_mem>>)
      %add3A_338 = arith.constant 3 : i32
      %add3A_339 = arith.addi %add3A_248, %add3A_338 : i32
      %dma_wait3A_340 = arith.constant 0 : i32
      %dma_wait3A_341 = tpu.memref_slice %arg8[%add3A_339, %dma_wait3A_340] : memref<80x125xi32, #tpu.memory_space<vmem>> -> memref<1x125xi32, #tpu.memory_space<vmem>>
      %dma_wait3A_342 = tpu.memref_squeeze %dma_wait3A_341 : memref<1x125xi32, #tpu.memory_space<vmem>> -> memref<125xi32, #tpu.memory_space<vmem>>
      %dma_wait3A_343 = arith.constant 0 : i32
      %dma_wait3A_344 = arith.constant 0 : i32
      %dma_wait3A_345 = tpu.memref_slice %arg2[%dma_wait3A_343, %dma_wait3A_344] : memref<10000x32xf32, #tpu.memory_space<hbm>> -> memref<10000x32xf32, #tpu.memory_space<hbm>>
      tpu.wait_indirect_dma semaphore(%arg26 : memref<!tpu.dma_semaphore, #tpu.memory_space<semaphore_mem>>) src(%dma_wait3A_345 : memref<10000x32xf32, #tpu.memory_space<hbm>>) dst(%arg17 : memref<125x32xf32, #tpu.memory_space<vmem>>)
      %dma_start3A_346 = arith.constant 0 : i32
      %dma_start3A_347 = tpu.memref_slice %arg9[%add3A_339, %dma_start3A_346] : memref<80x125xi32, #tpu.memory_space<vmem>> -> memref<1x125xi32, #tpu.memory_space<vmem>>
      %dma_start3A_348 = tpu.memref_squeeze %dma_start3A_347 : memref<1x125xi32, #tpu.memory_space<vmem>> -> memref<125xi32, #tpu.memory_space<vmem>>
      %dma_start3A_349 = arith.constant 0 : i32
      %dma_start3A_350 = arith.constant 0 : i32
      %dma_start3A_351 = tpu.memref_slice %arg18[%dma_start3A_349, %dma_start3A_350] : memref<10000x32xf32, #tpu.memory_space<vmem_shared>> -> memref<10000x32xf32, #tpu.memory_space<vmem_shared>>
      tpu.enqueue_indirect_dma source(%arg17 : memref<125x32xf32, #tpu.memory_space<vmem>>) target(%dma_start3A_351 : memref<10000x32xf32, #tpu.memory_space<vmem_shared>>) offsets(%dma_start3A_348 : memref<125xi32, #tpu.memory_space<vmem>>) semaphore(%arg34 : memref<!tpu.dma_semaphore, #tpu.memory_space<semaphore_mem>>) {add = true}
      %sub3A_352 = arith.constant 4 : i32
      %sub3A_353 = arith.subi %add3A_339, %sub3A_352 : i32
      %dma_wait3A_354 = arith.constant 0 : i32
      %dma_wait3A_355 = tpu.memref_slice %arg9[%sub3A_353, %dma_wait3A_354] : memref<80x125xi32, #tpu.memory_space<vmem>> -> memref<1x125xi32, #tpu.memory_space<vmem>>
      %dma_wait3A_356 = tpu.memref_squeeze %dma_wait3A_355 : memref<1x125xi32, #tpu.memory_space<vmem>> -> memref<125xi32, #tpu.memory_space<vmem>>
      %dma_wait3A_357 = arith.constant 0 : i32
      %dma_wait3A_358 = arith.constant 0 : i32
      %dma_wait3A_359 = tpu.memref_slice %arg18[%dma_wait3A_357, %dma_wait3A_358] : memref<10000x32xf32, #tpu.memory_space<vmem_shared>> -> memref<10000x32xf32, #tpu.memory_space<vmem_shared>>
      tpu.wait_indirect_dma semaphore(%arg30 : memref<!tpu.dma_semaphore, #tpu.memory_space<semaphore_mem>>) src(%arg13 : memref<125x32xf32, #tpu.memory_space<vmem>>) dst(%dma_wait3A_359 : memref<10000x32xf32, #tpu.memory_space<vmem_shared>>)
      %add3A_360 = arith.constant 4 : i32
      %add3A_361 = arith.addi %add3A_339, %add3A_360 : i32
      %dma_start3A_362 = arith.constant 0 : i32
      %dma_start3A_363 = tpu.memref_slice %arg8[%add3A_361, %dma_start3A_362] : memref<80x125xi32, #tpu.memory_space<vmem>> -> memref<1x125xi32, #tpu.memory_space<vmem>>
      %dma_start3A_364 = tpu.memref_squeeze %dma_start3A_363 : memref<1x125xi32, #tpu.memory_space<vmem>> -> memref<125xi32, #tpu.memory_space<vmem>>
      %dma_start3A_365 = arith.constant 0 : i32
      %dma_start3A_366 = arith.constant 0 : i32
      %dma_start3A_367 = tpu.memref_slice %arg2[%dma_start3A_365, %dma_start3A_366] : memref<10000x32xf32, #tpu.memory_space<hbm>> -> memref<10000x32xf32, #tpu.memory_space<hbm>>
      tpu.enqueue_indirect_dma source(%dma_start3A_367 : memref<10000x32xf32, #tpu.memory_space<hbm>>) target(%arg13 : memref<125x32xf32, #tpu.memory_space<vmem>>) offsets(%dma_start3A_364 : memref<125xi32, #tpu.memory_space<vmem>>) semaphore(%arg22 : memref<!tpu.dma_semaphore, #tpu.memory_space<semaphore_mem>>)
      %add3A_368 = arith.constant 4 : i32
      %add3A_369 = arith.addi %add3A_248, %add3A_368 : i32
      %dma_wait3A_370 = arith.constant 0 : i32
      %dma_wait3A_371 = tpu.memref_slice %arg8[%add3A_369, %dma_wait3A_370] : memref<80x125xi32, #tpu.memory_space<vmem>> -> memref<1x125xi32, #tpu.memory_space<vmem>>
      %dma_wait3A_372 = tpu.memref_squeeze %dma_wait3A_371 : memref<1x125xi32, #tpu.memory_space<vmem>> -> memref<125xi32, #tpu.memory_space<vmem>>
      %dma_wait3A_373 = arith.constant 0 : i32
      %dma_wait3A_374 = arith.constant 0 : i32
      %dma_wait3A_375 = tpu.memref_slice %arg2[%dma_wait3A_373, %dma_wait3A_374] : memref<10000x32xf32, #tpu.memory_space<hbm>> -> memref<10000x32xf32, #tpu.memory_space<hbm>>
      tpu.wait_indirect_dma semaphore(%arg19 : memref<!tpu.dma_semaphore, #tpu.memory_space<semaphore_mem>>) src(%dma_wait3A_375 : memref<10000x32xf32, #tpu.memory_space<hbm>>) dst(%arg10 : memref<125x32xf32, #tpu.memory_space<vmem>>)
      %dma_start3A_376 = arith.constant 0 : i32
      %dma_start3A_377 = tpu.memref_slice %arg9[%add3A_369, %dma_start3A_376] : memref<80x125xi32, #tpu.memory_space<vmem>> -> memref<1x125xi32, #tpu.memory_space<vmem>>
      %dma_start3A_378 = tpu.memref_squeeze %dma_start3A_377 : memref<1x125xi32, #tpu.memory_space<vmem>> -> memref<125xi32, #tpu.memory_space<vmem>>
      %dma_start3A_379 = arith.constant 0 : i32
      %dma_start3A_380 = arith.constant 0 : i32
      %dma_start3A_381 = tpu.memref_slice %arg18[%dma_start3A_379, %dma_start3A_380] : memref<10000x32xf32, #tpu.memory_space<vmem_shared>> -> memref<10000x32xf32, #tpu.memory_space<vmem_shared>>
      tpu.enqueue_indirect_dma source(%arg10 : memref<125x32xf32, #tpu.memory_space<vmem>>) target(%dma_start3A_381 : memref<10000x32xf32, #tpu.memory_space<vmem_shared>>) offsets(%dma_start3A_378 : memref<125xi32, #tpu.memory_space<vmem>>) semaphore(%arg27 : memref<!tpu.dma_semaphore, #tpu.memory_space<semaphore_mem>>) {add = true}
      %sub3A_382 = arith.constant 4 : i32
      %sub3A_383 = arith.subi %add3A_369, %sub3A_382 : i32
      %dma_wait3A_384 = arith.constant 0 : i32
      %dma_wait3A_385 = tpu.memref_slice %arg9[%sub3A_383, %dma_wait3A_384] : memref<80x125xi32, #tpu.memory_space<vmem>> -> memref<1x125xi32, #tpu.memory_space<vmem>>
      %dma_wait3A_386 = tpu.memref_squeeze %dma_wait3A_385 : memref<1x125xi32, #tpu.memory_space<vmem>> -> memref<125xi32, #tpu.memory_space<vmem>>
      %dma_wait3A_387 = arith.constant 0 : i32
      %dma_wait3A_388 = arith.constant 0 : i32
      %dma_wait3A_389 = tpu.memref_slice %arg18[%dma_wait3A_387, %dma_wait3A_388] : memref<10000x32xf32, #tpu.memory_space<vmem_shared>> -> memref<10000x32xf32, #tpu.memory_space<vmem_shared>>
      tpu.wait_indirect_dma semaphore(%arg31 : memref<!tpu.dma_semaphore, #tpu.memory_space<semaphore_mem>>) src(%arg14 : memref<125x32xf32, #tpu.memory_space<vmem>>) dst(%dma_wait3A_389 : memref<10000x32xf32, #tpu.memory_space<vmem_shared>>)
      %add3A_390 = arith.constant 4 : i32
      %add3A_391 = arith.addi %add3A_369, %add3A_390 : i32
      %dma_start3A_392 = arith.constant 0 : i32
      %dma_start3A_393 = tpu.memref_slice %arg8[%add3A_391, %dma_start3A_392] : memref<80x125xi32, #tpu.memory_space<vmem>> -> memref<1x125xi32, #tpu.memory_space<vmem>>
      %dma_start3A_394 = tpu.memref_squeeze %dma_start3A_393 : memref<1x125xi32, #tpu.memory_space<vmem>> -> memref<125xi32, #tpu.memory_space<vmem>>
      %dma_start3A_395 = arith.constant 0 : i32
      %dma_start3A_396 = arith.constant 0 : i32
      %dma_start3A_397 = tpu.memref_slice %arg2[%dma_start3A_395, %dma_start3A_396] : memref<10000x32xf32, #tpu.memory_space<hbm>> -> memref<10000x32xf32, #tpu.memory_space<hbm>>
      tpu.enqueue_indirect_dma source(%dma_start3A_397 : memref<10000x32xf32, #tpu.memory_space<hbm>>) target(%arg14 : memref<125x32xf32, #tpu.memory_space<vmem>>) offsets(%dma_start3A_394 : memref<125xi32, #tpu.memory_space<vmem>>) semaphore(%arg23 : memref<!tpu.dma_semaphore, #tpu.memory_space<semaphore_mem>>)
      %add3A_398 = arith.constant 5 : i32
      %add3A_399 = arith.addi %add3A_248, %add3A_398 : i32
      %dma_wait3A_400 = arith.constant 0 : i32
      %dma_wait3A_401 = tpu.memref_slice %arg8[%add3A_399, %dma_wait3A_400] : memref<80x125xi32, #tpu.memory_space<vmem>> -> memref<1x125xi32, #tpu.memory_space<vmem>>
      %dma_wait3A_402 = tpu.memref_squeeze %dma_wait3A_401 : memref<1x125xi32, #tpu.memory_space<vmem>> -> memref<125xi32, #tpu.memory_space<vmem>>
      %dma_wait3A_403 = arith.constant 0 : i32
      %dma_wait3A_404 = arith.constant 0 : i32
      %dma_wait3A_405 = tpu.memref_slice %arg2[%dma_wait3A_403, %dma_wait3A_404] : memref<10000x32xf32, #tpu.memory_space<hbm>> -> memref<10000x32xf32, #tpu.memory_space<hbm>>
      tpu.wait_indirect_dma semaphore(%arg20 : memref<!tpu.dma_semaphore, #tpu.memory_space<semaphore_mem>>) src(%dma_wait3A_405 : memref<10000x32xf32, #tpu.memory_space<hbm>>) dst(%arg11 : memref<125x32xf32, #tpu.memory_space<vmem>>)
      %dma_start3A_406 = arith.constant 0 : i32
      %dma_start3A_407 = tpu.memref_slice %arg9[%add3A_399, %dma_start3A_406] : memref<80x125xi32, #tpu.memory_space<vmem>> -> memref<1x125xi32, #tpu.memory_space<vmem>>
      %dma_start3A_408 = tpu.memref_squeeze %dma_start3A_407 : memref<1x125xi32, #tpu.memory_space<vmem>> -> memref<125xi32, #tpu.memory_space<vmem>>
      %dma_start3A_409 = arith.constant 0 : i32
      %dma_start3A_410 = arith.constant 0 : i32
      %dma_start3A_411 = tpu.memref_slice %arg18[%dma_start3A_409, %dma_start3A_410] : memref<10000x32xf32, #tpu.memory_space<vmem_shared>> -> memref<10000x32xf32, #tpu.memory_space<vmem_shared>>
      tpu.enqueue_indirect_dma source(%arg11 : memref<125x32xf32, #tpu.memory_space<vmem>>) target(%dma_start3A_411 : memref<10000x32xf32, #tpu.memory_space<vmem_shared>>) offsets(%dma_start3A_408 : memref<125xi32, #tpu.memory_space<vmem>>) semaphore(%arg28 : memref<!tpu.dma_semaphore, #tpu.memory_space<semaphore_mem>>) {add = true}
      %sub3A_412 = arith.constant 4 : i32
      %sub3A_413 = arith.subi %add3A_399, %sub3A_412 : i32
      %dma_wait3A_414 = arith.constant 0 : i32
      %dma_wait3A_415 = tpu.memref_slice %arg9[%sub3A_413, %dma_wait3A_414] : memref<80x125xi32, #tpu.memory_space<vmem>> -> memref<1x125xi32, #tpu.memory_space<vmem>>
      %dma_wait3A_416 = tpu.memref_squeeze %dma_wait3A_415 : memref<1x125xi32, #tpu.memory_space<vmem>> -> memref<125xi32, #tpu.memory_space<vmem>>
      %dma_wait3A_417 = arith.constant 0 : i32
      %dma_wait3A_418 = arith.constant 0 : i32
      %dma_wait3A_419 = tpu.memref_slice %arg18[%dma_wait3A_417, %dma_wait3A_418] : memref<10000x32xf32, #tpu.memory_space<vmem_shared>> -> memref<10000x32xf32, #tpu.memory_space<vmem_shared>>
      tpu.wait_indirect_dma semaphore(%arg32 : memref<!tpu.dma_semaphore, #tpu.memory_space<semaphore_mem>>) src(%arg15 : memref<125x32xf32, #tpu.memory_space<vmem>>) dst(%dma_wait3A_419 : memref<10000x32xf32, #tpu.memory_space<vmem_shared>>)
      %add3A_420 = arith.constant 4 : i32
      %add3A_421 = arith.addi %add3A_399, %add3A_420 : i32
      %dma_start3A_422 = arith.constant 0 : i32
      %dma_start3A_423 = tpu.memref_slice %arg8[%add3A_421, %dma_start3A_422] : memref<80x125xi32, #tpu.memory_space<vmem>> -> memref<1x125xi32, #tpu.memory_space<vmem>>
      %dma_start3A_424 = tpu.memref_squeeze %dma_start3A_423 : memref<1x125xi32, #tpu.memory_space<vmem>> -> memref<125xi32, #tpu.memory_space<vmem>>
      %dma_start3A_425 = arith.constant 0 : i32
      %dma_start3A_426 = arith.constant 0 : i32
      %dma_start3A_427 = tpu.memref_slice %arg2[%dma_start3A_425, %dma_start3A_426] : memref<10000x32xf32, #tpu.memory_space<hbm>> -> memref<10000x32xf32, #tpu.memory_space<hbm>>
      tpu.enqueue_indirect_dma source(%dma_start3A_427 : memref<10000x32xf32, #tpu.memory_space<hbm>>) target(%arg15 : memref<125x32xf32, #tpu.memory_space<vmem>>) offsets(%dma_start3A_424 : memref<125xi32, #tpu.memory_space<vmem>>) semaphore(%arg24 : memref<!tpu.dma_semaphore, #tpu.memory_space<semaphore_mem>>)
      %add3A_428 = arith.constant 6 : i32
      %add3A_429 = arith.addi %add3A_248, %add3A_428 : i32
      %dma_wait3A_430 = arith.constant 0 : i32
      %dma_wait3A_431 = tpu.memref_slice %arg8[%add3A_429, %dma_wait3A_430] : memref<80x125xi32, #tpu.memory_space<vmem>> -> memref<1x125xi32, #tpu.memory_space<vmem>>
      %dma_wait3A_432 = tpu.memref_squeeze %dma_wait3A_431 : memref<1x125xi32, #tpu.memory_space<vmem>> -> memref<125xi32, #tpu.memory_space<vmem>>
      %dma_wait3A_433 = arith.constant 0 : i32
      %dma_wait3A_434 = arith.constant 0 : i32
      %dma_wait3A_435 = tpu.memref_slice %arg2[%dma_wait3A_433, %dma_wait3A_434] : memref<10000x32xf32, #tpu.memory_space<hbm>> -> memref<10000x32xf32, #tpu.memory_space<hbm>>
      tpu.wait_indirect_dma semaphore(%arg21 : memref<!tpu.dma_semaphore, #tpu.memory_space<semaphore_mem>>) src(%dma_wait3A_435 : memref<10000x32xf32, #tpu.memory_space<hbm>>) dst(%arg12 : memref<125x32xf32, #tpu.memory_space<vmem>>)
      %dma_start3A_436 = arith.constant 0 : i32
      %dma_start3A_437 = tpu.memref_slice %arg9[%add3A_429, %dma_start3A_436] : memref<80x125xi32, #tpu.memory_space<vmem>> -> memref<1x125xi32, #tpu.memory_space<vmem>>
      %dma_start3A_438 = tpu.memref_squeeze %dma_start3A_437 : memref<1x125xi32, #tpu.memory_space<vmem>> -> memref<125xi32, #tpu.memory_space<vmem>>
      %dma_start3A_439 = arith.constant 0 : i32
      %dma_start3A_440 = arith.constant 0 : i32
      %dma_start3A_441 = tpu.memref_slice %arg18[%dma_start3A_439, %dma_start3A_440] : memref<10000x32xf32, #tpu.memory_space<vmem_shared>> -> memref<10000x32xf32, #tpu.memory_space<vmem_shared>>
      tpu.enqueue_indirect_dma source(%arg12 : memref<125x32xf32, #tpu.memory_space<vmem>>) target(%dma_start3A_441 : memref<10000x32xf32, #tpu.memory_space<vmem_shared>>) offsets(%dma_start3A_438 : memref<125xi32, #tpu.memory_space<vmem>>) semaphore(%arg29 : memref<!tpu.dma_semaphore, #tpu.memory_space<semaphore_mem>>) {add = true}
      %sub3A_442 = arith.constant 4 : i32
      %sub3A_443 = arith.subi %add3A_429, %sub3A_442 : i32
      %dma_wait3A_444 = arith.constant 0 : i32
      %dma_wait3A_445 = tpu.memref_slice %arg9[%sub3A_443, %dma_wait3A_444] : memref<80x125xi32, #tpu.memory_space<vmem>> -> memref<1x125xi32, #tpu.memory_space<vmem>>
      %dma_wait3A_446 = tpu.memref_squeeze %dma_wait3A_445 : memref<1x125xi32, #tpu.memory_space<vmem>> -> memref<125xi32, #tpu.memory_space<vmem>>
      %dma_wait3A_447 = arith.constant 0 : i32
      %dma_wait3A_448 = arith.constant 0 : i32
      %dma_wait3A_449 = tpu.memref_slice %arg18[%dma_wait3A_447, %dma_wait3A_448] : memref<10000x32xf32, #tpu.memory_space<vmem_shared>> -> memref<10000x32xf32, #tpu.memory_space<vmem_shared>>
      tpu.wait_indirect_dma semaphore(%arg33 : memref<!tpu.dma_semaphore, #tpu.memory_space<semaphore_mem>>) src(%arg16 : memref<125x32xf32, #tpu.memory_space<vmem>>) dst(%dma_wait3A_449 : memref<10000x32xf32, #tpu.memory_space<vmem_shared>>)
      %add3A_450 = arith.constant 4 : i32
      %add3A_451 = arith.addi %add3A_429, %add3A_450 : i32
      %dma_start3A_452 = arith.constant 0 : i32
      %dma_start3A_453 = tpu.memref_slice %arg8[%add3A_451, %dma_start3A_452] : memref<80x125xi32, #tpu.memory_space<vmem>> -> memref<1x125xi32, #tpu.memory_space<vmem>>
      %dma_start3A_454 = tpu.memref_squeeze %dma_start3A_453 : memref<1x125xi32, #tpu.memory_space<vmem>> -> memref<125xi32, #tpu.memory_space<vmem>>
      %dma_start3A_455 = arith.constant 0 : i32
      %dma_start3A_456 = arith.constant 0 : i32
      %dma_start3A_457 = tpu.memref_slice %arg2[%dma_start3A_455, %dma_start3A_456] : memref<10000x32xf32, #tpu.memory_space<hbm>> -> memref<10000x32xf32, #tpu.memory_space<hbm>>
      tpu.enqueue_indirect_dma source(%dma_start3A_457 : memref<10000x32xf32, #tpu.memory_space<hbm>>) target(%arg16 : memref<125x32xf32, #tpu.memory_space<vmem>>) offsets(%dma_start3A_454 : memref<125xi32, #tpu.memory_space<vmem>>) semaphore(%arg25 : memref<!tpu.dma_semaphore, #tpu.memory_space<semaphore_mem>>)
      %add3A_458 = arith.constant 7 : i32
      %add3A_459 = arith.addi %add3A_248, %add3A_458 : i32
      %dma_wait3A_460 = arith.constant 0 : i32
      %dma_wait3A_461 = tpu.memref_slice %arg8[%add3A_459, %dma_wait3A_460] : memref<80x125xi32, #tpu.memory_space<vmem>> -> memref<1x125xi32, #tpu.memory_space<vmem>>
      %dma_wait3A_462 = tpu.memref_squeeze %dma_wait3A_461 : memref<1x125xi32, #tpu.memory_space<vmem>> -> memref<125xi32, #tpu.memory_space<vmem>>
      %dma_wait3A_463 = arith.constant 0 : i32
      %dma_wait3A_464 = arith.constant 0 : i32
      %dma_wait3A_465 = tpu.memref_slice %arg2[%dma_wait3A_463, %dma_wait3A_464] : memref<10000x32xf32, #tpu.memory_space<hbm>> -> memref<10000x32xf32, #tpu.memory_space<hbm>>
      tpu.wait_indirect_dma semaphore(%arg22 : memref<!tpu.dma_semaphore, #tpu.memory_space<semaphore_mem>>) src(%dma_wait3A_465 : memref<10000x32xf32, #tpu.memory_space<hbm>>) dst(%arg13 : memref<125x32xf32, #tpu.memory_space<vmem>>)
      %dma_start3A_466 = arith.constant 0 : i32
      %dma_start3A_467 = tpu.memref_slice %arg9[%add3A_459, %dma_start3A_466] : memref<80x125xi32, #tpu.memory_space<vmem>> -> memref<1x125xi32, #tpu.memory_space<vmem>>
      %dma_start3A_468 = tpu.memref_squeeze %dma_start3A_467 : memref<1x125xi32, #tpu.memory_space<vmem>> -> memref<125xi32, #tpu.memory_space<vmem>>
      %dma_start3A_469 = arith.constant 0 : i32
      %dma_start3A_470 = arith.constant 0 : i32
      %dma_start3A_471 = tpu.memref_slice %arg18[%dma_start3A_469, %dma_start3A_470] : memref<10000x32xf32, #tpu.memory_space<vmem_shared>> -> memref<10000x32xf32, #tpu.memory_space<vmem_shared>>
      tpu.enqueue_indirect_dma source(%arg13 : memref<125x32xf32, #tpu.memory_space<vmem>>) target(%dma_start3A_471 : memref<10000x32xf32, #tpu.memory_space<vmem_shared>>) offsets(%dma_start3A_468 : memref<125xi32, #tpu.memory_space<vmem>>) semaphore(%arg30 : memref<!tpu.dma_semaphore, #tpu.memory_space<semaphore_mem>>) {add = true}
      %sub3A_472 = arith.constant 4 : i32
      %sub3A_473 = arith.subi %add3A_459, %sub3A_472 : i32
      %dma_wait3A_474 = arith.constant 0 : i32
      %dma_wait3A_475 = tpu.memref_slice %arg9[%sub3A_473, %dma_wait3A_474] : memref<80x125xi32, #tpu.memory_space<vmem>> -> memref<1x125xi32, #tpu.memory_space<vmem>>
      %dma_wait3A_476 = tpu.memref_squeeze %dma_wait3A_475 : memref<1x125xi32, #tpu.memory_space<vmem>> -> memref<125xi32, #tpu.memory_space<vmem>>
      %dma_wait3A_477 = arith.constant 0 : i32
      %dma_wait3A_478 = arith.constant 0 : i32
      %dma_wait3A_479 = tpu.memref_slice %arg18[%dma_wait3A_477, %dma_wait3A_478] : memref<10000x32xf32, #tpu.memory_space<vmem_shared>> -> memref<10000x32xf32, #tpu.memory_space<vmem_shared>>
      tpu.wait_indirect_dma semaphore(%arg34 : memref<!tpu.dma_semaphore, #tpu.memory_space<semaphore_mem>>) src(%arg17 : memref<125x32xf32, #tpu.memory_space<vmem>>) dst(%dma_wait3A_479 : memref<10000x32xf32, #tpu.memory_space<vmem_shared>>)
      %add3A_480 = arith.constant 4 : i32
      %add3A_481 = arith.addi %add3A_459, %add3A_480 : i32
      %dma_start3A_482 = arith.constant 0 : i32
      %dma_start3A_483 = tpu.memref_slice %arg8[%add3A_481, %dma_start3A_482] : memref<80x125xi32, #tpu.memory_space<vmem>> -> memref<1x125xi32, #tpu.memory_space<vmem>>
      %dma_start3A_484 = tpu.memref_squeeze %dma_start3A_483 : memref<1x125xi32, #tpu.memory_space<vmem>> -> memref<125xi32, #tpu.memory_space<vmem>>
      %dma_start3A_485 = arith.constant 0 : i32
      %dma_start3A_486 = arith.constant 0 : i32
      %dma_start3A_487 = tpu.memref_slice %arg2[%dma_start3A_485, %dma_start3A_486] : memref<10000x32xf32, #tpu.memory_space<hbm>> -> memref<10000x32xf32, #tpu.memory_space<hbm>>
      tpu.enqueue_indirect_dma source(%dma_start3A_487 : memref<10000x32xf32, #tpu.memory_space<hbm>>) target(%arg17 : memref<125x32xf32, #tpu.memory_space<vmem>>) offsets(%dma_start3A_484 : memref<125xi32, #tpu.memory_space<vmem>>) semaphore(%arg26 : memref<!tpu.dma_semaphore, #tpu.memory_space<semaphore_mem>>)
    }
    %scan3A_120 = arith.constant 9 : i32
    %dma_wait3A_121 = arith.constant 76 : i32
    %dma_wait3A_122 = arith.constant 0 : i32
    %dma_wait3A_123 = tpu.memref_slice %arg8[%dma_wait3A_121, %dma_wait3A_122] : memref<80x125xi32, #tpu.memory_space<vmem>> -> memref<1x125xi32, #tpu.memory_space<vmem>>
    %dma_wait3A_124 = tpu.memref_squeeze %dma_wait3A_123 : memref<1x125xi32, #tpu.memory_space<vmem>> -> memref<125xi32, #tpu.memory_space<vmem>>
    %dma_wait3A_125 = arith.constant 0 : i32
    %dma_wait3A_126 = arith.constant 0 : i32
    %dma_wait3A_127 = tpu.memref_slice %arg2[%dma_wait3A_125, %dma_wait3A_126] : memref<10000x32xf32, #tpu.memory_space<hbm>> -> memref<10000x32xf32, #tpu.memory_space<hbm>>
    tpu.wait_indirect_dma semaphore(%arg23 : memref<!tpu.dma_semaphore, #tpu.memory_space<semaphore_mem>>) src(%dma_wait3A_127 : memref<10000x32xf32, #tpu.memory_space<hbm>>) dst(%arg14 : memref<125x32xf32, #tpu.memory_space<vmem>>)
    %dma_start3A_128 = arith.constant 76 : i32
    %dma_start3A_129 = arith.constant 0 : i32
    %dma_start3A_130 = tpu.memref_slice %arg9[%dma_start3A_128, %dma_start3A_129] : memref<80x125xi32, #tpu.memory_space<vmem>> -> memref<1x125xi32, #tpu.memory_space<vmem>>
    %dma_start3A_131 = tpu.memref_squeeze %dma_start3A_130 : memref<1x125xi32, #tpu.memory_space<vmem>> -> memref<125xi32, #tpu.memory_space<vmem>>
    %dma_start3A_132 = arith.constant 0 : i32
    %dma_start3A_133 = arith.constant 0 : i32
    %dma_start3A_134 = tpu.memref_slice %arg18[%dma_start3A_132, %dma_start3A_133] : memref<10000x32xf32, #tpu.memory_space<vmem_shared>> -> memref<10000x32xf32, #tpu.memory_space<vmem_shared>>
    tpu.enqueue_indirect_dma source(%arg14 : memref<125x32xf32, #tpu.memory_space<vmem>>) target(%dma_start3A_134 : memref<10000x32xf32, #tpu.memory_space<vmem_shared>>) offsets(%dma_start3A_131 : memref<125xi32, #tpu.memory_space<vmem>>) semaphore(%arg31 : memref<!tpu.dma_semaphore, #tpu.memory_space<semaphore_mem>>) {add = true}
    %dma_wait3A_135 = arith.constant 77 : i32
    %dma_wait3A_136 = arith.constant 0 : i32
    %dma_wait3A_137 = tpu.memref_slice %arg8[%dma_wait3A_135, %dma_wait3A_136] : memref<80x125xi32, #tpu.memory_space<vmem>> -> memref<1x125xi32, #tpu.memory_space<vmem>>
    %dma_wait3A_138 = tpu.memref_squeeze %dma_wait3A_137 : memref<1x125xi32, #tpu.memory_space<vmem>> -> memref<125xi32, #tpu.memory_space<vmem>>
    %dma_wait3A_139 = arith.constant 0 : i32
    %dma_wait3A_140 = arith.constant 0 : i32
    %dma_wait3A_141 = tpu.memref_slice %arg2[%dma_wait3A_139, %dma_wait3A_140] : memref<10000x32xf32, #tpu.memory_space<hbm>> -> memref<10000x32xf32, #tpu.memory_space<hbm>>
    tpu.wait_indirect_dma semaphore(%arg24 : memref<!tpu.dma_semaphore, #tpu.memory_space<semaphore_mem>>) src(%dma_wait3A_141 : memref<10000x32xf32, #tpu.memory_space<hbm>>) dst(%arg15 : memref<125x32xf32, #tpu.memory_space<vmem>>)
    %dma_start3A_142 = arith.constant 77 : i32
    %dma_start3A_143 = arith.constant 0 : i32
    %dma_start3A_144 = tpu.memref_slice %arg9[%dma_start3A_142, %dma_start3A_143] : memref<80x125xi32, #tpu.memory_space<vmem>> -> memref<1x125xi32, #tpu.memory_space<vmem>>
    %dma_start3A_145 = tpu.memref_squeeze %dma_start3A_144 : memref<1x125xi32, #tpu.memory_space<vmem>> -> memref<125xi32, #tpu.memory_space<vmem>>
    %dma_start3A_146 = arith.constant 0 : i32
    %dma_start3A_147 = arith.constant 0 : i32
    %dma_start3A_148 = tpu.memref_slice %arg18[%dma_start3A_146, %dma_start3A_147] : memref<10000x32xf32, #tpu.memory_space<vmem_shared>> -> memref<10000x32xf32, #tpu.memory_space<vmem_shared>>
    tpu.enqueue_indirect_dma source(%arg15 : memref<125x32xf32, #tpu.memory_space<vmem>>) target(%dma_start3A_148 : memref<10000x32xf32, #tpu.memory_space<vmem_shared>>) offsets(%dma_start3A_145 : memref<125xi32, #tpu.memory_space<vmem>>) semaphore(%arg32 : memref<!tpu.dma_semaphore, #tpu.memory_space<semaphore_mem>>) {add = true}
    %dma_wait3A_149 = arith.constant 78 : i32
    %dma_wait3A_150 = arith.constant 0 : i32
    %dma_wait3A_151 = tpu.memref_slice %arg8[%dma_wait3A_149, %dma_wait3A_150] : memref<80x125xi32, #tpu.memory_space<vmem>> -> memref<1x125xi32, #tpu.memory_space<vmem>>
    %dma_wait3A_152 = tpu.memref_squeeze %dma_wait3A_151 : memref<1x125xi32, #tpu.memory_space<vmem>> -> memref<125xi32, #tpu.memory_space<vmem>>
    %dma_wait3A_153 = arith.constant 0 : i32
    %dma_wait3A_154 = arith.constant 0 : i32
    %dma_wait3A_155 = tpu.memref_slice %arg2[%dma_wait3A_153, %dma_wait3A_154] : memref<10000x32xf32, #tpu.memory_space<hbm>> -> memref<10000x32xf32, #tpu.memory_space<hbm>>
    tpu.wait_indirect_dma semaphore(%arg25 : memref<!tpu.dma_semaphore, #tpu.memory_space<semaphore_mem>>) src(%dma_wait3A_155 : memref<10000x32xf32, #tpu.memory_space<hbm>>) dst(%arg16 : memref<125x32xf32, #tpu.memory_space<vmem>>)
    %dma_start3A_156 = arith.constant 78 : i32
    %dma_start3A_157 = arith.constant 0 : i32
    %dma_start3A_158 = tpu.memref_slice %arg9[%dma_start3A_156, %dma_start3A_157] : memref<80x125xi32, #tpu.memory_space<vmem>> -> memref<1x125xi32, #tpu.memory_space<vmem>>
    %dma_start3A_159 = tpu.memref_squeeze %dma_start3A_158 : memref<1x125xi32, #tpu.memory_space<vmem>> -> memref<125xi32, #tpu.memory_space<vmem>>
    %dma_start3A_160 = arith.constant 0 : i32
    %dma_start3A_161 = arith.constant 0 : i32
    %dma_start3A_162 = tpu.memref_slice %arg18[%dma_start3A_160, %dma_start3A_161] : memref<10000x32xf32, #tpu.memory_space<vmem_shared>> -> memref<10000x32xf32, #tpu.memory_space<vmem_shared>>
    tpu.enqueue_indirect_dma source(%arg16 : memref<125x32xf32, #tpu.memory_space<vmem>>) target(%dma_start3A_162 : memref<10000x32xf32, #tpu.memory_space<vmem_shared>>) offsets(%dma_start3A_159 : memref<125xi32, #tpu.memory_space<vmem>>) semaphore(%arg33 : memref<!tpu.dma_semaphore, #tpu.memory_space<semaphore_mem>>) {add = true}
    %dma_wait3A_163 = arith.constant 79 : i32
    %dma_wait3A_164 = arith.constant 0 : i32
    %dma_wait3A_165 = tpu.memref_slice %arg8[%dma_wait3A_163, %dma_wait3A_164] : memref<80x125xi32, #tpu.memory_space<vmem>> -> memref<1x125xi32, #tpu.memory_space<vmem>>
    %dma_wait3A_166 = tpu.memref_squeeze %dma_wait3A_165 : memref<1x125xi32, #tpu.memory_space<vmem>> -> memref<125xi32, #tpu.memory_space<vmem>>
    %dma_wait3A_167 = arith.constant 0 : i32
    %dma_wait3A_168 = arith.constant 0 : i32
    %dma_wait3A_169 = tpu.memref_slice %arg2[%dma_wait3A_167, %dma_wait3A_168] : memref<10000x32xf32, #tpu.memory_space<hbm>> -> memref<10000x32xf32, #tpu.memory_space<hbm>>
    tpu.wait_indirect_dma semaphore(%arg26 : memref<!tpu.dma_semaphore, #tpu.memory_space<semaphore_mem>>) src(%dma_wait3A_169 : memref<10000x32xf32, #tpu.memory_space<hbm>>) dst(%arg17 : memref<125x32xf32, #tpu.memory_space<vmem>>)
    %dma_start3A_170 = arith.constant 79 : i32
    %dma_start3A_171 = arith.constant 0 : i32
    %dma_start3A_172 = tpu.memref_slice %arg9[%dma_start3A_170, %dma_start3A_171] : memref<80x125xi32, #tpu.memory_space<vmem>> -> memref<1x125xi32, #tpu.memory_space<vmem>>
    %dma_start3A_173 = tpu.memref_squeeze %dma_start3A_172 : memref<1x125xi32, #tpu.memory_space<vmem>> -> memref<125xi32, #tpu.memory_space<vmem>>
    %dma_start3A_174 = arith.constant 0 : i32
    %dma_start3A_175 = arith.constant 0 : i32
    %dma_start3A_176 = tpu.memref_slice %arg18[%dma_start3A_174, %dma_start3A_175] : memref<10000x32xf32, #tpu.memory_space<vmem_shared>> -> memref<10000x32xf32, #tpu.memory_space<vmem_shared>>
    tpu.enqueue_indirect_dma source(%arg17 : memref<125x32xf32, #tpu.memory_space<vmem>>) target(%dma_start3A_176 : memref<10000x32xf32, #tpu.memory_space<vmem_shared>>) offsets(%dma_start3A_173 : memref<125xi32, #tpu.memory_space<vmem>>) semaphore(%arg34 : memref<!tpu.dma_semaphore, #tpu.memory_space<semaphore_mem>>) {add = true}
    %dma_wait3A_177 = arith.constant 72 : i32
    %dma_wait3A_178 = arith.constant 0 : i32
    %dma_wait3A_179 = tpu.memref_slice %arg9[%dma_wait3A_177, %dma_wait3A_178] : memref<80x125xi32, #tpu.memory_space<vmem>> -> memref<1x125xi32, #tpu.memory_space<vmem>>
    %dma_wait3A_180 = tpu.memref_squeeze %dma_wait3A_179 : memref<1x125xi32, #tpu.memory_space<vmem>> -> memref<125xi32, #tpu.memory_space<vmem>>
    %dma_wait3A_181 = arith.constant 0 : i32
    %dma_wait3A_182 = arith.constant 0 : i32
    %dma_wait3A_183 = tpu.memref_slice %arg18[%dma_wait3A_181, %dma_wait3A_182] : memref<10000x32xf32, #tpu.memory_space<vmem_shared>> -> memref<10000x32xf32, #tpu.memory_space<vmem_shared>>
    tpu.wait_indirect_dma semaphore(%arg27 : memref<!tpu.dma_semaphore, #tpu.memory_space<semaphore_mem>>) src(%arg10 : memref<125x32xf32, #tpu.memory_space<vmem>>) dst(%dma_wait3A_183 : memref<10000x32xf32, #tpu.memory_space<vmem_shared>>)
    %dma_wait3A_184 = arith.constant 73 : i32
    %dma_wait3A_185 = arith.constant 0 : i32
    %dma_wait3A_186 = tpu.memref_slice %arg9[%dma_wait3A_184, %dma_wait3A_185] : memref<80x125xi32, #tpu.memory_space<vmem>> -> memref<1x125xi32, #tpu.memory_space<vmem>>
    %dma_wait3A_187 = tpu.memref_squeeze %dma_wait3A_186 : memref<1x125xi32, #tpu.memory_space<vmem>> -> memref<125xi32, #tpu.memory_space<vmem>>
    %dma_wait3A_188 = arith.constant 0 : i32
    %dma_wait3A_189 = arith.constant 0 : i32
    %dma_wait3A_190 = tpu.memref_slice %arg18[%dma_wait3A_188, %dma_wait3A_189] : memref<10000x32xf32, #tpu.memory_space<vmem_shared>> -> memref<10000x32xf32, #tpu.memory_space<vmem_shared>>
    tpu.wait_indirect_dma semaphore(%arg28 : memref<!tpu.dma_semaphore, #tpu.memory_space<semaphore_mem>>) src(%arg11 : memref<125x32xf32, #tpu.memory_space<vmem>>) dst(%dma_wait3A_190 : memref<10000x32xf32, #tpu.memory_space<vmem_shared>>)
    %dma_wait3A_191 = arith.constant 74 : i32
    %dma_wait3A_192 = arith.constant 0 : i32
    %dma_wait3A_193 = tpu.memref_slice %arg9[%dma_wait3A_191, %dma_wait3A_192] : memref<80x125xi32, #tpu.memory_space<vmem>> -> memref<1x125xi32, #tpu.memory_space<vmem>>
    %dma_wait3A_194 = tpu.memref_squeeze %dma_wait3A_193 : memref<1x125xi32, #tpu.memory_space<vmem>> -> memref<125xi32, #tpu.memory_space<vmem>>
    %dma_wait3A_195 = arith.constant 0 : i32
    %dma_wait3A_196 = arith.constant 0 : i32
    %dma_wait3A_197 = tpu.memref_slice %arg18[%dma_wait3A_195, %dma_wait3A_196] : memref<10000x32xf32, #tpu.memory_space<vmem_shared>> -> memref<10000x32xf32, #tpu.memory_space<vmem_shared>>
    tpu.wait_indirect_dma semaphore(%arg29 : memref<!tpu.dma_semaphore, #tpu.memory_space<semaphore_mem>>) src(%arg12 : memref<125x32xf32, #tpu.memory_space<vmem>>) dst(%dma_wait3A_197 : memref<10000x32xf32, #tpu.memory_space<vmem_shared>>)
    %dma_wait3A_198 = arith.constant 75 : i32
    %dma_wait3A_199 = arith.constant 0 : i32
    %dma_wait3A_200 = tpu.memref_slice %arg9[%dma_wait3A_198, %dma_wait3A_199] : memref<80x125xi32, #tpu.memory_space<vmem>> -> memref<1x125xi32, #tpu.memory_space<vmem>>
    %dma_wait3A_201 = tpu.memref_squeeze %dma_wait3A_200 : memref<1x125xi32, #tpu.memory_space<vmem>> -> memref<125xi32, #tpu.memory_space<vmem>>
    %dma_wait3A_202 = arith.constant 0 : i32
    %dma_wait3A_203 = arith.constant 0 : i32
    %dma_wait3A_204 = tpu.memref_slice %arg18[%dma_wait3A_202, %dma_wait3A_203] : memref<10000x32xf32, #tpu.memory_space<vmem_shared>> -> memref<10000x32xf32, #tpu.memory_space<vmem_shared>>
    tpu.wait_indirect_dma semaphore(%arg30 : memref<!tpu.dma_semaphore, #tpu.memory_space<semaphore_mem>>) src(%arg13 : memref<125x32xf32, #tpu.memory_space<vmem>>) dst(%dma_wait3A_204 : memref<10000x32xf32, #tpu.memory_space<vmem_shared>>)
    %dma_wait3A_205 = arith.constant 76 : i32
    %dma_wait3A_206 = arith.constant 0 : i32
    %dma_wait3A_207 = tpu.memref_slice %arg9[%dma_wait3A_205, %dma_wait3A_206] : memref<80x125xi32, #tpu.memory_space<vmem>> -> memref<1x125xi32, #tpu.memory_space<vmem>>
    %dma_wait3A_208 = tpu.memref_squeeze %dma_wait3A_207 : memref<1x125xi32, #tpu.memory_space<vmem>> -> memref<125xi32, #tpu.memory_space<vmem>>
    %dma_wait3A_209 = arith.constant 0 : i32
    %dma_wait3A_210 = arith.constant 0 : i32
    %dma_wait3A_211 = tpu.memref_slice %arg18[%dma_wait3A_209, %dma_wait3A_210] : memref<10000x32xf32, #tpu.memory_space<vmem_shared>> -> memref<10000x32xf32, #tpu.memory_space<vmem_shared>>
    tpu.wait_indirect_dma semaphore(%arg31 : memref<!tpu.dma_semaphore, #tpu.memory_space<semaphore_mem>>) src(%arg14 : memref<125x32xf32, #tpu.memory_space<vmem>>) dst(%dma_wait3A_211 : memref<10000x32xf32, #tpu.memory_space<vmem_shared>>)
    %dma_wait3A_212 = arith.constant 77 : i32
    %dma_wait3A_213 = arith.constant 0 : i32
    %dma_wait3A_214 = tpu.memref_slice %arg9[%dma_wait3A_212, %dma_wait3A_213] : memref<80x125xi32, #tpu.memory_space<vmem>> -> memref<1x125xi32, #tpu.memory_space<vmem>>
    %dma_wait3A_215 = tpu.memref_squeeze %dma_wait3A_214 : memref<1x125xi32, #tpu.memory_space<vmem>> -> memref<125xi32, #tpu.memory_space<vmem>>
    %dma_wait3A_216 = arith.constant 0 : i32
    %dma_wait3A_217 = arith.constant 0 : i32
    %dma_wait3A_218 = tpu.memref_slice %arg18[%dma_wait3A_216, %dma_wait3A_217] : memref<10000x32xf32, #tpu.memory_space<vmem_shared>> -> memref<10000x32xf32, #tpu.memory_space<vmem_shared>>
    tpu.wait_indirect_dma semaphore(%arg32 : memref<!tpu.dma_semaphore, #tpu.memory_space<semaphore_mem>>) src(%arg15 : memref<125x32xf32, #tpu.memory_space<vmem>>) dst(%dma_wait3A_218 : memref<10000x32xf32, #tpu.memory_space<vmem_shared>>)
    %dma_wait3A_219 = arith.constant 78 : i32
    %dma_wait3A_220 = arith.constant 0 : i32
    %dma_wait3A_221 = tpu.memref_slice %arg9[%dma_wait3A_219, %dma_wait3A_220] : memref<80x125xi32, #tpu.memory_space<vmem>> -> memref<1x125xi32, #tpu.memory_space<vmem>>
    %dma_wait3A_222 = tpu.memref_squeeze %dma_wait3A_221 : memref<1x125xi32, #tpu.memory_space<vmem>> -> memref<125xi32, #tpu.memory_space<vmem>>
    %dma_wait3A_223 = arith.constant 0 : i32
    %dma_wait3A_224 = arith.constant 0 : i32
    %dma_wait3A_225 = tpu.memref_slice %arg18[%dma_wait3A_223, %dma_wait3A_224] : memref<10000x32xf32, #tpu.memory_space<vmem_shared>> -> memref<10000x32xf32, #tpu.memory_space<vmem_shared>>
    tpu.wait_indirect_dma semaphore(%arg33 : memref<!tpu.dma_semaphore, #tpu.memory_space<semaphore_mem>>) src(%arg16 : memref<125x32xf32, #tpu.memory_space<vmem>>) dst(%dma_wait3A_225 : memref<10000x32xf32, #tpu.memory_space<vmem_shared>>)
    %dma_wait3A_226 = arith.constant 79 : i32
    %dma_wait3A_227 = arith.constant 0 : i32
    %dma_wait3A_228 = tpu.memref_slice %arg9[%dma_wait3A_226, %dma_wait3A_227] : memref<80x125xi32, #tpu.memory_space<vmem>> -> memref<1x125xi32, #tpu.memory_space<vmem>>
    %dma_wait3A_229 = tpu.memref_squeeze %dma_wait3A_228 : memref<1x125xi32, #tpu.memory_space<vmem>> -> memref<125xi32, #tpu.memory_space<vmem>>
    %dma_wait3A_230 = arith.constant 0 : i32
    %dma_wait3A_231 = arith.constant 0 : i32
    %dma_wait3A_232 = tpu.memref_slice %arg18[%dma_wait3A_230, %dma_wait3A_231] : memref<10000x32xf32, #tpu.memory_space<vmem_shared>> -> memref<10000x32xf32, #tpu.memory_space<vmem_shared>>
    tpu.wait_indirect_dma semaphore(%arg34 : memref<!tpu.dma_semaphore, #tpu.memory_space<semaphore_mem>>) src(%arg17 : memref<125x32xf32, #tpu.memory_space<vmem>>) dst(%dma_wait3A_232 : memref<10000x32xf32, #tpu.memory_space<vmem_shared>>)
    %barrier3A_233 = arith.constant 0 : index
    tpu.barrier barrier_id(%barrier3A_233)
    %lt3A_234 = arith.constant 15 : i32
    %lt3A_235 = arith.cmpi slt, %arg1, %lt3A_234 : i32
    %convert_element_type3A_236 = arith.extui %lt3A_235 : i1 to i32
    %cond3A_237 = arith.constant 0 : i32
    %cond3A_238 = arith.cmpi ne, %convert_element_type3A_236, %cond3A_237 : i32
    scf.if %cond3A_238 {
      %mul3A_244 = arith.constant 640 : i32
      %mul3A_245 = arith.muli %arg1, %mul3A_244 : i32
      "tpu.region"() ({
        %run_scoped3A = tpu.sem_alloc : memref<!tpu.dma_semaphore, #tpu.memory_space<semaphore_mem>>
        %dma_start3A_246 = arith.constant 0 : i32
        %dma_start3A_247 = arith.constant 0 : i32
        %dma_start3A_248 = tpu.memref_slice %arg7[%arg0, %dma_start3A_246, %dma_start3A_247] : memref<2x10000x32xf32, #tpu.memory_space<hbm>> -> memref<1x10000x32xf32, #tpu.memory_space<hbm>>
        %dma_start3A_249 = tpu.memref_squeeze %dma_start3A_248 : memref<1x10000x32xf32, #tpu.memory_space<hbm>> -> memref<10000x32xf32, #tpu.memory_space<hbm>>
        %dma_start3A_250 = arith.constant 0 : i32
        %dma_start3A_251 = tpu.memref_slice %dma_start3A_249[%mul3A_245, %dma_start3A_250] : memref<10000x32xf32, #tpu.memory_space<hbm>> -> memref<640x32xf32, #tpu.memory_space<hbm>>
        %dma_start3A_252 = arith.constant 0 : i32
        %dma_start3A_253 = tpu.memref_slice %arg18[%mul3A_245, %dma_start3A_252] : memref<10000x32xf32, #tpu.memory_space<vmem_shared>> -> memref<640x32xf32, #tpu.memory_space<vmem_shared>>
        tpu.enqueue_dma source(%dma_start3A_253 : memref<640x32xf32, #tpu.memory_space<vmem_shared>>) target(%dma_start3A_251 : memref<640x32xf32, #tpu.memory_space<hbm>>) target_semaphore(%run_scoped3A : memref<!tpu.dma_semaphore, #tpu.memory_space<semaphore_mem>>)
        %dma_wait3A_254 = arith.constant 0 : i32
        %dma_wait3A_255 = arith.constant 0 : i32
        %dma_wait3A_256 = tpu.memref_slice %arg7[%arg0, %dma_wait3A_254, %dma_wait3A_255] : memref<2x10000x32xf32, #tpu.memory_space<hbm>> -> memref<1x10000x32xf32, #tpu.memory_space<hbm>>
        %dma_wait3A_257 = tpu.memref_squeeze %dma_wait3A_256 : memref<1x10000x32xf32, #tpu.memory_space<hbm>> -> memref<10000x32xf32, #tpu.memory_space<hbm>>
        %dma_wait3A_258 = arith.constant 0 : i32
        %dma_wait3A_259 = tpu.memref_slice %dma_wait3A_257[%mul3A_245, %dma_wait3A_258] : memref<10000x32xf32, #tpu.memory_space<hbm>> -> memref<640x32xf32, #tpu.memory_space<hbm>>
        %dma_wait3A_260 = arith.constant 0 : i32
        %dma_wait3A_261 = tpu.memref_slice %arg18[%mul3A_245, %dma_wait3A_260] : memref<10000x32xf32, #tpu.memory_space<vmem_shared>> -> memref<640x32xf32, #tpu.memory_space<vmem_shared>>
        tpu.wait_dma2 semaphore(%run_scoped3A : memref<!tpu.dma_semaphore, #tpu.memory_space<semaphore_mem>>) src(%dma_wait3A_261 : memref<640x32xf32, #tpu.memory_space<vmem_shared>>) dst(%dma_wait3A_259 : memref<640x32xf32, #tpu.memory_space<hbm>>)
        tpu.yield
      }) : () -> ()
    } else {
    }
    %eq3A_239 = arith.constant 15 : i32
    %eq3A_240 = arith.cmpi eq, %arg1, %eq3A_239 : i32
    %convert_element_type3A_241 = arith.extui %eq3A_240 : i1 to i32
    %cond3A_242 = arith.constant 0 : i32
    %cond3A_243 = arith.cmpi ne, %convert_element_type3A_241, %cond3A_242 : i32
    scf.if %cond3A_243 {
      "tpu.region"() ({
        %run_scoped3A = tpu.sem_alloc : memref<!tpu.dma_semaphore, #tpu.memory_space<semaphore_mem>>
        %dma_start3A_244 = arith.constant 0 : i32
        %dma_start3A_245 = arith.constant 0 : i32
        %dma_start3A_246 = tpu.memref_slice %arg7[%arg0, %dma_start3A_244, %dma_start3A_245] : memref<2x10000x32xf32, #tpu.memory_space<hbm>> -> memref<1x10000x32xf32, #tpu.memory_space<hbm>>
        %dma_start3A_247 = tpu.memref_squeeze %dma_start3A_246 : memref<1x10000x32xf32, #tpu.memory_space<hbm>> -> memref<10000x32xf32, #tpu.memory_space<hbm>>
        %dma_start3A_248 = arith.constant 9600 : i32
        %dma_start3A_249 = arith.constant 0 : i32
        %dma_start3A_250 = tpu.memref_slice %dma_start3A_247[%dma_start3A_248, %dma_start3A_249] : memref<10000x32xf32, #tpu.memory_space<hbm>> -> memref<400x32xf32, #tpu.memory_space<hbm>>
        %dma_start3A_251 = arith.constant 9600 : i32
        %dma_start3A_252 = arith.constant 0 : i32
        %dma_start3A_253 = tpu.memref_slice %arg18[%dma_start3A_251, %dma_start3A_252] : memref<10000x32xf32, #tpu.memory_space<vmem_shared>> -> memref<400x32xf32, #tpu.memory_space<vmem_shared>>
        tpu.enqueue_dma source(%dma_start3A_253 : memref<400x32xf32, #tpu.memory_space<vmem_shared>>) target(%dma_start3A_250 : memref<400x32xf32, #tpu.memory_space<hbm>>) target_semaphore(%run_scoped3A : memref<!tpu.dma_semaphore, #tpu.memory_space<semaphore_mem>>)
        %dma_wait3A_254 = arith.constant 0 : i32
        %dma_wait3A_255 = arith.constant 0 : i32
        %dma_wait3A_256 = tpu.memref_slice %arg7[%arg0, %dma_wait3A_254, %dma_wait3A_255] : memref<2x10000x32xf32, #tpu.memory_space<hbm>> -> memref<1x10000x32xf32, #tpu.memory_space<hbm>>
        %dma_wait3A_257 = tpu.memref_squeeze %dma_wait3A_256 : memref<1x10000x32xf32, #tpu.memory_space<hbm>> -> memref<10000x32xf32, #tpu.memory_space<hbm>>
        %dma_wait3A_258 = arith.constant 9600 : i32
        %dma_wait3A_259 = arith.constant 0 : i32
        %dma_wait3A_260 = tpu.memref_slice %dma_wait3A_257[%dma_wait3A_258, %dma_wait3A_259] : memref<10000x32xf32, #tpu.memory_space<hbm>> -> memref<400x32xf32, #tpu.memory_space<hbm>>
        %dma_wait3A_261 = arith.constant 9600 : i32
        %dma_wait3A_262 = arith.constant 0 : i32
        %dma_wait3A_263 = tpu.memref_slice %arg18[%dma_wait3A_261, %dma_wait3A_262] : memref<10000x32xf32, #tpu.memory_space<vmem_shared>> -> memref<400x32xf32, #tpu.memory_space<vmem_shared>>
        tpu.wait_dma2 semaphore(%run_scoped3A : memref<!tpu.dma_semaphore, #tpu.memory_space<semaphore_mem>>) src(%dma_wait3A_263 : memref<400x32xf32, #tpu.memory_space<vmem_shared>>) dst(%dma_wait3A_260 : memref<400x32xf32, #tpu.memory_space<hbm>>)
        tpu.yield
      }) : () -> ()
    } else {
    }
    return
  }
}

module attributes {stable_mosaic.version = 14 : i64} {
  func.func @_mm0_body(%arg0: i32, %arg1: memref<2000x128xf32, #tpu.memory_space<vmem>>, %arg2: memref<128x64xf32, #tpu.memory_space<vmem>>, %arg3: memref<2000x64xf32, #tpu.memory_space<vmem>>) attributes {dimension_semantics = [#tpu.dimension_semantics<arbitrary>], iteration_bounds = array<i64: 5>, scalar_prefetch = 0 : i64, scratch_operands = 0 : i64, tpu.core_type = #tpu.core_type<tc>, window_params = [{transform_indices = @transform_0, window_bounds = array<i64: 2000, 128>}, {pipeline_mode = #tpu.pipeline_mode<synchronous>, transform_indices = @transform_1, window_bounds = array<i64: 128, 64>}, {transform_indices = @transform_2, window_bounds = array<i64: 2000, 64>}]} {
    %get3A = arith.constant 0 : index
    %get3A_0 = arith.constant 0 : index
    %get3A_1 = vector.load %arg1[%get3A, %get3A_0] : memref<2000x128xf32, #tpu.memory_space<vmem>>, vector<2000x128xf32>
    %get3A_2 = arith.constant 0 : index
    %get3A_3 = arith.constant 0 : index
    %get3A_4 = vector.load %arg2[%get3A_2, %get3A_3] : memref<128x64xf32, #tpu.memory_space<vmem>>, vector<128x64xf32>
    %dot_general3A = arith.constant dense<0.000000e+00> : vector<2000x64xf32>
    %dot_general3A_5 = tpu.matmul %get3A_1, %get3A_4, %dot_general3A {dimension_numbers = #tpu.dot_dimension_numbers<[1], [0], [0], [1], [0, 0, 1, 1], [], []>, transpose_lhs_hint = false} : vector<2000x128xf32>, vector<128x64xf32>, vector<2000x64xf32> -> vector<2000x64xf32>
    %swap3A = arith.constant 0 : index
    %swap3A_6 = arith.constant 0 : index
    %swap3A_7 = vector.load %arg3[%swap3A, %swap3A_6] : memref<2000x64xf32, #tpu.memory_space<vmem>>, vector<2000x64xf32>
    tpu.vector_store %arg3[%swap3A, %swap3A_6], %dot_general3A_5 {strides = array<i32>} : memref<2000x64xf32, #tpu.memory_space<vmem>>, vector<2000x64xf32>,
    return
  }
  func.func @transform_0(%arg0: i32) -> (i32, i32) {
    %c0_i32 = arith.constant 0 : i32
    %c0_i32_0 = arith.constant 0 : i32
    return %arg0, %c0_i32 : i32, i32
  }
  func.func @transform_1(%arg0: i32) -> (i32, i32) {
    %c0_i32 = arith.constant 0 : i32
    %c0_i32_0 = arith.constant 0 : i32
    %c0_i32_1 = arith.constant 0 : i32
    return %c0_i32, %c0_i32_0 : i32, i32
  }
  func.func @transform_2(%arg0: i32) -> (i32, i32) {
    %c0_i32 = arith.constant 0 : i32
    %c0_i32_0 = arith.constant 0 : i32
    return %arg0, %c0_i32 : i32, i32
  }
}

module attributes {stable_mosaic.version = 14 : i64} {
  func.func @_combine_body(%arg0: i32, %arg1: memref<2000x128xf32, #tpu.memory_space<vmem>>, %arg2: memref<2x2000x64xf32, #tpu.memory_space<vmem>>, %arg3: memref<2x2000x16xf32, #tpu.memory_space<vmem>>, %arg4: memref<128x64xf32, #tpu.memory_space<vmem>>, %arg5: memref<16x64xf32, #tpu.memory_space<vmem>>, %arg6: memref<1x64xf32, #tpu.memory_space<vmem>>, %arg7: memref<64x32xf32, #tpu.memory_space<vmem>>, %arg8: memref<2000x64xf32, #tpu.memory_space<vmem>>, %arg9: memref<2000x32xf32, #tpu.memory_space<vmem>>) attributes {dimension_semantics = [#tpu.dimension_semantics<arbitrary>], iteration_bounds = array<i64: 5>, scalar_prefetch = 0 : i64, scratch_operands = 0 : i64, tpu.core_type = #tpu.core_type<tc>, window_params = [{transform_indices = @transform_0, window_bounds = array<i64: 2000, 128>}, {transform_indices = @transform_1, window_bounds = array<i64: 2, 2000, 64>}, {transform_indices = @transform_2, window_bounds = array<i64: 2, 2000, 16>}, {pipeline_mode = #tpu.pipeline_mode<synchronous>, transform_indices = @transform_3, window_bounds = array<i64: 128, 64>}, {pipeline_mode = #tpu.pipeline_mode<synchronous>, transform_indices = @transform_4, window_bounds = array<i64: 16, 64>}, {pipeline_mode = #tpu.pipeline_mode<synchronous>, transform_indices = @transform_5, window_bounds = array<i64: 1, 64>}, {pipeline_mode = #tpu.pipeline_mode<synchronous>, transform_indices = @transform_6, window_bounds = array<i64: 64, 32>}, {transform_indices = @transform_7, window_bounds = array<i64: 2000, 64>}, {transform_indices = @transform_8, window_bounds = array<i64: 2000, 32>}]} {
    %get3A = arith.constant 0 : index
    %get3A_0 = arith.constant 0 : index
    %get3A_1 = arith.constant 0 : index
    %get3A_2 = vector.load %arg2[%get3A, %get3A_0, %get3A_1] : memref<2x2000x64xf32, #tpu.memory_space<vmem>>, vector<1x2000x64xf32>
    %get3A_3 = vector.shape_cast %get3A_2 : vector<1x2000x64xf32> to vector<2000x64xf32>
    %get3A_4 = arith.constant 1 : index
    %get3A_5 = arith.constant 0 : index
    %get3A_6 = arith.constant 0 : index
    %get3A_7 = vector.load %arg2[%get3A_4, %get3A_5, %get3A_6] : memref<2x2000x64xf32, #tpu.memory_space<vmem>>, vector<1x2000x64xf32>
    %get3A_8 = vector.shape_cast %get3A_7 : vector<1x2000x64xf32> to vector<2000x64xf32>
    %add3A = arith.addf %get3A_3, %get3A_8 : vector<2000x64xf32>
    %get3A_9 = arith.constant 0 : index
    %get3A_10 = arith.constant 0 : index
    %get3A_11 = arith.constant 0 : index
    %get3A_12 = vector.load %arg3[%get3A_9, %get3A_10, %get3A_11] : memref<2x2000x16xf32, #tpu.memory_space<vmem>>, vector<1x2000x16xf32>
    %get3A_13 = vector.shape_cast %get3A_12 : vector<1x2000x16xf32> to vector<2000x16xf32>
    %get3A_14 = arith.constant 1 : index
    %get3A_15 = arith.constant 0 : index
    %get3A_16 = arith.constant 0 : index
    %get3A_17 = vector.load %arg3[%get3A_14, %get3A_15, %get3A_16] : memref<2x2000x16xf32, #tpu.memory_space<vmem>>, vector<1x2000x16xf32>
    %get3A_18 = vector.shape_cast %get3A_17 : vector<1x2000x16xf32> to vector<2000x16xf32>
    %add3A_19 = arith.addf %get3A_13, %get3A_18 : vector<2000x16xf32>
    %get3A_20 = arith.constant 0 : index
    %get3A_21 = arith.constant 0 : index
    %get3A_22 = vector.load %arg1[%get3A_20, %get3A_21] : memref<2000x128xf32, #tpu.memory_space<vmem>>, vector<2000x128xf32>
    %get3A_23 = arith.constant 0 : index
    %get3A_24 = arith.constant 0 : index
    %get3A_25 = vector.load %arg4[%get3A_23, %get3A_24] : memref<128x64xf32, #tpu.memory_space<vmem>>, vector<128x64xf32>
    %dot_general3A = arith.constant dense<0.000000e+00> : vector<2000x64xf32>
    %dot_general3A_26 = tpu.matmul %get3A_22, %get3A_25, %dot_general3A {dimension_numbers = #tpu.dot_dimension_numbers<[1], [0], [0], [1], [0, 0, 1, 1], [], []>, transpose_lhs_hint = false} : vector<2000x128xf32>, vector<128x64xf32>, vector<2000x64xf32> -> vector<2000x64xf32>
    %add3A_27 = arith.addf %dot_general3A_26, %add3A : vector<2000x64xf32>
    %get3A_28 = arith.constant 0 : index
    %get3A_29 = arith.constant 0 : index
    %get3A_30 = vector.load %arg5[%get3A_28, %get3A_29] : memref<16x64xf32, #tpu.memory_space<vmem>>, vector<16x64xf32>
    %dot_general3A_31 = arith.constant dense<0.000000e+00> : vector<2000x64xf32>
    %dot_general3A_32 = tpu.matmul %add3A_19, %get3A_30, %dot_general3A_31 {dimension_numbers = #tpu.dot_dimension_numbers<[1], [0], [0], [1], [0, 0, 1, 1], [], []>, transpose_lhs_hint = false} : vector<2000x16xf32>, vector<16x64xf32>, vector<2000x64xf32> -> vector<2000x64xf32>
    %add3A_33 = arith.addf %add3A_27, %dot_general3A_32 : vector<2000x64xf32>
    %get3A_34 = arith.constant 0 : index
    %get3A_35 = arith.constant 0 : index
    %get3A_36 = vector.load %arg6[%get3A_34, %get3A_35] : memref<1x64xf32, #tpu.memory_space<vmem>>, vector<1x64xf32>
    %add3A_37 = vector.broadcast %get3A_36 : vector<1x64xf32> to vector<2000x64xf32>
    %add3A_38 = arith.addf %add3A_33, %add3A_37 : vector<2000x64xf32>
    %max3A = arith.constant 0.000000e+00 : f32
    %max3A_39 = vector.broadcast %max3A : f32 to vector<2000x64xf32>
    %max3A_40 = arith.maximumf %add3A_38, %max3A_39 : vector<2000x64xf32>
    %swap3A = arith.constant 0 : index
    %swap3A_41 = arith.constant 0 : index
    %swap3A_42 = vector.load %arg8[%swap3A, %swap3A_41] : memref<2000x64xf32, #tpu.memory_space<vmem>>, vector<2000x64xf32>
    tpu.vector_store %arg8[%swap3A, %swap3A_41], %max3A_40 {strides = array<i32>} : memref<2000x64xf32, #tpu.memory_space<vmem>>, vector<2000x64xf32>,
    %get3A_43 = arith.constant 0 : index
    %get3A_44 = arith.constant 0 : index
    %get3A_45 = vector.load %arg7[%get3A_43, %get3A_44] : memref<64x32xf32, #tpu.memory_space<vmem>>, vector<64x32xf32>
    %dot_general3A_46 = arith.constant dense<0.000000e+00> : vector<2000x32xf32>
    %dot_general3A_47 = tpu.matmul %max3A_40, %get3A_45, %dot_general3A_46 {dimension_numbers = #tpu.dot_dimension_numbers<[1], [0], [0], [1], [0, 0, 1, 1], [], []>, transpose_lhs_hint = false} : vector<2000x64xf32>, vector<64x32xf32>, vector<2000x32xf32> -> vector<2000x32xf32>
    %swap3A_48 = arith.constant 0 : index
    %swap3A_49 = arith.constant 0 : index
    %swap3A_50 = vector.load %arg9[%swap3A_48, %swap3A_49] : memref<2000x32xf32, #tpu.memory_space<vmem>>, vector<2000x32xf32>
    tpu.vector_store %arg9[%swap3A_48, %swap3A_49], %dot_general3A_47 {strides = array<i32>} : memref<2000x32xf32, #tpu.memory_space<vmem>>, vector<2000x32xf32>,
    return
  }
  func.func @transform_0(%arg0: i32) -> (i32, i32) {
    %c0_i32 = arith.constant 0 : i32
    %c0_i32_0 = arith.constant 0 : i32
    return %arg0, %c0_i32 : i32, i32
  }
  func.func @transform_1(%arg0: i32) -> (i32, i32, i32) {
    %c0_i32 = arith.constant 0 : i32
    %c0_i32_0 = arith.constant 0 : i32
    %c0_i32_1 = arith.constant 0 : i32
    return %c0_i32, %arg0, %c0_i32_0 : i32, i32, i32
  }
  func.func @transform_2(%arg0: i32) -> (i32, i32, i32) {
    %c0_i32 = arith.constant 0 : i32
    %c0_i32_0 = arith.constant 0 : i32
    %c0_i32_1 = arith.constant 0 : i32
    return %c0_i32, %arg0, %c0_i32_0 : i32, i32, i32
  }
  func.func @transform_3(%arg0: i32) -> (i32, i32) {
    %c0_i32 = arith.constant 0 : i32
    %c0_i32_0 = arith.constant 0 : i32
    %c0_i32_1 = arith.constant 0 : i32
    return %c0_i32, %c0_i32_0 : i32, i32
  }
  func.func @transform_4(%arg0: i32) -> (i32, i32) {
    %c0_i32 = arith.constant 0 : i32
    %c0_i32_0 = arith.constant 0 : i32
    %c0_i32_1 = arith.constant 0 : i32
    return %c0_i32, %c0_i32_0 : i32, i32
  }
  func.func @transform_5(%arg0: i32) -> (i32, i32) {
    %c0_i32 = arith.constant 0 : i32
    %c0_i32_0 = arith.constant 0 : i32
    %c0_i32_1 = arith.constant 0 : i32
    return %c0_i32, %c0_i32_0 : i32, i32
  }
  func.func @transform_6(%arg0: i32) -> (i32, i32) {
    %c0_i32 = arith.constant 0 : i32
    %c0_i32_0 = arith.constant 0 : i32
    %c0_i32_1 = arith.constant 0 : i32
    return %c0_i32, %c0_i32_0 : i32, i32
  }
  func.func @transform_7(%arg0: i32) -> (i32, i32) {
    %c0_i32 = arith.constant 0 : i32
    %c0_i32_0 = arith.constant 0 : i32
    return %arg0, %c0_i32 : i32, i32
  }
  func.func @transform_8(%arg0: i32) -> (i32, i32) {
    %c0_i32 = arith.constant 0 : i32
    %c0_i32_0 = arith.constant 0 : i32
    return %arg0, %c0_i32 : i32, i32
  }
}

module attributes {stable_mosaic.version = 14 : i64} {
  func.func @_combine_body(%arg0: i32, %arg1: memref<2000x64xf32, #tpu.memory_space<vmem>>, %arg2: memref<2x2000x32xf32, #tpu.memory_space<vmem>>, %arg3: memref<2x2000x16xf32, #tpu.memory_space<vmem>>, %arg4: memref<64x32xf32, #tpu.memory_space<vmem>>, %arg5: memref<16x32xf32, #tpu.memory_space<vmem>>, %arg6: memref<1x32xf32, #tpu.memory_space<vmem>>, %arg7: memref<32x16xf32, #tpu.memory_space<vmem>>, %arg8: memref<2000x32xf32, #tpu.memory_space<vmem>>, %arg9: memref<2000x16xf32, #tpu.memory_space<vmem>>) attributes {dimension_semantics = [#tpu.dimension_semantics<arbitrary>], iteration_bounds = array<i64: 5>, scalar_prefetch = 0 : i64, scratch_operands = 0 : i64, tpu.core_type = #tpu.core_type<tc>, window_params = [{transform_indices = @transform_0, window_bounds = array<i64: 2000, 64>}, {transform_indices = @transform_1, window_bounds = array<i64: 2, 2000, 32>}, {transform_indices = @transform_2, window_bounds = array<i64: 2, 2000, 16>}, {pipeline_mode = #tpu.pipeline_mode<synchronous>, transform_indices = @transform_3, window_bounds = array<i64: 64, 32>}, {pipeline_mode = #tpu.pipeline_mode<synchronous>, transform_indices = @transform_4, window_bounds = array<i64: 16, 32>}, {pipeline_mode = #tpu.pipeline_mode<synchronous>, transform_indices = @transform_5, window_bounds = array<i64: 1, 32>}, {pipeline_mode = #tpu.pipeline_mode<synchronous>, transform_indices = @transform_6, window_bounds = array<i64: 32, 16>}, {transform_indices = @transform_7, window_bounds = array<i64: 2000, 32>}, {transform_indices = @transform_8, window_bounds = array<i64: 2000, 16>}]} {
    %get3A = arith.constant 0 : index
    %get3A_0 = arith.constant 0 : index
    %get3A_1 = arith.constant 0 : index
    %get3A_2 = vector.load %arg2[%get3A, %get3A_0, %get3A_1] : memref<2x2000x32xf32, #tpu.memory_space<vmem>>, vector<1x2000x32xf32>
    %get3A_3 = vector.shape_cast %get3A_2 : vector<1x2000x32xf32> to vector<2000x32xf32>
    %get3A_4 = arith.constant 1 : index
    %get3A_5 = arith.constant 0 : index
    %get3A_6 = arith.constant 0 : index
    %get3A_7 = vector.load %arg2[%get3A_4, %get3A_5, %get3A_6] : memref<2x2000x32xf32, #tpu.memory_space<vmem>>, vector<1x2000x32xf32>
    %get3A_8 = vector.shape_cast %get3A_7 : vector<1x2000x32xf32> to vector<2000x32xf32>
    %add3A = arith.addf %get3A_3, %get3A_8 : vector<2000x32xf32>
    %get3A_9 = arith.constant 0 : index
    %get3A_10 = arith.constant 0 : index
    %get3A_11 = arith.constant 0 : index
    %get3A_12 = vector.load %arg3[%get3A_9, %get3A_10, %get3A_11] : memref<2x2000x16xf32, #tpu.memory_space<vmem>>, vector<1x2000x16xf32>
    %get3A_13 = vector.shape_cast %get3A_12 : vector<1x2000x16xf32> to vector<2000x16xf32>
    %get3A_14 = arith.constant 1 : index
    %get3A_15 = arith.constant 0 : index
    %get3A_16 = arith.constant 0 : index
    %get3A_17 = vector.load %arg3[%get3A_14, %get3A_15, %get3A_16] : memref<2x2000x16xf32, #tpu.memory_space<vmem>>, vector<1x2000x16xf32>
    %get3A_18 = vector.shape_cast %get3A_17 : vector<1x2000x16xf32> to vector<2000x16xf32>
    %add3A_19 = arith.addf %get3A_13, %get3A_18 : vector<2000x16xf32>
    %get3A_20 = arith.constant 0 : index
    %get3A_21 = arith.constant 0 : index
    %get3A_22 = vector.load %arg1[%get3A_20, %get3A_21] : memref<2000x64xf32, #tpu.memory_space<vmem>>, vector<2000x64xf32>
    %get3A_23 = arith.constant 0 : index
    %get3A_24 = arith.constant 0 : index
    %get3A_25 = vector.load %arg4[%get3A_23, %get3A_24] : memref<64x32xf32, #tpu.memory_space<vmem>>, vector<64x32xf32>
    %dot_general3A = arith.constant dense<0.000000e+00> : vector<2000x32xf32>
    %dot_general3A_26 = tpu.matmul %get3A_22, %get3A_25, %dot_general3A {dimension_numbers = #tpu.dot_dimension_numbers<[1], [0], [0], [1], [0, 0, 1, 1], [], []>, transpose_lhs_hint = false} : vector<2000x64xf32>, vector<64x32xf32>, vector<2000x32xf32> -> vector<2000x32xf32>
    %add3A_27 = arith.addf %dot_general3A_26, %add3A : vector<2000x32xf32>
    %get3A_28 = arith.constant 0 : index
    %get3A_29 = arith.constant 0 : index
    %get3A_30 = vector.load %arg5[%get3A_28, %get3A_29] : memref<16x32xf32, #tpu.memory_space<vmem>>, vector<16x32xf32>
    %dot_general3A_31 = arith.constant dense<0.000000e+00> : vector<2000x32xf32>
    %dot_general3A_32 = tpu.matmul %add3A_19, %get3A_30, %dot_general3A_31 {dimension_numbers = #tpu.dot_dimension_numbers<[1], [0], [0], [1], [0, 0, 1, 1], [], []>, transpose_lhs_hint = false} : vector<2000x16xf32>, vector<16x32xf32>, vector<2000x32xf32> -> vector<2000x32xf32>
    %add3A_33 = arith.addf %add3A_27, %dot_general3A_32 : vector<2000x32xf32>
    %get3A_34 = arith.constant 0 : index
    %get3A_35 = arith.constant 0 : index
    %get3A_36 = vector.load %arg6[%get3A_34, %get3A_35] : memref<1x32xf32, #tpu.memory_space<vmem>>, vector<1x32xf32>
    %add3A_37 = vector.broadcast %get3A_36 : vector<1x32xf32> to vector<2000x32xf32>
    %add3A_38 = arith.addf %add3A_33, %add3A_37 : vector<2000x32xf32>
    %max3A = arith.constant 0.000000e+00 : f32
    %max3A_39 = vector.broadcast %max3A : f32 to vector<2000x32xf32>
    %max3A_40 = arith.maximumf %add3A_38, %max3A_39 : vector<2000x32xf32>
    %swap3A = arith.constant 0 : index
    %swap3A_41 = arith.constant 0 : index
    %swap3A_42 = vector.load %arg8[%swap3A, %swap3A_41] : memref<2000x32xf32, #tpu.memory_space<vmem>>, vector<2000x32xf32>
    tpu.vector_store %arg8[%swap3A, %swap3A_41], %max3A_40 {strides = array<i32>} : memref<2000x32xf32, #tpu.memory_space<vmem>>, vector<2000x32xf32>,
    %get3A_43 = arith.constant 0 : index
    %get3A_44 = arith.constant 0 : index
    %get3A_45 = vector.load %arg7[%get3A_43, %get3A_44] : memref<32x16xf32, #tpu.memory_space<vmem>>, vector<32x16xf32>
    %dot_general3A_46 = arith.constant dense<0.000000e+00> : vector<2000x16xf32>
    %dot_general3A_47 = tpu.matmul %max3A_40, %get3A_45, %dot_general3A_46 {dimension_numbers = #tpu.dot_dimension_numbers<[1], [0], [0], [1], [0, 0, 1, 1], [], []>, transpose_lhs_hint = false} : vector<2000x32xf32>, vector<32x16xf32>, vector<2000x16xf32> -> vector<2000x16xf32>
    %swap3A_48 = arith.constant 0 : index
    %swap3A_49 = arith.constant 0 : index
    %swap3A_50 = vector.load %arg9[%swap3A_48, %swap3A_49] : memref<2000x16xf32, #tpu.memory_space<vmem>>, vector<2000x16xf32>
    tpu.vector_store %arg9[%swap3A_48, %swap3A_49], %dot_general3A_47 {strides = array<i32>} : memref<2000x16xf32, #tpu.memory_space<vmem>>, vector<2000x16xf32>,
    return
  }
  func.func @transform_0(%arg0: i32) -> (i32, i32) {
    %c0_i32 = arith.constant 0 : i32
    %c0_i32_0 = arith.constant 0 : i32
    return %arg0, %c0_i32 : i32, i32
  }
  func.func @transform_1(%arg0: i32) -> (i32, i32, i32) {
    %c0_i32 = arith.constant 0 : i32
    %c0_i32_0 = arith.constant 0 : i32
    %c0_i32_1 = arith.constant 0 : i32
    return %c0_i32, %arg0, %c0_i32_0 : i32, i32, i32
  }
  func.func @transform_2(%arg0: i32) -> (i32, i32, i32) {
    %c0_i32 = arith.constant 0 : i32
    %c0_i32_0 = arith.constant 0 : i32
    %c0_i32_1 = arith.constant 0 : i32
    return %c0_i32, %arg0, %c0_i32_0 : i32, i32, i32
  }
  func.func @transform_3(%arg0: i32) -> (i32, i32) {
    %c0_i32 = arith.constant 0 : i32
    %c0_i32_0 = arith.constant 0 : i32
    %c0_i32_1 = arith.constant 0 : i32
    return %c0_i32, %c0_i32_0 : i32, i32
  }
  func.func @transform_4(%arg0: i32) -> (i32, i32) {
    %c0_i32 = arith.constant 0 : i32
    %c0_i32_0 = arith.constant 0 : i32
    %c0_i32_1 = arith.constant 0 : i32
    return %c0_i32, %c0_i32_0 : i32, i32
  }
  func.func @transform_5(%arg0: i32) -> (i32, i32) {
    %c0_i32 = arith.constant 0 : i32
    %c0_i32_0 = arith.constant 0 : i32
    %c0_i32_1 = arith.constant 0 : i32
    return %c0_i32, %c0_i32_0 : i32, i32
  }
  func.func @transform_6(%arg0: i32) -> (i32, i32) {
    %c0_i32 = arith.constant 0 : i32
    %c0_i32_0 = arith.constant 0 : i32
    %c0_i32_1 = arith.constant 0 : i32
    return %c0_i32, %c0_i32_0 : i32, i32
  }
  func.func @transform_7(%arg0: i32) -> (i32, i32) {
    %c0_i32 = arith.constant 0 : i32
    %c0_i32_0 = arith.constant 0 : i32
    return %arg0, %c0_i32 : i32, i32
  }
  func.func @transform_8(%arg0: i32) -> (i32, i32) {
    %c0_i32 = arith.constant 0 : i32
    %c0_i32_0 = arith.constant 0 : i32
    return %arg0, %c0_i32 : i32, i32
  }
}

module attributes {stable_mosaic.version = 14 : i64} {
  func.func @_pool_body(%arg0: i32, %arg1: memref<2000x32xf32, #tpu.memory_space<vmem>>, %arg2: memref<2x2000x16xf32, #tpu.memory_space<vmem>>, %arg3: memref<2x2000x16xf32, #tpu.memory_space<vmem>>, %arg4: memref<1x1x2000xi32, #tpu.memory_space<vmem>>, %arg5: memref<2000x881xf32, #tpu.memory_space<vmem>>, %arg6: memref<32x1xf32, #tpu.memory_space<vmem>>, %arg7: memref<16x1xf32, #tpu.memory_space<vmem>>, %arg8: memref<1x1xf32, #tpu.memory_space<vmem>>, %arg9: memref<881x256xf32, #tpu.memory_space<vmem>>, %arg10: memref<1x256xf32, #tpu.memory_space<vmem>>, %arg11: memref<256x64xf32, #tpu.memory_space<vmem>>, %arg12: memref<1x64xf32, #tpu.memory_space<vmem>>, %arg13: memref<64x1xf32, #tpu.memory_space<vmem>>, %arg14: memref<1x1xf32, #tpu.memory_space<vmem>>, %arg15: memref<2000x1xf32, #tpu.memory_space<vmem>>, %arg16: memref<512x1xf32, #tpu.memory_space<vmem>>, %arg17: memref<512x881xf32, #tpu.memory_space<vmem>>, %arg18: memref<512x881xf32, #tpu.memory_space<vmem>>) attributes {dimension_semantics = [#tpu.dimension_semantics<arbitrary>], iteration_bounds = array<i64: 5>, scalar_prefetch = 0 : i64, scratch_operands = 1 : i64, tpu.core_type = #tpu.core_type<tc>, window_params = [{transform_indices = @transform_0, window_bounds = array<i64: 2000, 32>}, {transform_indices = @transform_1, window_bounds = array<i64: 2, 2000, 16>}, {transform_indices = @transform_2, window_bounds = array<i64: 2, 2000, 16>}, {transform_indices = @transform_3, window_bounds = array<i64: 1, 1, 2000>}, {transform_indices = @transform_4, window_bounds = array<i64: 2000, 881>}, {pipeline_mode = #tpu.pipeline_mode<synchronous>, transform_indices = @transform_5, window_bounds = array<i64: 32, 1>}, {pipeline_mode = #tpu.pipeline_mode<synchronous>, transform_indices = @transform_6, window_bounds = array<i64: 16, 1>}, {pipeline_mode = #tpu.pipeline_mode<synchronous>, transform_indices = @transform_7, window_bounds = array<i64: 1, 1>}, {pipeline_mode = #tpu.pipeline_mode<synchronous>, transform_indices = @transform_8, window_bounds = array<i64: 881, 256>}, {pipeline_mode = #tpu.pipeline_mode<synchronous>, transform_indices = @transform_9, window_bounds = array<i64: 1, 256>}, {pipeline_mode = #tpu.pipeline_mode<synchronous>, transform_indices = @transform_10, window_bounds = array<i64: 256, 64>}, {pipeline_mode = #tpu.pipeline_mode<synchronous>, transform_indices = @transform_11, window_bounds = array<i64: 1, 64>}, {pipeline_mode = #tpu.pipeline_mode<synchronous>, transform_indices = @transform_12, window_bounds = array<i64: 64, 1>}, {pipeline_mode = #tpu.pipeline_mode<synchronous>, transform_indices = @transform_13, window_bounds = array<i64: 1, 1>}, {transform_indices = @transform_14, window_bounds = array<i64: 2000, 1>}, {pipeline_mode = #tpu.pipeline_mode<synchronous>, transform_indices = @transform_15, window_bounds = array<i64: 512, 1>}, {pipeline_mode = #tpu.pipeline_mode<synchronous>, transform_indices = @transform_16, window_bounds = array<i64: 512, 881>}]} {
    %get3A = arith.constant 0 : index
    %get3A_0 = arith.constant 0 : index
    %get3A_1 = arith.constant 0 : index
    %get3A_2 = vector.load %arg2[%get3A, %get3A_0, %get3A_1] : memref<2x2000x16xf32, #tpu.memory_space<vmem>>, vector<1x2000x1xf32>
    %get3A_3 = vector.shape_cast %get3A_2 : vector<1x2000x1xf32> to vector<2000x1xf32>
    %get3A_4 = arith.constant 1 : index
    %get3A_5 = arith.constant 0 : index
    %get3A_6 = arith.constant 0 : index
    %get3A_7 = vector.load %arg2[%get3A_4, %get3A_5, %get3A_6] : memref<2x2000x16xf32, #tpu.memory_space<vmem>>, vector<1x2000x1xf32>
    %get3A_8 = vector.shape_cast %get3A_7 : vector<1x2000x1xf32> to vector<2000x1xf32>
    %add3A = arith.addf %get3A_3, %get3A_8 : vector<2000x1xf32>
    %get3A_9 = arith.constant 0 : index
    %get3A_10 = arith.constant 0 : index
    %get3A_11 = arith.constant 0 : index
    %get3A_12 = vector.load %arg3[%get3A_9, %get3A_10, %get3A_11] : memref<2x2000x16xf32, #tpu.memory_space<vmem>>, vector<1x2000x16xf32>
    %get3A_13 = vector.shape_cast %get3A_12 : vector<1x2000x16xf32> to vector<2000x16xf32>
    %get3A_14 = arith.constant 1 : index
    %get3A_15 = arith.constant 0 : index
    %get3A_16 = arith.constant 0 : index
    %get3A_17 = vector.load %arg3[%get3A_14, %get3A_15, %get3A_16] : memref<2x2000x16xf32, #tpu.memory_space<vmem>>, vector<1x2000x16xf32>
    %get3A_18 = vector.shape_cast %get3A_17 : vector<1x2000x16xf32> to vector<2000x16xf32>
    %add3A_19 = arith.addf %get3A_13, %get3A_18 : vector<2000x16xf32>
    %get3A_20 = arith.constant 0 : index
    %get3A_21 = arith.constant 0 : index
    %get3A_22 = vector.load %arg1[%get3A_20, %get3A_21] : memref<2000x32xf32, #tpu.memory_space<vmem>>, vector<2000x32xf32>
    %get3A_23 = arith.constant 0 : index
    %get3A_24 = arith.constant 0 : index
    %get3A_25 = vector.load %arg6[%get3A_23, %get3A_24] : memref<32x1xf32, #tpu.memory_space<vmem>>, vector<32x1xf32>
    %dot_general3A = arith.constant dense<0.000000e+00> : vector<2000x1xf32>
    %dot_general3A_26 = tpu.matmul %get3A_22, %get3A_25, %dot_general3A {dimension_numbers = #tpu.dot_dimension_numbers<[1], [0], [0], [1], [0, 0, 1, 1], [], []>, transpose_lhs_hint = false} : vector<2000x32xf32>, vector<32x1xf32>, vector<2000x1xf32> -> vector<2000x1xf32>
    %add3A_27 = arith.addf %dot_general3A_26, %add3A : vector<2000x1xf32>
    %get3A_28 = arith.constant 0 : index
    %get3A_29 = arith.constant 0 : index
    %get3A_30 = vector.load %arg7[%get3A_28, %get3A_29] : memref<16x1xf32, #tpu.memory_space<vmem>>, vector<16x1xf32>
    %dot_general3A_31 = arith.constant dense<0.000000e+00> : vector<2000x1xf32>
    %dot_general3A_32 = tpu.matmul %add3A_19, %get3A_30, %dot_general3A_31 {dimension_numbers = #tpu.dot_dimension_numbers<[1], [0], [0], [1], [0, 0, 1, 1], [], []>, transpose_lhs_hint = false} : vector<2000x16xf32>, vector<16x1xf32>, vector<2000x1xf32> -> vector<2000x1xf32>
    %add3A_33 = arith.addf %add3A_27, %dot_general3A_32 : vector<2000x1xf32>
    %get3A_34 = arith.constant 0 : index
    %get3A_35 = arith.constant 0 : index
    %get3A_36 = vector.load %arg8[%get3A_34, %get3A_35] : memref<1x1xf32, #tpu.memory_space<vmem>>, vector<1x1xf32>
    %add3A_37 = vector.broadcast %get3A_36 : vector<1x1xf32> to vector<2000x1xf32>
    %add3A_38 = arith.addf %add3A_33, %add3A_37 : vector<2000x1xf32>
    %max3A = arith.constant 0.000000e+00 : f32
    %max3A_39 = vector.broadcast %max3A : f32 to vector<2000x1xf32>
    %max3A_40 = arith.maximumf %add3A_38, %max3A_39 : vector<2000x1xf32>
    %swap3A = arith.constant 0 : index
    %swap3A_41 = arith.constant 0 : index
    %swap3A_42 = vector.load %arg15[%swap3A, %swap3A_41] : memref<2000x1xf32, #tpu.memory_space<vmem>>, vector<2000x1xf32>
    tpu.vector_store %arg15[%swap3A, %swap3A_41], %max3A_40 {strides = array<i32>} : memref<2000x1xf32, #tpu.memory_space<vmem>>, vector<2000x1xf32>,
    %get3A_43 = arith.constant 0 : index
    %get3A_44 = arith.constant 0 : index
    %get3A_45 = arith.constant 0 : index
    %get3A_46 = vector.load %arg4[%get3A_43, %get3A_44, %get3A_45] : memref<1x1x2000xi32, #tpu.memory_space<vmem>>, vector<1x1x2000xi32>
    %reshape3A = vector.shape_cast %get3A_46 : vector<1x1x2000xi32> to vector<1x2000xi32>
    %iota3A = tpu.iota {dimensions = array<i32: 0>} : vector<512x2000xi32>
    %eq3A = vector.broadcast %reshape3A : vector<1x2000xi32> to vector<512x2000xi32>
    %eq3A_47 = arith.cmpi eq, %iota3A, %eq3A : vector<512x2000xi32>
    %convert_element_type3A = arith.extui %eq3A_47 : vector<512x2000xi1> to vector<512x2000xi32>
    %convert_element_type3A_48 = arith.sitofp %convert_element_type3A : vector<512x2000xi32> to vector<512x2000xf32>
    %get3A_49 = arith.constant 0 : index
    %get3A_50 = arith.constant 0 : index
    %get3A_51 = vector.load %arg5[%get3A_49, %get3A_50] : memref<2000x881xf32, #tpu.memory_space<vmem>>, vector<2000x881xf32>
    %mul3A = vector.broadcast %max3A_40 : vector<2000x1xf32> to vector<2000x881xf32>
    %mul3A_52 = arith.mulf %mul3A, %get3A_51 : vector<2000x881xf32>
    %dot_general3A_53 = arith.constant dense<0.000000e+00> : vector<512x881xf32>
    %dot_general3A_54 = tpu.matmul %convert_element_type3A_48, %mul3A_52, %dot_general3A_53 {dimension_numbers = #tpu.dot_dimension_numbers<[1], [0], [0], [1], [0, 0, 1, 1], [], []>, transpose_lhs_hint = false} : vector<512x2000xf32>, vector<2000x881xf32>, vector<512x881xf32> -> vector<512x881xf32>
    %eq3A_55 = arith.constant 0 : i32
    %eq3A_56 = arith.cmpi eq, %arg0, %eq3A_55 : i32
    %convert_element_type3A_57 = arith.extui %eq3A_56 : i1 to i32
    %cond3A = arith.constant 0 : i32
    %cond3A_58 = arith.cmpi ne, %convert_element_type3A_57, %cond3A : i32
    scf.if %cond3A_58 {
      %swap3A_68 = arith.constant 0 : index
      %swap3A_69 = arith.constant 0 : index
      %swap3A_70 = vector.load %arg18[%swap3A_68, %swap3A_69] : memref<512x881xf32, #tpu.memory_space<vmem>>, vector<512x881xf32>
      tpu.vector_store %arg18[%swap3A_68, %swap3A_69], %dot_general3A_54 {strides = array<i32>} : memref<512x881xf32, #tpu.memory_space<vmem>>, vector<512x881xf32>,
    } else {
    }
    %gt3A = arith.constant 0 : i32
    %gt3A_59 = arith.cmpi sgt, %arg0, %gt3A : i32
    %convert_element_type3A_60 = arith.extui %gt3A_59 : i1 to i32
    %cond3A_61 = arith.constant 0 : i32
    %cond3A_62 = arith.cmpi ne, %convert_element_type3A_60, %cond3A_61 : i32
    scf.if %cond3A_62 {
      %get3A_68 = arith.constant 0 : index
      %get3A_69 = arith.constant 0 : index
      %get3A_70 = vector.load %arg18[%get3A_68, %get3A_69] : memref<512x881xf32, #tpu.memory_space<vmem>>, vector<512x881xf32>
      %add3A_71 = arith.addf %get3A_70, %dot_general3A_54 : vector<512x881xf32>
      %swap3A_72 = arith.constant 0 : index
      %swap3A_73 = arith.constant 0 : index
      %swap3A_74 = vector.load %arg18[%swap3A_72, %swap3A_73] : memref<512x881xf32, #tpu.memory_space<vmem>>, vector<512x881xf32>
      tpu.vector_store %arg18[%swap3A_72, %swap3A_73], %add3A_71 {strides = array<i32>} : memref<512x881xf32, #tpu.memory_space<vmem>>, vector<512x881xf32>,
    } else {
    }
    %eq3A_63 = arith.constant 4 : i32
    %eq3A_64 = arith.cmpi eq, %arg0, %eq3A_63 : i32
    %convert_element_type3A_65 = arith.extui %eq3A_64 : i1 to i32
    %cond3A_66 = arith.constant 0 : i32
    %cond3A_67 = arith.cmpi ne, %convert_element_type3A_65, %cond3A_66 : i32
    scf.if %cond3A_67 {
      %get3A_68 = arith.constant 0 : index
      %get3A_69 = arith.constant 0 : index
      %get3A_70 = vector.load %arg18[%get3A_68, %get3A_69] : memref<512x881xf32, #tpu.memory_space<vmem>>, vector<512x881xf32>
      %swap3A_71 = arith.constant 0 : index
      %swap3A_72 = arith.constant 0 : index
      %swap3A_73 = vector.load %arg17[%swap3A_71, %swap3A_72] : memref<512x881xf32, #tpu.memory_space<vmem>>, vector<512x881xf32>
      tpu.vector_store %arg17[%swap3A_71, %swap3A_72], %get3A_70 {strides = array<i32>} : memref<512x881xf32, #tpu.memory_space<vmem>>, vector<512x881xf32>,
      %get3A_74 = arith.constant 0 : index
      %get3A_75 = arith.constant 0 : index
      %get3A_76 = vector.load %arg9[%get3A_74, %get3A_75] : memref<881x256xf32, #tpu.memory_space<vmem>>, vector<881x256xf32>
      %dot_general3A_77 = arith.constant dense<0.000000e+00> : vector<512x256xf32>
      %dot_general3A_78 = tpu.matmul %get3A_70, %get3A_76, %dot_general3A_77 {dimension_numbers = #tpu.dot_dimension_numbers<[1], [0], [0], [1], [0, 0, 1, 1], [], []>, transpose_lhs_hint = false} : vector<512x881xf32>, vector<881x256xf32>, vector<512x256xf32> -> vector<512x256xf32>
      %get3A_79 = arith.constant 0 : index
      %get3A_80 = arith.constant 0 : index
      %get3A_81 = vector.load %arg10[%get3A_79, %get3A_80] : memref<1x256xf32, #tpu.memory_space<vmem>>, vector<1x256xf32>
      %add3A_82 = vector.broadcast %get3A_81 : vector<1x256xf32> to vector<512x256xf32>
      %add3A_83 = arith.addf %dot_general3A_78, %add3A_82 : vector<512x256xf32>
      %max3A_84 = arith.constant 0.000000e+00 : f32
      %max3A_85 = vector.broadcast %max3A_84 : f32 to vector<512x256xf32>
      %max3A_86 = arith.maximumf %add3A_83, %max3A_85 : vector<512x256xf32>
      %get3A_87 = arith.constant 0 : index
      %get3A_88 = arith.constant 0 : index
      %get3A_89 = vector.load %arg11[%get3A_87, %get3A_88] : memref<256x64xf32, #tpu.memory_space<vmem>>, vector<256x64xf32>
      %dot_general3A_90 = arith.constant dense<0.000000e+00> : vector<512x64xf32>
      %dot_general3A_91 = tpu.matmul %max3A_86, %get3A_89, %dot_general3A_90 {dimension_numbers = #tpu.dot_dimension_numbers<[1], [0], [0], [1], [0, 0, 1, 1], [], []>, transpose_lhs_hint = false} : vector<512x256xf32>, vector<256x64xf32>, vector<512x64xf32> -> vector<512x64xf32>
      %get3A_92 = arith.constant 0 : index
      %get3A_93 = arith.constant 0 : index
      %get3A_94 = vector.load %arg12[%get3A_92, %get3A_93] : memref<1x64xf32, #tpu.memory_space<vmem>>, vector<1x64xf32>
      %add3A_95 = vector.broadcast %get3A_94 : vector<1x64xf32> to vector<512x64xf32>
      %add3A_96 = arith.addf %dot_general3A_91, %add3A_95 : vector<512x64xf32>
      %max3A_97 = arith.constant 0.000000e+00 : f32
      %max3A_98 = vector.broadcast %max3A_97 : f32 to vector<512x64xf32>
      %max3A_99 = arith.maximumf %add3A_96, %max3A_98 : vector<512x64xf32>
      %get3A_100 = arith.constant 0 : index
      %get3A_101 = arith.constant 0 : index
      %get3A_102 = vector.load %arg13[%get3A_100, %get3A_101] : memref<64x1xf32, #tpu.memory_space<vmem>>, vector<64x1xf32>
      %dot_general3A_103 = arith.constant dense<0.000000e+00> : vector<512x1xf32>
      %dot_general3A_104 = tpu.matmul %max3A_99, %get3A_102, %dot_general3A_103 {dimension_numbers = #tpu.dot_dimension_numbers<[1], [0], [0], [1], [0, 0, 1, 1], [], []>, transpose_lhs_hint = false} : vector<512x64xf32>, vector<64x1xf32>, vector<512x1xf32> -> vector<512x1xf32>
      %get3A_105 = arith.constant 0 : index
      %get3A_106 = arith.constant 0 : index
      %get3A_107 = vector.load %arg14[%get3A_105, %get3A_106] : memref<1x1xf32, #tpu.memory_space<vmem>>, vector<1x1xf32>
      %add3A_108 = vector.broadcast %get3A_107 : vector<1x1xf32> to vector<512x1xf32>
      %add3A_109 = arith.addf %dot_general3A_104, %add3A_108 : vector<512x1xf32>
      %swap3A_110 = arith.constant 0 : index
      %swap3A_111 = arith.constant 0 : index
      %swap3A_112 = vector.load %arg16[%swap3A_110, %swap3A_111] : memref<512x1xf32, #tpu.memory_space<vmem>>, vector<512x1xf32>
      tpu.vector_store %arg16[%swap3A_110, %swap3A_111], %add3A_109 {strides = array<i32>} : memref<512x1xf32, #tpu.memory_space<vmem>>, vector<512x1xf32>,
    } else {
    }
    return
  }
  func.func @transform_0(%arg0: i32) -> (i32, i32) {
    %c0_i32 = arith.constant 0 : i32
    %c0_i32_0 = arith.constant 0 : i32
    return %arg0, %c0_i32 : i32, i32
  }
  func.func @transform_1(%arg0: i32) -> (i32, i32, i32) {
    %c0_i32 = arith.constant 0 : i32
    %c0_i32_0 = arith.constant 0 : i32
    %c0_i32_1 = arith.constant 0 : i32
    return %c0_i32, %arg0, %c0_i32_0 : i32, i32, i32
  }
  func.func @transform_2(%arg0: i32) -> (i32, i32, i32) {
    %c0_i32 = arith.constant 0 : i32
    %c0_i32_0 = arith.constant 0 : i32
    %c0_i32_1 = arith.constant 0 : i32
    return %c0_i32, %arg0, %c0_i32_0 : i32, i32, i32
  }
  func.func @transform_3(%arg0: i32) -> (i32, i32, i32) {
    %c0_i32 = arith.constant 0 : i32
    %c0_i32_0 = arith.constant 0 : i32
    %c0_i32_1 = arith.constant 0 : i32
    return %arg0, %c0_i32, %c0_i32_0 : i32, i32, i32
  }
  func.func @transform_4(%arg0: i32) -> (i32, i32) {
    %c0_i32 = arith.constant 0 : i32
    %c0_i32_0 = arith.constant 0 : i32
    return %arg0, %c0_i32 : i32, i32
  }
  func.func @transform_5(%arg0: i32) -> (i32, i32) {
    %c0_i32 = arith.constant 0 : i32
    %c0_i32_0 = arith.constant 0 : i32
    %c0_i32_1 = arith.constant 0 : i32
    return %c0_i32, %c0_i32_0 : i32, i32
  }
  func.func @transform_6(%arg0: i32) -> (i32, i32) {
    %c0_i32 = arith.constant 0 : i32
    %c0_i32_0 = arith.constant 0 : i32
    %c0_i32_1 = arith.constant 0 : i32
    return %c0_i32, %c0_i32_0 : i32, i32
  }
  func.func @transform_7(%arg0: i32) -> (i32, i32) {
    %c0_i32 = arith.constant 0 : i32
    %c0_i32_0 = arith.constant 0 : i32
    %c0_i32_1 = arith.constant 0 : i32
    return %c0_i32, %c0_i32_0 : i32, i32
  }
  func.func @transform_8(%arg0: i32) -> (i32, i32) {
    %c0_i32 = arith.constant 0 : i32
    %c0_i32_0 = arith.constant 0 : i32
    %c0_i32_1 = arith.constant 0 : i32
    return %c0_i32, %c0_i32_0 : i32, i32
  }
  func.func @transform_9(%arg0: i32) -> (i32, i32) {
    %c0_i32 = arith.constant 0 : i32
    %c0_i32_0 = arith.constant 0 : i32
    %c0_i32_1 = arith.constant 0 : i32
    return %c0_i32, %c0_i32_0 : i32, i32
  }
  func.func @transform_10(%arg0: i32) -> (i32, i32) {
    %c0_i32 = arith.constant 0 : i32
    %c0_i32_0 = arith.constant 0 : i32
    %c0_i32_1 = arith.constant 0 : i32
    return %c0_i32, %c0_i32_0 : i32, i32
  }
  func.func @transform_11(%arg0: i32) -> (i32, i32) {
    %c0_i32 = arith.constant 0 : i32
    %c0_i32_0 = arith.constant 0 : i32
    %c0_i32_1 = arith.constant 0 : i32
    return %c0_i32, %c0_i32_0 : i32, i32
  }
  func.func @transform_12(%arg0: i32) -> (i32, i32) {
    %c0_i32 = arith.constant 0 : i32
    %c0_i32_0 = arith.constant 0 : i32
    %c0_i32_1 = arith.constant 0 : i32
    return %c0_i32, %c0_i32_0 : i32, i32
  }
  func.func @transform_13(%arg0: i32) -> (i32, i32) {
    %c0_i32 = arith.constant 0 : i32
    %c0_i32_0 = arith.constant 0 : i32
    %c0_i32_1 = arith.constant 0 : i32
    return %c0_i32, %c0_i32_0 : i32, i32
  }
  func.func @transform_14(%arg0: i32) -> (i32, i32) {
    %c0_i32 = arith.constant 0 : i32
    %c0_i32_0 = arith.constant 0 : i32
    return %arg0, %c0_i32 : i32, i32
  }
  func.func @transform_15(%arg0: i32) -> (i32, i32) {
    %c0_i32 = arith.constant 0 : i32
    %c0_i32_0 = arith.constant 0 : i32
    %c0_i32_1 = arith.constant 0 : i32
    return %c0_i32, %c0_i32_0 : i32, i32
  }
  func.func @transform_16(%arg0: i32) -> (i32, i32) {
    %c0_i32 = arith.constant 0 : i32
    %c0_i32_0 = arith.constant 0 : i32
    %c0_i32_1 = arith.constant 0 : i32
    return %c0_i32, %c0_i32_0 : i32, i32
  }
}

</mosaic_0001>

<sc_bundles>
// kernel: kernel.10.cloned.1.call-start
scs
__scs_entry_jumppad:
0x0: {  	(pc) =	sbr.rel $0x88, $3  }
0x1: {  	(tag) =	ssettag $0x0;
	lr =	simm.s32 $0x1  }
0x2: {  	[smem:$0x3F8A] =	sst lr;
	_ =	strace $0xD0000000  }
0x3: {  	_ = 	snop  }
0x4: {  	_ = 	snop  }
0x5: {  	_ = 	snop  }
0x6: {  	_ = 	snop  }
0x7: {  	_ = 	snop  }
__scs_overlays_trampoline_lowered:
0x8: {  	[smem:$0x3F99] =	sst s0  }
0x9: {  	[smem:$0x3F9A] =	sst s1  }
0xa: {  	[smem:$0x3F9B] =	sst s2  }
0xb: {  	[smem:$0x3F9C] =	sst s3  }
0xc: {  	[smem:$0x3F9D] =	sst s4  }
0xd: {  	[smem:$0x3F9E] =	sst s5  }
0xe: {  	[smem:$0x3F9F] =	sst s6  }
0xf: {  	[smem:$0x3FA0] =	sst s7  }
0x10: {  	[smem:$0x3FA1] =	sst s8  }
0x11: {  	[smem:$0x3FA2] =	sst s9;
	s0 =	simm.s32 @!p0 $0x0  }
0x12: {  	s1 =	sld [smem:$0x3F88];
	s0 =	simm.s32 @p0 $0x1  }
0x13: {  	[smem:$0x3FA3] =	sst s0;
	s0 =	simm.s32 @!p1 $0x0  }
0x14: {  	s2 =	sld [smem:$0x3F87];
	s0 =	simm.s32 @p1 $0x1  }
0x15: {  	[smem:$0x3FA4] =	sst s0;
	s0 =	simm.s32 @!p2 $0x0  }
0x16: {  	s3 =	sld [smem:$0x3FDB];
	s0 =	simm.s32 @p2 $0x1  }
0x17: {  	s4 =	simm.s32 $0x1BF5;
	[smem:$0x3FA6] =	sst s0  }
0x18: {  	s0 =	sld [smem:$0x3F89];
	_ =	swait.ge [sflag:s4], $0x0  }
0x19: {  	s7 =	sld [smem:$0x3F8A]  }
0x1a: {  	s8 =	sadd.s32 $0xFFFFE003, lr  }
0x1b: {  	s9 =	sadd.s32 $0xFFFFFEF7, lr;
	s5 =	simm.s32 $0xFFFFFFFF;
	p2 =	slt.u32 s8, $0xFFFFF086  }
0x1c: {  	p1 =	slt.u32 s9, $0xF7A;
	s5 =	simm.s32 @!p2 $0x0  }
0x1d: {  	s5 =	simm.s32 @p1 $0x1;
	p0 =	seq.s32 s7, s2  }
0x1e: {  	s7 =	smul.u32 @!p0 $0xF7A, s2;
	p2 =	seq.s32 @!p0 s5, $0x0  }
0x1f: {  	s9 =	smul.u32 $0xF7A, s1;
	s8 =	simm.s32 @!p0 $0x1BF5;
	p2 =	por !p2, p0  }
0x20: {  	[sflag:s8] =	ssyncset.s32 @!p0 $0xFFFFF086;
	s6 =	sadd.s32 @!p0 s3, s7;
	s7 =	simm.s32 @!p0 $0x108  }
0x21: {  	s3 =	sadd.s32 s3, s9;
	s6 =	sadd.s32 @!p0 $0x88, s6;
	s7 =	simm.s32 @p2 $0x1082  }
0x22: {  	[simem:s7], [sflag:s8] =	dma.local @!p0 [hbm:s6], $0xF7A  }
0x23: {  	s9 =	sor.u32 $0xD0000000, s2;
	s6 =	simm.s32 $0x108;
	_ =	swait.ge @!p0 [sflag:s8], $0x0  }
0x24: {  	s3 =	sadd.s32 $0x88, s3;
	s6 =	simm.s32 @!p1 $0x1082;
	[sflag:s4] =	ssyncset.s32 $0xFFFFF086  }
0x25: {  	[simem:s6], [sflag:s4] =	dma.local [hbm:s3], $0xF7A  }
0x26: {  	[smem:$0x3F8A] =	sst s1;
	(tag) =	ssettag s2;
	_ =	strace s9  }
0x27: {  	s1 =	sld [smem:$0x3F9A]  }
0x28: {  	s2 =	sld [smem:$0x3F9B]  }
0x29: {  	s4 =	sld [smem:$0x3F9D]  }
0x2a: {  	p0 =	seq.s32 s5, $0x0;
	s5 =	sld [smem:$0x3F9E]  }
0x2b: {  	s6 =	sld [smem:$0x3F9F]  }
0x2c: {  	s7 =	sld [smem:$0x3FA0]  }
0x2d: {  	s3 =	simm.s32 $0x108;
	s8 =	sld [smem:$0x3FA1]  }
0x2e: {  	s3 =	simm.s32 @!p0 $0x1082;
	s9 =	sld [smem:$0x3FA2]  }
0x2f: {  	lr =	sadd.s32 s0, s3;
	s0 =	sld [smem:$0x3F99]  }
0x30: {  	s3 =	sld [smem:$0x3F9C]  }
0x31: {  	[smem:$0x3FA5] =	sst s10  }
0x32: {  	s10 =	sld [smem:$0x3FA3];
	_ =	sdelay $0x3  }
0x33: {  	p0 =	seq.s32 s10, $0x1;
	s10 =	sld [smem:$0x3FA5];
	_ =	sdelay $0x3  }
0x34: {  	[smem:$0x3FA5] =	sst s10  }
0x35: {  	s10 =	sld [smem:$0x3FA4];
	_ =	sdelay $0x3  }
0x36: {  	p1 =	seq.s32 s10, $0x1;
	s10 =	sld [smem:$0x3FA5];
	_ =	sdelay $0x3  }
0x37: {  	[smem:$0x3FA5] =	sst s10  }
0x38: {  	s10 =	sld [smem:$0x3FA6]  }
0x39: {  	_ = 	snop;
	(pc) =	sbr.ind lr, $3  }
0x3a: {  	_ = 	snop  }
0x3b: {  	_ = 	snop  }
0x3c: {  	p2 =	seq.s32 s10, $0x1;
	s10 =	sld [smem:$0x3FA5]  }
0x3d: {  	_ =	shalt  }
0x3e: {  	_ =	shalt  }
0x3f: {  	_ =	shalt  }
0x40: {  	_ =	shalt  }
0x41: {  	_ =	shalt  }
0x42: {  	_ =	shalt  }
0x43: {  	_ =	shalt  }
0x44: {  	_ =	shalt  }
0x45: {  	_ =	shalt  }
0x46: {  	_ =	shalt  }
0x47: {  	_ =	shalt  }
0x48: {  	_ =	shalt  }
0x49: {  	_ =	shalt  }
0x4a: {  	_ =	shalt  }
0x4b: {  	_ =	shalt  }
0x4c: {  	_ =	shalt  }
0x4d: {  	_ =	shalt  }
0x4e: {  	_ =	shalt  }
0x4f: {  	_ =	shalt  }
0x50: {  	_ =	shalt  }
0x51: {  	_ =	shalt  }
0x52: {  	_ =	shalt  }
0x53: {  	_ =	shalt  }
0x54: {  	_ =	shalt  }
0x55: {  	_ =	shalt  }
0x56: {  	_ =	shalt  }
0x57: {  	_ =	shalt  }
0x58: {  	_ =	shalt  }
0x59: {  	_ =	shalt  }
0x5a: {  	_ =	shalt  }
0x5b: {  	_ =	shalt  }
0x5c: {  	_ =	shalt  }
0x5d: {  	_ =	shalt  }
0x5e: {  	_ =	shalt  }
0x5f: {  	_ =	shalt  }
0x60: {  	_ =	shalt  }
0x61: {  	_ =	shalt  }
0x62: {  	_ =	shalt  }
0x63: {  	_ =	shalt  }
0x64: {  	_ =	shalt  }
0x65: {  	_ =	shalt  }
0x66: {  	_ =	shalt  }
0x67: {  	_ =	shalt  }
0x68: {  	_ =	shalt  }
0x69: {  	_ =	shalt  }
0x6a: {  	_ =	shalt  }
0x6b: {  	_ =	shalt  }
0x6c: {  	_ =	shalt  }
0x6d: {  	_ =	shalt  }
0x6e: {  	_ =	shalt  }
0x6f: {  	_ =	shalt  }
0x70: {  	_ =	shalt  }
0x71: {  	_ =	shalt  }
0x72: {  	_ =	shalt  }
0x73: {  	_ =	shalt  }
0x74: {  	_ =	shalt  }
0x75: {  	_ =	shalt  }
0x76: {  	_ =	shalt  }
0x77: {  	_ =	shalt  }
0x78: {  	_ =	shalt  }
0x79: {  	_ =	shalt  }
0x7a: {  	_ =	shalt  }
0x7b: {  	_ =	shalt  }
0x7c: {  	_ =	shalt  }
0x7d: {  	_ =	shalt  }
0x7e: {  	_ =	shalt  }
0x7f: {  	_ =	shalt  }
0x80: {  	_ =	shalt  }
0x81: {  	_ =	shalt  }
0x82: {  	_ =	shalt  }
0x83: {  	_ =	shalt  }
0x84: {  	_ =	shalt  }
0x85: {  	_ =	shalt  }
0x86: {  	_ =	shalt  }
0x87: {  	_ =	shalt  }
.Lfunc_end0:
.L_simem_size_0:
called_computation_lowered:
.L_overlay_start_0:
0x88: {  	s2 =	sld [smem:$0x3FD9]  }
0x89: {  	s3 =	sld [smem:$0x3FFE];
	_ =	sdelay $0x1  }
0x8a: {  	s1 =	srdreg.scid  }
0x8b: {  	s0 =	sand.u32 $0x1, s1  }
0x8c: {  	s15 =	sshll.u32 s0, $0xA;
	s2 =	sadd.s32 s3, s2  }
0x8d: {  	s2 =	sadd.s32 s2, s15  }
0x8e: {  	[smem:$0x3FB1] =	sst s2  }
0x8f: {  	_ = 	snop  }
0x90: {  	s2 =	sld [smem:$0x3FD0];
	_ =	sdelay $0x2  }
0x91: {  	s16 =	simm.s32 $0xB;
	s4 =	simm.s32 $0x10  }
0x92: {  	[smem:s4], [sflag:s16] =	dma.local [hbm:s2], $0x1  }
0x93: {  	_ =	swait.eq [sflag:s16], $0x1  }
0x94: {  	[sflag:s16] =	ssyncset.done $0x0  }
0x95: {  	[sflag:s16] =	ssyncadd.s32 $0xFFFFFFFF  }
0x96: {  	s17 =	sld [smem:$0x12];
	(tm) =	ssettm $0x1  }
0x97: {  	s18 =	sld [smem:$0x3FFB];
	_ =	sdelay $0x3  }
0x98: {  	_ =	strace s18  }
0x99: {  	s2 =	sld [smem:$0x3FFC];
	_ =	sdelay $0x3  }
0x9a: {  	_ =	strace s2  }
0x9b: {  	s2 =	sld [smem:$0x3FFD];
	_ =	sdelay $0x3  }
0x9c: {  	_ =	strace s2  }
0x9d: {  	_ =	strace $0x8FFFFFFF  }
0x9e: {  	s19 =	sld [smem:$0x3FDB];
	_ =	sdelay $0x1  }
0x9f: {  	s20 =	simm.s32 $_scs_section_size  }
0xa0: {  	s5 =	simm.s32 $_size__tile_overlayer_lowered;
	s6 =	simm.s32 $_tile_overlayer_lowered  }
0xa1: {  	s7 =	simm.s32 $0x1BFF;
	s21 =	sshll.u32 s6, $0x1;
	s4 =	sadd.s32 s20, s19  }
0xa2: {  	s22 =	simm.s32 $0x0;
	s5 =	sshll.u32 s5, $0x1;
	s6 =	sadd.s32 s21, s4  }
0xa3: {  	[timem:s22], [sflag:s7] =	dma.local [hbm:s6], s5  }
0xa4: {  	_ =	swait.ge [sflag:s7], s5  }
0xa5: {  	s5 =	ssub.s32 $0x0, s5;
	[sflag:s7] =	ssyncset.done $0x0  }
0xa6: {  	[sflag:s7] =	ssyncadd.s32 s5;
	_ =	sdelay $0x1  }
0xa7: {  	s23 =	simm.s32 $0x1B8B  }
0xa8: {  	_ =	swait.ge [sflag:s23], $0x1  }
0xa9: {  	[sflag:s23] =	ssyncset.done $0x0  }
0xaa: {  	[sflag:s23] =	ssyncadd.s32 $0xFFFFFFFF  }
0xab: {  	s5 =	sld [smem:$0x0]  }
0xac: {  	s6 =	sand.u32 $0xFFFFFFFE, s1  }
0xad: {  	p0 =	sne.s32 s1, s6  }
0xae: {  	s6 =	sshll.u32 @p0 s6, $0xE  }
0xaf: {  	s6 =	sadd.s32 @p0 $0x11B8D, s6;
	s7 =	sshll.u32 @p0 s5, $0x11  }
0xb0: {  	s6 =	sor.u32 @p0 s7, s6  }
0xb1: {  	[sflag:s6] =	ssyncadd.remote.s32 @p0 $0x1;
	_ =	sdelay $0x1  }
0xb2: {  	s6 =	simm.s32 @p0 $0x1B8D  }
0xb3: {  	_ =	swait.eq @p0 [sflag:s6], $0x1  }
0xb4: {  	[sflag:s6] =	ssyncadd.s32 @p0 $0xFFFFFFFF  }
0xb5: {  	s7 =	sshll.u32 @!p0 s1, $0xE  }
0xb6: {  	s7 =	sor.u32 @!p0 $0x4000, s7;
	s6 =	simm.s32 @!p0 $0x1B8D  }
0xb7: {  	s5 =	sshll.u32 @!p0 s5, $0x11;
	s7 =	sadd.s32 @!p0 $0x11B8D, s7;
	_ =	swait.eq @!p0 [sflag:s6], $0x1  }
0xb8: {  	s5 =	sor.u32 @!p0 s5, s7;
	[sflag:s6] =	ssyncadd.s32 @!p0 $0xFFFFFFFF  }
0xb9: {  	s25 =	simm.s32 $0x1B8E;
	s24 =	sld [smem:$0x3FFE];
	[sflag:s5] =	ssyncadd.remote.s32 @!p0 $0x1  }
0xba: {  	s26 =	simm.s32 $execute0_lowered;
	[smem:$0x3FD2] =	sst s25  }
0xbb: {  	s6 =	sshll.u32 s26, $0x1;
	_ =	strace $0x80000049;
	[dreg:$0x1] =	wrdreg $0xFFFFFFFF  }
0xbc: {  	s28 =	simm.s32 $_size_execute0_lowered;
	s4 =	sadd.s32 s4, s6;
	[dreg:$0x0] =	wrdreg $0x0  }
0xbd: {  	s6 =	sshll.u32 s28, $0x1;
	[dreg:$0x2] =	wrdreg s4  }
0xbe: {  	[dreg:$0x3] =	wrdreg s6  }
0xbf: {  	[dreg:$0x4] =	wrdreg $0xC0  }
0xc0: {  	_ =	task [dreg:s22], $0x5FFFF  }
0xc1: {  	[dreg:$0x1] =	wrdreg $0xFFFFFFFF  }
0xc2: {  	[dreg:$0x0] =	wrdreg $0x60  }
0xc3: {  	[dreg:$0x2] =	wrdreg s24  }
0xc4: {  	[dreg:$0x3] =	wrdreg s17  }
0xc5: {  	[dreg:$0x4] =	wrdreg $0x14A000  }
0xc6: {  	[dreg:$0x5] =	wrdreg $0x9  }
0xc7: {  	_ =	task.clear_ibuf [dreg:s22], $0x6FFFF;
	_ =	strace $0x90000049  }
0xc8: {  	s29 =	simm.s32 $0x9;
	_ =	strace $0x8000004B  }
0xc9: {  	_ =	swait.ge [sflag:s29], $0x1  }
0xca: {  	[sflag:s29] =	ssyncadd.s32 $0xFFFFFFFF  }
0xcb: {  	_ =	strace $0x9000004B  }
0xcc: {  	_ =	sfence  }
0xcd: {  	s30 =	sld [smem:$0x0];
	_ =	sdelay $0x2  }
0xce: {  	s31 =	sshll.u32 s1, $0xD;
	s1 =	sshrl.u32 s1, $0x2  }
0xcf: {  	s4 =	sand.u32 $0x4000, s31;
	s1 =	sadd.s32 s1, s30  }
0xd0: {  	s0 =	sor.u32 s4, s0;
	s1 =	sshll.u32 s1, $0x11  }
0xd1: {  	s0 =	sor.u32 s1, s0  }
0xd2: {  	s0 =	sadd.s32 $0x8F2B, s0  }
0xd3: {  	[sflag:s0] =	ssyncadd.remote.s32 $0x1  }
0xd4: {  	_ =	sfence.sel $0xFFFF  }
0xd5: {  	[dreg:$0x0] =	wrdreg $0xFFFFFFFF;
	(pc) =	sbr.abs _section_cstart, $3  }
0xd6: {  	[dreg:$0x1] =	wrdreg $0xFFFFFFFF  }
0xd7: {  	_ =	task.clear_ibuf [dreg:s22], $0x2FFFF;
	_ =	strace $0x9FFFFFFF  }
0xd8: {  	(tm) =	ssettm $0x7FFFFFFF  }
0xd9: {  	_ =	shalt  }
tec
execute0_lowered:
.L_overlay_start_1:
0x0: {  	(tag) =	ssettag $0x1  }
0x1: {  	s0 =	rddreg [dreg:$0x0]  }
0x2: {  	s1 =	rddreg [dreg:$0x1]  }
0x3: {  	s2 =	rddreg [dreg:$0x2]  }
0x4: {  	s3 =	srdreg.scid;
	s11 =	stileid.u32;
	s5 =	simm.s32 $0x0  }
0x5: {  	s17 =	simm.s32 $0x7D;
	s18 =	simm.s32 $0x5000;
	s20 =	simm.s32 $0x6F40  }
0x6: {  	s29 =	simm.s32 $0xEC40;
	s31 =	simm.s32 $0x10B80;
	s19 =	simm.s32 $0x1  }
0x7: {  	s21 =	simm.s32 $0x2;
	s30 =	simm.s32 $0x4;
	s28 =	simm.s32 $0x9  }
0x8: {  	s16 =	simm.s32 $0xD;
	s13 =	simm.s32 $0x0;
	s3 =	sand.u32 $0x1, s3  }
0x9: {  	s4 =	sshll.u32 s11, $0x1;
	[smem:$0x7FF] =	sst s5;
	s6 =	smul.u32 $0xA000, s11  }
0xa: {  	p0 =	seq.s32 s11, $0xF;
	s22 =	sor.u32 s3, s4;
	_ =	strace $0x8000004A  }
0xb: {  	s4 =	sadd.s32 $0x1C600, s0;
	s7 =	smul.u32 $0x13880, s3;
	s3 =	ssub.s32 $0x2, s3  }
0xc: {  	[dreg:$0xe] =	wrdreg s13;
	s5 =	smul.u32 $0x500, s22;
	s9 =	sshrl.u32 s6, $0x3  }
0xd: {  	s10 =	sshrl.u32 s3, $0x1;
	s6 =	sadd.s32 s6, s2;
	s22 =	simm.s32 $0x8E80  }
0xe: {  	[dreg:$0x4] =	wrdreg s9;
	s9 =	sadd.s32 s9, s0;
	s7 =	sadd.s32 s7, s0  }
0xf: {  	s3 =	ssub.s32 s3, s10;
	s12 =	sshrl.u32 @!p0 s6, $0x3;
	s6 =	simm.s32 $0xA  }
0x10: {  	s10 =	simm.s32 $0x10;
	s9 =	sadd.s32 $0x30000, s9;
	[dreg:$0xd] =	wrdreg s12  }
0x11: {  	s8 =	sadd.s32 s5, s0;
	s0 =	sadd.s32 $0x42C00, s0;
	[dreg:$0x5] =	wrdreg s9  }
0x12: {  	s23 =	sadd.s32 s1, s5;
	s25 =	sadd.s32 $0x43A00, s7;
	[dreg:$0x6] =	wrdreg s0  }
0x13: {  	s26 =	smax.u32 s3, $0x1;
	s7 =	simm.s32 $0x7;
	[dreg:$0x7] =	wrdreg s23  }
0x14: {  	s5 =	simm.s32 $0x8;
	s3 =	simm.s32 $0xF;
	[dreg:$0x9] =	wrdreg s25  }
0x15: {  	s9 =	sadd.s32 $0x96000, s2;
	s24 =	sadd.s32 $0x3800, s8;
	[dreg:$0xa] =	wrdreg s26  }
0x16: {  	s0 =	sshll.u32 @!p0 s11, $0x6;
	s26 =	simm.s32 $0xCD00;
	s25 =	simm.s32 $0x3  }
0x17: {  	s23 =	simm.s32 $0x5;
	s8 =	simm.s32 $0xB;
	s11 =	simm.s32 $0xE  }
0x18: {  	[dreg:$0x8] =	wrdreg s24;
	s1 =	sshrl.u32 @p0 s9, $0x3;
	s0 =	sor.u32 @!p0 $0x1C11, s0  }
0x19: {  	s24 =	simm.s32 $0xADC0;
	s9 =	simm.s32 $0xC;
	[dreg:$0xb] =	wrdreg s1  }
0x1a: {  	[dreg:$0xc] =	wrdreg s0;
	s1 =	simm.s32 $0x12AC0;
	s0 =	simm.s32 $0x6  }
.LBB2_1:
0x1b: {  	s14 =	rddreg [dreg:$0x6]  }
0x1c: {  	s13 =	simm.s32 @p0 $0x1FD1;
	s15 =	rddreg [dreg:$0xb]  }
0x1d: {  	[spmem:s15], [sflag:s13] =	dma.local @p0 [hbm:s14], $0xC80  }
0x1e: {  	s13 =	simm.s32 @p0 $0x11  }
0x1f: {  	_ =	swait.ge @p0 [sflag:s13], $0xC80  }
0x20: {  	[sflag:s13] =	ssyncset.done @p0 $0x0;
	s14 =	rddreg [dreg:$0xc]  }
0x21: {  	[sflag:s13] =	ssyncadd.s32 @p0 $0xFFFFF380;
	s13 =	rddreg [dreg:$0x5]  }
0x22: {  	[spmem:s12], [sflag:s14] =	dma.local @!p0 [hbm:s13], $0x1400  }
0x23: {  	s13 =	simm.s32 @!p0 $0x11  }
0x24: {  	_ =	swait.ge @!p0 [sflag:s13], $0x1400  }
0x25: {  	[sflag:s13] =	ssyncset.done @!p0 $0x0  }
0x26: {  	s12 =	rddreg [dreg:$0x7];
	[sflag:s13] =	ssyncadd.s32 @!p0 $0xFFFFEC00;
	s13 =	simm.s32 $0x0  }
0x27: {  	[tilespmem:s13], [sflag:$0x11] =	stream.linear.gather [hbm4b:s12+s13], $0x2800, $0x38;
	[tilespmem:$0x1E640] =	vst v63  }
0x28: {  	s12 =	simm.s32 $0x11  }
0x29: {  	_ =	swait.ge [sflag:s12], $0x2800  }
0x2a: {  	[sflag:s12] =	ssyncset.done $0x0  }
0x2b: {  	s15 =	simm.s32 $0x2800;
	s14 =	rddreg [dreg:$0x8];
	[sflag:s12] =	ssyncadd.s32 $0xFFFFD800  }
0x2c: {  	[tilespmem:s15], [sflag:$0x11] =	stream.linear.gather [hbm4b:s14+s13], $0x2800, $0x38;
	[tilespmem:$0x1E640] =	vst v63  }
0x2d: {  	_ =	swait.ge [sflag:s12], $0x2800  }
0x2e: {  	[sflag:s12] =	ssyncset.done $0x0  }
0x2f: {  	[sflag:s12] =	ssyncadd.s32 $0xFFFFD800  }
0x30: {  	[bflag:$0x0] =	sbarrier.arrive $0xFFFF  }
0x31: {  	[tilespmem:s18], [sflag:$0x1] =	stream.indirect.gather [hbm4b:s4+s17], $0x40, s13, s17, $0xb8;
	[tilespmem:$0x1E640] =	vst v63  }
0x32: {  	s14 =	simm.s32 $0x80  }
0x33: {  	[tilespmem:s20], [sflag:$0x2] =	stream.indirect.gather [hbm4b:s4+s17], $0x40, s14, s17, $0xb8;
	[tilespmem:$0x1E640] =	vst v63  }
0x34: {  	s13 =	simm.s32 $0x100  }
0x35: {  	[tilespmem:s22], [sflag:$0x3] =	stream.indirect.gather [hbm4b:s4+s17], $0x40, s13, s17, $0xb8;
	[tilespmem:$0x1E640] =	vst v63  }
0x36: {  	s14 =	simm.s32 $0x180  }
0x37: {  	[tilespmem:s24], [sflag:$0x4] =	stream.indirect.gather [hbm4b:s4+s17], $0x40, s14, s17, $0xb8;
	[tilespmem:$0x1E640] =	vst v63  }
0x38: {  	s13 =	simm.s32 $0x200  }
0x39: {  	[tilespmem:s26], [sflag:$0x5] =	stream.indirect.gather [hbm4b:s4+s17], $0x40, s13, s17, $0xb8;
	[tilespmem:$0x1E640] =	vst v63  }
0x3a: {  	s14 =	simm.s32 $0x280  }
0x3b: {  	[tilespmem:s29], [sflag:$0x6] =	stream.indirect.gather [hbm4b:s4+s17], $0x40, s14, s17, $0xb8;
	[tilespmem:$0x1E640] =	vst v63  }
0x3c: {  	s13 =	simm.s32 $0x300  }
0x3d: {  	[tilespmem:s31], [sflag:$0x7] =	stream.indirect.gather [hbm4b:s4+s17], $0x40, s13, s17, $0xb8;
	[tilespmem:$0x1E640] =	vst v63  }
0x3e: {  	s14 =	simm.s32 $0x380  }
0x3f: {  	[tilespmem:s1], [sflag:$0x8] =	stream.indirect.gather [hbm4b:s4+s17], $0x40, s14, s17, $0xb8;
	[tilespmem:$0x1E640] =	vst v63  }
0x40: {  	_ =	swait.ge [sflag:s19], $0x1F40  }
0x41: {  	[sflag:s19] =	ssyncset.done $0x0  }
0x42: {  	[sflag:s19] =	ssyncadd.s32 $0xFFFFE0C0  }
0x43: {  	[spmem:s2] =	stream.indirect.scatter.add.f32 [tilespmem:s18], [sflag:$0x9], $0x40, s15, s17, $0xb8;
	[tilespmem:$0x1E640] =	vst v63  }
0x44: {  	_ =	swait.ge [sflag:s21], $0x1F40  }
0x45: {  	[sflag:s21] =	ssyncset.done $0x0  }
0x46: {  	s13 =	simm.s32 $0x2880;
	[sflag:s21] =	ssyncadd.s32 $0xFFFFE0C0  }
0x47: {  	[spmem:s2] =	stream.indirect.scatter.add.f32 [tilespmem:s20], [sflag:$0xA], $0x40, s13, s17, $0xb8;
	[tilespmem:$0x1E640] =	vst v63  }
0x48: {  	_ =	swait.ge [sflag:s25], $0x1F40  }
0x49: {  	[sflag:s25] =	ssyncset.done $0x0  }
0x4a: {  	s14 =	simm.s32 $0x2900;
	[sflag:s25] =	ssyncadd.s32 $0xFFFFE0C0  }
0x4b: {  	[spmem:s2] =	stream.indirect.scatter.add.f32 [tilespmem:s22], [sflag:$0xB], $0x40, s14, s17, $0xb8;
	[tilespmem:$0x1E640] =	vst v63  }
0x4c: {  	_ =	swait.ge [sflag:s30], $0x1F40  }
0x4d: {  	[sflag:s30] =	ssyncset.done $0x0  }
0x4e: {  	s15 =	simm.s32 $0x2980;
	[sflag:s30] =	ssyncadd.s32 $0xFFFFE0C0  }
0x4f: {  	[spmem:s2] =	stream.indirect.scatter.add.f32 [tilespmem:s24], [sflag:$0xC], $0x40, s15, s17, $0xb8;
	[tilespmem:$0x1E640] =	vst v63  }
0x50: {  	_ =	swait.ge [sflag:s23], $0x1F40  }
0x51: {  	[sflag:s23] =	ssyncset.done $0x0  }
0x52: {  	s12 =	simm.s32 $0x2A00;
	[sflag:s23] =	ssyncadd.s32 $0xFFFFE0C0  }
0x53: {  	[spmem:s2] =	stream.indirect.scatter.add.f32 [tilespmem:s26], [sflag:$0xD], $0x40, s12, s17, $0xb8;
	[tilespmem:$0x1E640] =	vst v63  }
0x54: {  	_ =	swait.ge [sflag:s28], $0x1F40  }
0x55: {  	[sflag:s28] =	ssyncset.done $0x0  }
0x56: {  	s14 =	simm.s32 $0x400;
	[sflag:s28] =	ssyncadd.s32 $0xFFFFE0C0  }
0x57: {  	[tilespmem:s18], [sflag:$0x1] =	stream.indirect.gather [hbm4b:s4+s17], $0x40, s14, s17, $0xb8;
	[tilespmem:$0x1E640] =	vst v63  }
0x58: {  	_ =	swait.ge [sflag:s0], $0x1F40  }
0x59: {  	[sflag:s0] =	ssyncset.done $0x0  }
0x5a: {  	s15 =	simm.s32 $0x2A80;
	[sflag:s0] =	ssyncadd.s32 $0xFFFFE0C0  }
0x5b: {  	[spmem:s2] =	stream.indirect.scatter.add.f32 [tilespmem:s29], [sflag:$0xE], $0x40, s15, s17, $0xb8;
	[tilespmem:$0x1E640] =	vst v63  }
0x5c: {  	_ =	swait.ge [sflag:s6], $0x1F40  }
0x5d: {  	[sflag:s6] =	ssyncset.done $0x0  }
0x5e: {  	s12 =	simm.s32 $0x480;
	[sflag:s6] =	ssyncadd.s32 $0xFFFFE0C0  }
0x5f: {  	[tilespmem:s20], [sflag:$0x2] =	stream.indirect.gather [hbm4b:s4+s17], $0x40, s12, s17, $0xb8;
	[tilespmem:$0x1E640] =	vst v63  }
0x60: {  	_ =	swait.ge [sflag:s7], $0x1F40  }
0x61: {  	[sflag:s7] =	ssyncset.done $0x0  }
0x62: {  	s14 =	simm.s32 $0x2B00;
	[sflag:s7] =	ssyncadd.s32 $0xFFFFE0C0  }
0x63: {  	[spmem:s2] =	stream.indirect.scatter.add.f32 [tilespmem:s31], [sflag:$0xF], $0x40, s14, s17, $0xb8;
	[tilespmem:$0x1E640] =	vst v63  }
0x64: {  	_ =	swait.ge [sflag:s8], $0x1F40  }
0x65: {  	[sflag:s8] =	ssyncset.done $0x0  }
0x66: {  	s15 =	simm.s32 $0x500;
	[sflag:s8] =	ssyncadd.s32 $0xFFFFE0C0  }
0x67: {  	[tilespmem:s22], [sflag:$0x3] =	stream.indirect.gather [hbm4b:s4+s17], $0x40, s15, s17, $0xb8;
	[tilespmem:$0x1E640] =	vst v63  }
0x68: {  	_ =	swait.ge [sflag:s5], $0x1F40  }
0x69: {  	[sflag:s5] =	ssyncset.done $0x0  }
0x6a: {  	s12 =	simm.s32 $0x2B80;
	[sflag:s5] =	ssyncadd.s32 $0xFFFFE0C0  }
0x6b: {  	[spmem:s2] =	stream.indirect.scatter.add.f32 [tilespmem:s1], [sflag:$0x10], $0x40, s12, s17, $0xb8;
	[tilespmem:$0x1E640] =	vst v63  }
0x6c: {  	_ =	swait.ge [sflag:s9], $0x1F40  }
0x6d: {  	[sflag:s9] =	ssyncset.done $0x0  }
0x6e: {  	s14 =	simm.s32 $0x580;
	[sflag:s9] =	ssyncadd.s32 $0xFFFFE0C0  }
0x6f: {  	[tilespmem:s24], [sflag:$0x4] =	stream.indirect.gather [hbm4b:s4+s17], $0x40, s14, s17, $0xb8;
	[tilespmem:$0x1E640] =	vst v63  }
0x70: {  	_ =	swait.ge [sflag:s19], $0x1F40  }
0x71: {  	[sflag:s19] =	ssyncset.done $0x0  }
0x72: {  	s15 =	simm.s32 $0x2C00;
	[sflag:s19] =	ssyncadd.s32 $0xFFFFE0C0  }
0x73: {  	[spmem:s2] =	stream.indirect.scatter.add.f32 [tilespmem:s18], [sflag:$0x9], $0x40, s15, s17, $0xb8;
	[tilespmem:$0x1E640] =	vst v63  }
0x74: {  	_ =	swait.ge [sflag:s16], $0x1F40  }
0x75: {  	[sflag:s16] =	ssyncset.done $0x0  }
0x76: {  	s12 =	simm.s32 $0x600;
	[sflag:s16] =	ssyncadd.s32 $0xFFFFE0C0  }
0x77: {  	[tilespmem:s26], [sflag:$0x5] =	stream.indirect.gather [hbm4b:s4+s17], $0x40, s12, s17, $0xb8;
	[tilespmem:$0x1E640] =	vst v63  }
0x78: {  	_ =	swait.ge [sflag:s21], $0x1F40  }
0x79: {  	[sflag:s21] =	ssyncset.done $0x0  }
0x7a: {  	s14 =	simm.s32 $0x2C80;
	[sflag:s21] =	ssyncadd.s32 $0xFFFFE0C0  }
0x7b: {  	[spmem:s2] =	stream.indirect.scatter.add.f32 [tilespmem:s20], [sflag:$0xA], $0x40, s14, s17, $0xb8;
	[tilespmem:$0x1E640] =	vst v63  }
0x7c: {  	_ =	swait.ge [sflag:s11], $0x1F40  }
0x7d: {  	[sflag:s11] =	ssyncset.done $0x0  }
0x7e: {  	s15 =	simm.s32 $0x680;
	[sflag:s11] =	ssyncadd.s32 $0xFFFFE0C0  }
0x7f: {  	[tilespmem:s29], [sflag:$0x6] =	stream.indirect.gather [hbm4b:s4+s17], $0x40, s15, s17, $0xb8;
	[tilespmem:$0x1E640] =	vst v63  }
0x80: {  	_ =	swait.ge [sflag:s25], $0x1F40  }
0x81: {  	[sflag:s25] =	ssyncset.done $0x0  }
0x82: {  	s12 =	simm.s32 $0x2D00;
	[sflag:s25] =	ssyncadd.s32 $0xFFFFE0C0  }
0x83: {  	[spmem:s2] =	stream.indirect.scatter.add.f32 [tilespmem:s22], [sflag:$0xB], $0x40, s12, s17, $0xb8;
	[tilespmem:$0x1E640] =	vst v63  }
0x84: {  	_ =	swait.ge [sflag:s3], $0x1F40  }
0x85: {  	[sflag:s3] =	ssyncset.done $0x0  }
0x86: {  	s14 =	simm.s32 $0x700;
	[sflag:s3] =	ssyncadd.s32 $0xFFFFE0C0  }
0x87: {  	[tilespmem:s31], [sflag:$0x7] =	stream.indirect.gather [hbm4b:s4+s17], $0x40, s14, s17, $0xb8;
	[tilespmem:$0x1E640] =	vst v63  }
0x88: {  	_ =	swait.ge [sflag:s30], $0x1F40  }
0x89: {  	[sflag:s30] =	ssyncset.done $0x0  }
0x8a: {  	s15 =	simm.s32 $0x2D80;
	[sflag:s30] =	ssyncadd.s32 $0xFFFFE0C0  }
0x8b: {  	[spmem:s2] =	stream.indirect.scatter.add.f32 [tilespmem:s24], [sflag:$0xC], $0x40, s15, s17, $0xb8;
	[tilespmem:$0x1E640] =	vst v63  }
0x8c: {  	_ =	swait.ge [sflag:s10], $0x1F40  }
0x8d: {  	[sflag:s10] =	ssyncset.done $0x0  }
0x8e: {  	s13 =	simm.s32 $0x1000;
	s14 =	simm.s32 $0x780;
	[sflag:s10] =	ssyncadd.s32 $0xFFFFE0C0  }
.LBB2_2:
0x8f: {  	[tilespmem:s1], [sflag:$0x8] =	stream.indirect.gather [hbm4b:s4+s17], $0x40, s14, s17, $0xb8;
	[tilespmem:$0x1E640] =	vst v63  }
0x90: {  	s14 =	smov.u32 s13  }
0x91: {  	p1 =	sne.s32 s13, $0x8000;
	s13 =	sadd.s32 $0x1000, s13;
	_ =	swait.ge [sflag:s23], $0x1F40  }
0x92: {  	s14 =	sshra.s32 s14, $0x2;
	[sflag:s23] =	ssyncset.done $0x0  }
0x93: {  	s15 =	sadd.s32 $0x2A00, s14;
	[sflag:s23] =	ssyncadd.s32 $0xFFFFE0C0  }
0x94: {  	[spmem:s2] =	stream.indirect.scatter.add.f32 [tilespmem:s26], [sflag:$0xD], $0x40, s15, s17, $0xb8;
	[tilespmem:$0x1E640] =	vst v63  }
0x95: {  	_ =	swait.ge [sflag:s28], $0x1F40  }
0x96: {  	[sflag:s28] =	ssyncset.done $0x0  }
0x97: {  	s15 =	sadd.s32 $0x400, s14;
	[sflag:s28] =	ssyncadd.s32 $0xFFFFE0C0  }
0x98: {  	[tilespmem:s18], [sflag:$0x1] =	stream.indirect.gather [hbm4b:s4+s17], $0x40, s15, s17, $0xb8;
	[tilespmem:$0x1E640] =	vst v63  }
0x99: {  	_ =	swait.ge [sflag:s0], $0x1F40  }
0x9a: {  	[sflag:s0] =	ssyncset.done $0x0  }
0x9b: {  	s15 =	sadd.s32 $0x2A80, s14;
	[sflag:s0] =	ssyncadd.s32 $0xFFFFE0C0  }
0x9c: {  	[spmem:s2] =	stream.indirect.scatter.add.f32 [tilespmem:s29], [sflag:$0xE], $0x40, s15, s17, $0xb8;
	[tilespmem:$0x1E640] =	vst v63  }
0x9d: {  	_ =	swait.ge [sflag:s6], $0x1F40  }
0x9e: {  	[sflag:s6] =	ssyncset.done $0x0  }
0x9f: {  	s15 =	sadd.s32 $0x480, s14;
	[sflag:s6] =	ssyncadd.s32 $0xFFFFE0C0  }
0xa0: {  	[tilespmem:s20], [sflag:$0x2] =	stream.indirect.gather [hbm4b:s4+s17], $0x40, s15, s17, $0xb8;
	[tilespmem:$0x1E640] =	vst v63  }
0xa1: {  	_ =	swait.ge [sflag:s7], $0x1F40  }
0xa2: {  	[sflag:s7] =	ssyncset.done $0x0  }
0xa3: {  	s15 =	sadd.s32 $0x2B00, s14;
	[sflag:s7] =	ssyncadd.s32 $0xFFFFE0C0  }
0xa4: {  	[spmem:s2] =	stream.indirect.scatter.add.f32 [tilespmem:s31], [sflag:$0xF], $0x40, s15, s17, $0xb8;
	[tilespmem:$0x1E640] =	vst v63  }
0xa5: {  	_ =	swait.ge [sflag:s8], $0x1F40  }
0xa6: {  	[sflag:s8] =	ssyncset.done $0x0  }
0xa7: {  	s15 =	sadd.s32 $0x500, s14;
	[sflag:s8] =	ssyncadd.s32 $0xFFFFE0C0  }
0xa8: {  	[tilespmem:s22], [sflag:$0x3] =	stream.indirect.gather [hbm4b:s4+s17], $0x40, s15, s17, $0xb8;
	[tilespmem:$0x1E640] =	vst v63  }
0xa9: {  	_ =	swait.ge [sflag:s5], $0x1F40  }
0xaa: {  	[sflag:s5] =	ssyncset.done $0x0  }
0xab: {  	s15 =	sadd.s32 $0x2B80, s14;
	[sflag:s5] =	ssyncadd.s32 $0xFFFFE0C0  }
0xac: {  	[spmem:s2] =	stream.indirect.scatter.add.f32 [tilespmem:s1], [sflag:$0x10], $0x40, s15, s17, $0xb8;
	[tilespmem:$0x1E640] =	vst v63  }
0xad: {  	_ =	swait.ge [sflag:s9], $0x1F40  }
0xae: {  	[sflag:s9] =	ssyncset.done $0x0  }
0xaf: {  	s15 =	sadd.s32 $0x580, s14;
	[sflag:s9] =	ssyncadd.s32 $0xFFFFE0C0  }
0xb0: {  	[tilespmem:s24], [sflag:$0x4] =	stream.indirect.gather [hbm4b:s4+s17], $0x40, s15, s17, $0xb8;
	[tilespmem:$0x1E640] =	vst v63  }
0xb1: {  	_ =	swait.ge [sflag:s19], $0x1F40  }
0xb2: {  	[sflag:s19] =	ssyncset.done $0x0  }
0xb3: {  	s15 =	sadd.s32 $0x2C00, s14;
	[sflag:s19] =	ssyncadd.s32 $0xFFFFE0C0  }
0xb4: {  	[spmem:s2] =	stream.indirect.scatter.add.f32 [tilespmem:s18], [sflag:$0x9], $0x40, s15, s17, $0xb8;
	[tilespmem:$0x1E640] =	vst v63  }
0xb5: {  	_ =	swait.ge [sflag:s16], $0x1F40  }
0xb6: {  	[sflag:s16] =	ssyncset.done $0x0  }
0xb7: {  	s15 =	sadd.s32 $0x600, s14;
	[sflag:s16] =	ssyncadd.s32 $0xFFFFE0C0  }
0xb8: {  	[tilespmem:s26], [sflag:$0x5] =	stream.indirect.gather [hbm4b:s4+s17], $0x40, s15, s17, $0xb8;
	[tilespmem:$0x1E640] =	vst v63  }
0xb9: {  	_ =	swait.ge [sflag:s21], $0x1F40  }
0xba: {  	[sflag:s21] =	ssyncset.done $0x0  }
0xbb: {  	s15 =	sadd.s32 $0x2C80, s14;
	[sflag:s21] =	ssyncadd.s32 $0xFFFFE0C0  }
0xbc: {  	[spmem:s2] =	stream.indirect.scatter.add.f32 [tilespmem:s20], [sflag:$0xA], $0x40, s15, s17, $0xb8;
	[tilespmem:$0x1E640] =	vst v63  }
0xbd: {  	_ =	swait.ge [sflag:s11], $0x1F40  }
0xbe: {  	[sflag:s11] =	ssyncset.done $0x0  }
0xbf: {  	s15 =	sadd.s32 $0x680, s14;
	[sflag:s11] =	ssyncadd.s32 $0xFFFFE0C0  }
0xc0: {  	[tilespmem:s29], [sflag:$0x6] =	stream.indirect.gather [hbm4b:s4+s17], $0x40, s15, s17, $0xb8;
	[tilespmem:$0x1E640] =	vst v63  }
0xc1: {  	_ =	swait.ge [sflag:s25], $0x1F40  }
0xc2: {  	[sflag:s25] =	ssyncset.done $0x0  }
0xc3: {  	s15 =	sadd.s32 $0x2D00, s14;
	[sflag:s25] =	ssyncadd.s32 $0xFFFFE0C0  }
0xc4: {  	[spmem:s2] =	stream.indirect.scatter.add.f32 [tilespmem:s22], [sflag:$0xB], $0x40, s15, s17, $0xb8;
	[tilespmem:$0x1E640] =	vst v63  }
0xc5: {  	_ =	swait.ge [sflag:s3], $0x1F40  }
0xc6: {  	[sflag:s3] =	ssyncset.done $0x0  }
0xc7: {  	s15 =	sadd.s32 $0x700, s14;
	[sflag:s3] =	ssyncadd.s32 $0xFFFFE0C0  }
0xc8: {  	[tilespmem:s31], [sflag:$0x7] =	stream.indirect.gather [hbm4b:s4+s17], $0x40, s15, s17, $0xb8;
	[tilespmem:$0x1E640] =	vst v63  }
0xc9: {  	_ =	swait.ge [sflag:s30], $0x1F40  }
0xca: {  	[sflag:s30] =	ssyncset.done $0x0  }
.Ltmp0:
0xcb: {  	s15 =	sadd.s32 $0x2D80, s14;
	[sflag:s30] =	ssyncadd.s32 $0xFFFFE0C0;
	(pc) =	sbr.rel @p1 .LBB2_2-.Ltmp0, $4  }
0xcc: {  	[spmem:s2] =	stream.indirect.scatter.add.f32 [tilespmem:s24], [sflag:$0xC], $0x40, s15, s17, $0xb8;
	[tilespmem:$0x1E640] =	vst v63  }
0xcd: {  	_ =	swait.ge [sflag:s10], $0x1F40  }
0xce: {  	[sflag:s10] =	ssyncset.done $0x0  }
0xcf: {  	s14 =	sadd.s32 $0x780, s14;
	[sflag:s10] =	ssyncadd.s32 $0xFFFFE0C0  }
0xd0: {  	[tilespmem:s1], [sflag:$0x8] =	stream.indirect.gather [hbm4b:s4+s17], $0x40, s14, s17, $0xb8;
	[tilespmem:$0x1E640] =	vst v63  }
0xd1: {  	_ =	swait.ge [sflag:s23], $0x1F40  }
0xd2: {  	[sflag:s23] =	ssyncset.done $0x0  }
0xd3: {  	s12 =	simm.s32 $0x4E00;
	[sflag:s23] =	ssyncadd.s32 $0xFFFFE0C0  }
0xd4: {  	[spmem:s2] =	stream.indirect.scatter.add.f32 [tilespmem:s26], [sflag:$0xD], $0x40, s12, s17, $0xb8;
	[tilespmem:$0x1E640] =	vst v63  }
0xd5: {  	_ =	swait.ge [sflag:s0], $0x1F40  }
0xd6: {  	[sflag:s0] =	ssyncset.done $0x0  }
0xd7: {  	s14 =	simm.s32 $0x4E80;
	[sflag:s0] =	ssyncadd.s32 $0xFFFFE0C0  }
0xd8: {  	[spmem:s2] =	stream.indirect.scatter.add.f32 [tilespmem:s29], [sflag:$0xE], $0x40, s14, s17, $0xb8;
	[tilespmem:$0x1E640] =	vst v63  }
0xd9: {  	_ =	swait.ge [sflag:s7], $0x1F40  }
0xda: {  	[sflag:s7] =	ssyncset.done $0x0  }
0xdb: {  	s15 =	simm.s32 $0x4F00;
	[sflag:s7] =	ssyncadd.s32 $0xFFFFE0C0  }
0xdc: {  	[spmem:s2] =	stream.indirect.scatter.add.f32 [tilespmem:s31], [sflag:$0xF], $0x40, s15, s17, $0xb8;
	[tilespmem:$0x1E640] =	vst v63  }
0xdd: {  	_ =	swait.ge [sflag:s5], $0x1F40  }
0xde: {  	[sflag:s5] =	ssyncset.done $0x0  }
0xdf: {  	s13 =	simm.s32 $0x4F80;
	[sflag:s5] =	ssyncadd.s32 $0xFFFFE0C0  }
0xe0: {  	[spmem:s2] =	stream.indirect.scatter.add.f32 [tilespmem:s1], [sflag:$0x10], $0x40, s13, s17, $0xb8;
	[tilespmem:$0x1E640] =	vst v63  }
0xe1: {  	_ =	swait.ge [sflag:s28], $0x1F40  }
0xe2: {  	[sflag:s28] =	ssyncset.done $0x0  }
0xe3: {  	[sflag:s28] =	ssyncadd.s32 $0xFFFFE0C0  }
0xe4: {  	_ =	swait.ge [sflag:s6], $0x1F40  }
0xe5: {  	[sflag:s6] =	ssyncset.done $0x0  }
0xe6: {  	[sflag:s6] =	ssyncadd.s32 $0xFFFFE0C0  }
0xe7: {  	_ =	swait.ge [sflag:s8], $0x1F40  }
0xe8: {  	[sflag:s8] =	ssyncset.done $0x0  }
0xe9: {  	[sflag:s8] =	ssyncadd.s32 $0xFFFFE0C0  }
0xea: {  	_ =	swait.ge [sflag:s9], $0x1F40  }
0xeb: {  	[sflag:s9] =	ssyncset.done $0x0  }
0xec: {  	[sflag:s9] =	ssyncadd.s32 $0xFFFFE0C0  }
0xed: {  	_ =	swait.ge [sflag:s16], $0x1F40  }
0xee: {  	[sflag:s16] =	ssyncset.done $0x0  }
0xef: {  	[sflag:s16] =	ssyncadd.s32 $0xFFFFE0C0  }
0xf0: {  	_ =	swait.ge [sflag:s11], $0x1F40  }
0xf1: {  	[sflag:s11] =	ssyncset.done $0x0  }
0xf2: {  	[sflag:s11] =	ssyncadd.s32 $0xFFFFE0C0  }
0xf3: {  	_ =	swait.ge [sflag:s3], $0x1F40  }
0xf4: {  	[sflag:s3] =	ssyncset.done $0x0  }
0xf5: {  	[sflag:s3] =	ssyncadd.s32 $0xFFFFE0C0  }
0xf6: {  	_ =	swait.ge [sflag:s10], $0x1F40  }
0xf7: {  	[sflag:s10] =	ssyncset.done $0x0  }
0xf8: {  	[sflag:s10] =	ssyncadd.s32 $0xFFFFE0C0  }
0xf9: {  	[bflag:$0x0] =	sbarrier.arrive $0xFFFF  }
0xfa: {  	s12 =	rddreg [dreg:$0x9]  }
0xfb: {  	s14 =	simm.s32 @p0 $0x1FD1;
	s15 =	rddreg [dreg:$0xb];
	s13 =	sadd.s32 @p0 $0x12C00, s12  }
0xfc: {  	[hbm:s13], [sflag:s14] =	dma.local @p0 [spmem:s15], $0xC80  }
0xfd: {  	s13 =	simm.s32 @p0 $0x11  }
0xfe: {  	_ =	swait.ge @p0 [sflag:s13], $0xC80  }
0xff: {  	[sflag:s13] =	ssyncset.done @p0 $0x0;
	s14 =	rddreg [dreg:$0xc]  }
0x100: {  	[sflag:s13] =	ssyncadd.s32 @p0 $0xFFFFF380;
	s13 =	rddreg [dreg:$0x4]  }
0x101: {  	s13 =	sadd.s32 @!p0 s13, s12;
	s12 =	rddreg [dreg:$0xd]  }
0x102: {  	[hbm:s13], [sflag:s14] =	dma.local @!p0 [spmem:s12], $0x1400  }
0x103: {  	s13 =	simm.s32 @!p0 $0x11  }
0x104: {  	_ =	swait.ge @!p0 [sflag:s13], $0x1400  }
0x105: {  	s14 =	rddreg [dreg:$0xe]  }
0x106: {  	s15 =	sadd.s32 $0x1, s14;
	s14 =	rddreg [dreg:$0xa]  }
0x107: {  	p1 =	sne.s32 s15, s14  }
.Ltmp1:
0x108: {  	_ = 	snop;
	(pc) =	sbr.rel @p1 .LBB2_1-.Ltmp1, $3  }
0x109: {  	_ =	sdelay $0x1  }
0x10a: {  	[sflag:s13] =	ssyncset.done @!p0 $0x0  }
0x10b: {  	[sflag:s13] =	ssyncadd.s32 @!p0 $0xFFFFEC00;
	[dreg:$0xe] =	wrdreg s15  }
0x10c: {  	_ =	sfence.sel $0x180000  }
0x10d: {  	[bflag:$0x0] =	sbarrier.arrive $0xFFFF  }
0x10e: {  	_ =	strace $0x9000004A  }
0x10f: {  	s0 =	stileid.u32;
	[bflag:$0x2] =	sbarrier.arrive $0xFFFF  }
0x110: {  	p0 =	sne.s32 s0, $0x0;
	s0 =	rddreg [dreg:$0x3]  }
0x111: {  	s0 =	sadd.s32 @!p0 $0x100000, s0  }
0x112: {  	[sflag:s0] =	ssyncadd.tile.s32 @!p0 $0x1;
	_ =	shalt  }
.Lfunc_end2:
_tile_overlayer_lowered:
.L_overlay_start_2:
0x113: {  	(tag) =	ssettag $0x2  }
0x114: {  	s0 =	rddreg [dreg:$0x0];
	s2 =	stileid.u32  }
0x115: {  	s1 =	rddreg [dreg:$0x1];
	p0 =	sne.s32 s2, $0x0  }
0x116: {  	s3 =	rddreg [dreg:$0x2];
	[bflag:$0x3] =	sbarrier.arrive $0xFFFF;
	s2 =	simm.s32 @!p0 $0x1C11  }
0x117: {  	[timem:s3], [sflag:s2] =	dma.local @!p0 [hbm:s0], s1  }
0x118: {  	s0 =	simm.s32 @!p0 $0x11  }
0x119: {  	_ =	swait.ge @!p0 [sflag:s0], s1  }
0x11a: {  	s1 =	ssub.s32 @!p0 $0x0, s1;
	[sflag:s0] =	ssyncset.done @!p0 $0x0  }
0x11b: {  	[sflag:s0] =	ssyncadd.s32 @!p0 s1  }
0x11c: {  	[bflag:$0x3] =	sbarrier.arrive $0xFFFF  }
0x11d: {  	_ =	shalt  }

// kernel: kernel.13.cloned.1.call-start
scs
__scs_entry_jumppad:
0x0: {  	(pc) =	sbr.rel $0x88, $3  }
0x1: {  	(tag) =	ssettag $0x0;
	lr =	simm.s32 $0x1  }
0x2: {  	[smem:$0x3F8A] =	sst lr;
	_ =	strace $0xD0000000  }
0x3: {  	_ = 	snop  }
0x4: {  	_ = 	snop  }
0x5: {  	_ = 	snop  }
0x6: {  	_ = 	snop  }
0x7: {  	_ = 	snop  }
__scs_overlays_trampoline_lowered:
0x8: {  	[smem:$0x3F99] =	sst s0  }
0x9: {  	[smem:$0x3F9A] =	sst s1  }
0xa: {  	[smem:$0x3F9B] =	sst s2  }
0xb: {  	[smem:$0x3F9C] =	sst s3  }
0xc: {  	[smem:$0x3F9D] =	sst s4  }
0xd: {  	[smem:$0x3F9E] =	sst s5  }
0xe: {  	[smem:$0x3F9F] =	sst s6  }
0xf: {  	[smem:$0x3FA0] =	sst s7  }
0x10: {  	[smem:$0x3FA1] =	sst s8  }
0x11: {  	[smem:$0x3FA2] =	sst s9;
	s0 =	simm.s32 @!p0 $0x0  }
0x12: {  	s1 =	sld [smem:$0x3F88];
	s0 =	simm.s32 @p0 $0x1  }
0x13: {  	[smem:$0x3FA3] =	sst s0;
	s0 =	simm.s32 @!p1 $0x0  }
0x14: {  	s2 =	sld [smem:$0x3F87];
	s0 =	simm.s32 @p1 $0x1  }
0x15: {  	[smem:$0x3FA4] =	sst s0;
	s0 =	simm.s32 @!p2 $0x0  }
0x16: {  	s3 =	sld [smem:$0x3FDB];
	s0 =	simm.s32 @p2 $0x1  }
0x17: {  	s4 =	simm.s32 $0x1BF5;
	[smem:$0x3FA6] =	sst s0  }
0x18: {  	s0 =	sld [smem:$0x3F89];
	_ =	swait.ge [sflag:s4], $0x0  }
0x19: {  	s7 =	sld [smem:$0x3F8A]  }
0x1a: {  	s8 =	sadd.s32 $0xFFFFE003, lr  }
0x1b: {  	s9 =	sadd.s32 $0xFFFFFEF7, lr;
	s5 =	simm.s32 $0xFFFFFFFF;
	p2 =	slt.u32 s8, $0xFFFFF086  }
0x1c: {  	p1 =	slt.u32 s9, $0xF7A;
	s5 =	simm.s32 @!p2 $0x0  }
0x1d: {  	s5 =	simm.s32 @p1 $0x1;
	p0 =	seq.s32 s7, s2  }
0x1e: {  	s7 =	smul.u32 @!p0 $0xF7A, s2;
	p2 =	seq.s32 @!p0 s5, $0x0  }
0x1f: {  	s9 =	smul.u32 $0xF7A, s1;
	s8 =	simm.s32 @!p0 $0x1BF5;
	p2 =	por !p2, p0  }
0x20: {  	[sflag:s8] =	ssyncset.s32 @!p0 $0xFFFFF086;
	s6 =	sadd.s32 @!p0 s3, s7;
	s7 =	simm.s32 @!p0 $0x108  }
0x21: {  	s3 =	sadd.s32 s3, s9;
	s6 =	sadd.s32 @!p0 $0x88, s6;
	s7 =	simm.s32 @p2 $0x1082  }
0x22: {  	[simem:s7], [sflag:s8] =	dma.local @!p0 [hbm:s6], $0xF7A  }
0x23: {  	s9 =	sor.u32 $0xD0000000, s2;
	s6 =	simm.s32 $0x108;
	_ =	swait.ge @!p0 [sflag:s8], $0x0  }
0x24: {  	s3 =	sadd.s32 $0x88, s3;
	s6 =	simm.s32 @!p1 $0x1082;
	[sflag:s4] =	ssyncset.s32 $0xFFFFF086  }
0x25: {  	[simem:s6], [sflag:s4] =	dma.local [hbm:s3], $0xF7A  }
0x26: {  	[smem:$0x3F8A] =	sst s1;
	(tag) =	ssettag s2;
	_ =	strace s9  }
0x27: {  	s1 =	sld [smem:$0x3F9A]  }
0x28: {  	s2 =	sld [smem:$0x3F9B]  }
0x29: {  	s4 =	sld [smem:$0x3F9D]  }
0x2a: {  	p0 =	seq.s32 s5, $0x0;
	s5 =	sld [smem:$0x3F9E]  }
0x2b: {  	s6 =	sld [smem:$0x3F9F]  }
0x2c: {  	s7 =	sld [smem:$0x3FA0]  }
0x2d: {  	s3 =	simm.s32 $0x108;
	s8 =	sld [smem:$0x3FA1]  }
0x2e: {  	s3 =	simm.s32 @!p0 $0x1082;
	s9 =	sld [smem:$0x3FA2]  }
0x2f: {  	lr =	sadd.s32 s0, s3;
	s0 =	sld [smem:$0x3F99]  }
0x30: {  	s3 =	sld [smem:$0x3F9C]  }
0x31: {  	[smem:$0x3FA5] =	sst s10  }
0x32: {  	s10 =	sld [smem:$0x3FA3];
	_ =	sdelay $0x3  }
0x33: {  	p0 =	seq.s32 s10, $0x1;
	s10 =	sld [smem:$0x3FA5];
	_ =	sdelay $0x3  }
0x34: {  	[smem:$0x3FA5] =	sst s10  }
0x35: {  	s10 =	sld [smem:$0x3FA4];
	_ =	sdelay $0x3  }
0x36: {  	p1 =	seq.s32 s10, $0x1;
	s10 =	sld [smem:$0x3FA5];
	_ =	sdelay $0x3  }
0x37: {  	[smem:$0x3FA5] =	sst s10  }
0x38: {  	s10 =	sld [smem:$0x3FA6]  }
0x39: {  	_ = 	snop;
	(pc) =	sbr.ind lr, $3  }
0x3a: {  	_ = 	snop  }
0x3b: {  	_ = 	snop  }
0x3c: {  	p2 =	seq.s32 s10, $0x1;
	s10 =	sld [smem:$0x3FA5]  }
0x3d: {  	_ =	shalt  }
0x3e: {  	_ =	shalt  }
0x3f: {  	_ =	shalt  }
0x40: {  	_ =	shalt  }
0x41: {  	_ =	shalt  }
0x42: {  	_ =	shalt  }
0x43: {  	_ =	shalt  }
0x44: {  	_ =	shalt  }
0x45: {  	_ =	shalt  }
0x46: {  	_ =	shalt  }
0x47: {  	_ =	shalt  }
0x48: {  	_ =	shalt  }
0x49: {  	_ =	shalt  }
0x4a: {  	_ =	shalt  }
0x4b: {  	_ =	shalt  }
0x4c: {  	_ =	shalt  }
0x4d: {  	_ =	shalt  }
0x4e: {  	_ =	shalt  }
0x4f: {  	_ =	shalt  }
0x50: {  	_ =	shalt  }
0x51: {  	_ =	shalt  }
0x52: {  	_ =	shalt  }
0x53: {  	_ =	shalt  }
0x54: {  	_ =	shalt  }
0x55: {  	_ =	shalt  }
0x56: {  	_ =	shalt  }
0x57: {  	_ =	shalt  }
0x58: {  	_ =	shalt  }
0x59: {  	_ =	shalt  }
0x5a: {  	_ =	shalt  }
0x5b: {  	_ =	shalt  }
0x5c: {  	_ =	shalt  }
0x5d: {  	_ =	shalt  }
0x5e: {  	_ =	shalt  }
0x5f: {  	_ =	shalt  }
0x60: {  	_ =	shalt  }
0x61: {  	_ =	shalt  }
0x62: {  	_ =	shalt  }
0x63: {  	_ =	shalt  }
0x64: {  	_ =	shalt  }
0x65: {  	_ =	shalt  }
0x66: {  	_ =	shalt  }
0x67: {  	_ =	shalt  }
0x68: {  	_ =	shalt  }
0x69: {  	_ =	shalt  }
0x6a: {  	_ =	shalt  }
0x6b: {  	_ =	shalt  }
0x6c: {  	_ =	shalt  }
0x6d: {  	_ =	shalt  }
0x6e: {  	_ =	shalt  }
0x6f: {  	_ =	shalt  }
0x70: {  	_ =	shalt  }
0x71: {  	_ =	shalt  }
0x72: {  	_ =	shalt  }
0x73: {  	_ =	shalt  }
0x74: {  	_ =	shalt  }
0x75: {  	_ =	shalt  }
0x76: {  	_ =	shalt  }
0x77: {  	_ =	shalt  }
0x78: {  	_ =	shalt  }
0x79: {  	_ =	shalt  }
0x7a: {  	_ =	shalt  }
0x7b: {  	_ =	shalt  }
0x7c: {  	_ =	shalt  }
0x7d: {  	_ =	shalt  }
0x7e: {  	_ =	shalt  }
0x7f: {  	_ =	shalt  }
0x80: {  	_ =	shalt  }
0x81: {  	_ =	shalt  }
0x82: {  	_ =	shalt  }
0x83: {  	_ =	shalt  }
0x84: {  	_ =	shalt  }
0x85: {  	_ =	shalt  }
0x86: {  	_ =	shalt  }
0x87: {  	_ =	shalt  }
.Lfunc_end0:
.L_simem_size_0:
called_computation.1_lowered:
.L_overlay_start_0:
0x88: {  	s2 =	sld [smem:$0x3FD9]  }
0x89: {  	s3 =	sld [smem:$0x3FFE];
	_ =	sdelay $0x1  }
0x8a: {  	s1 =	srdreg.scid  }
0x8b: {  	s0 =	sand.u32 $0x1, s1  }
0x8c: {  	s16 =	sshll.u32 s0, $0xA;
	s2 =	sadd.s32 s3, s2  }
0x8d: {  	s2 =	sadd.s32 s2, s16  }
0x8e: {  	[smem:$0x3FB1] =	sst s2  }
0x8f: {  	_ = 	snop  }
0x90: {  	(tm) =	ssettm $0x1  }
0x91: {  	s17 =	sld [smem:$0x3FFB];
	_ =	sdelay $0x3  }
0x92: {  	_ =	strace s17  }
0x93: {  	s2 =	sld [smem:$0x3FFC];
	_ =	sdelay $0x3  }
0x94: {  	_ =	strace s2  }
0x95: {  	s2 =	sld [smem:$0x3FFD];
	_ =	sdelay $0x3  }
0x96: {  	_ =	strace s2  }
0x97: {  	_ =	strace $0x8FFFFFFF  }
0x98: {  	s18 =	sld [smem:$0x3FDB];
	_ =	sdelay $0x1  }
0x99: {  	s19 =	simm.s32 $_scs_section_size  }
0x9a: {  	s4 =	simm.s32 $_size__tile_overlayer_lowered;
	s5 =	simm.s32 $_tile_overlayer_lowered  }
0x9b: {  	s22 =	simm.s32 $0x1BFF;
	s21 =	sshll.u32 s5, $0x1;
	s2 =	sadd.s32 s19, s18  }
0x9c: {  	s6 =	simm.s32 $0x0;
	s20 =	sshll.u32 s4, $0x1;
	s4 =	sadd.s32 s21, s2  }
0x9d: {  	[timem:s6], [sflag:s22] =	dma.local [hbm:s4], s20  }
0x9e: {  	_ =	swait.ge [sflag:s22], s20  }
0x9f: {  	s3 =	ssub.s32 $0x0, s20;
	[sflag:s22] =	ssyncset.done $0x0  }
0xa0: {  	[sflag:s22] =	ssyncadd.s32 s3;
	_ =	sdelay $0x1  }
0xa1: {  	s23 =	simm.s32 $0x1B8B  }
0xa2: {  	_ =	swait.ge [sflag:s23], $0x1  }
0xa3: {  	[sflag:s23] =	ssyncset.done $0x0  }
0xa4: {  	s25 =	simm.s32 $0x1B8E;
	s24 =	sld [smem:$0x3FFE];
	[sflag:s23] =	ssyncadd.s32 $0xFFFFFFFF  }
0xa5: {  	s26 =	simm.s32 $execute0_lowered;
	[smem:$0x3FD2] =	sst s25  }
0xa6: {  	s4 =	sshll.u32 s26, $0x1;
	_ =	strace $0x80000046;
	[dreg:$0x1] =	wrdreg $0xFFFFFFFF  }
0xa7: {  	s28 =	simm.s32 $_size_execute0_lowered;
	s2 =	sadd.s32 s2, s4;
	[dreg:$0x0] =	wrdreg $0x0  }
0xa8: {  	s4 =	sshll.u32 s28, $0x1;
	[dreg:$0x2] =	wrdreg s2  }
0xa9: {  	[dreg:$0x3] =	wrdreg s4  }
0xaa: {  	[dreg:$0x4] =	wrdreg $0xC0  }
0xab: {  	_ =	task [dreg:s6], $0x5FFFF  }
0xac: {  	[dreg:$0x1] =	wrdreg $0xFFFFFFFF  }
0xad: {  	[dreg:$0x0] =	wrdreg $0x60  }
0xae: {  	[dreg:$0x2] =	wrdreg s24  }
0xaf: {  	[dreg:$0x3] =	wrdreg $0x66800  }
0xb0: {  	[dreg:$0x4] =	wrdreg $0xA  }
0xb1: {  	_ =	task.clear_ibuf [dreg:s6], $0x5FFFF;
	_ =	strace $0x90000046  }
0xb2: {  	s29 =	simm.s32 $0xA;
	_ =	strace $0x80000048  }
0xb3: {  	_ =	swait.ge [sflag:s29], $0x1  }
0xb4: {  	[sflag:s29] =	ssyncadd.s32 $0xFFFFFFFF  }
0xb5: {  	_ =	strace $0x90000048  }
0xb6: {  	_ =	sfence  }
0xb7: {  	s30 =	sld [smem:$0x0];
	_ =	sdelay $0x2  }
0xb8: {  	s31 =	sshll.u32 s1, $0xD;
	s1 =	sshrl.u32 s1, $0x2  }
0xb9: {  	s3 =	sand.u32 $0x4000, s31;
	s1 =	sadd.s32 s1, s30  }
0xba: {  	s0 =	sor.u32 s3, s0;
	s1 =	sshll.u32 s1, $0x11  }
0xbb: {  	s0 =	sor.u32 s1, s0  }
0xbc: {  	s0 =	sadd.s32 $0x8F2B, s0  }
0xbd: {  	[sflag:s0] =	ssyncadd.remote.s32 $0x1  }
0xbe: {  	_ =	sfence.sel $0xFFFF  }
0xbf: {  	[dreg:$0x0] =	wrdreg $0xFFFFFFFF;
	(pc) =	sbr.abs _section_cstart, $3  }
0xc0: {  	[dreg:$0x1] =	wrdreg $0xFFFFFFFF  }
0xc1: {  	_ =	task.clear_ibuf [dreg:s6], $0x2FFFF;
	_ =	strace $0x9FFFFFFF  }
0xc2: {  	(tm) =	ssettm $0x7FFFFFFF  }
0xc3: {  	_ =	shalt  }
tec
execute0_lowered:
.L_overlay_start_1:
0x0: {  	(tag) =	ssettag $0x1  }
0x1: {  	s0 =	srdreg.scid  }
0x2: {  	s13 =	stileid.u32;
	s1 =	rddreg [dreg:$0x0]  }
0x3: {  	s2 =	rddreg [dreg:$0x1];
	s6 =	smul.u32 $0x2800, s13  }
0x4: {  	s28 =	simm.s32 $0x56E0;
	s0 =	sand.u32 $0x1, s0;
	s12 =	smul.u32 $0x4E20, s13  }
0x5: {  	s3 =	sshll.u32 s13, $0x1;
	s9 =	sadd.s32 $0x4EF800, s1;
	s7 =	smul.u32 $0x4E20, s0  }
0x6: {  	s4 =	sor.u32 s0, s3;
	s10 =	ssub.s32 $0x2, s0;
	s0 =	smul.u32 $0x2710, s0  }
0x7: {  	s24 =	sadd.s32 $0x25800, s2;
	s3 =	simm.s32 $0x0;
	s5 =	smul.u32 $0x500, s4  }
0x8: {  	[smem:$0x7FF] =	sst s3;
	s8 =	sshrl.u32 s6, $0x3;
	s11 =	sshrl.u32 s10, $0x1  }
0x9: {  	s6 =	sadd.s32 s6, s2;
	_ =	strace $0x80000047;
	[dreg:$0xb] =	wrdreg s8  }
0xa: {  	s25 =	smul.u32 $0x27100, s4;
	s8 =	sadd.s32 s8, s1;
	[dreg:$0xc] =	wrdreg s6  }
0xb: {  	s7 =	sadd.s32 s7, s1;
	[dreg:$0xe] =	wrdreg s24;
	s23 =	sadd.s32 $0xD800, s8  }
0xc: {  	s5 =	sadd.s32 s5, s1;
	s1 =	sadd.s32 $0x12300, s1;
	[dreg:$0xd] =	wrdreg s23  }
0xd: {  	s26 =	smul.u32 $0x4E20, s4;
	s24 =	sadd.s32 $0x12800, s7;
	[dreg:$0xf] =	wrdreg s1  }
0xe: {  	s10 =	ssub.s32 s10, s11;
	s5 =	sadd.s32 $0x3800, s5;
	[dreg:$0x19] =	wrdreg s24  }
0xf: {  	s8 =	sshrl.u32 s25, $0x3;
	s1 =	sadd.s32 s9, s26;
	[dreg:$0x10] =	wrdreg s5  }
0x10: {  	s11 =	sadd.s32 s9, s8;
	s26 =	smax.u32 s10, $0x1;
	[dreg:$0x11] =	wrdreg s1  }
0x11: {  	s0 =	sadd.s32 s0, s12;
	s4 =	sadd.s32 $0xFA, s11;
	[dreg:$0x1a] =	wrdreg s26  }
0x12: {  	s0 =	sshll.u32 s0, $0x1;
	s12 =	sadd.s32 $0x1F4, s11;
	[dreg:$0x12] =	wrdreg s4  }
0x13: {  	s0 =	sadd.s32 s9, s0;
	s15 =	sadd.s32 $0x2EE, s11;
	[dreg:$0x13] =	wrdreg s12  }
0x14: {  	s29 =	simm.s32 $0x5EB0;
	s14 =	sadd.s32 $0xEA6, s0;
	[dreg:$0x14] =	wrdreg s15  }
0x15: {  	s30 =	simm.s32 $0x1;
	s17 =	sadd.s32 $0x3E8, s11;
	[dreg:$0x3] =	wrdreg s14  }
0x16: {  	s31 =	simm.s32 $0x7D;
	s16 =	sadd.s32 $0xDAC, s0;
	[dreg:$0x15] =	wrdreg s17  }
0x17: {  	p0 =	seq.s32 s13, $0xF;
	s19 =	sadd.s32 $0x4E2, s11;
	[dreg:$0x4] =	wrdreg s16  }
0x18: {  	s13 =	simm.s32 $0xD;
	s18 =	sadd.s32 $0xCB2, s0;
	[dreg:$0x16] =	wrdreg s19  }
0x19: {  	s6 =	simm.s32 $0x5;
	s21 =	sadd.s32 $0x5DC, s11;
	[dreg:$0x5] =	wrdreg s18  }
0x1a: {  	s7 =	simm.s32 $0x9;
	s20 =	sadd.s32 $0xBB8, s0;
	[dreg:$0x17] =	wrdreg s21  }
0x1b: {  	s24 =	simm.s32 $0x3F70;
	s1 =	sadd.s32 $0x6D6, s11;
	[dreg:$0x6] =	wrdreg s20  }
0x1c: {  	s8 =	simm.s32 $0xA;
	s22 =	sadd.s32 $0x7D0, s0;
	[dreg:$0x18] =	wrdreg s1  }
0x1d: {  	s9 =	simm.s32 $0x7;
	s23 =	sadd.s32 $0x8CA, s0;
	[dreg:$0x7] =	wrdreg s22  }
0x1e: {  	s10 =	simm.s32 $0xB;
	s25 =	sadd.s32 $0x9C4, s0;
	[dreg:$0x8] =	wrdreg s23  }
0x1f: {  	s0 =	sadd.s32 $0xABE, s0;
	s26 =	simm.s32 $0x4F10;
	[dreg:$0x9] =	wrdreg s25  }
0x20: {  	s5 =	simm.s32 $0x4;
	s11 =	simm.s32 $0x8;
	[dreg:$0xa] =	wrdreg s0  }
0x21: {  	s21 =	simm.s32 $0x2800;
	s22 =	simm.s32 $0x2FD0;
	s23 =	simm.s32 $0x37A0  }
0x22: {  	s25 =	simm.s32 $0x4740;
	s1 =	simm.s32 $0x2;
	s0 =	simm.s32 $0x3  }
0x23: {  	s4 =	simm.s32 $0x6;
	s12 =	simm.s32 $0xC;
	s14 =	simm.s32 $0xE  }
0x24: {  	s15 =	simm.s32 $0xF;
	s16 =	simm.s32 $0x10;
	s19 =	simm.s32 $0x0  }
.LBB2_1:
0x25: {  	[dreg:$0x1b] =	wrdreg s19  }
0x26: {  	s17 =	rddreg [dreg:$0xe]  }
0x27: {  	s19 =	sshrl.u32 @p0 s17, $0x3;
	s17 =	rddreg [dreg:$0xf]  }
0x28: {  	s18 =	simm.s32 @p0 $0x1FD1;
	[dreg:$0x1c] =	wrdreg s19  }
0x29: {  	[spmem:s19], [sflag:s18] =	dma.local @p0 [hbm:s17], $0x320  }
0x2a: {  	s18 =	simm.s32 @p0 $0x11  }
0x2b: {  	_ =	swait.ge @p0 [sflag:s18], $0x320  }
0x2c: {  	s17 =	stileid.u32;
	[sflag:s18] =	ssyncset.done @p0 $0x0  }
0x2d: {  	s19 =	sshll.u32 @!p0 s17, $0x6;
	s17 =	rddreg [dreg:$0xc];
	[sflag:s18] =	ssyncadd.s32 @p0 $0xFFFFFCE0  }
0x2e: {  	s18 =	sor.u32 @!p0 $0x1C11, s19;
	s19 =	sshrl.u32 @!p0 s17, $0x3;
	s17 =	rddreg [dreg:$0xd]  }
0x2f: {  	[dreg:$0x1d] =	wrdreg s18  }
0x30: {  	[dreg:$0x1e] =	wrdreg s19  }
0x31: {  	[spmem:s19], [sflag:s18] =	dma.local @!p0 [hbm:s17], $0x500  }
0x32: {  	s18 =	simm.s32 @!p0 $0x11  }
0x33: {  	_ =	swait.ge @!p0 [sflag:s18], $0x500  }
0x34: {  	[sflag:s18] =	ssyncset.done @!p0 $0x0  }
0x35: {  	s20 =	simm.s32 $0x11;
	s19 =	rddreg [dreg:$0x10];
	[sflag:s18] =	ssyncadd.s32 @!p0 $0xFFFFFB00  }
0x36: {  	[tilespmem:s3], [sflag:$0x11] =	stream.linear.gather [hbm4b:s19+s3], $0x2800, $0x38;
	[tilespmem:$0x8D90] =	vst v63  }
0x37: {  	_ =	swait.ge [sflag:s20], $0x2800  }
0x38: {  	[sflag:s20] =	ssyncset.done $0x0  }
0x39: {  	[sflag:s20] =	ssyncadd.s32 $0xFFFFD800  }
0x3a: {  	[bflag:$0x0] =	sbarrier.arrive $0xFFFF  }
0x3b: {  	s18 =	rddreg [dreg:$0x11]  }
0x3c: {  	[tilespmem:s21], [sflag:$0x1] =	stream.linear.gather [hbm4b:s18+s3], $0x7D0, $0x38;
	[tilespmem:$0x8D90] =	vst v63  }
0x3d: {  	s19 =	rddreg [dreg:$0x12]  }
0x3e: {  	[tilespmem:s22], [sflag:$0x2] =	stream.linear.gather [hbm4b:s19+s3], $0x7D0, $0x38;
	[tilespmem:$0x8D90] =	vst v63  }
0x3f: {  	s20 =	rddreg [dreg:$0x13]  }
0x40: {  	[tilespmem:s23], [sflag:$0x3] =	stream.linear.gather [hbm4b:s20+s3], $0x7D0, $0x38;
	[tilespmem:$0x8D90] =	vst v63  }
0x41: {  	s18 =	rddreg [dreg:$0x14]  }
0x42: {  	[tilespmem:s24], [sflag:$0x4] =	stream.linear.gather [hbm4b:s18+s3], $0x7D0, $0x38;
	[tilespmem:$0x8D90] =	vst v63  }
0x43: {  	s19 =	rddreg [dreg:$0x15]  }
0x44: {  	[tilespmem:s25], [sflag:$0x5] =	stream.linear.gather [hbm4b:s19+s3], $0x7D0, $0x38;
	[tilespmem:$0x8D90] =	vst v63  }
0x45: {  	s20 =	rddreg [dreg:$0x16]  }
0x46: {  	[tilespmem:s26], [sflag:$0x6] =	stream.linear.gather [hbm4b:s20+s3], $0x7D0, $0x38;
	[tilespmem:$0x8D90] =	vst v63  }
0x47: {  	s18 =	rddreg [dreg:$0x17]  }
0x48: {  	[tilespmem:s28], [sflag:$0x7] =	stream.linear.gather [hbm4b:s18+s3], $0x7D0, $0x38;
	[tilespmem:$0x8D90] =	vst v63  }
0x49: {  	s19 =	rddreg [dreg:$0x18]  }
0x4a: {  	[tilespmem:s29], [sflag:$0x8] =	stream.linear.gather [hbm4b:s19+s3], $0x7D0, $0x38;
	[tilespmem:$0x8D90] =	vst v63  }
0x4b: {  	_ =	swait.ge [sflag:s30], $0x7D0  }
0x4c: {  	[sflag:s30] =	ssyncset.done $0x0  }
0x4d: {  	[sflag:s30] =	ssyncadd.s32 $0xFFFFF830  }
0x4e: {  	[spmem:s2] =	stream.indirect.scatter.add.f32 [tilespmem:s21], [sflag:$0x9], $0x10, s3, s31, $0xb8;
	[tilespmem:$0x8D90] =	vst v63  }
0x4f: {  	_ =	swait.ge [sflag:s1], $0x7D0  }
0x50: {  	[sflag:s1] =	ssyncset.done $0x0  }
0x51: {  	s20 =	simm.s32 $0x80;
	[sflag:s1] =	ssyncadd.s32 $0xFFFFF830  }
0x52: {  	[spmem:s2] =	stream.indirect.scatter.add.f32 [tilespmem:s22], [sflag:$0xA], $0x10, s20, s31, $0xb8;
	[tilespmem:$0x8D90] =	vst v63  }
0x53: {  	_ =	swait.ge [sflag:s0], $0x7D0  }
0x54: {  	[sflag:s0] =	ssyncset.done $0x0  }
0x55: {  	s18 =	simm.s32 $0x100;
	[sflag:s0] =	ssyncadd.s32 $0xFFFFF830  }
0x56: {  	[spmem:s2] =	stream.indirect.scatter.add.f32 [tilespmem:s23], [sflag:$0xB], $0x10, s18, s31, $0xb8;
	[tilespmem:$0x8D90] =	vst v63  }
0x57: {  	_ =	swait.ge [sflag:s5], $0x7D0  }
0x58: {  	[sflag:s5] =	ssyncset.done $0x0  }
0x59: {  	s19 =	simm.s32 $0x180;
	[sflag:s5] =	ssyncadd.s32 $0xFFFFF830  }
0x5a: {  	[spmem:s2] =	stream.indirect.scatter.add.f32 [tilespmem:s24], [sflag:$0xC], $0x10, s19, s31, $0xb8;
	[tilespmem:$0x8D90] =	vst v63  }
0x5b: {  	_ =	swait.ge [sflag:s6], $0x7D0  }
0x5c: {  	[sflag:s6] =	ssyncset.done $0x0  }
0x5d: {  	s20 =	simm.s32 $0x200;
	[sflag:s6] =	ssyncadd.s32 $0xFFFFF830  }
0x5e: {  	[spmem:s2] =	stream.indirect.scatter.add.f32 [tilespmem:s25], [sflag:$0xD], $0x10, s20, s31, $0xb8;
	[tilespmem:$0x8D90] =	vst v63  }
0x5f: {  	_ =	swait.ge [sflag:s7], $0x7D0  }
0x60: {  	s17 =	rddreg [dreg:$0x7];
	[sflag:s7] =	ssyncset.done $0x0  }
0x61: {  	[sflag:s7] =	ssyncadd.s32 $0xFFFFF830;
	s18 =	sadd.s32 $0x0, s17  }
0x62: {  	[tilespmem:s21], [sflag:$0x1] =	stream.linear.gather [hbm4b:s18+s3], $0x7D0, $0x38;
	[tilespmem:$0x8D90] =	vst v63  }
0x63: {  	_ =	swait.ge [sflag:s4], $0x7D0  }
0x64: {  	[sflag:s4] =	ssyncset.done $0x0  }
0x65: {  	s19 =	simm.s32 $0x280;
	[sflag:s4] =	ssyncadd.s32 $0xFFFFF830  }
0x66: {  	[spmem:s2] =	stream.indirect.scatter.add.f32 [tilespmem:s26], [sflag:$0xE], $0x10, s19, s31, $0xb8;
	[tilespmem:$0x8D90] =	vst v63  }
0x67: {  	_ =	swait.ge [sflag:s8], $0x7D0  }
0x68: {  	s20 =	rddreg [dreg:$0x8];
	[sflag:s8] =	ssyncset.done $0x0  }
0x69: {  	[sflag:s8] =	ssyncadd.s32 $0xFFFFF830;
	s18 =	sadd.s32 $0x0, s20  }
0x6a: {  	[tilespmem:s22], [sflag:$0x2] =	stream.linear.gather [hbm4b:s18+s3], $0x7D0, $0x38;
	[tilespmem:$0x8D90] =	vst v63  }
0x6b: {  	_ =	swait.ge [sflag:s9], $0x7D0  }
0x6c: {  	[sflag:s9] =	ssyncset.done $0x0  }
0x6d: {  	s17 =	simm.s32 $0x300;
	[sflag:s9] =	ssyncadd.s32 $0xFFFFF830  }
0x6e: {  	[spmem:s2] =	stream.indirect.scatter.add.f32 [tilespmem:s28], [sflag:$0xF], $0x10, s17, s31, $0xb8;
	[tilespmem:$0x8D90] =	vst v63  }
0x6f: {  	_ =	swait.ge [sflag:s10], $0x7D0  }
0x70: {  	s19 =	rddreg [dreg:$0x9];
	[sflag:s10] =	ssyncset.done $0x0  }
0x71: {  	[sflag:s10] =	ssyncadd.s32 $0xFFFFF830;
	s18 =	sadd.s32 $0x0, s19  }
0x72: {  	[tilespmem:s23], [sflag:$0x3] =	stream.linear.gather [hbm4b:s18+s3], $0x7D0, $0x38;
	[tilespmem:$0x8D90] =	vst v63  }
0x73: {  	_ =	swait.ge [sflag:s11], $0x7D0  }
0x74: {  	[sflag:s11] =	ssyncset.done $0x0  }
0x75: {  	s20 =	simm.s32 $0x380;
	[sflag:s11] =	ssyncadd.s32 $0xFFFFF830  }
0x76: {  	[spmem:s2] =	stream.indirect.scatter.add.f32 [tilespmem:s29], [sflag:$0x10], $0x10, s20, s31, $0xb8;
	[tilespmem:$0x8D90] =	vst v63  }
0x77: {  	_ =	swait.ge [sflag:s12], $0x7D0  }
0x78: {  	s17 =	rddreg [dreg:$0xa];
	[sflag:s12] =	ssyncset.done $0x0  }
0x79: {  	[sflag:s12] =	ssyncadd.s32 $0xFFFFF830;
	s18 =	sadd.s32 $0x0, s17  }
0x7a: {  	[tilespmem:s24], [sflag:$0x4] =	stream.linear.gather [hbm4b:s18+s3], $0x7D0, $0x38;
	[tilespmem:$0x8D90] =	vst v63  }
0x7b: {  	_ =	swait.ge [sflag:s30], $0x7D0  }
0x7c: {  	[sflag:s30] =	ssyncset.done $0x0  }
0x7d: {  	s19 =	simm.s32 $0x400;
	[sflag:s30] =	ssyncadd.s32 $0xFFFFF830  }
0x7e: {  	[spmem:s2] =	stream.indirect.scatter.add.f32 [tilespmem:s21], [sflag:$0x9], $0x10, s19, s31, $0xb8;
	[tilespmem:$0x8D90] =	vst v63  }
0x7f: {  	_ =	swait.ge [sflag:s13], $0x7D0  }
0x80: {  	s20 =	rddreg [dreg:$0x6];
	[sflag:s13] =	ssyncset.done $0x0  }
0x81: {  	[sflag:s13] =	ssyncadd.s32 $0xFFFFF830;
	s18 =	sadd.s32 $0x0, s20  }
0x82: {  	[tilespmem:s25], [sflag:$0x5] =	stream.linear.gather [hbm4b:s18+s3], $0x7D0, $0x38;
	[tilespmem:$0x8D90] =	vst v63  }
0x83: {  	_ =	swait.ge [sflag:s1], $0x7D0  }
0x84: {  	[sflag:s1] =	ssyncset.done $0x0  }
0x85: {  	s17 =	simm.s32 $0x480;
	[sflag:s1] =	ssyncadd.s32 $0xFFFFF830  }
0x86: {  	[spmem:s2] =	stream.indirect.scatter.add.f32 [tilespmem:s22], [sflag:$0xA], $0x10, s17, s31, $0xb8;
	[tilespmem:$0x8D90] =	vst v63  }
0x87: {  	_ =	swait.ge [sflag:s14], $0x7D0  }
0x88: {  	s19 =	rddreg [dreg:$0x5];
	[sflag:s14] =	ssyncset.done $0x0  }
0x89: {  	[sflag:s14] =	ssyncadd.s32 $0xFFFFF830;
	s18 =	sadd.s32 $0x0, s19  }
0x8a: {  	[tilespmem:s26], [sflag:$0x6] =	stream.linear.gather [hbm4b:s18+s3], $0x7D0, $0x38;
	[tilespmem:$0x8D90] =	vst v63  }
0x8b: {  	_ =	swait.ge [sflag:s0], $0x7D0  }
0x8c: {  	[sflag:s0] =	ssyncset.done $0x0  }
0x8d: {  	s20 =	simm.s32 $0x500;
	[sflag:s0] =	ssyncadd.s32 $0xFFFFF830  }
0x8e: {  	[spmem:s2] =	stream.indirect.scatter.add.f32 [tilespmem:s23], [sflag:$0xB], $0x10, s20, s31, $0xb8;
	[tilespmem:$0x8D90] =	vst v63  }
0x8f: {  	_ =	swait.ge [sflag:s15], $0x7D0  }
0x90: {  	s17 =	rddreg [dreg:$0x4];
	[sflag:s15] =	ssyncset.done $0x0  }
0x91: {  	[sflag:s15] =	ssyncadd.s32 $0xFFFFF830;
	s18 =	sadd.s32 $0x0, s17  }
0x92: {  	[tilespmem:s28], [sflag:$0x7] =	stream.linear.gather [hbm4b:s18+s3], $0x7D0, $0x38;
	[tilespmem:$0x8D90] =	vst v63  }
0x93: {  	_ =	swait.ge [sflag:s5], $0x7D0  }
0x94: {  	[sflag:s5] =	ssyncset.done $0x0  }
0x95: {  	s19 =	simm.s32 $0x580;
	[sflag:s5] =	ssyncadd.s32 $0xFFFFF830  }
0x96: {  	[spmem:s2] =	stream.indirect.scatter.add.f32 [tilespmem:s24], [sflag:$0xC], $0x10, s19, s31, $0xb8;
	[tilespmem:$0x8D90] =	vst v63  }
0x97: {  	_ =	swait.ge [sflag:s16], $0x7D0  }
0x98: {  	s19 =	simm.s32 $0x7D0;
	s20 =	rddreg [dreg:$0x3];
	[sflag:s16] =	ssyncset.done $0x0  }
0x99: {  	[sflag:s16] =	ssyncadd.s32 $0xFFFFF830;
	s18 =	sadd.s32 $0x0, s20;
	s20 =	simm.s32 $0x700  }
.LBB2_2:
0x9a: {  	[tilespmem:s29], [sflag:$0x8] =	stream.linear.gather [hbm4b:s18+s3], $0x7D0, $0x38;
	[tilespmem:$0x8D90] =	vst v63  }
0x9b: {  	_ =	swait.ge [sflag:s6], $0x7D0  }
0x9c: {  	[sflag:s6] =	ssyncset.done $0x0  }
0x9d: {  	s17 =	sadd.s32 $0xFFFFFF00, s20;
	[sflag:s6] =	ssyncadd.s32 $0xFFFFF830  }
0x9e: {  	[spmem:s2] =	stream.indirect.scatter.add.f32 [tilespmem:s25], [sflag:$0xD], $0x10, s17, s31, $0xb8;
	[tilespmem:$0x8D90] =	vst v63  }
0x9f: {  	_ =	swait.ge [sflag:s7], $0x7D0  }
0xa0: {  	s18 =	smov.u32 s19;
	s17 =	rddreg [dreg:$0x7];
	[sflag:s7] =	ssyncset.done $0x0  }
0xa1: {  	[sflag:s7] =	ssyncadd.s32 $0xFFFFF830;
	s17 =	sadd.s32 s18, s17  }
0xa2: {  	[tilespmem:s21], [sflag:$0x1] =	stream.linear.gather [hbm4b:s17+s3], $0x7D0, $0x38;
	[tilespmem:$0x8D90] =	vst v63  }
0xa3: {  	_ =	swait.ge [sflag:s4], $0x7D0  }
0xa4: {  	[sflag:s4] =	ssyncset.done $0x0  }
0xa5: {  	s17 =	sadd.s32 $0xFFFFFF80, s20;
	[sflag:s4] =	ssyncadd.s32 $0xFFFFF830  }
0xa6: {  	[spmem:s2] =	stream.indirect.scatter.add.f32 [tilespmem:s26], [sflag:$0xE], $0x10, s17, s31, $0xb8;
	[tilespmem:$0x8D90] =	vst v63  }
0xa7: {  	_ =	swait.ge [sflag:s8], $0x7D0  }
0xa8: {  	s17 =	rddreg [dreg:$0x8];
	[sflag:s8] =	ssyncset.done $0x0  }
0xa9: {  	[sflag:s8] =	ssyncadd.s32 $0xFFFFF830;
	s17 =	sadd.s32 s18, s17  }
0xaa: {  	[tilespmem:s22], [sflag:$0x2] =	stream.linear.gather [hbm4b:s17+s3], $0x7D0, $0x38;
	[tilespmem:$0x8D90] =	vst v63  }
0xab: {  	_ =	swait.ge [sflag:s9], $0x7D0  }
0xac: {  	[sflag:s9] =	ssyncset.done $0x0  }
0xad: {  	[sflag:s9] =	ssyncadd.s32 $0xFFFFF830  }
0xae: {  	[spmem:s2] =	stream.indirect.scatter.add.f32 [tilespmem:s28], [sflag:$0xF], $0x10, s20, s31, $0xb8;
	[tilespmem:$0x8D90] =	vst v63  }
0xaf: {  	_ =	swait.ge [sflag:s10], $0x7D0  }
0xb0: {  	s17 =	rddreg [dreg:$0x9];
	[sflag:s10] =	ssyncset.done $0x0  }
0xb1: {  	[sflag:s10] =	ssyncadd.s32 $0xFFFFF830;
	s17 =	sadd.s32 s18, s17  }
0xb2: {  	[tilespmem:s23], [sflag:$0x3] =	stream.linear.gather [hbm4b:s17+s3], $0x7D0, $0x38;
	[tilespmem:$0x8D90] =	vst v63  }
0xb3: {  	_ =	swait.ge [sflag:s11], $0x7D0  }
0xb4: {  	[sflag:s11] =	ssyncset.done $0x0  }
0xb5: {  	s17 =	sadd.s32 $0x80, s20;
	[sflag:s11] =	ssyncadd.s32 $0xFFFFF830  }
0xb6: {  	[spmem:s2] =	stream.indirect.scatter.add.f32 [tilespmem:s29], [sflag:$0x10], $0x10, s17, s31, $0xb8;
	[tilespmem:$0x8D90] =	vst v63  }
0xb7: {  	_ =	swait.ge [sflag:s12], $0x7D0  }
0xb8: {  	s17 =	rddreg [dreg:$0xa];
	[sflag:s12] =	ssyncset.done $0x0  }
0xb9: {  	[sflag:s12] =	ssyncadd.s32 $0xFFFFF830;
	s17 =	sadd.s32 s18, s17  }
0xba: {  	[tilespmem:s24], [sflag:$0x4] =	stream.linear.gather [hbm4b:s17+s3], $0x7D0, $0x38;
	[tilespmem:$0x8D90] =	vst v63  }
0xbb: {  	_ =	swait.ge [sflag:s30], $0x7D0  }
0xbc: {  	[sflag:s30] =	ssyncset.done $0x0  }
0xbd: {  	s17 =	sadd.s32 $0x100, s20;
	[sflag:s30] =	ssyncadd.s32 $0xFFFFF830  }
0xbe: {  	[spmem:s2] =	stream.indirect.scatter.add.f32 [tilespmem:s21], [sflag:$0x9], $0x10, s17, s31, $0xb8;
	[tilespmem:$0x8D90] =	vst v63  }
0xbf: {  	_ =	swait.ge [sflag:s13], $0x7D0  }
0xc0: {  	s17 =	rddreg [dreg:$0x6];
	[sflag:s13] =	ssyncset.done $0x0  }
0xc1: {  	[sflag:s13] =	ssyncadd.s32 $0xFFFFF830;
	s17 =	sadd.s32 s18, s17  }
0xc2: {  	[tilespmem:s25], [sflag:$0x5] =	stream.linear.gather [hbm4b:s17+s3], $0x7D0, $0x38;
	[tilespmem:$0x8D90] =	vst v63  }
0xc3: {  	_ =	swait.ge [sflag:s1], $0x7D0  }
0xc4: {  	[sflag:s1] =	ssyncset.done $0x0  }
0xc5: {  	s17 =	sadd.s32 $0x180, s20;
	[sflag:s1] =	ssyncadd.s32 $0xFFFFF830  }
0xc6: {  	[spmem:s2] =	stream.indirect.scatter.add.f32 [tilespmem:s22], [sflag:$0xA], $0x10, s17, s31, $0xb8;
	[tilespmem:$0x8D90] =	vst v63  }
0xc7: {  	_ =	swait.ge [sflag:s14], $0x7D0  }
0xc8: {  	s17 =	rddreg [dreg:$0x5];
	[sflag:s14] =	ssyncset.done $0x0  }
0xc9: {  	[sflag:s14] =	ssyncadd.s32 $0xFFFFF830;
	s17 =	sadd.s32 s18, s17  }
0xca: {  	[tilespmem:s26], [sflag:$0x6] =	stream.linear.gather [hbm4b:s17+s3], $0x7D0, $0x38;
	[tilespmem:$0x8D90] =	vst v63  }
0xcb: {  	_ =	swait.ge [sflag:s0], $0x7D0  }
0xcc: {  	[sflag:s0] =	ssyncset.done $0x0  }
0xcd: {  	s17 =	sadd.s32 $0x200, s20;
	[sflag:s0] =	ssyncadd.s32 $0xFFFFF830  }
0xce: {  	[spmem:s2] =	stream.indirect.scatter.add.f32 [tilespmem:s23], [sflag:$0xB], $0x10, s17, s31, $0xb8;
	[tilespmem:$0x8D90] =	vst v63  }
0xcf: {  	_ =	swait.ge [sflag:s15], $0x7D0  }
0xd0: {  	s17 =	rddreg [dreg:$0x4];
	[sflag:s15] =	ssyncset.done $0x0  }
0xd1: {  	[sflag:s15] =	ssyncadd.s32 $0xFFFFF830;
	s17 =	sadd.s32 s18, s17  }
0xd2: {  	[tilespmem:s28], [sflag:$0x7] =	stream.linear.gather [hbm4b:s17+s3], $0x7D0, $0x38;
	[tilespmem:$0x8D90] =	vst v63  }
0xd3: {  	_ =	swait.ge [sflag:s5], $0x7D0  }
0xd4: {  	p1 =	sne.s32 s19, $0x3E80;
	[sflag:s5] =	ssyncset.done $0x0  }
.Ltmp0:
0xd5: {  	s17 =	sadd.s32 $0x280, s20;
	[sflag:s5] =	ssyncadd.s32 $0xFFFFF830;
	(pc) =	sbr.rel @p1 .LBB2_2-.Ltmp0, $4  }
0xd6: {  	[spmem:s2] =	stream.indirect.scatter.add.f32 [tilespmem:s24], [sflag:$0xC], $0x10, s17, s31, $0xb8;
	[tilespmem:$0x8D90] =	vst v63  }
0xd7: {  	_ =	swait.ge [sflag:s16], $0x7D0  }
0xd8: {  	s19 =	sadd.s32 $0x7D0, s19;
	[sflag:s16] =	ssyncset.done $0x0;
	s17 =	rddreg [dreg:$0x3]  }
0xd9: {  	s20 =	sadd.s32 $0x400, s20;
	[sflag:s16] =	ssyncadd.s32 $0xFFFFF830;
	s18 =	sadd.s32 s18, s17  }
0xda: {  	[tilespmem:s29], [sflag:$0x8] =	stream.linear.gather [hbm4b:s18+s3], $0x7D0, $0x38;
	[tilespmem:$0x8D90] =	vst v63  }
0xdb: {  	_ =	swait.ge [sflag:s6], $0x7D0  }
0xdc: {  	[sflag:s6] =	ssyncset.done $0x0  }
0xdd: {  	s17 =	simm.s32 $0x2600;
	[sflag:s6] =	ssyncadd.s32 $0xFFFFF830  }
0xde: {  	[spmem:s2] =	stream.indirect.scatter.add.f32 [tilespmem:s25], [sflag:$0xD], $0x10, s17, s31, $0xb8;
	[tilespmem:$0x8D90] =	vst v63  }
0xdf: {  	_ =	swait.ge [sflag:s4], $0x7D0  }
0xe0: {  	[sflag:s4] =	ssyncset.done $0x0  }
0xe1: {  	s18 =	simm.s32 $0x2680;
	[sflag:s4] =	ssyncadd.s32 $0xFFFFF830  }
0xe2: {  	[spmem:s2] =	stream.indirect.scatter.add.f32 [tilespmem:s26], [sflag:$0xE], $0x10, s18, s31, $0xb8;
	[tilespmem:$0x8D90] =	vst v63  }
0xe3: {  	_ =	swait.ge [sflag:s9], $0x7D0  }
0xe4: {  	[sflag:s9] =	ssyncset.done $0x0  }
0xe5: {  	s19 =	simm.s32 $0x2700;
	[sflag:s9] =	ssyncadd.s32 $0xFFFFF830  }
0xe6: {  	[spmem:s2] =	stream.indirect.scatter.add.f32 [tilespmem:s28], [sflag:$0xF], $0x10, s19, s31, $0xb8;
	[tilespmem:$0x8D90] =	vst v63  }
0xe7: {  	_ =	swait.ge [sflag:s11], $0x7D0  }
0xe8: {  	[sflag:s11] =	ssyncset.done $0x0  }
0xe9: {  	s20 =	simm.s32 $0x2780;
	[sflag:s11] =	ssyncadd.s32 $0xFFFFF830  }
0xea: {  	[spmem:s2] =	stream.indirect.scatter.add.f32 [tilespmem:s29], [sflag:$0x10], $0x10, s20, s31, $0xb8;
	[tilespmem:$0x8D90] =	vst v63  }
0xeb: {  	_ =	swait.ge [sflag:s7], $0x7D0  }
0xec: {  	[sflag:s7] =	ssyncset.done $0x0  }
0xed: {  	[sflag:s7] =	ssyncadd.s32 $0xFFFFF830  }
0xee: {  	_ =	swait.ge [sflag:s8], $0x7D0  }
0xef: {  	[sflag:s8] =	ssyncset.done $0x0  }
0xf0: {  	[sflag:s8] =	ssyncadd.s32 $0xFFFFF830  }
0xf1: {  	_ =	swait.ge [sflag:s10], $0x7D0  }
0xf2: {  	[sflag:s10] =	ssyncset.done $0x0  }
0xf3: {  	[sflag:s10] =	ssyncadd.s32 $0xFFFFF830  }
0xf4: {  	_ =	swait.ge [sflag:s12], $0x7D0  }
0xf5: {  	[sflag:s12] =	ssyncset.done $0x0  }
0xf6: {  	[sflag:s12] =	ssyncadd.s32 $0xFFFFF830  }
0xf7: {  	_ =	swait.ge [sflag:s13], $0x7D0  }
0xf8: {  	[sflag:s13] =	ssyncset.done $0x0  }
0xf9: {  	[sflag:s13] =	ssyncadd.s32 $0xFFFFF830  }
0xfa: {  	_ =	swait.ge [sflag:s14], $0x7D0  }
0xfb: {  	[sflag:s14] =	ssyncset.done $0x0  }
0xfc: {  	[sflag:s14] =	ssyncadd.s32 $0xFFFFF830  }
0xfd: {  	_ =	swait.ge [sflag:s15], $0x7D0  }
0xfe: {  	[sflag:s15] =	ssyncset.done $0x0  }
0xff: {  	[sflag:s15] =	ssyncadd.s32 $0xFFFFF830  }
0x100: {  	_ =	swait.ge [sflag:s16], $0x7D0  }
0x101: {  	[sflag:s16] =	ssyncset.done $0x0  }
0x102: {  	[sflag:s16] =	ssyncadd.s32 $0xFFFFF830  }
0x103: {  	[bflag:$0x0] =	sbarrier.arrive $0xFFFF  }
0x104: {  	s19 =	rddreg [dreg:$0x19]  }
0x105: {  	s18 =	simm.s32 @p0 $0x1FD1;
	s20 =	rddreg [dreg:$0x1c];
	s17 =	sadd.s32 @p0 $0x4B00, s19  }
0x106: {  	[hbm:s17], [sflag:s18] =	dma.local @p0 [spmem:s20], $0x320  }
0x107: {  	s17 =	simm.s32 @p0 $0x11  }
0x108: {  	_ =	swait.ge @p0 [sflag:s17], $0x320  }
0x109: {  	[sflag:s17] =	ssyncset.done @p0 $0x0;
	s18 =	rddreg [dreg:$0x1d]  }
0x10a: {  	[sflag:s17] =	ssyncadd.s32 @p0 $0xFFFFFCE0;
	s17 =	rddreg [dreg:$0xb]  }
0x10b: {  	s17 =	sadd.s32 @!p0 s17, s19;
	s19 =	rddreg [dreg:$0x1e]  }
0x10c: {  	[hbm:s17], [sflag:s18] =	dma.local @!p0 [spmem:s19], $0x500  }
0x10d: {  	s17 =	simm.s32 @!p0 $0x11  }
0x10e: {  	_ =	swait.ge @!p0 [sflag:s17], $0x500  }
0x10f: {  	s18 =	rddreg [dreg:$0x1b]  }
0x110: {  	s20 =	rddreg [dreg:$0x1a];
	s19 =	sadd.s32 $0x1, s18  }
0x111: {  	p1 =	sne.s32 s19, s20  }
.Ltmp1:
0x112: {  	_ = 	snop;
	(pc) =	sbr.rel @p1 .LBB2_1-.Ltmp1, $3  }
0x113: {  	_ =	sdelay $0x1  }
0x114: {  	[sflag:s17] =	ssyncset.done @!p0 $0x0  }
0x115: {  	[sflag:s17] =	ssyncadd.s32 @!p0 $0xFFFFFB00  }
0x116: {  	_ =	sfence.sel $0x180000  }
0x117: {  	[bflag:$0x0] =	sbarrier.arrive $0xFFFF  }
0x118: {  	_ =	strace $0x90000047  }
0x119: {  	s0 =	stileid.u32;
	[bflag:$0x2] =	sbarrier.arrive $0xFFFF  }
0x11a: {  	p0 =	sne.s32 s0, $0x0;
	s0 =	rddreg [dreg:$0x2]  }
0x11b: {  	s0 =	sadd.s32 @!p0 $0x100000, s0  }
0x11c: {  	[sflag:s0] =	ssyncadd.tile.s32 @!p0 $0x1;
	_ =	shalt  }
.Lfunc_end2:
_tile_overlayer_lowered:
.L_overlay_start_2:
0x11d: {  	(tag) =	ssettag $0x2  }
0x11e: {  	s0 =	rddreg [dreg:$0x0];
	s2 =	stileid.u32  }
0x11f: {  	s1 =	rddreg [dreg:$0x1];
	p0 =	sne.s32 s2, $0x0  }
0x120: {  	s3 =	rddreg [dreg:$0x2];
	[bflag:$0x3] =	sbarrier.arrive $0xFFFF;
	s2 =	simm.s32 @!p0 $0x1C11  }
0x121: {  	[timem:s3], [sflag:s2] =	dma.local @!p0 [hbm:s0], s1  }
0x122: {  	s0 =	simm.s32 @!p0 $0x11  }
0x123: {  	_ =	swait.ge @!p0 [sflag:s0], s1  }
0x124: {  	s1 =	ssub.s32 @!p0 $0x0, s1;
	[sflag:s0] =	ssyncset.done @!p0 $0x0  }
0x125: {  	[sflag:s0] =	ssyncadd.s32 @!p0 s1  }
0x126: {  	[bflag:$0x3] =	sbarrier.arrive $0xFFFF  }
0x127: {  	_ =	shalt  }

// kernel: kernel.16.cloned.1.call-start
scs
__scs_entry_jumppad:
0x0: {  	(pc) =	sbr.rel $0x88, $3  }
0x1: {  	(tag) =	ssettag $0x0;
	lr =	simm.s32 $0x1  }
0x2: {  	[smem:$0x3F8A] =	sst lr;
	_ =	strace $0xD0000000  }
0x3: {  	_ = 	snop  }
0x4: {  	_ = 	snop  }
0x5: {  	_ = 	snop  }
0x6: {  	_ = 	snop  }
0x7: {  	_ = 	snop  }
__scs_overlays_trampoline_lowered:
0x8: {  	[smem:$0x3F99] =	sst s0  }
0x9: {  	[smem:$0x3F9A] =	sst s1  }
0xa: {  	[smem:$0x3F9B] =	sst s2  }
0xb: {  	[smem:$0x3F9C] =	sst s3  }
0xc: {  	[smem:$0x3F9D] =	sst s4  }
0xd: {  	[smem:$0x3F9E] =	sst s5  }
0xe: {  	[smem:$0x3F9F] =	sst s6  }
0xf: {  	[smem:$0x3FA0] =	sst s7  }
0x10: {  	[smem:$0x3FA1] =	sst s8  }
0x11: {  	[smem:$0x3FA2] =	sst s9;
	s0 =	simm.s32 @!p0 $0x0  }
0x12: {  	s1 =	sld [smem:$0x3F88];
	s0 =	simm.s32 @p0 $0x1  }
0x13: {  	[smem:$0x3FA3] =	sst s0;
	s0 =	simm.s32 @!p1 $0x0  }
0x14: {  	s2 =	sld [smem:$0x3F87];
	s0 =	simm.s32 @p1 $0x1  }
0x15: {  	[smem:$0x3FA4] =	sst s0;
	s0 =	simm.s32 @!p2 $0x0  }
0x16: {  	s3 =	sld [smem:$0x3FDB];
	s0 =	simm.s32 @p2 $0x1  }
0x17: {  	s4 =	simm.s32 $0x1BF5;
	[smem:$0x3FA6] =	sst s0  }
0x18: {  	s0 =	sld [smem:$0x3F89];
	_ =	swait.ge [sflag:s4], $0x0  }
0x19: {  	s7 =	sld [smem:$0x3F8A]  }
0x1a: {  	s8 =	sadd.s32 $0xFFFFE003, lr  }
0x1b: {  	s9 =	sadd.s32 $0xFFFFFEF7, lr;
	s5 =	simm.s32 $0xFFFFFFFF;
	p2 =	slt.u32 s8, $0xFFFFF086  }
0x1c: {  	p1 =	slt.u32 s9, $0xF7A;
	s5 =	simm.s32 @!p2 $0x0  }
0x1d: {  	s5 =	simm.s32 @p1 $0x1;
	p0 =	seq.s32 s7, s2  }
0x1e: {  	s7 =	smul.u32 @!p0 $0xF7A, s2;
	p2 =	seq.s32 @!p0 s5, $0x0  }
0x1f: {  	s9 =	smul.u32 $0xF7A, s1;
	s8 =	simm.s32 @!p0 $0x1BF5;
	p2 =	por !p2, p0  }
0x20: {  	[sflag:s8] =	ssyncset.s32 @!p0 $0xFFFFF086;
	s6 =	sadd.s32 @!p0 s3, s7;
	s7 =	simm.s32 @!p0 $0x108  }
0x21: {  	s3 =	sadd.s32 s3, s9;
	s6 =	sadd.s32 @!p0 $0x88, s6;
	s7 =	simm.s32 @p2 $0x1082  }
0x22: {  	[simem:s7], [sflag:s8] =	dma.local @!p0 [hbm:s6], $0xF7A  }
0x23: {  	s9 =	sor.u32 $0xD0000000, s2;
	s6 =	simm.s32 $0x108;
	_ =	swait.ge @!p0 [sflag:s8], $0x0  }
0x24: {  	s3 =	sadd.s32 $0x88, s3;
	s6 =	simm.s32 @!p1 $0x1082;
	[sflag:s4] =	ssyncset.s32 $0xFFFFF086  }
0x25: {  	[simem:s6], [sflag:s4] =	dma.local [hbm:s3], $0xF7A  }
0x26: {  	[smem:$0x3F8A] =	sst s1;
	(tag) =	ssettag s2;
	_ =	strace s9  }
0x27: {  	s1 =	sld [smem:$0x3F9A]  }
0x28: {  	s2 =	sld [smem:$0x3F9B]  }
0x29: {  	s4 =	sld [smem:$0x3F9D]  }
0x2a: {  	p0 =	seq.s32 s5, $0x0;
	s5 =	sld [smem:$0x3F9E]  }
0x2b: {  	s6 =	sld [smem:$0x3F9F]  }
0x2c: {  	s7 =	sld [smem:$0x3FA0]  }
0x2d: {  	s3 =	simm.s32 $0x108;
	s8 =	sld [smem:$0x3FA1]  }
0x2e: {  	s3 =	simm.s32 @!p0 $0x1082;
	s9 =	sld [smem:$0x3FA2]  }
0x2f: {  	lr =	sadd.s32 s0, s3;
	s0 =	sld [smem:$0x3F99]  }
0x30: {  	s3 =	sld [smem:$0x3F9C]  }
0x31: {  	[smem:$0x3FA5] =	sst s10  }
0x32: {  	s10 =	sld [smem:$0x3FA3];
	_ =	sdelay $0x3  }
0x33: {  	p0 =	seq.s32 s10, $0x1;
	s10 =	sld [smem:$0x3FA5];
	_ =	sdelay $0x3  }
0x34: {  	[smem:$0x3FA5] =	sst s10  }
0x35: {  	s10 =	sld [smem:$0x3FA4];
	_ =	sdelay $0x3  }
0x36: {  	p1 =	seq.s32 s10, $0x1;
	s10 =	sld [smem:$0x3FA5];
	_ =	sdelay $0x3  }
0x37: {  	[smem:$0x3FA5] =	sst s10  }
0x38: {  	s10 =	sld [smem:$0x3FA6]  }
0x39: {  	_ = 	snop;
	(pc) =	sbr.ind lr, $3  }
0x3a: {  	_ = 	snop  }
0x3b: {  	_ = 	snop  }
0x3c: {  	p2 =	seq.s32 s10, $0x1;
	s10 =	sld [smem:$0x3FA5]  }
0x3d: {  	_ =	shalt  }
0x3e: {  	_ =	shalt  }
0x3f: {  	_ =	shalt  }
0x40: {  	_ =	shalt  }
0x41: {  	_ =	shalt  }
0x42: {  	_ =	shalt  }
0x43: {  	_ =	shalt  }
0x44: {  	_ =	shalt  }
0x45: {  	_ =	shalt  }
0x46: {  	_ =	shalt  }
0x47: {  	_ =	shalt  }
0x48: {  	_ =	shalt  }
0x49: {  	_ =	shalt  }
0x4a: {  	_ =	shalt  }
0x4b: {  	_ =	shalt  }
0x4c: {  	_ =	shalt  }
0x4d: {  	_ =	shalt  }
0x4e: {  	_ =	shalt  }
0x4f: {  	_ =	shalt  }
0x50: {  	_ =	shalt  }
0x51: {  	_ =	shalt  }
0x52: {  	_ =	shalt  }
0x53: {  	_ =	shalt  }
0x54: {  	_ =	shalt  }
0x55: {  	_ =	shalt  }
0x56: {  	_ =	shalt  }
0x57: {  	_ =	shalt  }
0x58: {  	_ =	shalt  }
0x59: {  	_ =	shalt  }
0x5a: {  	_ =	shalt  }
0x5b: {  	_ =	shalt  }
0x5c: {  	_ =	shalt  }
0x5d: {  	_ =	shalt  }
0x5e: {  	_ =	shalt  }
0x5f: {  	_ =	shalt  }
0x60: {  	_ =	shalt  }
0x61: {  	_ =	shalt  }
0x62: {  	_ =	shalt  }
0x63: {  	_ =	shalt  }
0x64: {  	_ =	shalt  }
0x65: {  	_ =	shalt  }
0x66: {  	_ =	shalt  }
0x67: {  	_ =	shalt  }
0x68: {  	_ =	shalt  }
0x69: {  	_ =	shalt  }
0x6a: {  	_ =	shalt  }
0x6b: {  	_ =	shalt  }
0x6c: {  	_ =	shalt  }
0x6d: {  	_ =	shalt  }
0x6e: {  	_ =	shalt  }
0x6f: {  	_ =	shalt  }
0x70: {  	_ =	shalt  }
0x71: {  	_ =	shalt  }
0x72: {  	_ =	shalt  }
0x73: {  	_ =	shalt  }
0x74: {  	_ =	shalt  }
0x75: {  	_ =	shalt  }
0x76: {  	_ =	shalt  }
0x77: {  	_ =	shalt  }
0x78: {  	_ =	shalt  }
0x79: {  	_ =	shalt  }
0x7a: {  	_ =	shalt  }
0x7b: {  	_ =	shalt  }
0x7c: {  	_ =	shalt  }
0x7d: {  	_ =	shalt  }
0x7e: {  	_ =	shalt  }
0x7f: {  	_ =	shalt  }
0x80: {  	_ =	shalt  }
0x81: {  	_ =	shalt  }
0x82: {  	_ =	shalt  }
0x83: {  	_ =	shalt  }
0x84: {  	_ =	shalt  }
0x85: {  	_ =	shalt  }
0x86: {  	_ =	shalt  }
0x87: {  	_ =	shalt  }
.Lfunc_end0:
.L_simem_size_0:
called_computation.2_lowered:
.L_overlay_start_0:
0x88: {  	s2 =	sld [smem:$0x3FD9]  }
0x89: {  	s3 =	sld [smem:$0x3FFE];
	_ =	sdelay $0x1  }
0x8a: {  	s1 =	srdreg.scid  }
0x8b: {  	s0 =	sand.u32 $0x1, s1  }
0x8c: {  	s14 =	sshll.u32 s0, $0xA;
	s2 =	sadd.s32 s3, s2  }
0x8d: {  	s2 =	sadd.s32 s2, s14  }
0x8e: {  	[smem:$0x3FB1] =	sst s2  }
0x8f: {  	_ = 	snop  }
0x90: {  	s2 =	sld [smem:$0x3FD0];
	_ =	sdelay $0x2  }
0x91: {  	s15 =	simm.s32 $0xB;
	s4 =	simm.s32 $0x10  }
0x92: {  	[smem:s4], [sflag:s15] =	dma.local [hbm:s2], $0x1  }
0x93: {  	_ =	swait.eq [sflag:s15], $0x1  }
0x94: {  	[sflag:s15] =	ssyncset.done $0x0  }
0x95: {  	[sflag:s15] =	ssyncadd.s32 $0xFFFFFFFF  }
0x96: {  	s16 =	sld [smem:$0x12];
	(tm) =	ssettm $0x1  }
0x97: {  	s17 =	sld [smem:$0x3FFB];
	_ =	sdelay $0x3  }
0x98: {  	_ =	strace s17  }
0x99: {  	s3 =	sld [smem:$0x3FFC];
	_ =	sdelay $0x3  }
0x9a: {  	_ =	strace s3  }
0x9b: {  	s3 =	sld [smem:$0x3FFD];
	_ =	sdelay $0x3  }
0x9c: {  	_ =	strace s3  }
0x9d: {  	_ =	strace $0x8FFFFFFF  }
0x9e: {  	s18 =	sld [smem:$0x3FDB];
	_ =	sdelay $0x1  }
0x9f: {  	s19 =	simm.s32 $_scs_section_size  }
0xa0: {  	s5 =	simm.s32 $_size__tile_overlayer_lowered;
	s6 =	simm.s32 $_tile_overlayer_lowered  }
0xa1: {  	s22 =	simm.s32 $0x1BFF;
	s21 =	sshll.u32 s6, $0x1;
	s3 =	sadd.s32 s19, s18  }
0xa2: {  	s7 =	simm.s32 $0x0;
	s20 =	sshll.u32 s5, $0x1;
	s5 =	sadd.s32 s21, s3  }
0xa3: {  	[timem:s7], [sflag:s22] =	dma.local [hbm:s5], s20  }
0xa4: {  	_ =	swait.ge [sflag:s22], s20  }
0xa5: {  	s4 =	ssub.s32 $0x0, s20;
	[sflag:s22] =	ssyncset.done $0x0  }
0xa6: {  	[sflag:s22] =	ssyncadd.s32 s4;
	_ =	sdelay $0x1  }
0xa7: {  	s23 =	simm.s32 $0x1B8B  }
0xa8: {  	_ =	swait.ge [sflag:s23], $0x1  }
0xa9: {  	[sflag:s23] =	ssyncset.done $0x0  }
0xaa: {  	s25 =	simm.s32 $0x1B8E;
	s24 =	sld [smem:$0x3FFE];
	[sflag:s23] =	ssyncadd.s32 $0xFFFFFFFF  }
0xab: {  	s26 =	simm.s32 $execute0_lowered;
	[smem:$0x3FD2] =	sst s25  }
0xac: {  	s5 =	sshll.u32 s26, $0x1;
	_ =	strace $0x8000004C;
	[dreg:$0x1] =	wrdreg $0xFFFFFFFF  }
0xad: {  	s28 =	simm.s32 $_size_execute0_lowered;
	s3 =	sadd.s32 s3, s5;
	[dreg:$0x0] =	wrdreg $0x0  }
0xae: {  	s5 =	sshll.u32 s28, $0x1;
	[dreg:$0x2] =	wrdreg s3  }
0xaf: {  	[dreg:$0x3] =	wrdreg s5  }
0xb0: {  	[dreg:$0x4] =	wrdreg $0xC0  }
0xb1: {  	_ =	task [dreg:s7], $0x5FFFF  }
0xb2: {  	[dreg:$0x1] =	wrdreg $0xFFFFFFFF  }
0xb3: {  	[dreg:$0x0] =	wrdreg $0x60  }
0xb4: {  	[dreg:$0x2] =	wrdreg s24  }
0xb5: {  	[dreg:$0x3] =	wrdreg s16  }
0xb6: {  	[dreg:$0x4] =	wrdreg $0xCD000  }
0xb7: {  	[dreg:$0x5] =	wrdreg $0x9  }
0xb8: {  	_ =	task.clear_ibuf [dreg:s7], $0x6FFFF;
	_ =	strace $0x9000004C  }
0xb9: {  	s29 =	simm.s32 $0x9;
	_ =	strace $0x8000004E  }
0xba: {  	_ =	swait.ge [sflag:s29], $0x1  }
0xbb: {  	[sflag:s29] =	ssyncadd.s32 $0xFFFFFFFF  }
0xbc: {  	_ =	strace $0x9000004E  }
0xbd: {  	_ =	sfence  }
0xbe: {  	s30 =	sld [smem:$0x0];
	_ =	sdelay $0x2  }
0xbf: {  	s31 =	sshll.u32 s1, $0xD;
	s1 =	sshrl.u32 s1, $0x2  }
0xc0: {  	s3 =	sand.u32 $0x4000, s31;
	s1 =	sadd.s32 s1, s30  }
0xc1: {  	s0 =	sor.u32 s3, s0;
	s1 =	sshll.u32 s1, $0x11  }
0xc2: {  	s0 =	sor.u32 s1, s0  }
0xc3: {  	s0 =	sadd.s32 $0x8F2B, s0  }
0xc4: {  	[sflag:s0] =	ssyncadd.remote.s32 $0x1  }
0xc5: {  	_ =	sfence.sel $0xFFFF  }
0xc6: {  	[dreg:$0x0] =	wrdreg $0xFFFFFFFF;
	(pc) =	sbr.abs _section_cstart, $3  }
0xc7: {  	[dreg:$0x1] =	wrdreg $0xFFFFFFFF  }
0xc8: {  	_ =	task.clear_ibuf [dreg:s7], $0x2FFFF;
	_ =	strace $0x9FFFFFFF  }
0xc9: {  	(tm) =	ssettm $0x7FFFFFFF  }
tec
execute0_lowered:
.L_overlay_start_1:
0x0: {  	(tag) =	ssettag $0x1  }
0x1: {  	s0 =	rddreg [dreg:$0x0]  }
0x2: {  	s1 =	rddreg [dreg:$0x1]  }
0x3: {  	s2 =	rddreg [dreg:$0x2]  }
0x4: {  	s3 =	srdreg.scid;
	s11 =	stileid.u32;
	s5 =	simm.s32 $0x0  }
0x5: {  	s17 =	simm.s32 $0x7D;
	s18 =	simm.s32 $0x5000;
	s20 =	simm.s32 $0x5FA0  }
0x6: {  	s29 =	simm.s32 $0x9E20;
	s31 =	simm.s32 $0xADC0;
	s19 =	simm.s32 $0x1  }
0x7: {  	s21 =	simm.s32 $0x2;
	s30 =	simm.s32 $0x4;
	s28 =	simm.s32 $0x9  }
0x8: {  	s16 =	simm.s32 $0xD;
	s13 =	simm.s32 $0x0;
	s3 =	sand.u32 $0x1, s3  }
0x9: {  	s4 =	sshll.u32 s11, $0x1;
	[smem:$0x7FF] =	sst s5;
	s6 =	smul.u32 $0x5000, s11  }
0xa: {  	p0 =	seq.s32 s11, $0xF;
	s22 =	sor.u32 s3, s4;
	_ =	strace $0x8000004D  }
0xb: {  	s4 =	sadd.s32 $0x12800, s0;
	s7 =	smul.u32 $0x9C40, s3;
	s3 =	ssub.s32 $0x2, s3  }
0xc: {  	[dreg:$0xe] =	wrdreg s13;
	s5 =	smul.u32 $0x500, s22;
	s9 =	sshrl.u32 s6, $0x3  }
0xd: {  	s10 =	sshrl.u32 s3, $0x1;
	s6 =	sadd.s32 s6, s2;
	s22 =	simm.s32 $0x6F40  }
0xe: {  	[dreg:$0x4] =	wrdreg s9;
	s9 =	sadd.s32 s9, s0;
	s7 =	sadd.s32 s7, s0  }
0xf: {  	s3 =	ssub.s32 s3, s10;
	s12 =	sshrl.u32 @!p0 s6, $0x3;
	s6 =	simm.s32 $0xA  }
0x10: {  	s10 =	simm.s32 $0x10;
	s9 =	sadd.s32 $0x1C600, s9;
	[dreg:$0xd] =	wrdreg s12  }
0x11: {  	s8 =	sadd.s32 s5, s0;
	s0 =	sadd.s32 $0x25C00, s0;
	[dreg:$0x5] =	wrdreg s9  }
0x12: {  	s23 =	sadd.s32 s1, s5;
	s25 =	sadd.s32 $0x26400, s7;
	[dreg:$0x6] =	wrdreg s0  }
0x13: {  	s26 =	smax.u32 s3, $0x1;
	s7 =	simm.s32 $0x7;
	[dreg:$0x7] =	wrdreg s23  }
0x14: {  	s5 =	simm.s32 $0x8;
	s3 =	simm.s32 $0xF;
	[dreg:$0x9] =	wrdreg s25  }
0x15: {  	s9 =	sadd.s32 $0x4B000, s2;
	s24 =	sadd.s32 $0x3800, s8;
	[dreg:$0xa] =	wrdreg s26  }
0x16: {  	s0 =	sshll.u32 @!p0 s11, $0x6;
	s26 =	simm.s32 $0x8E80;
	s25 =	simm.s32 $0x3  }
0x17: {  	s23 =	simm.s32 $0x5;
	s8 =	simm.s32 $0xB;
	s11 =	simm.s32 $0xE  }
0x18: {  	[dreg:$0x8] =	wrdreg s24;
	s1 =	sshrl.u32 @p0 s9, $0x3;
	s0 =	sor.u32 @!p0 $0x1C11, s0  }
0x19: {  	s24 =	simm.s32 $0x7EE0;
	s9 =	simm.s32 $0xC;
	[dreg:$0xb] =	wrdreg s1  }
0x1a: {  	[dreg:$0xc] =	wrdreg s0;
	s1 =	simm.s32 $0xBD60;
	s0 =	simm.s32 $0x6  }
.LBB2_1:
0x1b: {  	s14 =	rddreg [dreg:$0x6]  }
0x1c: {  	s13 =	simm.s32 @p0 $0x1FD1;
	s15 =	rddreg [dreg:$0xb]  }
0x1d: {  	[spmem:s15], [sflag:s13] =	dma.local @p0 [hbm:s14], $0x640  }
0x1e: {  	s13 =	simm.s32 @p0 $0x11  }
0x1f: {  	_ =	swait.ge @p0 [sflag:s13], $0x640  }
0x20: {  	[sflag:s13] =	ssyncset.done @p0 $0x0;
	s14 =	rddreg [dreg:$0xc]  }
0x21: {  	[sflag:s13] =	ssyncadd.s32 @p0 $0xFFFFF9C0;
	s13 =	rddreg [dreg:$0x5]  }
0x22: {  	[spmem:s12], [sflag:s14] =	dma.local @!p0 [hbm:s13], $0xA00  }
0x23: {  	s13 =	simm.s32 @!p0 $0x11  }
0x24: {  	_ =	swait.ge @!p0 [sflag:s13], $0xA00  }
0x25: {  	[sflag:s13] =	ssyncset.done @!p0 $0x0  }
0x26: {  	s12 =	rddreg [dreg:$0x7];
	[sflag:s13] =	ssyncadd.s32 @!p0 $0xFFFFF600;
	s13 =	simm.s32 $0x0  }
0x27: {  	[tilespmem:s13], [sflag:$0x11] =	stream.linear.gather [hbm4b:s12+s13], $0x2800, $0x38;
	[tilespmem:$0x11B20] =	vst v63  }
0x28: {  	s12 =	simm.s32 $0x11  }
0x29: {  	_ =	swait.ge [sflag:s12], $0x2800  }
0x2a: {  	[sflag:s12] =	ssyncset.done $0x0  }
0x2b: {  	s15 =	simm.s32 $0x2800;
	s14 =	rddreg [dreg:$0x8];
	[sflag:s12] =	ssyncadd.s32 $0xFFFFD800  }
0x2c: {  	[tilespmem:s15], [sflag:$0x11] =	stream.linear.gather [hbm4b:s14+s13], $0x2800, $0x38;
	[tilespmem:$0x11B20] =	vst v63  }
0x2d: {  	_ =	swait.ge [sflag:s12], $0x2800  }
0x2e: {  	[sflag:s12] =	ssyncset.done $0x0  }
0x2f: {  	[sflag:s12] =	ssyncadd.s32 $0xFFFFD800  }
0x30: {  	[bflag:$0x0] =	sbarrier.arrive $0xFFFF  }
0x31: {  	[tilespmem:s18], [sflag:$0x1] =	stream.indirect.gather [hbm4b:s4+s17], $0x20, s13, s17, $0xb8;
	[tilespmem:$0x11B20] =	vst v63  }
0x32: {  	s14 =	simm.s32 $0x80  }
0x33: {  	[tilespmem:s20], [sflag:$0x2] =	stream.indirect.gather [hbm4b:s4+s17], $0x20, s14, s17, $0xb8;
	[tilespmem:$0x11B20] =	vst v63  }
0x34: {  	s13 =	simm.s32 $0x100  }
0x35: {  	[tilespmem:s22], [sflag:$0x3] =	stream.indirect.gather [hbm4b:s4+s17], $0x20, s13, s17, $0xb8;
	[tilespmem:$0x11B20] =	vst v63  }
0x36: {  	s14 =	simm.s32 $0x180  }
0x37: {  	[tilespmem:s24], [sflag:$0x4] =	stream.indirect.gather [hbm4b:s4+s17], $0x20, s14, s17, $0xb8;
	[tilespmem:$0x11B20] =	vst v63  }
0x38: {  	s13 =	simm.s32 $0x200  }
0x39: {  	[tilespmem:s26], [sflag:$0x5] =	stream.indirect.gather [hbm4b:s4+s17], $0x20, s13, s17, $0xb8;
	[tilespmem:$0x11B20] =	vst v63  }
0x3a: {  	s14 =	simm.s32 $0x280  }
0x3b: {  	[tilespmem:s29], [sflag:$0x6] =	stream.indirect.gather [hbm4b:s4+s17], $0x20, s14, s17, $0xb8;
	[tilespmem:$0x11B20] =	vst v63  }
0x3c: {  	s13 =	simm.s32 $0x300  }
0x3d: {  	[tilespmem:s31], [sflag:$0x7] =	stream.indirect.gather [hbm4b:s4+s17], $0x20, s13, s17, $0xb8;
	[tilespmem:$0x11B20] =	vst v63  }
0x3e: {  	s14 =	simm.s32 $0x380  }
0x3f: {  	[tilespmem:s1], [sflag:$0x8] =	stream.indirect.gather [hbm4b:s4+s17], $0x20, s14, s17, $0xb8;
	[tilespmem:$0x11B20] =	vst v63  }
0x40: {  	_ =	swait.ge [sflag:s19], $0xFA0  }
0x41: {  	[sflag:s19] =	ssyncset.done $0x0  }
0x42: {  	[sflag:s19] =	ssyncadd.s32 $0xFFFFF060  }
0x43: {  	[spmem:s2] =	stream.indirect.scatter.add.f32 [tilespmem:s18], [sflag:$0x9], $0x20, s15, s17, $0xb8;
	[tilespmem:$0x11B20] =	vst v63  }
0x44: {  	_ =	swait.ge [sflag:s21], $0xFA0  }
0x45: {  	[sflag:s21] =	ssyncset.done $0x0  }
0x46: {  	s13 =	simm.s32 $0x2880;
	[sflag:s21] =	ssyncadd.s32 $0xFFFFF060  }
0x47: {  	[spmem:s2] =	stream.indirect.scatter.add.f32 [tilespmem:s20], [sflag:$0xA], $0x20, s13, s17, $0xb8;
	[tilespmem:$0x11B20] =	vst v63  }
0x48: {  	_ =	swait.ge [sflag:s25], $0xFA0  }
0x49: {  	[sflag:s25] =	ssyncset.done $0x0  }
0x4a: {  	s14 =	simm.s32 $0x2900;
	[sflag:s25] =	ssyncadd.s32 $0xFFFFF060  }
0x4b: {  	[spmem:s2] =	stream.indirect.scatter.add.f32 [tilespmem:s22], [sflag:$0xB], $0x20, s14, s17, $0xb8;
	[tilespmem:$0x11B20] =	vst v63  }
0x4c: {  	_ =	swait.ge [sflag:s30], $0xFA0  }
0x4d: {  	[sflag:s30] =	ssyncset.done $0x0  }
0x4e: {  	s15 =	simm.s32 $0x2980;
	[sflag:s30] =	ssyncadd.s32 $0xFFFFF060  }
0x4f: {  	[spmem:s2] =	stream.indirect.scatter.add.f32 [tilespmem:s24], [sflag:$0xC], $0x20, s15, s17, $0xb8;
	[tilespmem:$0x11B20] =	vst v63  }
0x50: {  	_ =	swait.ge [sflag:s23], $0xFA0  }
0x51: {  	[sflag:s23] =	ssyncset.done $0x0  }
0x52: {  	s12 =	simm.s32 $0x2A00;
	[sflag:s23] =	ssyncadd.s32 $0xFFFFF060  }
0x53: {  	[spmem:s2] =	stream.indirect.scatter.add.f32 [tilespmem:s26], [sflag:$0xD], $0x20, s12, s17, $0xb8;
	[tilespmem:$0x11B20] =	vst v63  }
0x54: {  	_ =	swait.ge [sflag:s28], $0xFA0  }
0x55: {  	[sflag:s28] =	ssyncset.done $0x0  }
0x56: {  	s14 =	simm.s32 $0x400;
	[sflag:s28] =	ssyncadd.s32 $0xFFFFF060  }
0x57: {  	[tilespmem:s18], [sflag:$0x1] =	stream.indirect.gather [hbm4b:s4+s17], $0x20, s14, s17, $0xb8;
	[tilespmem:$0x11B20] =	vst v63  }
0x58: {  	_ =	swait.ge [sflag:s0], $0xFA0  }
0x59: {  	[sflag:s0] =	ssyncset.done $0x0  }
0x5a: {  	s15 =	simm.s32 $0x2A80;
	[sflag:s0] =	ssyncadd.s32 $0xFFFFF060  }
0x5b: {  	[spmem:s2] =	stream.indirect.scatter.add.f32 [tilespmem:s29], [sflag:$0xE], $0x20, s15, s17, $0xb8;
	[tilespmem:$0x11B20] =	vst v63  }
0x5c: {  	_ =	swait.ge [sflag:s6], $0xFA0  }
0x5d: {  	[sflag:s6] =	ssyncset.done $0x0  }
0x5e: {  	s12 =	simm.s32 $0x480;
	[sflag:s6] =	ssyncadd.s32 $0xFFFFF060  }
0x5f: {  	[tilespmem:s20], [sflag:$0x2] =	stream.indirect.gather [hbm4b:s4+s17], $0x20, s12, s17, $0xb8;
	[tilespmem:$0x11B20] =	vst v63  }
0x60: {  	_ =	swait.ge [sflag:s7], $0xFA0  }
0x61: {  	[sflag:s7] =	ssyncset.done $0x0  }
0x62: {  	s14 =	simm.s32 $0x2B00;
	[sflag:s7] =	ssyncadd.s32 $0xFFFFF060  }
0x63: {  	[spmem:s2] =	stream.indirect.scatter.add.f32 [tilespmem:s31], [sflag:$0xF], $0x20, s14, s17, $0xb8;
	[tilespmem:$0x11B20] =	vst v63  }
0x64: {  	_ =	swait.ge [sflag:s8], $0xFA0  }
0x65: {  	[sflag:s8] =	ssyncset.done $0x0  }
0x66: {  	s15 =	simm.s32 $0x500;
	[sflag:s8] =	ssyncadd.s32 $0xFFFFF060  }
0x67: {  	[tilespmem:s22], [sflag:$0x3] =	stream.indirect.gather [hbm4b:s4+s17], $0x20, s15, s17, $0xb8;
	[tilespmem:$0x11B20] =	vst v63  }
0x68: {  	_ =	swait.ge [sflag:s5], $0xFA0  }
0x69: {  	[sflag:s5] =	ssyncset.done $0x0  }
0x6a: {  	s12 =	simm.s32 $0x2B80;
	[sflag:s5] =	ssyncadd.s32 $0xFFFFF060  }
0x6b: {  	[spmem:s2] =	stream.indirect.scatter.add.f32 [tilespmem:s1], [sflag:$0x10], $0x20, s12, s17, $0xb8;
	[tilespmem:$0x11B20] =	vst v63  }
0x6c: {  	_ =	swait.ge [sflag:s9], $0xFA0  }
0x6d: {  	[sflag:s9] =	ssyncset.done $0x0  }
0x6e: {  	s14 =	simm.s32 $0x580;
	[sflag:s9] =	ssyncadd.s32 $0xFFFFF060  }
0x6f: {  	[tilespmem:s24], [sflag:$0x4] =	stream.indirect.gather [hbm4b:s4+s17], $0x20, s14, s17, $0xb8;
	[tilespmem:$0x11B20] =	vst v63  }
0x70: {  	_ =	swait.ge [sflag:s19], $0xFA0  }
0x71: {  	[sflag:s19] =	ssyncset.done $0x0  }
0x72: {  	s15 =	simm.s32 $0x2C00;
	[sflag:s19] =	ssyncadd.s32 $0xFFFFF060  }
0x73: {  	[spmem:s2] =	stream.indirect.scatter.add.f32 [tilespmem:s18], [sflag:$0x9], $0x20, s15, s17, $0xb8;
	[tilespmem:$0x11B20] =	vst v63  }
0x74: {  	_ =	swait.ge [sflag:s16], $0xFA0  }
0x75: {  	[sflag:s16] =	ssyncset.done $0x0  }
0x76: {  	s12 =	simm.s32 $0x600;
	[sflag:s16] =	ssyncadd.s32 $0xFFFFF060  }
0x77: {  	[tilespmem:s26], [sflag:$0x5] =	stream.indirect.gather [hbm4b:s4+s17], $0x20, s12, s17, $0xb8;
	[tilespmem:$0x11B20] =	vst v63  }
0x78: {  	_ =	swait.ge [sflag:s21], $0xFA0  }
0x79: {  	[sflag:s21] =	ssyncset.done $0x0  }
0x7a: {  	s14 =	simm.s32 $0x2C80;
	[sflag:s21] =	ssyncadd.s32 $0xFFFFF060  }
0x7b: {  	[spmem:s2] =	stream.indirect.scatter.add.f32 [tilespmem:s20], [sflag:$0xA], $0x20, s14, s17, $0xb8;
	[tilespmem:$0x11B20] =	vst v63  }
0x7c: {  	_ =	swait.ge [sflag:s11], $0xFA0  }
0x7d: {  	[sflag:s11] =	ssyncset.done $0x0  }
0x7e: {  	s15 =	simm.s32 $0x680;
	[sflag:s11] =	ssyncadd.s32 $0xFFFFF060  }
0x7f: {  	[tilespmem:s29], [sflag:$0x6] =	stream.indirect.gather [hbm4b:s4+s17], $0x20, s15, s17, $0xb8;
	[tilespmem:$0x11B20] =	vst v63  }
0x80: {  	_ =	swait.ge [sflag:s25], $0xFA0  }
0x81: {  	[sflag:s25] =	ssyncset.done $0x0  }
0x82: {  	s12 =	simm.s32 $0x2D00;
	[sflag:s25] =	ssyncadd.s32 $0xFFFFF060  }
0x83: {  	[spmem:s2] =	stream.indirect.scatter.add.f32 [tilespmem:s22], [sflag:$0xB], $0x20, s12, s17, $0xb8;
	[tilespmem:$0x11B20] =	vst v63  }
0x84: {  	_ =	swait.ge [sflag:s3], $0xFA0  }
0x85: {  	[sflag:s3] =	ssyncset.done $0x0  }
0x86: {  	s14 =	simm.s32 $0x700;
	[sflag:s3] =	ssyncadd.s32 $0xFFFFF060  }
0x87: {  	[tilespmem:s31], [sflag:$0x7] =	stream.indirect.gather [hbm4b:s4+s17], $0x20, s14, s17, $0xb8;
	[tilespmem:$0x11B20] =	vst v63  }
0x88: {  	_ =	swait.ge [sflag:s30], $0xFA0  }
0x89: {  	[sflag:s30] =	ssyncset.done $0x0  }
0x8a: {  	s15 =	simm.s32 $0x2D80;
	[sflag:s30] =	ssyncadd.s32 $0xFFFFF060  }
0x8b: {  	[spmem:s2] =	stream.indirect.scatter.add.f32 [tilespmem:s24], [sflag:$0xC], $0x20, s15, s17, $0xb8;
	[tilespmem:$0x11B20] =	vst v63  }
0x8c: {  	_ =	swait.ge [sflag:s10], $0xFA0  }
0x8d: {  	[sflag:s10] =	ssyncset.done $0x0  }
0x8e: {  	s13 =	simm.s32 $0x1000;
	s14 =	simm.s32 $0x780;
	[sflag:s10] =	ssyncadd.s32 $0xFFFFF060  }
.LBB2_2:
0x8f: {  	[tilespmem:s1], [sflag:$0x8] =	stream.indirect.gather [hbm4b:s4+s17], $0x20, s14, s17, $0xb8;
	[tilespmem:$0x11B20] =	vst v63  }
0x90: {  	s14 =	smov.u32 s13  }
0x91: {  	p1 =	sne.s32 s13, $0x8000;
	s13 =	sadd.s32 $0x1000, s13;
	_ =	swait.ge [sflag:s23], $0xFA0  }
0x92: {  	s14 =	sshra.s32 s14, $0x2;
	[sflag:s23] =	ssyncset.done $0x0  }
0x93: {  	s15 =	sadd.s32 $0x2A00, s14;
	[sflag:s23] =	ssyncadd.s32 $0xFFFFF060  }
0x94: {  	[spmem:s2] =	stream.indirect.scatter.add.f32 [tilespmem:s26], [sflag:$0xD], $0x20, s15, s17, $0xb8;
	[tilespmem:$0x11B20] =	vst v63  }
0x95: {  	_ =	swait.ge [sflag:s28], $0xFA0  }
0x96: {  	[sflag:s28] =	ssyncset.done $0x0  }
0x97: {  	s15 =	sadd.s32 $0x400, s14;
	[sflag:s28] =	ssyncadd.s32 $0xFFFFF060  }
0x98: {  	[tilespmem:s18], [sflag:$0x1] =	stream.indirect.gather [hbm4b:s4+s17], $0x20, s15, s17, $0xb8;
	[tilespmem:$0x11B20] =	vst v63  }
0x99: {  	_ =	swait.ge [sflag:s0], $0xFA0  }
0x9a: {  	[sflag:s0] =	ssyncset.done $0x0  }
0x9b: {  	s15 =	sadd.s32 $0x2A80, s14;
	[sflag:s0] =	ssyncadd.s32 $0xFFFFF060  }
0x9c: {  	[spmem:s2] =	stream.indirect.scatter.add.f32 [tilespmem:s29], [sflag:$0xE], $0x20, s15, s17, $0xb8;
	[tilespmem:$0x11B20] =	vst v63  }
0x9d: {  	_ =	swait.ge [sflag:s6], $0xFA0  }
0x9e: {  	[sflag:s6] =	ssyncset.done $0x0  }
0x9f: {  	s15 =	sadd.s32 $0x480, s14;
	[sflag:s6] =	ssyncadd.s32 $0xFFFFF060  }
0xa0: {  	[tilespmem:s20], [sflag:$0x2] =	stream.indirect.gather [hbm4b:s4+s17], $0x20, s15, s17, $0xb8;
	[tilespmem:$0x11B20] =	vst v63  }
0xa1: {  	_ =	swait.ge [sflag:s7], $0xFA0  }
0xa2: {  	[sflag:s7] =	ssyncset.done $0x0  }
0xa3: {  	s15 =	sadd.s32 $0x2B00, s14;
	[sflag:s7] =	ssyncadd.s32 $0xFFFFF060  }
0xa4: {  	[spmem:s2] =	stream.indirect.scatter.add.f32 [tilespmem:s31], [sflag:$0xF], $0x20, s15, s17, $0xb8;
	[tilespmem:$0x11B20] =	vst v63  }
0xa5: {  	_ =	swait.ge [sflag:s8], $0xFA0  }
0xa6: {  	[sflag:s8] =	ssyncset.done $0x0  }
0xa7: {  	s15 =	sadd.s32 $0x500, s14;
	[sflag:s8] =	ssyncadd.s32 $0xFFFFF060  }
0xa8: {  	[tilespmem:s22], [sflag:$0x3] =	stream.indirect.gather [hbm4b:s4+s17], $0x20, s15, s17, $0xb8;
	[tilespmem:$0x11B20] =	vst v63  }
0xa9: {  	_ =	swait.ge [sflag:s5], $0xFA0  }
0xaa: {  	[sflag:s5] =	ssyncset.done $0x0  }
0xab: {  	s15 =	sadd.s32 $0x2B80, s14;
	[sflag:s5] =	ssyncadd.s32 $0xFFFFF060  }
0xac: {  	[spmem:s2] =	stream.indirect.scatter.add.f32 [tilespmem:s1], [sflag:$0x10], $0x20, s15, s17, $0xb8;
	[tilespmem:$0x11B20] =	vst v63  }
0xad: {  	_ =	swait.ge [sflag:s9], $0xFA0  }
0xae: {  	[sflag:s9] =	ssyncset.done $0x0  }
0xaf: {  	s15 =	sadd.s32 $0x580, s14;
	[sflag:s9] =	ssyncadd.s32 $0xFFFFF060  }
0xb0: {  	[tilespmem:s24], [sflag:$0x4] =	stream.indirect.gather [hbm4b:s4+s17], $0x20, s15, s17, $0xb8;
	[tilespmem:$0x11B20] =	vst v63  }
0xb1: {  	_ =	swait.ge [sflag:s19], $0xFA0  }
0xb2: {  	[sflag:s19] =	ssyncset.done $0x0  }
0xb3: {  	s15 =	sadd.s32 $0x2C00, s14;
	[sflag:s19] =	ssyncadd.s32 $0xFFFFF060  }
0xb4: {  	[spmem:s2] =	stream.indirect.scatter.add.f32 [tilespmem:s18], [sflag:$0x9], $0x20, s15, s17, $0xb8;
	[tilespmem:$0x11B20] =	vst v63  }
0xb5: {  	_ =	swait.ge [sflag:s16], $0xFA0  }
0xb6: {  	[sflag:s16] =	ssyncset.done $0x0  }
0xb7: {  	s15 =	sadd.s32 $0x600, s14;
	[sflag:s16] =	ssyncadd.s32 $0xFFFFF060  }
0xb8: {  	[tilespmem:s26], [sflag:$0x5] =	stream.indirect.gather [hbm4b:s4+s17], $0x20, s15, s17, $0xb8;
	[tilespmem:$0x11B20] =	vst v63  }
0xb9: {  	_ =	swait.ge [sflag:s21], $0xFA0  }
0xba: {  	[sflag:s21] =	ssyncset.done $0x0  }
0xbb: {  	s15 =	sadd.s32 $0x2C80, s14;
	[sflag:s21] =	ssyncadd.s32 $0xFFFFF060  }
0xbc: {  	[spmem:s2] =	stream.indirect.scatter.add.f32 [tilespmem:s20], [sflag:$0xA], $0x20, s15, s17, $0xb8;
	[tilespmem:$0x11B20] =	vst v63  }
0xbd: {  	_ =	swait.ge [sflag:s11], $0xFA0  }
0xbe: {  	[sflag:s11] =	ssyncset.done $0x0  }
0xbf: {  	s15 =	sadd.s32 $0x680, s14;
	[sflag:s11] =	ssyncadd.s32 $0xFFFFF060  }
0xc0: {  	[tilespmem:s29], [sflag:$0x6] =	stream.indirect.gather [hbm4b:s4+s17], $0x20, s15, s17, $0xb8;
	[tilespmem:$0x11B20] =	vst v63  }
0xc1: {  	_ =	swait.ge [sflag:s25], $0xFA0  }
0xc2: {  	[sflag:s25] =	ssyncset.done $0x0  }
0xc3: {  	s15 =	sadd.s32 $0x2D00, s14;
	[sflag:s25] =	ssyncadd.s32 $0xFFFFF060  }
0xc4: {  	[spmem:s2] =	stream.indirect.scatter.add.f32 [tilespmem:s22], [sflag:$0xB], $0x20, s15, s17, $0xb8;
	[tilespmem:$0x11B20] =	vst v63  }
0xc5: {  	_ =	swait.ge [sflag:s3], $0xFA0  }
0xc6: {  	[sflag:s3] =	ssyncset.done $0x0  }
0xc7: {  	s15 =	sadd.s32 $0x700, s14;
	[sflag:s3] =	ssyncadd.s32 $0xFFFFF060  }
0xc8: {  	[tilespmem:s31], [sflag:$0x7] =	stream.indirect.gather [hbm4b:s4+s17], $0x20, s15, s17, $0xb8;
	[tilespmem:$0x11B20] =	vst v63  }
0xc9: {  	_ =	swait.ge [sflag:s30], $0xFA0  }
0xca: {  	[sflag:s30] =	ssyncset.done $0x0  }
.Ltmp0:
0xcb: {  	s15 =	sadd.s32 $0x2D80, s14;
	[sflag:s30] =	ssyncadd.s32 $0xFFFFF060;
	(pc) =	sbr.rel @p1 .LBB2_2-.Ltmp0, $4  }
0xcc: {  	[spmem:s2] =	stream.indirect.scatter.add.f32 [tilespmem:s24], [sflag:$0xC], $0x20, s15, s17, $0xb8;
	[tilespmem:$0x11B20] =	vst v63  }
0xcd: {  	_ =	swait.ge [sflag:s10], $0xFA0  }
0xce: {  	[sflag:s10] =	ssyncset.done $0x0  }
0xcf: {  	s14 =	sadd.s32 $0x780, s14;
	[sflag:s10] =	ssyncadd.s32 $0xFFFFF060  }
0xd0: {  	[tilespmem:s1], [sflag:$0x8] =	stream.indirect.gather [hbm4b:s4+s17], $0x20, s14, s17, $0xb8;
	[tilespmem:$0x11B20] =	vst v63  }
0xd1: {  	_ =	swait.ge [sflag:s23], $0xFA0  }
0xd2: {  	[sflag:s23] =	ssyncset.done $0x0  }
0xd3: {  	s12 =	simm.s32 $0x4E00;
	[sflag:s23] =	ssyncadd.s32 $0xFFFFF060  }
0xd4: {  	[spmem:s2] =	stream.indirect.scatter.add.f32 [tilespmem:s26], [sflag:$0xD], $0x20, s12, s17, $0xb8;
	[tilespmem:$0x11B20] =	vst v63  }
0xd5: {  	_ =	swait.ge [sflag:s0], $0xFA0  }
0xd6: {  	[sflag:s0] =	ssyncset.done $0x0  }
0xd7: {  	s14 =	simm.s32 $0x4E80;
	[sflag:s0] =	ssyncadd.s32 $0xFFFFF060  }
0xd8: {  	[spmem:s2] =	stream.indirect.scatter.add.f32 [tilespmem:s29], [sflag:$0xE], $0x20, s14, s17, $0xb8;
	[tilespmem:$0x11B20] =	vst v63  }
0xd9: {  	_ =	swait.ge [sflag:s7], $0xFA0  }
0xda: {  	[sflag:s7] =	ssyncset.done $0x0  }
0xdb: {  	s15 =	simm.s32 $0x4F00;
	[sflag:s7] =	ssyncadd.s32 $0xFFFFF060  }
0xdc: {  	[spmem:s2] =	stream.indirect.scatter.add.f32 [tilespmem:s31], [sflag:$0xF], $0x20, s15, s17, $0xb8;
	[tilespmem:$0x11B20] =	vst v63  }
0xdd: {  	_ =	swait.ge [sflag:s5], $0xFA0  }
0xde: {  	[sflag:s5] =	ssyncset.done $0x0  }
0xdf: {  	s13 =	simm.s32 $0x4F80;
	[sflag:s5] =	ssyncadd.s32 $0xFFFFF060  }
0xe0: {  	[spmem:s2] =	stream.indirect.scatter.add.f32 [tilespmem:s1], [sflag:$0x10], $0x20, s13, s17, $0xb8;
	[tilespmem:$0x11B20] =	vst v63  }
0xe1: {  	_ =	swait.ge [sflag:s28], $0xFA0  }
0xe2: {  	[sflag:s28] =	ssyncset.done $0x0  }
0xe3: {  	[sflag:s28] =	ssyncadd.s32 $0xFFFFF060  }
0xe4: {  	_ =	swait.ge [sflag:s6], $0xFA0  }
0xe5: {  	[sflag:s6] =	ssyncset.done $0x0  }
0xe6: {  	[sflag:s6] =	ssyncadd.s32 $0xFFFFF060  }
0xe7: {  	_ =	swait.ge [sflag:s8], $0xFA0  }
0xe8: {  	[sflag:s8] =	ssyncset.done $0x0  }
0xe9: {  	[sflag:s8] =	ssyncadd.s32 $0xFFFFF060  }
0xea: {  	_ =	swait.ge [sflag:s9], $0xFA0  }
0xeb: {  	[sflag:s9] =	ssyncset.done $0x0  }
0xec: {  	[sflag:s9] =	ssyncadd.s32 $0xFFFFF060  }
0xed: {  	_ =	swait.ge [sflag:s16], $0xFA0  }
0xee: {  	[sflag:s16] =	ssyncset.done $0x0  }
0xef: {  	[sflag:s16] =	ssyncadd.s32 $0xFFFFF060  }
0xf0: {  	_ =	swait.ge [sflag:s11], $0xFA0  }
0xf1: {  	[sflag:s11] =	ssyncset.done $0x0  }
0xf2: {  	[sflag:s11] =	ssyncadd.s32 $0xFFFFF060  }
0xf3: {  	_ =	swait.ge [sflag:s3], $0xFA0  }
0xf4: {  	[sflag:s3] =	ssyncset.done $0x0  }
0xf5: {  	[sflag:s3] =	ssyncadd.s32 $0xFFFFF060  }
0xf6: {  	_ =	swait.ge [sflag:s10], $0xFA0  }
0xf7: {  	[sflag:s10] =	ssyncset.done $0x0  }
0xf8: {  	[sflag:s10] =	ssyncadd.s32 $0xFFFFF060  }
0xf9: {  	[bflag:$0x0] =	sbarrier.arrive $0xFFFF  }
0xfa: {  	s12 =	rddreg [dreg:$0x9]  }
0xfb: {  	s14 =	simm.s32 @p0 $0x1FD1;
	s15 =	rddreg [dreg:$0xb];
	s13 =	sadd.s32 @p0 $0x9600, s12  }
0xfc: {  	[hbm:s13], [sflag:s14] =	dma.local @p0 [spmem:s15], $0x640  }
0xfd: {  	s13 =	simm.s32 @p0 $0x11  }
0xfe: {  	_ =	swait.ge @p0 [sflag:s13], $0x640  }
0xff: {  	[sflag:s13] =	ssyncset.done @p0 $0x0;
	s14 =	rddreg [dreg:$0xc]  }
0x100: {  	[sflag:s13] =	ssyncadd.s32 @p0 $0xFFFFF9C0;
	s13 =	rddreg [dreg:$0x4]  }
0x101: {  	s13 =	sadd.s32 @!p0 s13, s12;
	s12 =	rddreg [dreg:$0xd]  }
0x102: {  	[hbm:s13], [sflag:s14] =	dma.local @!p0 [spmem:s12], $0xA00  }
0x103: {  	s13 =	simm.s32 @!p0 $0x11  }
0x104: {  	_ =	swait.ge @!p0 [sflag:s13], $0xA00  }
0x105: {  	s14 =	rddreg [dreg:$0xe]  }
0x106: {  	s15 =	sadd.s32 $0x1, s14;
	s14 =	rddreg [dreg:$0xa]  }
0x107: {  	p1 =	sne.s32 s15, s14  }
.Ltmp1:
0x108: {  	_ = 	snop;
	(pc) =	sbr.rel @p1 .LBB2_1-.Ltmp1, $3  }
0x109: {  	_ =	sdelay $0x1  }
0x10a: {  	[sflag:s13] =	ssyncset.done @!p0 $0x0  }
0x10b: {  	[sflag:s13] =	ssyncadd.s32 @!p0 $0xFFFFF600;
	[dreg:$0xe] =	wrdreg s15  }
0x10c: {  	_ =	sfence.sel $0x180000  }
0x10d: {  	[bflag:$0x0] =	sbarrier.arrive $0xFFFF  }
0x10e: {  	_ =	strace $0x9000004D  }
0x10f: {  	s0 =	stileid.u32;
	[bflag:$0x2] =	sbarrier.arrive $0xFFFF  }
0x110: {  	p0 =	sne.s32 s0, $0x0;
	s0 =	rddreg [dreg:$0x3]  }
0x111: {  	s0 =	sadd.s32 @!p0 $0x100000, s0  }
0x112: {  	[sflag:s0] =	ssyncadd.tile.s32 @!p0 $0x1;
	_ =	shalt  }
.Lfunc_end2:
_tile_overlayer_lowered:
.L_overlay_start_2:
0x113: {  	(tag) =	ssettag $0x2  }
0x114: {  	s0 =	rddreg [dreg:$0x0];
	s2 =	stileid.u32  }
0x115: {  	s1 =	rddreg [dreg:$0x1];
	p0 =	sne.s32 s2, $0x0  }
0x116: {  	s3 =	rddreg [dreg:$0x2];
	[bflag:$0x3] =	sbarrier.arrive $0xFFFF;
	s2 =	simm.s32 @!p0 $0x1C11  }
0x117: {  	[timem:s3], [sflag:s2] =	dma.local @!p0 [hbm:s0], s1  }
0x118: {  	s0 =	simm.s32 @!p0 $0x11  }
0x119: {  	_ =	swait.ge @!p0 [sflag:s0], s1  }
0x11a: {  	s1 =	ssub.s32 @!p0 $0x0, s1;
	[sflag:s0] =	ssyncset.done @!p0 $0x0  }
0x11b: {  	[sflag:s0] =	ssyncadd.s32 @!p0 s1  }
0x11c: {  	[bflag:$0x3] =	sbarrier.arrive $0xFFFF  }
0x11d: {  	_ =	shalt  }

// kernel: kernel.19.cloned.1.call-start
scs
__scs_entry_jumppad:
0x0: {  	(pc) =	sbr.rel $0x88, $3  }
0x1: {  	(tag) =	ssettag $0x0;
	lr =	simm.s32 $0x1  }
0x2: {  	[smem:$0x3F8A] =	sst lr;
	_ =	strace $0xD0000000  }
0x3: {  	_ = 	snop  }
0x4: {  	_ = 	snop  }
0x5: {  	_ = 	snop  }
0x6: {  	_ = 	snop  }
0x7: {  	_ = 	snop  }
__scs_overlays_trampoline_lowered:
0x8: {  	[smem:$0x3F99] =	sst s0  }
0x9: {  	[smem:$0x3F9A] =	sst s1  }
0xa: {  	[smem:$0x3F9B] =	sst s2  }
0xb: {  	[smem:$0x3F9C] =	sst s3  }
0xc: {  	[smem:$0x3F9D] =	sst s4  }
0xd: {  	[smem:$0x3F9E] =	sst s5  }
0xe: {  	[smem:$0x3F9F] =	sst s6  }
0xf: {  	[smem:$0x3FA0] =	sst s7  }
0x10: {  	[smem:$0x3FA1] =	sst s8  }
0x11: {  	[smem:$0x3FA2] =	sst s9;
	s0 =	simm.s32 @!p0 $0x0  }
0x12: {  	s1 =	sld [smem:$0x3F88];
	s0 =	simm.s32 @p0 $0x1  }
0x13: {  	[smem:$0x3FA3] =	sst s0;
	s0 =	simm.s32 @!p1 $0x0  }
0x14: {  	s2 =	sld [smem:$0x3F87];
	s0 =	simm.s32 @p1 $0x1  }
0x15: {  	[smem:$0x3FA4] =	sst s0;
	s0 =	simm.s32 @!p2 $0x0  }
0x16: {  	s3 =	sld [smem:$0x3FDB];
	s0 =	simm.s32 @p2 $0x1  }
0x17: {  	s4 =	simm.s32 $0x1BF5;
	[smem:$0x3FA6] =	sst s0  }
0x18: {  	s0 =	sld [smem:$0x3F89];
	_ =	swait.ge [sflag:s4], $0x0  }
0x19: {  	s7 =	sld [smem:$0x3F8A]  }
0x1a: {  	s8 =	sadd.s32 $0xFFFFE003, lr  }
0x1b: {  	s9 =	sadd.s32 $0xFFFFFEF7, lr;
	s5 =	simm.s32 $0xFFFFFFFF;
	p2 =	slt.u32 s8, $0xFFFFF086  }
0x1c: {  	p1 =	slt.u32 s9, $0xF7A;
	s5 =	simm.s32 @!p2 $0x0  }
0x1d: {  	s5 =	simm.s32 @p1 $0x1;
	p0 =	seq.s32 s7, s2  }
0x1e: {  	s7 =	smul.u32 @!p0 $0xF7A, s2;
	p2 =	seq.s32 @!p0 s5, $0x0  }
0x1f: {  	s9 =	smul.u32 $0xF7A, s1;
	s8 =	simm.s32 @!p0 $0x1BF5;
	p2 =	por !p2, p0  }
0x20: {  	[sflag:s8] =	ssyncset.s32 @!p0 $0xFFFFF086;
	s6 =	sadd.s32 @!p0 s3, s7;
	s7 =	simm.s32 @!p0 $0x108  }
0x21: {  	s3 =	sadd.s32 s3, s9;
	s6 =	sadd.s32 @!p0 $0x88, s6;
	s7 =	simm.s32 @p2 $0x1082  }
0x22: {  	[simem:s7], [sflag:s8] =	dma.local @!p0 [hbm:s6], $0xF7A  }
0x23: {  	s9 =	sor.u32 $0xD0000000, s2;
	s6 =	simm.s32 $0x108;
	_ =	swait.ge @!p0 [sflag:s8], $0x0  }
0x24: {  	s3 =	sadd.s32 $0x88, s3;
	s6 =	simm.s32 @!p1 $0x1082;
	[sflag:s4] =	ssyncset.s32 $0xFFFFF086  }
0x25: {  	[simem:s6], [sflag:s4] =	dma.local [hbm:s3], $0xF7A  }
0x26: {  	[smem:$0x3F8A] =	sst s1;
	(tag) =	ssettag s2;
	_ =	strace s9  }
0x27: {  	s1 =	sld [smem:$0x3F9A]  }
0x28: {  	s2 =	sld [smem:$0x3F9B]  }
0x29: {  	s4 =	sld [smem:$0x3F9D]  }
0x2a: {  	p0 =	seq.s32 s5, $0x0;
	s5 =	sld [smem:$0x3F9E]  }
0x2b: {  	s6 =	sld [smem:$0x3F9F]  }
0x2c: {  	s7 =	sld [smem:$0x3FA0]  }
0x2d: {  	s3 =	simm.s32 $0x108;
	s8 =	sld [smem:$0x3FA1]  }
0x2e: {  	s3 =	simm.s32 @!p0 $0x1082;
	s9 =	sld [smem:$0x3FA2]  }
0x2f: {  	lr =	sadd.s32 s0, s3;
	s0 =	sld [smem:$0x3F99]  }
0x30: {  	s3 =	sld [smem:$0x3F9C]  }
0x31: {  	[smem:$0x3FA5] =	sst s10  }
0x32: {  	s10 =	sld [smem:$0x3FA3];
	_ =	sdelay $0x3  }
0x33: {  	p0 =	seq.s32 s10, $0x1;
	s10 =	sld [smem:$0x3FA5];
	_ =	sdelay $0x3  }
0x34: {  	[smem:$0x3FA5] =	sst s10  }
0x35: {  	s10 =	sld [smem:$0x3FA4];
	_ =	sdelay $0x3  }
0x36: {  	p1 =	seq.s32 s10, $0x1;
	s10 =	sld [smem:$0x3FA5];
	_ =	sdelay $0x3  }
0x37: {  	[smem:$0x3FA5] =	sst s10  }
0x38: {  	s10 =	sld [smem:$0x3FA6]  }
0x39: {  	_ = 	snop;
	(pc) =	sbr.ind lr, $3  }
0x3a: {  	_ = 	snop  }
0x3b: {  	_ = 	snop  }
0x3c: {  	p2 =	seq.s32 s10, $0x1;
	s10 =	sld [smem:$0x3FA5]  }
0x3d: {  	_ =	shalt  }
0x3e: {  	_ =	shalt  }
0x3f: {  	_ =	shalt  }
0x40: {  	_ =	shalt  }
0x41: {  	_ =	shalt  }
0x42: {  	_ =	shalt  }
0x43: {  	_ =	shalt  }
0x44: {  	_ =	shalt  }
0x45: {  	_ =	shalt  }
0x46: {  	_ =	shalt  }
0x47: {  	_ =	shalt  }
0x48: {  	_ =	shalt  }
0x49: {  	_ =	shalt  }
0x4a: {  	_ =	shalt  }
0x4b: {  	_ =	shalt  }
0x4c: {  	_ =	shalt  }
0x4d: {  	_ =	shalt  }
0x4e: {  	_ =	shalt  }
0x4f: {  	_ =	shalt  }
0x50: {  	_ =	shalt  }
0x51: {  	_ =	shalt  }
0x52: {  	_ =	shalt  }
0x53: {  	_ =	shalt  }
0x54: {  	_ =	shalt  }
0x55: {  	_ =	shalt  }
0x56: {  	_ =	shalt  }
0x57: {  	_ =	shalt  }
0x58: {  	_ =	shalt  }
0x59: {  	_ =	shalt  }
0x5a: {  	_ =	shalt  }
0x5b: {  	_ =	shalt  }
0x5c: {  	_ =	shalt  }
0x5d: {  	_ =	shalt  }
0x5e: {  	_ =	shalt  }
0x5f: {  	_ =	shalt  }
0x60: {  	_ =	shalt  }
0x61: {  	_ =	shalt  }
0x62: {  	_ =	shalt  }
0x63: {  	_ =	shalt  }
0x64: {  	_ =	shalt  }
0x65: {  	_ =	shalt  }
0x66: {  	_ =	shalt  }
0x67: {  	_ =	shalt  }
0x68: {  	_ =	shalt  }
0x69: {  	_ =	shalt  }
0x6a: {  	_ =	shalt  }
0x6b: {  	_ =	shalt  }
0x6c: {  	_ =	shalt  }
0x6d: {  	_ =	shalt  }
0x6e: {  	_ =	shalt  }
0x6f: {  	_ =	shalt  }
0x70: {  	_ =	shalt  }
0x71: {  	_ =	shalt  }
0x72: {  	_ =	shalt  }
0x73: {  	_ =	shalt  }
0x74: {  	_ =	shalt  }
0x75: {  	_ =	shalt  }
0x76: {  	_ =	shalt  }
0x77: {  	_ =	shalt  }
0x78: {  	_ =	shalt  }
0x79: {  	_ =	shalt  }
0x7a: {  	_ =	shalt  }
0x7b: {  	_ =	shalt  }
0x7c: {  	_ =	shalt  }
0x7d: {  	_ =	shalt  }
0x7e: {  	_ =	shalt  }
0x7f: {  	_ =	shalt  }
0x80: {  	_ =	shalt  }
0x81: {  	_ =	shalt  }
0x82: {  	_ =	shalt  }
0x83: {  	_ =	shalt  }
0x84: {  	_ =	shalt  }
0x85: {  	_ =	shalt  }
0x86: {  	_ =	shalt  }
0x87: {  	_ =	shalt  }
.Lfunc_end0:
.L_simem_size_0:
called_computation.3_lowered:
.L_overlay_start_0:
0x88: {  	s2 =	sld [smem:$0x3FD9]  }
0x89: {  	s3 =	sld [smem:$0x3FFE];
	_ =	sdelay $0x1  }
0x8a: {  	s1 =	srdreg.scid  }
0x8b: {  	s0 =	sand.u32 $0x1, s1  }
0x8c: {  	s14 =	sshll.u32 s0, $0xA;
	s2 =	sadd.s32 s3, s2  }
0x8d: {  	s2 =	sadd.s32 s2, s14  }
0x8e: {  	[smem:$0x3FB1] =	sst s2  }
0x8f: {  	_ = 	snop  }
0x90: {  	s2 =	sld [smem:$0x3FD0];
	_ =	sdelay $0x2  }
0x91: {  	s15 =	simm.s32 $0xB;
	s4 =	simm.s32 $0x10  }
0x92: {  	[smem:s4], [sflag:s15] =	dma.local [hbm:s2], $0x1  }
0x93: {  	_ =	swait.eq [sflag:s15], $0x1  }
0x94: {  	[sflag:s15] =	ssyncset.done $0x0  }
0x95: {  	[sflag:s15] =	ssyncadd.s32 $0xFFFFFFFF  }
0x96: {  	s16 =	sld [smem:$0x12];
	(tm) =	ssettm $0x1  }
0x97: {  	s17 =	sld [smem:$0x3FFB];
	_ =	sdelay $0x3  }
0x98: {  	_ =	strace s17  }
0x99: {  	s3 =	sld [smem:$0x3FFC];
	_ =	sdelay $0x3  }
0x9a: {  	_ =	strace s3  }
0x9b: {  	s3 =	sld [smem:$0x3FFD];
	_ =	sdelay $0x3  }
0x9c: {  	_ =	strace s3  }
0x9d: {  	_ =	strace $0x8FFFFFFF  }
0x9e: {  	s18 =	sld [smem:$0x3FDB];
	_ =	sdelay $0x1  }
0x9f: {  	s19 =	simm.s32 $_scs_section_size  }
0xa0: {  	s5 =	simm.s32 $_size__tile_overlayer_lowered;
	s6 =	simm.s32 $_tile_overlayer_lowered  }
0xa1: {  	s22 =	simm.s32 $0x1BFF;
	s21 =	sshll.u32 s6, $0x1;
	s3 =	sadd.s32 s19, s18  }
0xa2: {  	s7 =	simm.s32 $0x0;
	s20 =	sshll.u32 s5, $0x1;
	s5 =	sadd.s32 s21, s3  }
0xa3: {  	[timem:s7], [sflag:s22] =	dma.local [hbm:s5], s20  }
0xa4: {  	_ =	swait.ge [sflag:s22], s20  }
0xa5: {  	s4 =	ssub.s32 $0x0, s20;
	[sflag:s22] =	ssyncset.done $0x0  }
0xa6: {  	[sflag:s22] =	ssyncadd.s32 s4;
	_ =	sdelay $0x1  }
0xa7: {  	s23 =	simm.s32 $0x1B8B  }
0xa8: {  	_ =	swait.ge [sflag:s23], $0x1  }
0xa9: {  	[sflag:s23] =	ssyncset.done $0x0  }
0xaa: {  	s25 =	simm.s32 $0x1B8E;
	s24 =	sld [smem:$0x3FFE];
	[sflag:s23] =	ssyncadd.s32 $0xFFFFFFFF  }
0xab: {  	s26 =	simm.s32 $execute0_lowered;
	[smem:$0x3FD2] =	sst s25  }
0xac: {  	s5 =	sshll.u32 s26, $0x1;
	_ =	strace $0x8000004F;
	[dreg:$0x1] =	wrdreg $0xFFFFFFFF  }
0xad: {  	s28 =	simm.s32 $_size_execute0_lowered;
	s3 =	sadd.s32 s3, s5;
	[dreg:$0x0] =	wrdreg $0x0  }
0xae: {  	s5 =	sshll.u32 s28, $0x1;
	[dreg:$0x2] =	wrdreg s3  }
0xaf: {  	[dreg:$0x3] =	wrdreg s5  }
0xb0: {  	[dreg:$0x4] =	wrdreg $0xC0  }
0xb1: {  	_ =	task [dreg:s7], $0x5FFFF  }
0xb2: {  	[dreg:$0x1] =	wrdreg $0xFFFFFFFF  }
0xb3: {  	[dreg:$0x0] =	wrdreg $0x60  }
0xb4: {  	[dreg:$0x2] =	wrdreg s24  }
0xb5: {  	[dreg:$0x3] =	wrdreg s16  }
0xb6: {  	[dreg:$0x4] =	wrdreg $0x8E800  }
0xb7: {  	[dreg:$0x5] =	wrdreg $0x9  }
0xb8: {  	_ =	task.clear_ibuf [dreg:s7], $0x6FFFF;
	_ =	strace $0x9000004F  }
0xb9: {  	s29 =	simm.s32 $0x9;
	_ =	strace $0x80000051  }
0xba: {  	_ =	swait.ge [sflag:s29], $0x1  }
0xbb: {  	[sflag:s29] =	ssyncadd.s32 $0xFFFFFFFF  }
0xbc: {  	_ =	strace $0x90000051  }
0xbd: {  	_ =	sfence  }
0xbe: {  	s30 =	sld [smem:$0x0];
	_ =	sdelay $0x2  }
0xbf: {  	s31 =	sshll.u32 s1, $0xD;
	s1 =	sshrl.u32 s1, $0x2  }
0xc0: {  	s3 =	sand.u32 $0x4000, s31;
	s1 =	sadd.s32 s1, s30  }
0xc1: {  	s0 =	sor.u32 s3, s0;
	s1 =	sshll.u32 s1, $0x11  }
0xc2: {  	s0 =	sor.u32 s1, s0  }
0xc3: {  	s0 =	sadd.s32 $0x8F2B, s0  }
0xc4: {  	[sflag:s0] =	ssyncadd.remote.s32 $0x1  }
0xc5: {  	_ =	sfence.sel $0xFFFF  }
0xc6: {  	[dreg:$0x0] =	wrdreg $0xFFFFFFFF;
	(pc) =	sbr.abs _section_cstart, $3  }
0xc7: {  	[dreg:$0x1] =	wrdreg $0xFFFFFFFF  }
0xc8: {  	_ =	task.clear_ibuf [dreg:s7], $0x2FFFF;
	_ =	strace $0x9FFFFFFF  }
0xc9: {  	(tm) =	ssettm $0x7FFFFFFF  }
tec
execute0_lowered:
.L_overlay_start_1:
0x0: {  	(tag) =	ssettag $0x1  }
0x1: {  	s0 =	rddreg [dreg:$0x0]  }
0x2: {  	s1 =	rddreg [dreg:$0x1]  }
0x3: {  	s2 =	rddreg [dreg:$0x2]  }
0x4: {  	s3 =	srdreg.scid;
	s11 =	stileid.u32;
	s5 =	simm.s32 $0x0  }
0x5: {  	s17 =	simm.s32 $0x7D;
	s18 =	simm.s32 $0x5000;
	s20 =	simm.s32 $0x57D0  }
0x6: {  	s29 =	simm.s32 $0x7710;
	s31 =	simm.s32 $0x7EE0;
	s19 =	simm.s32 $0x1  }
0x7: {  	s21 =	simm.s32 $0x2;
	s30 =	simm.s32 $0x4;
	s28 =	simm.s32 $0x9  }
0x8: {  	s16 =	simm.s32 $0xD;
	s13 =	simm.s32 $0x0;
	s3 =	sand.u32 $0x1, s3  }
0x9: {  	s4 =	sshll.u32 s11, $0x1;
	[smem:$0x7FF] =	sst s5;
	s6 =	smul.u32 $0x2800, s11  }
0xa: {  	p0 =	seq.s32 s11, $0xF;
	s22 =	sor.u32 s3, s4;
	_ =	strace $0x80000050  }
0xb: {  	s4 =	sadd.s32 $0x12800, s0;
	s7 =	smul.u32 $0x4E20, s3;
	s3 =	ssub.s32 $0x2, s3  }
0xc: {  	[dreg:$0xe] =	wrdreg s13;
	s5 =	smul.u32 $0x500, s22;
	s9 =	sshrl.u32 s6, $0x3  }
0xd: {  	s10 =	sshrl.u32 s3, $0x1;
	s6 =	sadd.s32 s6, s2;
	s22 =	simm.s32 $0x5FA0  }
0xe: {  	[dreg:$0x4] =	wrdreg s9;
	s9 =	sadd.s32 s9, s0;
	s7 =	sadd.s32 s7, s0  }
0xf: {  	s3 =	ssub.s32 s3, s10;
	s12 =	sshrl.u32 @!p0 s6, $0x3;
	s6 =	simm.s32 $0xA  }
0x10: {  	s10 =	simm.s32 $0x10;
	s9 =	sadd.s32 $0xD800, s9;
	[dreg:$0xd] =	wrdreg s12  }
0x11: {  	s8 =	sadd.s32 s5, s0;
	s0 =	sadd.s32 $0x12300, s0;
	[dreg:$0x5] =	wrdreg s9  }
0x12: {  	s23 =	sadd.s32 s1, s5;
	s25 =	sadd.s32 $0x17800, s7;
	[dreg:$0x6] =	wrdreg s0  }
0x13: {  	s26 =	smax.u32 s3, $0x1;
	s7 =	simm.s32 $0x7;
	[dreg:$0x7] =	wrdreg s23  }
0x14: {  	s5 =	simm.s32 $0x8;
	s3 =	simm.s32 $0xF;
	[dreg:$0x9] =	wrdreg s25  }
0x15: {  	s9 =	sadd.s32 $0x25800, s2;
	s24 =	sadd.s32 $0x3800, s8;
	[dreg:$0xa] =	wrdreg s26  }
0x16: {  	s0 =	sshll.u32 @!p0 s11, $0x6;
	s26 =	simm.s32 $0x6F40;
	s25 =	simm.s32 $0x3  }
0x17: {  	s23 =	simm.s32 $0x5;
	s8 =	simm.s32 $0xB;
	s11 =	simm.s32 $0xE  }
0x18: {  	[dreg:$0x8] =	wrdreg s24;
	s1 =	sshrl.u32 @p0 s9, $0x3;
	s0 =	sor.u32 @!p0 $0x1C11, s0  }
0x19: {  	s24 =	simm.s32 $0x6770;
	s9 =	simm.s32 $0xC;
	[dreg:$0xb] =	wrdreg s1  }
0x1a: {  	[dreg:$0xc] =	wrdreg s0;
	s1 =	simm.s32 $0x86B0;
	s0 =	simm.s32 $0x6  }
.LBB2_1:
0x1b: {  	s14 =	rddreg [dreg:$0x6]  }
0x1c: {  	s13 =	simm.s32 @p0 $0x1FD1;
	s15 =	rddreg [dreg:$0xb]  }
0x1d: {  	[spmem:s15], [sflag:s13] =	dma.local @p0 [hbm:s14], $0x320  }
0x1e: {  	s13 =	simm.s32 @p0 $0x11  }
0x1f: {  	_ =	swait.ge @p0 [sflag:s13], $0x320  }
0x20: {  	[sflag:s13] =	ssyncset.done @p0 $0x0;
	s14 =	rddreg [dreg:$0xc]  }
0x21: {  	[sflag:s13] =	ssyncadd.s32 @p0 $0xFFFFFCE0;
	s13 =	rddreg [dreg:$0x5]  }
0x22: {  	[spmem:s12], [sflag:s14] =	dma.local @!p0 [hbm:s13], $0x500  }
0x23: {  	s13 =	simm.s32 @!p0 $0x11  }
0x24: {  	_ =	swait.ge @!p0 [sflag:s13], $0x500  }
0x25: {  	[sflag:s13] =	ssyncset.done @!p0 $0x0  }
0x26: {  	s12 =	rddreg [dreg:$0x7];
	[sflag:s13] =	ssyncadd.s32 @!p0 $0xFFFFFB00;
	s13 =	simm.s32 $0x0  }
0x27: {  	[tilespmem:s13], [sflag:$0x11] =	stream.linear.gather [hbm4b:s12+s13], $0x2800, $0x38;
	[tilespmem:$0xB590] =	vst v63  }
0x28: {  	s12 =	simm.s32 $0x11  }
0x29: {  	_ =	swait.ge [sflag:s12], $0x2800  }
0x2a: {  	[sflag:s12] =	ssyncset.done $0x0  }
0x2b: {  	s15 =	simm.s32 $0x2800;
	s14 =	rddreg [dreg:$0x8];
	[sflag:s12] =	ssyncadd.s32 $0xFFFFD800  }
0x2c: {  	[tilespmem:s15], [sflag:$0x11] =	stream.linear.gather [hbm4b:s14+s13], $0x2800, $0x38;
	[tilespmem:$0xB590] =	vst v63  }
0x2d: {  	_ =	swait.ge [sflag:s12], $0x2800  }
0x2e: {  	[sflag:s12] =	ssyncset.done $0x0  }
0x2f: {  	[sflag:s12] =	ssyncadd.s32 $0xFFFFD800  }
0x30: {  	[bflag:$0x0] =	sbarrier.arrive $0xFFFF  }
0x31: {  	[tilespmem:s18], [sflag:$0x1] =	stream.indirect.gather [hbm4b:s4+s17], $0x10, s13, s17, $0xb8;
	[tilespmem:$0xB590] =	vst v63  }
0x32: {  	s14 =	simm.s32 $0x80  }
0x33: {  	[tilespmem:s20], [sflag:$0x2] =	stream.indirect.gather [hbm4b:s4+s17], $0x10, s14, s17, $0xb8;
	[tilespmem:$0xB590] =	vst v63  }
0x34: {  	s13 =	simm.s32 $0x100  }
0x35: {  	[tilespmem:s22], [sflag:$0x3] =	stream.indirect.gather [hbm4b:s4+s17], $0x10, s13, s17, $0xb8;
	[tilespmem:$0xB590] =	vst v63  }
0x36: {  	s14 =	simm.s32 $0x180  }
0x37: {  	[tilespmem:s24], [sflag:$0x4] =	stream.indirect.gather [hbm4b:s4+s17], $0x10, s14, s17, $0xb8;
	[tilespmem:$0xB590] =	vst v63  }
0x38: {  	s13 =	simm.s32 $0x200  }
0x39: {  	[tilespmem:s26], [sflag:$0x5] =	stream.indirect.gather [hbm4b:s4+s17], $0x10, s13, s17, $0xb8;
	[tilespmem:$0xB590] =	vst v63  }
0x3a: {  	s14 =	simm.s32 $0x280  }
0x3b: {  	[tilespmem:s29], [sflag:$0x6] =	stream.indirect.gather [hbm4b:s4+s17], $0x10, s14, s17, $0xb8;
	[tilespmem:$0xB590] =	vst v63  }
0x3c: {  	s13 =	simm.s32 $0x300  }
0x3d: {  	[tilespmem:s31], [sflag:$0x7] =	stream.indirect.gather [hbm4b:s4+s17], $0x10, s13, s17, $0xb8;
	[tilespmem:$0xB590] =	vst v63  }
0x3e: {  	s14 =	simm.s32 $0x380  }
0x3f: {  	[tilespmem:s1], [sflag:$0x8] =	stream.indirect.gather [hbm4b:s4+s17], $0x10, s14, s17, $0xb8;
	[tilespmem:$0xB590] =	vst v63  }
0x40: {  	_ =	swait.ge [sflag:s19], $0x7D0  }
0x41: {  	[sflag:s19] =	ssyncset.done $0x0  }
0x42: {  	[sflag:s19] =	ssyncadd.s32 $0xFFFFF830  }
0x43: {  	[spmem:s2] =	stream.indirect.scatter.add.f32 [tilespmem:s18], [sflag:$0x9], $0x10, s15, s17, $0xb8;
	[tilespmem:$0xB590] =	vst v63  }
0x44: {  	_ =	swait.ge [sflag:s21], $0x7D0  }
0x45: {  	[sflag:s21] =	ssyncset.done $0x0  }
0x46: {  	s13 =	simm.s32 $0x2880;
	[sflag:s21] =	ssyncadd.s32 $0xFFFFF830  }
0x47: {  	[spmem:s2] =	stream.indirect.scatter.add.f32 [tilespmem:s20], [sflag:$0xA], $0x10, s13, s17, $0xb8;
	[tilespmem:$0xB590] =	vst v63  }
0x48: {  	_ =	swait.ge [sflag:s25], $0x7D0  }
0x49: {  	[sflag:s25] =	ssyncset.done $0x0  }
0x4a: {  	s14 =	simm.s32 $0x2900;
	[sflag:s25] =	ssyncadd.s32 $0xFFFFF830  }
0x4b: {  	[spmem:s2] =	stream.indirect.scatter.add.f32 [tilespmem:s22], [sflag:$0xB], $0x10, s14, s17, $0xb8;
	[tilespmem:$0xB590] =	vst v63  }
0x4c: {  	_ =	swait.ge [sflag:s30], $0x7D0  }
0x4d: {  	[sflag:s30] =	ssyncset.done $0x0  }
0x4e: {  	s15 =	simm.s32 $0x2980;
	[sflag:s30] =	ssyncadd.s32 $0xFFFFF830  }
0x4f: {  	[spmem:s2] =	stream.indirect.scatter.add.f32 [tilespmem:s24], [sflag:$0xC], $0x10, s15, s17, $0xb8;
	[tilespmem:$0xB590] =	vst v63  }
0x50: {  	_ =	swait.ge [sflag:s23], $0x7D0  }
0x51: {  	[sflag:s23] =	ssyncset.done $0x0  }
0x52: {  	s12 =	simm.s32 $0x2A00;
	[sflag:s23] =	ssyncadd.s32 $0xFFFFF830  }
0x53: {  	[spmem:s2] =	stream.indirect.scatter.add.f32 [tilespmem:s26], [sflag:$0xD], $0x10, s12, s17, $0xb8;
	[tilespmem:$0xB590] =	vst v63  }
0x54: {  	_ =	swait.ge [sflag:s28], $0x7D0  }
0x55: {  	[sflag:s28] =	ssyncset.done $0x0  }
0x56: {  	s14 =	simm.s32 $0x400;
	[sflag:s28] =	ssyncadd.s32 $0xFFFFF830  }
0x57: {  	[tilespmem:s18], [sflag:$0x1] =	stream.indirect.gather [hbm4b:s4+s17], $0x10, s14, s17, $0xb8;
	[tilespmem:$0xB590] =	vst v63  }
0x58: {  	_ =	swait.ge [sflag:s0], $0x7D0  }
0x59: {  	[sflag:s0] =	ssyncset.done $0x0  }
0x5a: {  	s15 =	simm.s32 $0x2A80;
	[sflag:s0] =	ssyncadd.s32 $0xFFFFF830  }
0x5b: {  	[spmem:s2] =	stream.indirect.scatter.add.f32 [tilespmem:s29], [sflag:$0xE], $0x10, s15, s17, $0xb8;
	[tilespmem:$0xB590] =	vst v63  }
0x5c: {  	_ =	swait.ge [sflag:s6], $0x7D0  }
0x5d: {  	[sflag:s6] =	ssyncset.done $0x0  }
0x5e: {  	s12 =	simm.s32 $0x480;
	[sflag:s6] =	ssyncadd.s32 $0xFFFFF830  }
0x5f: {  	[tilespmem:s20], [sflag:$0x2] =	stream.indirect.gather [hbm4b:s4+s17], $0x10, s12, s17, $0xb8;
	[tilespmem:$0xB590] =	vst v63  }
0x60: {  	_ =	swait.ge [sflag:s7], $0x7D0  }
0x61: {  	[sflag:s7] =	ssyncset.done $0x0  }
0x62: {  	s14 =	simm.s32 $0x2B00;
	[sflag:s7] =	ssyncadd.s32 $0xFFFFF830  }
0x63: {  	[spmem:s2] =	stream.indirect.scatter.add.f32 [tilespmem:s31], [sflag:$0xF], $0x10, s14, s17, $0xb8;
	[tilespmem:$0xB590] =	vst v63  }
0x64: {  	_ =	swait.ge [sflag:s8], $0x7D0  }
0x65: {  	[sflag:s8] =	ssyncset.done $0x0  }
0x66: {  	s15 =	simm.s32 $0x500;
	[sflag:s8] =	ssyncadd.s32 $0xFFFFF830  }
0x67: {  	[tilespmem:s22], [sflag:$0x3] =	stream.indirect.gather [hbm4b:s4+s17], $0x10, s15, s17, $0xb8;
	[tilespmem:$0xB590] =	vst v63  }
0x68: {  	_ =	swait.ge [sflag:s5], $0x7D0  }
0x69: {  	[sflag:s5] =	ssyncset.done $0x0  }
0x6a: {  	s12 =	simm.s32 $0x2B80;
	[sflag:s5] =	ssyncadd.s32 $0xFFFFF830  }
0x6b: {  	[spmem:s2] =	stream.indirect.scatter.add.f32 [tilespmem:s1], [sflag:$0x10], $0x10, s12, s17, $0xb8;
	[tilespmem:$0xB590] =	vst v63  }
0x6c: {  	_ =	swait.ge [sflag:s9], $0x7D0  }
0x6d: {  	[sflag:s9] =	ssyncset.done $0x0  }
0x6e: {  	s14 =	simm.s32 $0x580;
	[sflag:s9] =	ssyncadd.s32 $0xFFFFF830  }
0x6f: {  	[tilespmem:s24], [sflag:$0x4] =	stream.indirect.gather [hbm4b:s4+s17], $0x10, s14, s17, $0xb8;
	[tilespmem:$0xB590] =	vst v63  }
0x70: {  	_ =	swait.ge [sflag:s19], $0x7D0  }
0x71: {  	[sflag:s19] =	ssyncset.done $0x0  }
0x72: {  	s15 =	simm.s32 $0x2C00;
	[sflag:s19] =	ssyncadd.s32 $0xFFFFF830  }
0x73: {  	[spmem:s2] =	stream.indirect.scatter.add.f32 [tilespmem:s18], [sflag:$0x9], $0x10, s15, s17, $0xb8;
	[tilespmem:$0xB590] =	vst v63  }
0x74: {  	_ =	swait.ge [sflag:s16], $0x7D0  }
0x75: {  	[sflag:s16] =	ssyncset.done $0x0  }
0x76: {  	s12 =	simm.s32 $0x600;
	[sflag:s16] =	ssyncadd.s32 $0xFFFFF830  }
0x77: {  	[tilespmem:s26], [sflag:$0x5] =	stream.indirect.gather [hbm4b:s4+s17], $0x10, s12, s17, $0xb8;
	[tilespmem:$0xB590] =	vst v63  }
0x78: {  	_ =	swait.ge [sflag:s21], $0x7D0  }
0x79: {  	[sflag:s21] =	ssyncset.done $0x0  }
0x7a: {  	s14 =	simm.s32 $0x2C80;
	[sflag:s21] =	ssyncadd.s32 $0xFFFFF830  }
0x7b: {  	[spmem:s2] =	stream.indirect.scatter.add.f32 [tilespmem:s20], [sflag:$0xA], $0x10, s14, s17, $0xb8;
	[tilespmem:$0xB590] =	vst v63  }
0x7c: {  	_ =	swait.ge [sflag:s11], $0x7D0  }
0x7d: {  	[sflag:s11] =	ssyncset.done $0x0  }
0x7e: {  	s15 =	simm.s32 $0x680;
	[sflag:s11] =	ssyncadd.s32 $0xFFFFF830  }
0x7f: {  	[tilespmem:s29], [sflag:$0x6] =	stream.indirect.gather [hbm4b:s4+s17], $0x10, s15, s17, $0xb8;
	[tilespmem:$0xB590] =	vst v63  }
0x80: {  	_ =	swait.ge [sflag:s25], $0x7D0  }
0x81: {  	[sflag:s25] =	ssyncset.done $0x0  }
0x82: {  	s12 =	simm.s32 $0x2D00;
	[sflag:s25] =	ssyncadd.s32 $0xFFFFF830  }
0x83: {  	[spmem:s2] =	stream.indirect.scatter.add.f32 [tilespmem:s22], [sflag:$0xB], $0x10, s12, s17, $0xb8;
	[tilespmem:$0xB590] =	vst v63  }
0x84: {  	_ =	swait.ge [sflag:s3], $0x7D0  }
0x85: {  	[sflag:s3] =	ssyncset.done $0x0  }
0x86: {  	s14 =	simm.s32 $0x700;
	[sflag:s3] =	ssyncadd.s32 $0xFFFFF830  }
0x87: {  	[tilespmem:s31], [sflag:$0x7] =	stream.indirect.gather [hbm4b:s4+s17], $0x10, s14, s17, $0xb8;
	[tilespmem:$0xB590] =	vst v63  }
0x88: {  	_ =	swait.ge [sflag:s30], $0x7D0  }
0x89: {  	[sflag:s30] =	ssyncset.done $0x0  }
0x8a: {  	s15 =	simm.s32 $0x2D80;
	[sflag:s30] =	ssyncadd.s32 $0xFFFFF830  }
0x8b: {  	[spmem:s2] =	stream.indirect.scatter.add.f32 [tilespmem:s24], [sflag:$0xC], $0x10, s15, s17, $0xb8;
	[tilespmem:$0xB590] =	vst v63  }
0x8c: {  	_ =	swait.ge [sflag:s10], $0x7D0  }
0x8d: {  	[sflag:s10] =	ssyncset.done $0x0  }
0x8e: {  	s13 =	simm.s32 $0x1000;
	s14 =	simm.s32 $0x780;
	[sflag:s10] =	ssyncadd.s32 $0xFFFFF830  }
.LBB2_2:
0x8f: {  	[tilespmem:s1], [sflag:$0x8] =	stream.indirect.gather [hbm4b:s4+s17], $0x10, s14, s17, $0xb8;
	[tilespmem:$0xB590] =	vst v63  }
0x90: {  	s14 =	smov.u32 s13  }
0x91: {  	p1 =	sne.s32 s13, $0x8000;
	s13 =	sadd.s32 $0x1000, s13;
	_ =	swait.ge [sflag:s23], $0x7D0  }
0x92: {  	s14 =	sshra.s32 s14, $0x2;
	[sflag:s23] =	ssyncset.done $0x0  }
0x93: {  	s15 =	sadd.s32 $0x2A00, s14;
	[sflag:s23] =	ssyncadd.s32 $0xFFFFF830  }
0x94: {  	[spmem:s2] =	stream.indirect.scatter.add.f32 [tilespmem:s26], [sflag:$0xD], $0x10, s15, s17, $0xb8;
	[tilespmem:$0xB590] =	vst v63  }
0x95: {  	_ =	swait.ge [sflag:s28], $0x7D0  }
0x96: {  	[sflag:s28] =	ssyncset.done $0x0  }
0x97: {  	s15 =	sadd.s32 $0x400, s14;
	[sflag:s28] =	ssyncadd.s32 $0xFFFFF830  }
0x98: {  	[tilespmem:s18], [sflag:$0x1] =	stream.indirect.gather [hbm4b:s4+s17], $0x10, s15, s17, $0xb8;
	[tilespmem:$0xB590] =	vst v63  }
0x99: {  	_ =	swait.ge [sflag:s0], $0x7D0  }
0x9a: {  	[sflag:s0] =	ssyncset.done $0x0  }
0x9b: {  	s15 =	sadd.s32 $0x2A80, s14;
	[sflag:s0] =	ssyncadd.s32 $0xFFFFF830  }
0x9c: {  	[spmem:s2] =	stream.indirect.scatter.add.f32 [tilespmem:s29], [sflag:$0xE], $0x10, s15, s17, $0xb8;
	[tilespmem:$0xB590] =	vst v63  }
0x9d: {  	_ =	swait.ge [sflag:s6], $0x7D0  }
0x9e: {  	[sflag:s6] =	ssyncset.done $0x0  }
0x9f: {  	s15 =	sadd.s32 $0x480, s14;
	[sflag:s6] =	ssyncadd.s32 $0xFFFFF830  }
0xa0: {  	[tilespmem:s20], [sflag:$0x2] =	stream.indirect.gather [hbm4b:s4+s17], $0x10, s15, s17, $0xb8;
	[tilespmem:$0xB590] =	vst v63  }
0xa1: {  	_ =	swait.ge [sflag:s7], $0x7D0  }
0xa2: {  	[sflag:s7] =	ssyncset.done $0x0  }
0xa3: {  	s15 =	sadd.s32 $0x2B00, s14;
	[sflag:s7] =	ssyncadd.s32 $0xFFFFF830  }
0xa4: {  	[spmem:s2] =	stream.indirect.scatter.add.f32 [tilespmem:s31], [sflag:$0xF], $0x10, s15, s17, $0xb8;
	[tilespmem:$0xB590] =	vst v63  }
0xa5: {  	_ =	swait.ge [sflag:s8], $0x7D0  }
0xa6: {  	[sflag:s8] =	ssyncset.done $0x0  }
0xa7: {  	s15 =	sadd.s32 $0x500, s14;
	[sflag:s8] =	ssyncadd.s32 $0xFFFFF830  }
0xa8: {  	[tilespmem:s22], [sflag:$0x3] =	stream.indirect.gather [hbm4b:s4+s17], $0x10, s15, s17, $0xb8;
	[tilespmem:$0xB590] =	vst v63  }
0xa9: {  	_ =	swait.ge [sflag:s5], $0x7D0  }
0xaa: {  	[sflag:s5] =	ssyncset.done $0x0  }
0xab: {  	s15 =	sadd.s32 $0x2B80, s14;
	[sflag:s5] =	ssyncadd.s32 $0xFFFFF830  }
0xac: {  	[spmem:s2] =	stream.indirect.scatter.add.f32 [tilespmem:s1], [sflag:$0x10], $0x10, s15, s17, $0xb8;
	[tilespmem:$0xB590] =	vst v63  }
0xad: {  	_ =	swait.ge [sflag:s9], $0x7D0  }
0xae: {  	[sflag:s9] =	ssyncset.done $0x0  }
0xaf: {  	s15 =	sadd.s32 $0x580, s14;
	[sflag:s9] =	ssyncadd.s32 $0xFFFFF830  }
0xb0: {  	[tilespmem:s24], [sflag:$0x4] =	stream.indirect.gather [hbm4b:s4+s17], $0x10, s15, s17, $0xb8;
	[tilespmem:$0xB590] =	vst v63  }
0xb1: {  	_ =	swait.ge [sflag:s19], $0x7D0  }
0xb2: {  	[sflag:s19] =	ssyncset.done $0x0  }
0xb3: {  	s15 =	sadd.s32 $0x2C00, s14;
	[sflag:s19] =	ssyncadd.s32 $0xFFFFF830  }
0xb4: {  	[spmem:s2] =	stream.indirect.scatter.add.f32 [tilespmem:s18], [sflag:$0x9], $0x10, s15, s17, $0xb8;
	[tilespmem:$0xB590] =	vst v63  }
0xb5: {  	_ =	swait.ge [sflag:s16], $0x7D0  }
0xb6: {  	[sflag:s16] =	ssyncset.done $0x0  }
0xb7: {  	s15 =	sadd.s32 $0x600, s14;
	[sflag:s16] =	ssyncadd.s32 $0xFFFFF830  }
0xb8: {  	[tilespmem:s26], [sflag:$0x5] =	stream.indirect.gather [hbm4b:s4+s17], $0x10, s15, s17, $0xb8;
	[tilespmem:$0xB590] =	vst v63  }
0xb9: {  	_ =	swait.ge [sflag:s21], $0x7D0  }
0xba: {  	[sflag:s21] =	ssyncset.done $0x0  }
0xbb: {  	s15 =	sadd.s32 $0x2C80, s14;
	[sflag:s21] =	ssyncadd.s32 $0xFFFFF830  }
0xbc: {  	[spmem:s2] =	stream.indirect.scatter.add.f32 [tilespmem:s20], [sflag:$0xA], $0x10, s15, s17, $0xb8;
	[tilespmem:$0xB590] =	vst v63  }
0xbd: {  	_ =	swait.ge [sflag:s11], $0x7D0  }
0xbe: {  	[sflag:s11] =	ssyncset.done $0x0  }
0xbf: {  	s15 =	sadd.s32 $0x680, s14;
	[sflag:s11] =	ssyncadd.s32 $0xFFFFF830  }
0xc0: {  	[tilespmem:s29], [sflag:$0x6] =	stream.indirect.gather [hbm4b:s4+s17], $0x10, s15, s17, $0xb8;
	[tilespmem:$0xB590] =	vst v63  }
0xc1: {  	_ =	swait.ge [sflag:s25], $0x7D0  }
0xc2: {  	[sflag:s25] =	ssyncset.done $0x0  }
0xc3: {  	s15 =	sadd.s32 $0x2D00, s14;
	[sflag:s25] =	ssyncadd.s32 $0xFFFFF830  }
0xc4: {  	[spmem:s2] =	stream.indirect.scatter.add.f32 [tilespmem:s22], [sflag:$0xB], $0x10, s15, s17, $0xb8;
	[tilespmem:$0xB590] =	vst v63  }
0xc5: {  	_ =	swait.ge [sflag:s3], $0x7D0  }
0xc6: {  	[sflag:s3] =	ssyncset.done $0x0  }
0xc7: {  	s15 =	sadd.s32 $0x700, s14;
	[sflag:s3] =	ssyncadd.s32 $0xFFFFF830  }
0xc8: {  	[tilespmem:s31], [sflag:$0x7] =	stream.indirect.gather [hbm4b:s4+s17], $0x10, s15, s17, $0xb8;
	[tilespmem:$0xB590] =	vst v63  }
0xc9: {  	_ =	swait.ge [sflag:s30], $0x7D0  }
0xca: {  	[sflag:s30] =	ssyncset.done $0x0  }
.Ltmp0:
0xcb: {  	s15 =	sadd.s32 $0x2D80, s14;
	[sflag:s30] =	ssyncadd.s32 $0xFFFFF830;
	(pc) =	sbr.rel @p1 .LBB2_2-.Ltmp0, $4  }
0xcc: {  	[spmem:s2] =	stream.indirect.scatter.add.f32 [tilespmem:s24], [sflag:$0xC], $0x10, s15, s17, $0xb8;
	[tilespmem:$0xB590] =	vst v63  }
0xcd: {  	_ =	swait.ge [sflag:s10], $0x7D0  }
0xce: {  	[sflag:s10] =	ssyncset.done $0x0  }
0xcf: {  	s14 =	sadd.s32 $0x780, s14;
	[sflag:s10] =	ssyncadd.s32 $0xFFFFF830  }
0xd0: {  	[tilespmem:s1], [sflag:$0x8] =	stream.indirect.gather [hbm4b:s4+s17], $0x10, s14, s17, $0xb8;
	[tilespmem:$0xB590] =	vst v63  }
0xd1: {  	_ =	swait.ge [sflag:s23], $0x7D0  }
0xd2: {  	[sflag:s23] =	ssyncset.done $0x0  }
0xd3: {  	s12 =	simm.s32 $0x4E00;
	[sflag:s23] =	ssyncadd.s32 $0xFFFFF830  }
0xd4: {  	[spmem:s2] =	stream.indirect.scatter.add.f32 [tilespmem:s26], [sflag:$0xD], $0x10, s12, s17, $0xb8;
	[tilespmem:$0xB590] =	vst v63  }
0xd5: {  	_ =	swait.ge [sflag:s0], $0x7D0  }
0xd6: {  	[sflag:s0] =	ssyncset.done $0x0  }
0xd7: {  	s14 =	simm.s32 $0x4E80;
	[sflag:s0] =	ssyncadd.s32 $0xFFFFF830  }
0xd8: {  	[spmem:s2] =	stream.indirect.scatter.add.f32 [tilespmem:s29], [sflag:$0xE], $0x10, s14, s17, $0xb8;
	[tilespmem:$0xB590] =	vst v63  }
0xd9: {  	_ =	swait.ge [sflag:s7], $0x7D0  }
0xda: {  	[sflag:s7] =	ssyncset.done $0x0  }
0xdb: {  	s15 =	simm.s32 $0x4F00;
	[sflag:s7] =	ssyncadd.s32 $0xFFFFF830  }
0xdc: {  	[spmem:s2] =	stream.indirect.scatter.add.f32 [tilespmem:s31], [sflag:$0xF], $0x10, s15, s17, $0xb8;
	[tilespmem:$0xB590] =	vst v63  }
0xdd: {  	_ =	swait.ge [sflag:s5], $0x7D0  }
0xde: {  	[sflag:s5] =	ssyncset.done $0x0  }
0xdf: {  	s13 =	simm.s32 $0x4F80;
	[sflag:s5] =	ssyncadd.s32 $0xFFFFF830  }
0xe0: {  	[spmem:s2] =	stream.indirect.scatter.add.f32 [tilespmem:s1], [sflag:$0x10], $0x10, s13, s17, $0xb8;
	[tilespmem:$0xB590] =	vst v63  }
0xe1: {  	_ =	swait.ge [sflag:s28], $0x7D0  }
0xe2: {  	[sflag:s28] =	ssyncset.done $0x0  }
0xe3: {  	[sflag:s28] =	ssyncadd.s32 $0xFFFFF830  }
0xe4: {  	_ =	swait.ge [sflag:s6], $0x7D0  }
0xe5: {  	[sflag:s6] =	ssyncset.done $0x0  }
0xe6: {  	[sflag:s6] =	ssyncadd.s32 $0xFFFFF830  }
0xe7: {  	_ =	swait.ge [sflag:s8], $0x7D0  }
0xe8: {  	[sflag:s8] =	ssyncset.done $0x0  }
0xe9: {  	[sflag:s8] =	ssyncadd.s32 $0xFFFFF830  }
0xea: {  	_ =	swait.ge [sflag:s9], $0x7D0  }
0xeb: {  	[sflag:s9] =	ssyncset.done $0x0  }
0xec: {  	[sflag:s9] =	ssyncadd.s32 $0xFFFFF830  }
0xed: {  	_ =	swait.ge [sflag:s16], $0x7D0  }
0xee: {  	[sflag:s16] =	ssyncset.done $0x0  }
0xef: {  	[sflag:s16] =	ssyncadd.s32 $0xFFFFF830  }
0xf0: {  	_ =	swait.ge [sflag:s11], $0x7D0  }
0xf1: {  	[sflag:s11] =	ssyncset.done $0x0  }
0xf2: {  	[sflag:s11] =	ssyncadd.s32 $0xFFFFF830  }
0xf3: {  	_ =	swait.ge [sflag:s3], $0x7D0  }
0xf4: {  	[sflag:s3] =	ssyncset.done $0x0  }
0xf5: {  	[sflag:s3] =	ssyncadd.s32 $0xFFFFF830  }
0xf6: {  	_ =	swait.ge [sflag:s10], $0x7D0  }
0xf7: {  	[sflag:s10] =	ssyncset.done $0x0  }
0xf8: {  	[sflag:s10] =	ssyncadd.s32 $0xFFFFF830  }
0xf9: {  	[bflag:$0x0] =	sbarrier.arrive $0xFFFF  }
0xfa: {  	s12 =	rddreg [dreg:$0x9]  }
0xfb: {  	s14 =	simm.s32 @p0 $0x1FD1;
	s15 =	rddreg [dreg:$0xb];
	s13 =	sadd.s32 @p0 $0x4B00, s12  }
0xfc: {  	[hbm:s13], [sflag:s14] =	dma.local @p0 [spmem:s15], $0x320  }
0xfd: {  	s13 =	simm.s32 @p0 $0x11  }
0xfe: {  	_ =	swait.ge @p0 [sflag:s13], $0x320  }
0xff: {  	[sflag:s13] =	ssyncset.done @p0 $0x0;
	s14 =	rddreg [dreg:$0xc]  }
0x100: {  	[sflag:s13] =	ssyncadd.s32 @p0 $0xFFFFFCE0;
	s13 =	rddreg [dreg:$0x4]  }
0x101: {  	s13 =	sadd.s32 @!p0 s13, s12;
	s12 =	rddreg [dreg:$0xd]  }
0x102: {  	[hbm:s13], [sflag:s14] =	dma.local @!p0 [spmem:s12], $0x500  }
0x103: {  	s13 =	simm.s32 @!p0 $0x11  }
0x104: {  	_ =	swait.ge @!p0 [sflag:s13], $0x500  }
0x105: {  	s14 =	rddreg [dreg:$0xe]  }
0x106: {  	s15 =	sadd.s32 $0x1, s14;
	s14 =	rddreg [dreg:$0xa]  }
0x107: {  	p1 =	sne.s32 s15, s14  }
.Ltmp1:
0x108: {  	_ = 	snop;
	(pc) =	sbr.rel @p1 .LBB2_1-.Ltmp1, $3  }
0x109: {  	_ =	sdelay $0x1  }
0x10a: {  	[sflag:s13] =	ssyncset.done @!p0 $0x0  }
0x10b: {  	[sflag:s13] =	ssyncadd.s32 @!p0 $0xFFFFFB00;
	[dreg:$0xe] =	wrdreg s15  }
0x10c: {  	_ =	sfence.sel $0x180000  }
0x10d: {  	[bflag:$0x0] =	sbarrier.arrive $0xFFFF  }
0x10e: {  	_ =	strace $0x90000050  }
0x10f: {  	s0 =	stileid.u32;
	[bflag:$0x2] =	sbarrier.arrive $0xFFFF  }
0x110: {  	p0 =	sne.s32 s0, $0x0;
	s0 =	rddreg [dreg:$0x3]  }
0x111: {  	s0 =	sadd.s32 @!p0 $0x100000, s0  }
0x112: {  	[sflag:s0] =	ssyncadd.tile.s32 @!p0 $0x1;
	_ =	shalt  }
.Lfunc_end2:
_tile_overlayer_lowered:
.L_overlay_start_2:
0x113: {  	(tag) =	ssettag $0x2  }
0x114: {  	s0 =	rddreg [dreg:$0x0];
	s2 =	stileid.u32  }
0x115: {  	s1 =	rddreg [dreg:$0x1];
	p0 =	sne.s32 s2, $0x0  }
0x116: {  	s3 =	rddreg [dreg:$0x2];
	[bflag:$0x3] =	sbarrier.arrive $0xFFFF;
	s2 =	simm.s32 @!p0 $0x1C11  }
0x117: {  	[timem:s3], [sflag:s2] =	dma.local @!p0 [hbm:s0], s1  }
0x118: {  	s0 =	simm.s32 @!p0 $0x11  }
0x119: {  	_ =	swait.ge @!p0 [sflag:s0], s1  }
0x11a: {  	s1 =	ssub.s32 @!p0 $0x0, s1;
	[sflag:s0] =	ssyncset.done @!p0 $0x0  }
0x11b: {  	[sflag:s0] =	ssyncadd.s32 @!p0 s1  }
0x11c: {  	[bflag:$0x3] =	sbarrier.arrive $0xFFFF  }
0x11d: {  	_ =	shalt  }

</sc_bundles>
